<compile_context>
chip_gen: v7x
topology: tpu7x:2x2x1
jax: 0.10.2.dev20260603
libtpu: 0.0.44.dev20260713+nightly
codegen_flags: <defaults>
</compile_context>

<pallas_src>
import functools

import jax
import jax.numpy as jnp
from jax import lax
from jax.experimental import pallas as pl
from jax.experimental.pallas import tpu as pltpu
from jax.experimental.pallas import tpu_sc as plsc

N = 10000
E = 320000
D = 128
DE = 16
G = 200
W = 256
WS = 16
HALF = W // 2

IDX_MINOR = 80
IDX_ROWS = E // IDX_MINOR
ROWS_PER_WORKER = IDX_ROWS // 32
ROWS_PER_TILE = IDX_ROWS // 16
NODE_CHUNK = 624
NODE_TAIL = N - 16 * NODE_CHUNK

def _leaky(x):
    return jnp.where(x >= 0, x, 0.01 * x)


def _elu(x):
    return jnp.where(x > 0, x, jnp.exp(jnp.minimum(x, 0.0)) - 1.0)



@functools.cache
def _mesh():
    return plsc.VectorSubcoreMesh(core_axis_name="c", subcore_axis_name="s")


@functools.cache
def _make_gather(width):
    @functools.partial(
        pl.kernel,
        mesh=_mesh(),
        out_type=jax.ShapeDtypeStruct((E, width), jnp.float32),
        scratch_types=[
            pltpu.VMEM((ROWS_PER_WORKER, IDX_MINOR), jnp.int32),
            pltpu.VMEM((IDX_MINOR, width), jnp.float32),
            pltpu.SemaphoreType.DMA,
        ],
    )
    def gather(table_hbm, idx_hbm, out_hbm, idx_v, rows_v, sem):
        wid = lax.axis_index("s") * 2 + lax.axis_index("c")
        base = wid * ROWS_PER_WORKER
        pltpu.sync_copy(idx_hbm.at[wid], idx_v)

        def body(i, carry):
            pltpu.async_copy(table_hbm.at[idx_v.at[i]], rows_v, sem).wait()
            pltpu.sync_copy(
                rows_v, out_hbm.at[pl.ds((base + i) * IDX_MINOR, IDX_MINOR)])
            return carry

        lax.fori_loop(0, ROWS_PER_WORKER, body, 0)

    return gather


def _gather_wide(table, idx3d):
    return _make_gather(W)(table, idx3d)


def _gather_scalar(table_n128, idx3d):
    return _make_gather(HALF)(table_n128, idx3d)


@functools.cache
def _make_scatter():
    @functools.partial(
        pl.kernel,
        mesh=_mesh(),
        out_type=jax.ShapeDtypeStruct((N, W), jnp.float32),
        scratch_types=[
            pltpu.VMEM((ROWS_PER_TILE, IDX_MINOR), jnp.int32),
            pltpu.VMEM((IDX_MINOR, HALF), jnp.float32),
            pltpu.VMEM_SHARED((N, HALF), jnp.float32),
        ],
    )
    def scatter(data_hbm, idx_hbm, zeros_hbm, out_hbm, idx_v, data_v, acc):
        c = lax.axis_index("c")
        s = lax.axis_index("s")
        pltpu.sync_copy(zeros_hbm,
                        acc.at[pl.ds(s * NODE_CHUNK, NODE_CHUNK)])

        @pl.when(s == 15)
        def _():
            pltpu.sync_copy(zeros_hbm.at[pl.ds(0, NODE_TAIL)],
                            acc.at[pl.ds(16 * NODE_CHUNK, NODE_TAIL)])

        plsc.subcore_barrier()
        pltpu.sync_copy(idx_hbm.at[s], idx_v)

        def body(i, carry):
            row = (s * ROWS_PER_TILE + i) * IDX_MINOR
            pltpu.sync_copy(
                data_hbm.at[pl.ds(row, IDX_MINOR), pl.ds(c * HALF, HALF)],
                data_v)
            pltpu.sync_copy(data_v, acc.at[idx_v.at[i]], add=True)
            return carry

        lax.fori_loop(0, ROWS_PER_TILE, body, 0)
        plsc.subcore_barrier()
        pltpu.sync_copy(
            acc.at[pl.ds(s * NODE_CHUNK, NODE_CHUNK)],
            out_hbm.at[pl.ds(s * NODE_CHUNK, NODE_CHUNK),
                       pl.ds(c * HALF, HALF)])

        @pl.when(s == 15)
        def _():
            pltpu.sync_copy(
                acc.at[pl.ds(16 * NODE_CHUNK, NODE_TAIL)],
                out_hbm.at[pl.ds(16 * NODE_CHUNK, NODE_TAIL),
                           pl.ds(c * HALF, HALF)])

    return scatter


def _scatter_add(data, idx2d, zeros_half):
    return _make_scatter()(data, idx2d, zeros_half)



NB = 2000
NGRID = N // NB
EB = 2000
EGRID = E // EB


def _dot(a, b):
    return jnp.dot(a, b, preferred_element_type=jnp.float32)


def _gru_math(x, h, wihT, bih, whhT, bhh):
    gi = _dot(x, wihT) + bih
    gh = _dot(h, whhT) + bhh
    g = gi.shape[-1] // 3
    r = jax.nn.sigmoid(gi[:, 0:g] + gh[:, 0:g])
    z = jax.nn.sigmoid(gi[:, g:2 * g] + gh[:, g:2 * g])
    n = jnp.tanh(gi[:, 2 * g:] + r * gh[:, 2 * g:])
    return (1.0 - z) * n + z * h


def _full(shape):
    nd = len(shape)
    return pl.BlockSpec(shape, lambda i: (0,) * nd)


def _prep_init_body(nf, wpnT, bpn, waT, u2, hv_o, ptab_o, sd_o):
    hv = _leaky(_dot(nf[:], wpnT[:]) + bpn[:])
    hv_o[:] = hv
    p = _dot(nf[:], waT[:])
    ptab_o[:] = jnp.concatenate(
        [p, jnp.zeros((p.shape[0], W - G), jnp.float32)], axis=1)
    sd = _dot(hv, u2[:])
    sd_o[:] = jnp.concatenate(
        [sd, jnp.zeros((sd.shape[0], HALF - 1), jnp.float32)], axis=1)


def _prep_init(nf, wpnT, bpn, waT, u2):
    return pl.pallas_call(
        _prep_init_body,
        grid=(NGRID,),
        in_specs=[
            pl.BlockSpec((NB, D), lambda i: (i, 0)),
            _full((D, G)), _full((1, G)), _full((D, G)), _full((G, 1)),
        ],
        out_specs=[
            pl.BlockSpec((NB, G), lambda i: (i, 0)),
            pl.BlockSpec((NB, W), lambda i: (i, 0)),
            pl.BlockSpec((NB, HALF), lambda i: (i, 0)),
        ],
        out_shape=[
            jax.ShapeDtypeStruct((N, G), jnp.float32),
            jax.ShapeDtypeStruct((N, W), jnp.float32),
            jax.ShapeDtypeStruct((N, HALF), jnp.float32),
        ],
    )(nf, wpnT, bpn, waT, u2)


def _edge_init_body(pg, ef, sdg, wbT, b1, v2, b2, wetT, bet, out_o):
    he1 = _leaky(pg[:, 0:G] + _dot(ef[:], wbT[:]) + b1[:])
    t = _dot(he1, v2[:])
    logit = _leaky(sdg[:, 0:1] + t + b2[:])
    w = jnp.exp(logit)
    msg = _dot(he1, wetT[:]) + bet[:]
    out_o[:] = jnp.concatenate(
        [w * msg, w, jnp.zeros((he1.shape[0], W - G - 1), jnp.float32)],
        axis=1)


def _edge_init(pg, ef, sdg, wbT, b1, v2, b2, wetT, bet):
    return pl.pallas_call(
        _edge_init_body,
        grid=(EGRID,),
        in_specs=[
            pl.BlockSpec((EB, W), lambda i: (i, 0)),
            pl.BlockSpec((EB, DE), lambda i: (i, 0)),
            pl.BlockSpec((EB, HALF), lambda i: (i, 0)),
            _full((DE, G)), _full((1, G)), _full((G, 1)), _full((1, 1)),
            _full((G, G)), _full((1, G)),
        ],
        out_specs=pl.BlockSpec((EB, W), lambda i: (i, 0)),
        out_shape=jax.ShapeDtypeStruct((E, W), jnp.float32),
    )(pg, ef, sdg, wbT, b1, v2, b2, wetT, bet)


def _edge_layer_body(projg, sdg, bl, out_o):
    logit = _leaky(sdg[:, 0:1] + projg[:, G:G + 1] + bl[:])
    w = jnp.exp(logit)
    out_o[:] = jnp.concatenate(
        [w * projg[:, 0:G], w,
         jnp.zeros((projg.shape[0], W - G - 1), jnp.float32)], axis=1)


def _edge_layer(projg, sdg, bl):
    return pl.pallas_call(
        _edge_layer_body,
        grid=(EGRID,),
        in_specs=[
            pl.BlockSpec((EB, W), lambda i: (i, 0)),
            pl.BlockSpec((EB, HALF), lambda i: (i, 0)),
            _full((1, 1)),
        ],
        out_specs=pl.BlockSpec((EB, W), lambda i: (i, 0)),
        out_shape=jax.ShapeDtypeStruct((E, W), jnp.float32),
    )(projg, sdg, bl)


def _update_init_body(S, hv, wihT, bih, whhT, bhh,
                      wpnlT, bpnl, ul, vvl, h_o, ptab_o, sd_o):
    ssum = S[:, G:G + 1]
    rinv = 1.0 / (ssum + 1e-16)
    ctx = _elu(S[:, 0:G] * rinv)
    h = jax.nn.relu(_gru_math(ctx, hv[:], wihT[:], bih[:], whhT[:], bhh[:]))
    h_o[:] = h
    proj = _dot(h, wpnlT[:]) + bpnl[:]
    ss = _dot(h, vvl[:])
    ptab_o[:] = jnp.concatenate(
        [proj, ss, jnp.zeros((proj.shape[0], W - G - 1), jnp.float32)], axis=1)
    sd = _dot(h, ul[:])
    sd_o[:] = jnp.concatenate(
        [sd, jnp.zeros((sd.shape[0], HALF - 1), jnp.float32)], axis=1)


def _update_init(S, hv, gru_p, wpnlT, bpnl, ul, vvl):
    return pl.pallas_call(
        _update_init_body,
        grid=(NGRID,),
        in_specs=[
            pl.BlockSpec((NB, W), lambda i: (i, 0)),
            pl.BlockSpec((NB, G), lambda i: (i, 0)),
            _full((G, 3 * G)), _full((1, 3 * G)),
            _full((G, 3 * G)), _full((1, 3 * G)),
            _full((G, G)), _full((1, G)), _full((G, 1)), _full((G, 1)),
        ],
        out_specs=[
            pl.BlockSpec((NB, G), lambda i: (i, 0)),
            pl.BlockSpec((NB, W), lambda i: (i, 0)),
            pl.BlockSpec((NB, HALF), lambda i: (i, 0)),
        ],
        out_shape=[
            jax.ShapeDtypeStruct((N, G), jnp.float32),
            jax.ShapeDtypeStruct((N, W), jnp.float32),
            jax.ShapeDtypeStruct((N, HALF), jnp.float32),
        ],
    )(S, hv, *gru_p, wpnlT, bpnl, ul, vvl)


def _update_layer_body(S, h, wihT, bih, whhT, bhh, wpnrT, bpnr, w2r,
                       h2_o, hvp_o, zb_o):
    ssum = S[:, G:G + 1]
    ctx = _elu(S[:, 0:G] / (ssum + 1e-16))
    h2 = jax.nn.relu(_gru_math(ctx, h[:], wihT[:], bih[:], whhT[:], bhh[:]))
    h2_o[:] = h2
    hvp_o[:] = _dot(h2, wpnrT[:]) + bpnr[:]
    zb_o[:] = _dot(h2, w2r[:])


def _update_layer(S, h, gru_p, wpnrT, bpnr, w2r):
    return pl.pallas_call(
        _update_layer_body,
        grid=(NGRID,),
        in_specs=[
            pl.BlockSpec((NB, W), lambda i: (i, 0)),
            pl.BlockSpec((NB, G), lambda i: (i, 0)),
            _full((G, 3 * G)), _full((1, 3 * G)),
            _full((G, 3 * G)), _full((1, 3 * G)),
            _full((G, G)), _full((1, G)), _full((G, 1)),
        ],
        out_specs=[
            pl.BlockSpec((NB, G), lambda i: (i, 0)),
            pl.BlockSpec((NB, G), lambda i: (i, 0)),
            pl.BlockSpec((NB, 1), lambda i: (i, 0)),
        ],
        out_shape=[
            jax.ShapeDtypeStruct((N, G), jnp.float32),
            jax.ShapeDtypeStruct((N, G), jnp.float32),
            jax.ShapeDtypeStruct((N, 1), jnp.float32),
        ],
    )(S, h, *gru_p, wpnrT, bpnr, w2r)


def _readout_body(h2, hvp, zbase, w1r, br, wihT, bih, whhT, bhh, g_o):
    g = jnp.sum(h2[:], axis=0, keepdims=True)
    for _ in range(2):
        gb = jax.nn.relu(g)
        z = _leaky(_dot(gb, w1r[:]) + zbase[:] + br[:])
        zm = jnp.max(z, axis=0, keepdims=True)
        ez = jnp.exp(z - zm)
        a = ez / jnp.sum(ez, axis=0, keepdims=True)
        g_repr = jnp.sum(a * hvp[:], axis=0, keepdims=True)
        g = jax.nn.relu(
            _gru_math(_elu(g_repr), g, wihT[:], bih[:], whhT[:], bhh[:]))
    g_o[:] = g


def _readout(h2, hvp, zbase, w1r, br, gru_p):
    return pl.pallas_call(
        _readout_body,
        out_shape=jax.ShapeDtypeStruct((1, G), jnp.float32),
    )(h2, hvp, zbase, w1r, br, *gru_p)


def _predict_body(g1, g2, wpT, bp, out_o):
    out_o[:] = _dot(g1[:] + g2[:], wpT[:]) + bp[:]


def _predict(g1, g2, wpT, bp):
    return pl.pallas_call(
        _predict_body,
        out_shape=jax.ShapeDtypeStruct((1, 1), jnp.float32),
    )(g1, g2, wpT, bp)



def _gru_pack(p):
    return (p['w_ih'].T, p['b_ih'].reshape(1, -1),
            p['w_hh'].T, p['b_hh'].reshape(1, -1))


def _branch(p_gnn, p_read, nf, ef, src3g, dst3g, dst3s, zeros_half):
    pc = p_gnn['init_context']
    hv_new, ptab, sdtab = _prep_init(
        nf,
        pc['project_node']['w'].T, pc['project_node']['b'].reshape(1, G),
        pc['project_edge1']['w'][:, :D].T,
        pc['project_edge2']['w'][0, :G].reshape(G, 1))
    pg = _gather_wide(ptab, src3g)
    sdg = _gather_scalar(sdtab, dst3g)
    m = _edge_init(
        pg, ef, sdg,
        pc['project_edge1']['w'][:, D:].T,
        pc['project_edge1']['b'].reshape(1, G),
        pc['project_edge2']['w'][0, G:].reshape(G, 1),
        pc['project_edge2']['b'].reshape(1, 1),
        pc['edge_transform']['w'].T,
        pc['edge_transform']['b'].reshape(1, G))
    S = _scatter_add(m, dst3s, zeros_half)

    lp = p_gnn['layers'][0]
    h, ptab2, sdtab2 = _update_init(
        S, hv_new,
        _gru_pack(pc['gru']),
        lp['project_node']['w'].T, lp['project_node']['b'].reshape(1, G),
        lp['project_edge']['w'][0, :G].reshape(G, 1),
        lp['project_edge']['w'][0, G:].reshape(G, 1))
    pg2 = _gather_wide(ptab2, src3g)
    sdg2 = _gather_scalar(sdtab2, dst3g)
    m2 = _edge_layer(pg2, sdg2, lp['project_edge']['b'].reshape(1, 1))
    S2 = _scatter_add(m2, dst3s, zeros_half)
    h2, hvp, zbase = _update_layer(
        S2, h, _gru_pack(lp['gru']),
        p_read['project_nodes']['w'].T,
        p_read['project_nodes']['b'].reshape(1, G),
        p_read['compute_logits']['w'][0, G:].reshape(G, 1))

    return _readout(
        h2, hvp, zbase,
        p_read['compute_logits']['w'][0, :G].reshape(G, 1),
        p_read['compute_logits']['b'].reshape(1, 1),
        _gru_pack(p_read['gru']))


@jax.jit
def kernel(node_feats_1, edge_feats_1, node_feats_2, edge_feats_2, params,
           edge_index_1, edge_index_2):
    zeros_half = jnp.zeros((NODE_CHUNK, HALF), jnp.float32)
    idx = []
    for ei in (edge_index_1, edge_index_2):
        src = ei[0].astype(jnp.int32)
        dst = ei[1].astype(jnp.int32)
        idx.append((src.reshape(32, ROWS_PER_WORKER, IDX_MINOR),
                    dst.reshape(32, ROWS_PER_WORKER, IDX_MINOR),
                    dst.reshape(16, ROWS_PER_TILE, IDX_MINOR)))
    g1 = _branch(params['gnn_1'], params['readout_1'], node_feats_1,
                 edge_feats_1, *idx[0], zeros_half)
    g2 = _branch(params['gnn_2'], params['readout_2'], node_feats_2,
                 edge_feats_2, *idx[1], zeros_half)
    return _predict(g1, g2, params['predict']['w'].T,
                    params['predict']['b'].reshape(1, 1))

# --- scband reference (transcript-rebuilt; emitter-appended) ---
"""Pipeline reference for scband-mul-attentive-fp-45518063403264 (READ-ONLY COPY).

The authoritative reference and input builder live on the scoring server;
editing this copy changes nothing except your own understanding.
"""

import jax, jax.numpy as jnp
import numpy as np

N, E, D, DE, G = 10000, 320000, 128, 16, 200
NUM_LAYERS, NUM_TIMESTEPS, N_TASKS = 2, 2, 1

def leaky(x):
    return jax.nn.leaky_relu(x, 0.01)

def linear(p, x):
    return x @ p['w'].T + p['b']

def gru_cell(p, x, h):
    gi = x @ p['w_ih'].T + p['b_ih']
    gh = h @ p['w_hh'].T + p['b_hh']
    i_r, i_z, i_n = jnp.split(gi, 3, axis=-1)
    h_r, h_z, h_n = jnp.split(gh, 3, axis=-1)
    r = jax.nn.sigmoid(i_r + h_r)
    z = jax.nn.sigmoid(i_z + h_z)
    n = jnp.tanh(i_n + r * h_n)
    return (1.0 - z) * n + z * h

def edge_softmax(logits, dst, num_nodes):
    m = jax.ops.segment_max(logits, dst, num_segments=num_nodes)
    m = jnp.where(jnp.isfinite(m), m, 0.0)
    e = jnp.exp(logits - m[dst])
    s = jax.ops.segment_sum(e, dst, num_segments=num_nodes)
    return e / (s[dst] + 1e-16)

def get_context(p, node_feats, edge_feats, src, dst, n):
    hv_new = leaky(linear(p['project_node'], node_feats))
    he1 = leaky(linear(p['project_edge1'], jnp.concatenate([node_feats[src], edge_feats], axis=1)))
    logits = leaky(linear(p['project_edge2'], jnp.concatenate([hv_new[dst], he1], axis=1)))
    a = edge_softmax(logits, dst, n)
    msg = a * linear(p['edge_transform'], he1)
    context = jax.nn.elu(jax.ops.segment_sum(msg, dst, num_segments=n))
    return jax.nn.relu(gru_cell(p['gru'], context, hv_new))

def gnn_layer(p, hv, src, dst, n):
    logits = leaky(linear(p['project_edge'], jnp.concatenate([hv[dst], hv[src]], axis=1)))
    a = edge_softmax(logits, dst, n)
    msg = linear(p['project_node'], hv)[src] * a
    context = jax.nn.elu(jax.ops.segment_sum(msg, dst, num_segments=n))
    return jax.nn.relu(gru_cell(p['gru'], context, hv))

def readout(p, node_feats, num_timesteps):
    g_feats = jnp.sum(node_feats, axis=0, keepdims=True)
    for _ in range(num_timesteps):
        gb = jnp.broadcast_to(jax.nn.relu(g_feats), node_feats.shape)
        z = leaky(linear(p['compute_logits'], jnp.concatenate([gb, node_feats], axis=1)))
        a = jax.nn.softmax(z, axis=0)
        hv = linear(p['project_nodes'], node_feats)
        g_repr = jnp.sum(a * hv, axis=0, keepdims=True)
        g_feats = jax.nn.relu(gru_cell(p['gru'], jax.nn.elu(g_repr), g_feats))
    return g_feats

def branch(p_gnn, p_read, node_feats, edge_feats, edge_index):
    src, dst = edge_index[0], edge_index[1]
    n = node_feats.shape[0]
    h = get_context(p_gnn['init_context'], node_feats, edge_feats, src, dst, n)
    for lp in p_gnn['layers']:
        h = gnn_layer(lp, h, src, dst, n)
    return readout(p_read, h, NUM_TIMESTEPS)

def _lin(key, out_d, in_d):
    return {'w': jax.random.normal(key, (out_d, in_d), dtype=jnp.float32) * 0.05,
            'b': jnp.zeros((out_d,), dtype=jnp.float32)}

def _gru(key, in_d, h_d):
    k1, k2 = jax.random.split(key)
    return {'w_ih': jax.random.normal(k1, (3 * h_d, in_d), dtype=jnp.float32) * 0.05,
            'b_ih': jnp.zeros((3 * h_d,), dtype=jnp.float32),
            'w_hh': jax.random.normal(k2, (3 * h_d, h_d), dtype=jnp.float32) * 0.05,
            'b_hh': jnp.zeros((3 * h_d,), dtype=jnp.float32)}

def _make_gnn(key):
    ks = jax.random.split(key, 8)
    p = {'init_context': {
            'project_node': _lin(ks[0], G, D),
            'project_edge1': _lin(ks[1], G, D + DE),
            'project_edge2': _lin(ks[2], 1, 2 * G),
            'edge_transform': _lin(ks[3], G, G),
            'gru': _gru(ks[4], G, G)},
         'layers': []}
    for i in range(NUM_LAYERS - 1):
        kk = jax.random.split(ks[5 + i], 3)
        p['layers'].append({'project_edge': _lin(kk[0], 1, 2 * G),
                            'project_node': _lin(kk[1], G, G),
                            'gru': _gru(kk[2], G, G)})
    return p

def _make_readout(key):
    ks = jax.random.split(key, 3)
    return {'compute_logits': _lin(ks[0], 1, 2 * G),
            'project_nodes': _lin(ks[1], G, G),
            'gru': _gru(ks[2], G, G)}

def setup_inputs(seed: int = 0):
    key = jax.random.key(seed)
    ks = jax.random.split(key, 12)
    node_feats_1 = jax.random.normal(ks[0], (N, D), dtype=jnp.float32)
    edge_feats_1 = jax.random.normal(ks[1], (E, DE), dtype=jnp.float32)
    edge_index_1 = jax.random.randint(ks[2], (2, E), 0, N)
    node_feats_2 = jax.random.normal(ks[3], (N, D), dtype=jnp.float32)
    edge_feats_2 = jax.random.normal(ks[4], (E, DE), dtype=jnp.float32)
    edge_index_2 = jax.random.randint(ks[5], (2, E), 0, N)
    params = {'gnn_1': _make_gnn(ks[6]), 'readout_1': _make_readout(ks[7]),
              'gnn_2': _make_gnn(ks[8]), 'readout_2': _make_readout(ks[9]),
              'predict': _lin(ks[10], N_TASKS, G)}
    return {'node_feats_1': node_feats_1, 'edge_feats_1': edge_feats_1,
            'node_feats_2': node_feats_2, 'edge_feats_2': edge_feats_2,
            'params': params,
            'edge_index_1': edge_index_1, 'edge_index_2': edge_index_2}

def reference(node_feats_1, edge_feats_1, node_feats_2, edge_feats_2, params, edge_index_1, edge_index_2):
    g1 = branch(params['gnn_1'], params['readout_1'], node_feats_1, edge_feats_1, edge_index_1)
    g2 = branch(params['gnn_2'], params['readout_2'], node_feats_2, edge_feats_2, edge_index_2)
    return linear(params['predict'], g1 + g2)

if __name__ == "__main__":
    import jax
    _d = setup_inputs()
    print(jax.jit(kernel)(*tuple(_d.values())))

</pallas_src>

<mosaic_0001>
#map = affine_map<(d0, d1) -> (0, 0)>
#map1 = affine_map<(d0, d1) -> (0, 0, 0)>
module attributes {stable_mosaic.version = 14 : i64} {
  func.func @gather(%arg0: i32, %arg1: i32, %arg2: memref<10000x256xf32, #tpu.memory_space<hbm>>, %arg3: memref<32x125x80xi32, #tpu.memory_space<hbm>>, %arg4: memref<320000x256xf32, #tpu.memory_space<hbm>>, %arg5: memref<125x80xi32, #tpu.memory_space<vmem>>, %arg6: memref<80x256xf32, #tpu.memory_space<vmem>>, %arg7: memref<!tpu.dma_semaphore, #tpu.memory_space<semaphore_mem>>) attributes {dimension_semantics = [#tpu.dimension_semantics<core_parallel>, #tpu.dimension_semantics<subcore_parallel>], iteration_bounds = array<i64: 2, 16>, scalar_prefetch = 0 : i64, scratch_operands = 3 : i64, tpu.core_type = #tpu.core_type<sc_vector_subcore>, window_params = [{transform_indices = #map}, {transform_indices = #map1}, {transform_indices = #map}]} {
    %mul3A = arith.constant 2 : i32
    %mul3A_0 = arith.muli %arg1, %mul3A : i32
    %add3A = arith.addi %mul3A_0, %arg0 : i32
    %mul3A_1 = arith.constant 125 : i32
    %mul3A_2 = arith.muli %add3A, %mul3A_1 : i32
    "tpu.region"() ({
      %run_scoped3A = tpu.sem_alloc : memref<!tpu.dma_semaphore, #tpu.memory_space<semaphore_mem>>
      %dma_start3A = arith.constant 0 : i32
      %dma_start3A_8 = arith.constant 0 : i32
      %dma_start3A_9 = tpu.memref_slice %arg3[%add3A, %dma_start3A, %dma_start3A_8] : memref<32x125x80xi32, #tpu.memory_space<hbm>> -> memref<1x125x80xi32, #tpu.memory_space<hbm>>
      %dma_start3A_10 = tpu.memref_squeeze %dma_start3A_9 : memref<1x125x80xi32, #tpu.memory_space<hbm>> -> memref<125x80xi32, #tpu.memory_space<hbm>>
      %dma_start3A_11 = arith.constant 0 : i32
      %dma_start3A_12 = arith.constant 0 : i32
      %dma_start3A_13 = tpu.memref_slice %arg3[%add3A, %dma_start3A_11, %dma_start3A_12] : memref<32x125x80xi32, #tpu.memory_space<hbm>> -> memref<1x125x80xi32, #tpu.memory_space<hbm>>
      %dma_start3A_14 = tpu.memref_squeeze %dma_start3A_13 : memref<1x125x80xi32, #tpu.memory_space<hbm>> -> memref<125x80xi32, #tpu.memory_space<hbm>>
      tpu.enqueue_dma source(%dma_start3A_14 : memref<125x80xi32, #tpu.memory_space<hbm>>) target(%arg5 : memref<125x80xi32, #tpu.memory_space<vmem>>) target_semaphore(%run_scoped3A : memref<!tpu.dma_semaphore, #tpu.memory_space<semaphore_mem>>)
      %dma_wait3A = arith.constant 0 : i32
      %dma_wait3A_15 = arith.constant 0 : i32
      %dma_wait3A_16 = tpu.memref_slice %arg3[%add3A, %dma_wait3A, %dma_wait3A_15] : memref<32x125x80xi32, #tpu.memory_space<hbm>> -> memref<1x125x80xi32, #tpu.memory_space<hbm>>
      %dma_wait3A_17 = tpu.memref_squeeze %dma_wait3A_16 : memref<1x125x80xi32, #tpu.memory_space<hbm>> -> memref<125x80xi32, #tpu.memory_space<hbm>>
      %dma_wait3A_18 = arith.constant 0 : i32
      %dma_wait3A_19 = arith.constant 0 : i32
      %dma_wait3A_20 = tpu.memref_slice %arg3[%add3A, %dma_wait3A_18, %dma_wait3A_19] : memref<32x125x80xi32, #tpu.memory_space<hbm>> -> memref<1x125x80xi32, #tpu.memory_space<hbm>>
      %dma_wait3A_21 = tpu.memref_squeeze %dma_wait3A_20 : memref<1x125x80xi32, #tpu.memory_space<hbm>> -> memref<125x80xi32, #tpu.memory_space<hbm>>
      tpu.wait_dma2 semaphore(%run_scoped3A : memref<!tpu.dma_semaphore, #tpu.memory_space<semaphore_mem>>) src(%dma_wait3A_21 : memref<125x80xi32, #tpu.memory_space<hbm>>) dst(%arg5 : memref<125x80xi32, #tpu.memory_space<vmem>>)
      tpu.yield
    }) : () -> ()
    %scan3A = arith.constant 0 : i32
    %scan3A_3 = arith.constant 0 : i32
    %scan3A_4 = arith.constant 125 : i32
    %scan3A_5 = arith.addi %scan3A_3, %scan3A_4 : i32
    %scan3A_6 = arith.constant 1 : i32
    scf.for %scan3A_8 = %scan3A_3 to %scan3A_5 step %scan3A_6  : i32 {
      %dma_start3A = arith.constant 0 : i32
      %dma_start3A_9 = tpu.memref_slice %arg5[%scan3A_8, %dma_start3A] : memref<125x80xi32, #tpu.memory_space<vmem>> -> memref<1x80xi32, #tpu.memory_space<vmem>>
      %dma_start3A_10 = tpu.memref_squeeze %dma_start3A_9 : memref<1x80xi32, #tpu.memory_space<vmem>> -> memref<80xi32, #tpu.memory_space<vmem>>
      %dma_start3A_11 = arith.constant 0 : i32
      %dma_start3A_12 = arith.constant 0 : i32
      %dma_start3A_13 = tpu.memref_slice %arg2[%dma_start3A_11, %dma_start3A_12] : memref<10000x256xf32, #tpu.memory_space<hbm>> -> memref<10000x256xf32, #tpu.memory_space<hbm>>
      tpu.enqueue_indirect_dma source(%dma_start3A_13 : memref<10000x256xf32, #tpu.memory_space<hbm>>) target(%arg6 : memref<80x256xf32, #tpu.memory_space<vmem>>) offsets(%dma_start3A_10 : memref<80xi32, #tpu.memory_space<vmem>>) semaphore(%arg7 : memref<!tpu.dma_semaphore, #tpu.memory_space<semaphore_mem>>)
      %dma_wait3A = arith.constant 0 : i32
      %dma_wait3A_14 = tpu.memref_slice %arg5[%scan3A_8, %dma_wait3A] : memref<125x80xi32, #tpu.memory_space<vmem>> -> memref<1x80xi32, #tpu.memory_space<vmem>>
      %dma_wait3A_15 = tpu.memref_squeeze %dma_wait3A_14 : memref<1x80xi32, #tpu.memory_space<vmem>> -> memref<80xi32, #tpu.memory_space<vmem>>
      %dma_wait3A_16 = arith.constant 0 : i32
      %dma_wait3A_17 = arith.constant 0 : i32
      %dma_wait3A_18 = tpu.memref_slice %arg2[%dma_wait3A_16, %dma_wait3A_17] : memref<10000x256xf32, #tpu.memory_space<hbm>> -> memref<10000x256xf32, #tpu.memory_space<hbm>>
      tpu.wait_indirect_dma semaphore(%arg7 : memref<!tpu.dma_semaphore, #tpu.memory_space<semaphore_mem>>) src(%dma_wait3A_18 : memref<10000x256xf32, #tpu.memory_space<hbm>>) dst(%arg6 : memref<80x256xf32, #tpu.memory_space<vmem>>)
      %add3A_19 = arith.addi %mul3A_2, %scan3A_8 : i32
      %mul3A_20 = arith.constant 80 : i32
      %mul3A_21 = arith.muli %add3A_19, %mul3A_20 : i32
      "tpu.region"() ({
        %run_scoped3A = tpu.sem_alloc : memref<!tpu.dma_semaphore, #tpu.memory_space<semaphore_mem>>
        %dma_start3A_22 = arith.constant 0 : i32
        %dma_start3A_23 = tpu.memref_slice %arg4[%mul3A_21, %dma_start3A_22] : memref<320000x256xf32, #tpu.memory_space<hbm>> -> memref<80x256xf32, #tpu.memory_space<hbm>>
        %dma_start3A_24 = arith.constant 0 : i32
        %dma_start3A_25 = tpu.memref_slice %arg4[%mul3A_21, %dma_start3A_24] : memref<320000x256xf32, #tpu.memory_space<hbm>> -> memref<80x256xf32, #tpu.memory_space<hbm>>
        tpu.enqueue_dma source(%arg6 : memref<80x256xf32, #tpu.memory_space<vmem>>) target(%dma_start3A_25 : memref<80x256xf32, #tpu.memory_space<hbm>>) target_semaphore(%run_scoped3A : memref<!tpu.dma_semaphore, #tpu.memory_space<semaphore_mem>>)
        %dma_wait3A_26 = arith.constant 0 : i32
        %dma_wait3A_27 = tpu.memref_slice %arg4[%mul3A_21, %dma_wait3A_26] : memref<320000x256xf32, #tpu.memory_space<hbm>> -> memref<80x256xf32, #tpu.memory_space<hbm>>
        %dma_wait3A_28 = arith.constant 0 : i32
        %dma_wait3A_29 = tpu.memref_slice %arg4[%mul3A_21, %dma_wait3A_28] : memref<320000x256xf32, #tpu.memory_space<hbm>> -> memref<80x256xf32, #tpu.memory_space<hbm>>
        tpu.wait_dma2 semaphore(%run_scoped3A : memref<!tpu.dma_semaphore, #tpu.memory_space<semaphore_mem>>) src(%arg6 : memref<80x256xf32, #tpu.memory_space<vmem>>) dst(%dma_wait3A_29 : memref<80x256xf32, #tpu.memory_space<hbm>>)
        tpu.yield
      }) : () -> ()
    }
    %scan3A_7 = arith.constant 125 : i32
    return
  }
}

#map = affine_map<(d0, d1) -> (0, 0)>
#map1 = affine_map<(d0, d1) -> (0, 0, 0)>
module attributes {stable_mosaic.version = 14 : i64} {
  func.func @gather(%arg0: i32, %arg1: i32, %arg2: memref<10000x128xf32, #tpu.memory_space<hbm>>, %arg3: memref<32x125x80xi32, #tpu.memory_space<hbm>>, %arg4: memref<320000x128xf32, #tpu.memory_space<hbm>>, %arg5: memref<125x80xi32, #tpu.memory_space<vmem>>, %arg6: memref<80x128xf32, #tpu.memory_space<vmem>>, %arg7: memref<!tpu.dma_semaphore, #tpu.memory_space<semaphore_mem>>) attributes {dimension_semantics = [#tpu.dimension_semantics<core_parallel>, #tpu.dimension_semantics<subcore_parallel>], iteration_bounds = array<i64: 2, 16>, scalar_prefetch = 0 : i64, scratch_operands = 3 : i64, tpu.core_type = #tpu.core_type<sc_vector_subcore>, window_params = [{transform_indices = #map}, {transform_indices = #map1}, {transform_indices = #map}]} {
    %mul3A = arith.constant 2 : i32
    %mul3A_0 = arith.muli %arg1, %mul3A : i32
    %add3A = arith.addi %mul3A_0, %arg0 : i32
    %mul3A_1 = arith.constant 125 : i32
    %mul3A_2 = arith.muli %add3A, %mul3A_1 : i32
    "tpu.region"() ({
      %run_scoped3A = tpu.sem_alloc : memref<!tpu.dma_semaphore, #tpu.memory_space<semaphore_mem>>
      %dma_start3A = arith.constant 0 : i32
      %dma_start3A_8 = arith.constant 0 : i32
      %dma_start3A_9 = tpu.memref_slice %arg3[%add3A, %dma_start3A, %dma_start3A_8] : memref<32x125x80xi32, #tpu.memory_space<hbm>> -> memref<1x125x80xi32, #tpu.memory_space<hbm>>
      %dma_start3A_10 = tpu.memref_squeeze %dma_start3A_9 : memref<1x125x80xi32, #tpu.memory_space<hbm>> -> memref<125x80xi32, #tpu.memory_space<hbm>>
      %dma_start3A_11 = arith.constant 0 : i32
      %dma_start3A_12 = arith.constant 0 : i32
      %dma_start3A_13 = tpu.memref_slice %arg3[%add3A, %dma_start3A_11, %dma_start3A_12] : memref<32x125x80xi32, #tpu.memory_space<hbm>> -> memref<1x125x80xi32, #tpu.memory_space<hbm>>
      %dma_start3A_14 = tpu.memref_squeeze %dma_start3A_13 : memref<1x125x80xi32, #tpu.memory_space<hbm>> -> memref<125x80xi32, #tpu.memory_space<hbm>>
      tpu.enqueue_dma source(%dma_start3A_14 : memref<125x80xi32, #tpu.memory_space<hbm>>) target(%arg5 : memref<125x80xi32, #tpu.memory_space<vmem>>) target_semaphore(%run_scoped3A : memref<!tpu.dma_semaphore, #tpu.memory_space<semaphore_mem>>)
      %dma_wait3A = arith.constant 0 : i32
      %dma_wait3A_15 = arith.constant 0 : i32
      %dma_wait3A_16 = tpu.memref_slice %arg3[%add3A, %dma_wait3A, %dma_wait3A_15] : memref<32x125x80xi32, #tpu.memory_space<hbm>> -> memref<1x125x80xi32, #tpu.memory_space<hbm>>
      %dma_wait3A_17 = tpu.memref_squeeze %dma_wait3A_16 : memref<1x125x80xi32, #tpu.memory_space<hbm>> -> memref<125x80xi32, #tpu.memory_space<hbm>>
      %dma_wait3A_18 = arith.constant 0 : i32
      %dma_wait3A_19 = arith.constant 0 : i32
      %dma_wait3A_20 = tpu.memref_slice %arg3[%add3A, %dma_wait3A_18, %dma_wait3A_19] : memref<32x125x80xi32, #tpu.memory_space<hbm>> -> memref<1x125x80xi32, #tpu.memory_space<hbm>>
      %dma_wait3A_21 = tpu.memref_squeeze %dma_wait3A_20 : memref<1x125x80xi32, #tpu.memory_space<hbm>> -> memref<125x80xi32, #tpu.memory_space<hbm>>
      tpu.wait_dma2 semaphore(%run_scoped3A : memref<!tpu.dma_semaphore, #tpu.memory_space<semaphore_mem>>) src(%dma_wait3A_21 : memref<125x80xi32, #tpu.memory_space<hbm>>) dst(%arg5 : memref<125x80xi32, #tpu.memory_space<vmem>>)
      tpu.yield
    }) : () -> ()
    %scan3A = arith.constant 0 : i32
    %scan3A_3 = arith.constant 0 : i32
    %scan3A_4 = arith.constant 125 : i32
    %scan3A_5 = arith.addi %scan3A_3, %scan3A_4 : i32
    %scan3A_6 = arith.constant 1 : i32
    scf.for %scan3A_8 = %scan3A_3 to %scan3A_5 step %scan3A_6  : i32 {
      %dma_start3A = arith.constant 0 : i32
      %dma_start3A_9 = tpu.memref_slice %arg5[%scan3A_8, %dma_start3A] : memref<125x80xi32, #tpu.memory_space<vmem>> -> memref<1x80xi32, #tpu.memory_space<vmem>>
      %dma_start3A_10 = tpu.memref_squeeze %dma_start3A_9 : memref<1x80xi32, #tpu.memory_space<vmem>> -> memref<80xi32, #tpu.memory_space<vmem>>
      %dma_start3A_11 = arith.constant 0 : i32
      %dma_start3A_12 = arith.constant 0 : i32
      %dma_start3A_13 = tpu.memref_slice %arg2[%dma_start3A_11, %dma_start3A_12] : memref<10000x128xf32, #tpu.memory_space<hbm>> -> memref<10000x128xf32, #tpu.memory_space<hbm>>
      tpu.enqueue_indirect_dma source(%dma_start3A_13 : memref<10000x128xf32, #tpu.memory_space<hbm>>) target(%arg6 : memref<80x128xf32, #tpu.memory_space<vmem>>) offsets(%dma_start3A_10 : memref<80xi32, #tpu.memory_space<vmem>>) semaphore(%arg7 : memref<!tpu.dma_semaphore, #tpu.memory_space<semaphore_mem>>)
      %dma_wait3A = arith.constant 0 : i32
      %dma_wait3A_14 = tpu.memref_slice %arg5[%scan3A_8, %dma_wait3A] : memref<125x80xi32, #tpu.memory_space<vmem>> -> memref<1x80xi32, #tpu.memory_space<vmem>>
      %dma_wait3A_15 = tpu.memref_squeeze %dma_wait3A_14 : memref<1x80xi32, #tpu.memory_space<vmem>> -> memref<80xi32, #tpu.memory_space<vmem>>
      %dma_wait3A_16 = arith.constant 0 : i32
      %dma_wait3A_17 = arith.constant 0 : i32
      %dma_wait3A_18 = tpu.memref_slice %arg2[%dma_wait3A_16, %dma_wait3A_17] : memref<10000x128xf32, #tpu.memory_space<hbm>> -> memref<10000x128xf32, #tpu.memory_space<hbm>>
      tpu.wait_indirect_dma semaphore(%arg7 : memref<!tpu.dma_semaphore, #tpu.memory_space<semaphore_mem>>) src(%dma_wait3A_18 : memref<10000x128xf32, #tpu.memory_space<hbm>>) dst(%arg6 : memref<80x128xf32, #tpu.memory_space<vmem>>)
      %add3A_19 = arith.addi %mul3A_2, %scan3A_8 : i32
      %mul3A_20 = arith.constant 80 : i32
      %mul3A_21 = arith.muli %add3A_19, %mul3A_20 : i32
      "tpu.region"() ({
        %run_scoped3A = tpu.sem_alloc : memref<!tpu.dma_semaphore, #tpu.memory_space<semaphore_mem>>
        %dma_start3A_22 = arith.constant 0 : i32
        %dma_start3A_23 = tpu.memref_slice %arg4[%mul3A_21, %dma_start3A_22] : memref<320000x128xf32, #tpu.memory_space<hbm>> -> memref<80x128xf32, #tpu.memory_space<hbm>>
        %dma_start3A_24 = arith.constant 0 : i32
        %dma_start3A_25 = tpu.memref_slice %arg4[%mul3A_21, %dma_start3A_24] : memref<320000x128xf32, #tpu.memory_space<hbm>> -> memref<80x128xf32, #tpu.memory_space<hbm>>
        tpu.enqueue_dma source(%arg6 : memref<80x128xf32, #tpu.memory_space<vmem>>) target(%dma_start3A_25 : memref<80x128xf32, #tpu.memory_space<hbm>>) target_semaphore(%run_scoped3A : memref<!tpu.dma_semaphore, #tpu.memory_space<semaphore_mem>>)
        %dma_wait3A_26 = arith.constant 0 : i32
        %dma_wait3A_27 = tpu.memref_slice %arg4[%mul3A_21, %dma_wait3A_26] : memref<320000x128xf32, #tpu.memory_space<hbm>> -> memref<80x128xf32, #tpu.memory_space<hbm>>
        %dma_wait3A_28 = arith.constant 0 : i32
        %dma_wait3A_29 = tpu.memref_slice %arg4[%mul3A_21, %dma_wait3A_28] : memref<320000x128xf32, #tpu.memory_space<hbm>> -> memref<80x128xf32, #tpu.memory_space<hbm>>
        tpu.wait_dma2 semaphore(%run_scoped3A : memref<!tpu.dma_semaphore, #tpu.memory_space<semaphore_mem>>) src(%arg6 : memref<80x128xf32, #tpu.memory_space<vmem>>) dst(%dma_wait3A_29 : memref<80x128xf32, #tpu.memory_space<hbm>>)
        tpu.yield
      }) : () -> ()
    }
    %scan3A_7 = arith.constant 125 : i32
    return
  }
}

#map = affine_map<(d0, d1) -> (0, 0)>
#map1 = affine_map<(d0, d1) -> (0, 0, 0)>
module attributes {stable_mosaic.version = 14 : i64} {
  func.func @gather(%arg0: i32, %arg1: i32, %arg2: memref<10000x256xf32, #tpu.memory_space<hbm>>, %arg3: memref<32x125x80xi32, #tpu.memory_space<hbm>>, %arg4: memref<320000x256xf32, #tpu.memory_space<hbm>>, %arg5: memref<125x80xi32, #tpu.memory_space<vmem>>, %arg6: memref<80x256xf32, #tpu.memory_space<vmem>>, %arg7: memref<!tpu.dma_semaphore, #tpu.memory_space<semaphore_mem>>) attributes {dimension_semantics = [#tpu.dimension_semantics<core_parallel>, #tpu.dimension_semantics<subcore_parallel>], iteration_bounds = array<i64: 2, 16>, scalar_prefetch = 0 : i64, scratch_operands = 3 : i64, tpu.core_type = #tpu.core_type<sc_vector_subcore>, window_params = [{transform_indices = #map}, {transform_indices = #map1}, {transform_indices = #map}]} {
    %mul3A = arith.constant 2 : i32
    %mul3A_0 = arith.muli %arg1, %mul3A : i32
    %add3A = arith.addi %mul3A_0, %arg0 : i32
    %mul3A_1 = arith.constant 125 : i32
    %mul3A_2 = arith.muli %add3A, %mul3A_1 : i32
    "tpu.region"() ({
      %run_scoped3A = tpu.sem_alloc : memref<!tpu.dma_semaphore, #tpu.memory_space<semaphore_mem>>
      %dma_start3A = arith.constant 0 : i32
      %dma_start3A_8 = arith.constant 0 : i32
      %dma_start3A_9 = tpu.memref_slice %arg3[%add3A, %dma_start3A, %dma_start3A_8] : memref<32x125x80xi32, #tpu.memory_space<hbm>> -> memref<1x125x80xi32, #tpu.memory_space<hbm>>
      %dma_start3A_10 = tpu.memref_squeeze %dma_start3A_9 : memref<1x125x80xi32, #tpu.memory_space<hbm>> -> memref<125x80xi32, #tpu.memory_space<hbm>>
      %dma_start3A_11 = arith.constant 0 : i32
      %dma_start3A_12 = arith.constant 0 : i32
      %dma_start3A_13 = tpu.memref_slice %arg3[%add3A, %dma_start3A_11, %dma_start3A_12] : memref<32x125x80xi32, #tpu.memory_space<hbm>> -> memref<1x125x80xi32, #tpu.memory_space<hbm>>
      %dma_start3A_14 = tpu.memref_squeeze %dma_start3A_13 : memref<1x125x80xi32, #tpu.memory_space<hbm>> -> memref<125x80xi32, #tpu.memory_space<hbm>>
      tpu.enqueue_dma source(%dma_start3A_14 : memref<125x80xi32, #tpu.memory_space<hbm>>) target(%arg5 : memref<125x80xi32, #tpu.memory_space<vmem>>) target_semaphore(%run_scoped3A : memref<!tpu.dma_semaphore, #tpu.memory_space<semaphore_mem>>)
      %dma_wait3A = arith.constant 0 : i32
      %dma_wait3A_15 = arith.constant 0 : i32
      %dma_wait3A_16 = tpu.memref_slice %arg3[%add3A, %dma_wait3A, %dma_wait3A_15] : memref<32x125x80xi32, #tpu.memory_space<hbm>> -> memref<1x125x80xi32, #tpu.memory_space<hbm>>
      %dma_wait3A_17 = tpu.memref_squeeze %dma_wait3A_16 : memref<1x125x80xi32, #tpu.memory_space<hbm>> -> memref<125x80xi32, #tpu.memory_space<hbm>>
      %dma_wait3A_18 = arith.constant 0 : i32
      %dma_wait3A_19 = arith.constant 0 : i32
      %dma_wait3A_20 = tpu.memref_slice %arg3[%add3A, %dma_wait3A_18, %dma_wait3A_19] : memref<32x125x80xi32, #tpu.memory_space<hbm>> -> memref<1x125x80xi32, #tpu.memory_space<hbm>>
      %dma_wait3A_21 = tpu.memref_squeeze %dma_wait3A_20 : memref<1x125x80xi32, #tpu.memory_space<hbm>> -> memref<125x80xi32, #tpu.memory_space<hbm>>
      tpu.wait_dma2 semaphore(%run_scoped3A : memref<!tpu.dma_semaphore, #tpu.memory_space<semaphore_mem>>) src(%dma_wait3A_21 : memref<125x80xi32, #tpu.memory_space<hbm>>) dst(%arg5 : memref<125x80xi32, #tpu.memory_space<vmem>>)
      tpu.yield
    }) : () -> ()
    %scan3A = arith.constant 0 : i32
    %scan3A_3 = arith.constant 0 : i32
    %scan3A_4 = arith.constant 125 : i32
    %scan3A_5 = arith.addi %scan3A_3, %scan3A_4 : i32
    %scan3A_6 = arith.constant 1 : i32
    scf.for %scan3A_8 = %scan3A_3 to %scan3A_5 step %scan3A_6  : i32 {
      %dma_start3A = arith.constant 0 : i32
      %dma_start3A_9 = tpu.memref_slice %arg5[%scan3A_8, %dma_start3A] : memref<125x80xi32, #tpu.memory_space<vmem>> -> memref<1x80xi32, #tpu.memory_space<vmem>>
      %dma_start3A_10 = tpu.memref_squeeze %dma_start3A_9 : memref<1x80xi32, #tpu.memory_space<vmem>> -> memref<80xi32, #tpu.memory_space<vmem>>
      %dma_start3A_11 = arith.constant 0 : i32
      %dma_start3A_12 = arith.constant 0 : i32
      %dma_start3A_13 = tpu.memref_slice %arg2[%dma_start3A_11, %dma_start3A_12] : memref<10000x256xf32, #tpu.memory_space<hbm>> -> memref<10000x256xf32, #tpu.memory_space<hbm>>
      tpu.enqueue_indirect_dma source(%dma_start3A_13 : memref<10000x256xf32, #tpu.memory_space<hbm>>) target(%arg6 : memref<80x256xf32, #tpu.memory_space<vmem>>) offsets(%dma_start3A_10 : memref<80xi32, #tpu.memory_space<vmem>>) semaphore(%arg7 : memref<!tpu.dma_semaphore, #tpu.memory_space<semaphore_mem>>)
      %dma_wait3A = arith.constant 0 : i32
      %dma_wait3A_14 = tpu.memref_slice %arg5[%scan3A_8, %dma_wait3A] : memref<125x80xi32, #tpu.memory_space<vmem>> -> memref<1x80xi32, #tpu.memory_space<vmem>>
      %dma_wait3A_15 = tpu.memref_squeeze %dma_wait3A_14 : memref<1x80xi32, #tpu.memory_space<vmem>> -> memref<80xi32, #tpu.memory_space<vmem>>
      %dma_wait3A_16 = arith.constant 0 : i32
      %dma_wait3A_17 = arith.constant 0 : i32
      %dma_wait3A_18 = tpu.memref_slice %arg2[%dma_wait3A_16, %dma_wait3A_17] : memref<10000x256xf32, #tpu.memory_space<hbm>> -> memref<10000x256xf32, #tpu.memory_space<hbm>>
      tpu.wait_indirect_dma semaphore(%arg7 : memref<!tpu.dma_semaphore, #tpu.memory_space<semaphore_mem>>) src(%dma_wait3A_18 : memref<10000x256xf32, #tpu.memory_space<hbm>>) dst(%arg6 : memref<80x256xf32, #tpu.memory_space<vmem>>)
      %add3A_19 = arith.addi %mul3A_2, %scan3A_8 : i32
      %mul3A_20 = arith.constant 80 : i32
      %mul3A_21 = arith.muli %add3A_19, %mul3A_20 : i32
      "tpu.region"() ({
        %run_scoped3A = tpu.sem_alloc : memref<!tpu.dma_semaphore, #tpu.memory_space<semaphore_mem>>
        %dma_start3A_22 = arith.constant 0 : i32
        %dma_start3A_23 = tpu.memref_slice %arg4[%mul3A_21, %dma_start3A_22] : memref<320000x256xf32, #tpu.memory_space<hbm>> -> memref<80x256xf32, #tpu.memory_space<hbm>>
        %dma_start3A_24 = arith.constant 0 : i32
        %dma_start3A_25 = tpu.memref_slice %arg4[%mul3A_21, %dma_start3A_24] : memref<320000x256xf32, #tpu.memory_space<hbm>> -> memref<80x256xf32, #tpu.memory_space<hbm>>
        tpu.enqueue_dma source(%arg6 : memref<80x256xf32, #tpu.memory_space<vmem>>) target(%dma_start3A_25 : memref<80x256xf32, #tpu.memory_space<hbm>>) target_semaphore(%run_scoped3A : memref<!tpu.dma_semaphore, #tpu.memory_space<semaphore_mem>>)
        %dma_wait3A_26 = arith.constant 0 : i32
        %dma_wait3A_27 = tpu.memref_slice %arg4[%mul3A_21, %dma_wait3A_26] : memref<320000x256xf32, #tpu.memory_space<hbm>> -> memref<80x256xf32, #tpu.memory_space<hbm>>
        %dma_wait3A_28 = arith.constant 0 : i32
        %dma_wait3A_29 = tpu.memref_slice %arg4[%mul3A_21, %dma_wait3A_28] : memref<320000x256xf32, #tpu.memory_space<hbm>> -> memref<80x256xf32, #tpu.memory_space<hbm>>
        tpu.wait_dma2 semaphore(%run_scoped3A : memref<!tpu.dma_semaphore, #tpu.memory_space<semaphore_mem>>) src(%arg6 : memref<80x256xf32, #tpu.memory_space<vmem>>) dst(%dma_wait3A_29 : memref<80x256xf32, #tpu.memory_space<hbm>>)
        tpu.yield
      }) : () -> ()
    }
    %scan3A_7 = arith.constant 125 : i32
    return
  }
}

#map = affine_map<(d0, d1) -> (0, 0)>
#map1 = affine_map<(d0, d1) -> (0, 0, 0)>
module attributes {stable_mosaic.version = 14 : i64} {
  func.func @gather(%arg0: i32, %arg1: i32, %arg2: memref<10000x128xf32, #tpu.memory_space<hbm>>, %arg3: memref<32x125x80xi32, #tpu.memory_space<hbm>>, %arg4: memref<320000x128xf32, #tpu.memory_space<hbm>>, %arg5: memref<125x80xi32, #tpu.memory_space<vmem>>, %arg6: memref<80x128xf32, #tpu.memory_space<vmem>>, %arg7: memref<!tpu.dma_semaphore, #tpu.memory_space<semaphore_mem>>) attributes {dimension_semantics = [#tpu.dimension_semantics<core_parallel>, #tpu.dimension_semantics<subcore_parallel>], iteration_bounds = array<i64: 2, 16>, scalar_prefetch = 0 : i64, scratch_operands = 3 : i64, tpu.core_type = #tpu.core_type<sc_vector_subcore>, window_params = [{transform_indices = #map}, {transform_indices = #map1}, {transform_indices = #map}]} {
    %mul3A = arith.constant 2 : i32
    %mul3A_0 = arith.muli %arg1, %mul3A : i32
    %add3A = arith.addi %mul3A_0, %arg0 : i32
    %mul3A_1 = arith.constant 125 : i32
    %mul3A_2 = arith.muli %add3A, %mul3A_1 : i32
    "tpu.region"() ({
      %run_scoped3A = tpu.sem_alloc : memref<!tpu.dma_semaphore, #tpu.memory_space<semaphore_mem>>
      %dma_start3A = arith.constant 0 : i32
      %dma_start3A_8 = arith.constant 0 : i32
      %dma_start3A_9 = tpu.memref_slice %arg3[%add3A, %dma_start3A, %dma_start3A_8] : memref<32x125x80xi32, #tpu.memory_space<hbm>> -> memref<1x125x80xi32, #tpu.memory_space<hbm>>
      %dma_start3A_10 = tpu.memref_squeeze %dma_start3A_9 : memref<1x125x80xi32, #tpu.memory_space<hbm>> -> memref<125x80xi32, #tpu.memory_space<hbm>>
      %dma_start3A_11 = arith.constant 0 : i32
      %dma_start3A_12 = arith.constant 0 : i32
      %dma_start3A_13 = tpu.memref_slice %arg3[%add3A, %dma_start3A_11, %dma_start3A_12] : memref<32x125x80xi32, #tpu.memory_space<hbm>> -> memref<1x125x80xi32, #tpu.memory_space<hbm>>
      %dma_start3A_14 = tpu.memref_squeeze %dma_start3A_13 : memref<1x125x80xi32, #tpu.memory_space<hbm>> -> memref<125x80xi32, #tpu.memory_space<hbm>>
      tpu.enqueue_dma source(%dma_start3A_14 : memref<125x80xi32, #tpu.memory_space<hbm>>) target(%arg5 : memref<125x80xi32, #tpu.memory_space<vmem>>) target_semaphore(%run_scoped3A : memref<!tpu.dma_semaphore, #tpu.memory_space<semaphore_mem>>)
      %dma_wait3A = arith.constant 0 : i32
      %dma_wait3A_15 = arith.constant 0 : i32
      %dma_wait3A_16 = tpu.memref_slice %arg3[%add3A, %dma_wait3A, %dma_wait3A_15] : memref<32x125x80xi32, #tpu.memory_space<hbm>> -> memref<1x125x80xi32, #tpu.memory_space<hbm>>
      %dma_wait3A_17 = tpu.memref_squeeze %dma_wait3A_16 : memref<1x125x80xi32, #tpu.memory_space<hbm>> -> memref<125x80xi32, #tpu.memory_space<hbm>>
      %dma_wait3A_18 = arith.constant 0 : i32
      %dma_wait3A_19 = arith.constant 0 : i32
      %dma_wait3A_20 = tpu.memref_slice %arg3[%add3A, %dma_wait3A_18, %dma_wait3A_19] : memref<32x125x80xi32, #tpu.memory_space<hbm>> -> memref<1x125x80xi32, #tpu.memory_space<hbm>>
      %dma_wait3A_21 = tpu.memref_squeeze %dma_wait3A_20 : memref<1x125x80xi32, #tpu.memory_space<hbm>> -> memref<125x80xi32, #tpu.memory_space<hbm>>
      tpu.wait_dma2 semaphore(%run_scoped3A : memref<!tpu.dma_semaphore, #tpu.memory_space<semaphore_mem>>) src(%dma_wait3A_21 : memref<125x80xi32, #tpu.memory_space<hbm>>) dst(%arg5 : memref<125x80xi32, #tpu.memory_space<vmem>>)
      tpu.yield
    }) : () -> ()
    %scan3A = arith.constant 0 : i32
    %scan3A_3 = arith.constant 0 : i32
    %scan3A_4 = arith.constant 125 : i32
    %scan3A_5 = arith.addi %scan3A_3, %scan3A_4 : i32
    %scan3A_6 = arith.constant 1 : i32
    scf.for %scan3A_8 = %scan3A_3 to %scan3A_5 step %scan3A_6  : i32 {
      %dma_start3A = arith.constant 0 : i32
      %dma_start3A_9 = tpu.memref_slice %arg5[%scan3A_8, %dma_start3A] : memref<125x80xi32, #tpu.memory_space<vmem>> -> memref<1x80xi32, #tpu.memory_space<vmem>>
      %dma_start3A_10 = tpu.memref_squeeze %dma_start3A_9 : memref<1x80xi32, #tpu.memory_space<vmem>> -> memref<80xi32, #tpu.memory_space<vmem>>
      %dma_start3A_11 = arith.constant 0 : i32
      %dma_start3A_12 = arith.constant 0 : i32
      %dma_start3A_13 = tpu.memref_slice %arg2[%dma_start3A_11, %dma_start3A_12] : memref<10000x128xf32, #tpu.memory_space<hbm>> -> memref<10000x128xf32, #tpu.memory_space<hbm>>
      tpu.enqueue_indirect_dma source(%dma_start3A_13 : memref<10000x128xf32, #tpu.memory_space<hbm>>) target(%arg6 : memref<80x128xf32, #tpu.memory_space<vmem>>) offsets(%dma_start3A_10 : memref<80xi32, #tpu.memory_space<vmem>>) semaphore(%arg7 : memref<!tpu.dma_semaphore, #tpu.memory_space<semaphore_mem>>)
      %dma_wait3A = arith.constant 0 : i32
      %dma_wait3A_14 = tpu.memref_slice %arg5[%scan3A_8, %dma_wait3A] : memref<125x80xi32, #tpu.memory_space<vmem>> -> memref<1x80xi32, #tpu.memory_space<vmem>>
      %dma_wait3A_15 = tpu.memref_squeeze %dma_wait3A_14 : memref<1x80xi32, #tpu.memory_space<vmem>> -> memref<80xi32, #tpu.memory_space<vmem>>
      %dma_wait3A_16 = arith.constant 0 : i32
      %dma_wait3A_17 = arith.constant 0 : i32
      %dma_wait3A_18 = tpu.memref_slice %arg2[%dma_wait3A_16, %dma_wait3A_17] : memref<10000x128xf32, #tpu.memory_space<hbm>> -> memref<10000x128xf32, #tpu.memory_space<hbm>>
      tpu.wait_indirect_dma semaphore(%arg7 : memref<!tpu.dma_semaphore, #tpu.memory_space<semaphore_mem>>) src(%dma_wait3A_18 : memref<10000x128xf32, #tpu.memory_space<hbm>>) dst(%arg6 : memref<80x128xf32, #tpu.memory_space<vmem>>)
      %add3A_19 = arith.addi %mul3A_2, %scan3A_8 : i32
      %mul3A_20 = arith.constant 80 : i32
      %mul3A_21 = arith.muli %add3A_19, %mul3A_20 : i32
      "tpu.region"() ({
        %run_scoped3A = tpu.sem_alloc : memref<!tpu.dma_semaphore, #tpu.memory_space<semaphore_mem>>
        %dma_start3A_22 = arith.constant 0 : i32
        %dma_start3A_23 = tpu.memref_slice %arg4[%mul3A_21, %dma_start3A_22] : memref<320000x128xf32, #tpu.memory_space<hbm>> -> memref<80x128xf32, #tpu.memory_space<hbm>>
        %dma_start3A_24 = arith.constant 0 : i32
        %dma_start3A_25 = tpu.memref_slice %arg4[%mul3A_21, %dma_start3A_24] : memref<320000x128xf32, #tpu.memory_space<hbm>> -> memref<80x128xf32, #tpu.memory_space<hbm>>
        tpu.enqueue_dma source(%arg6 : memref<80x128xf32, #tpu.memory_space<vmem>>) target(%dma_start3A_25 : memref<80x128xf32, #tpu.memory_space<hbm>>) target_semaphore(%run_scoped3A : memref<!tpu.dma_semaphore, #tpu.memory_space<semaphore_mem>>)
        %dma_wait3A_26 = arith.constant 0 : i32
        %dma_wait3A_27 = tpu.memref_slice %arg4[%mul3A_21, %dma_wait3A_26] : memref<320000x128xf32, #tpu.memory_space<hbm>> -> memref<80x128xf32, #tpu.memory_space<hbm>>
        %dma_wait3A_28 = arith.constant 0 : i32
        %dma_wait3A_29 = tpu.memref_slice %arg4[%mul3A_21, %dma_wait3A_28] : memref<320000x128xf32, #tpu.memory_space<hbm>> -> memref<80x128xf32, #tpu.memory_space<hbm>>
        tpu.wait_dma2 semaphore(%run_scoped3A : memref<!tpu.dma_semaphore, #tpu.memory_space<semaphore_mem>>) src(%arg6 : memref<80x128xf32, #tpu.memory_space<vmem>>) dst(%dma_wait3A_29 : memref<80x128xf32, #tpu.memory_space<hbm>>)
        tpu.yield
      }) : () -> ()
    }
    %scan3A_7 = arith.constant 125 : i32
    return
  }
}

#map = affine_map<(d0, d1) -> (0, 0)>
#map1 = affine_map<(d0, d1) -> (0, 0, 0)>
module attributes {stable_mosaic.version = 14 : i64} {
  func.func @scatter(%arg0: i32, %arg1: i32, %arg2: memref<320000x256xf32, #tpu.memory_space<hbm>>, %arg3: memref<16x250x80xi32, #tpu.memory_space<hbm>>, %arg4: memref<624x128xf32, #tpu.memory_space<hbm>>, %arg5: memref<10000x256xf32, #tpu.memory_space<hbm>>, %arg6: memref<250x80xi32, #tpu.memory_space<vmem>>, %arg7: memref<80x128xf32, #tpu.memory_space<vmem>>, %arg8: memref<10000x128xf32, #tpu.memory_space<vmem_shared>>) attributes {dimension_semantics = [#tpu.dimension_semantics<core_parallel>, #tpu.dimension_semantics<subcore_parallel>], iteration_bounds = array<i64: 2, 16>, scalar_prefetch = 0 : i64, scratch_operands = 3 : i64, tpu.core_type = #tpu.core_type<sc_vector_subcore>, window_params = [{transform_indices = #map}, {transform_indices = #map1}, {transform_indices = #map}, {transform_indices = #map}]} {
    %mul3A = arith.constant 624 : i32
    %mul3A_0 = arith.muli %arg1, %mul3A : i32
    "tpu.region"() ({
      %run_scoped3A = tpu.sem_alloc : memref<!tpu.dma_semaphore, #tpu.memory_space<semaphore_mem>>
      %dma_start3A = arith.constant 0 : i32
      %dma_start3A_20 = tpu.memref_slice %arg8[%mul3A_0, %dma_start3A] : memref<10000x128xf32, #tpu.memory_space<vmem_shared>> -> memref<624x128xf32, #tpu.memory_space<vmem_shared>>
      tpu.enqueue_dma source(%arg4 : memref<624x128xf32, #tpu.memory_space<hbm>>) target(%dma_start3A_20 : memref<624x128xf32, #tpu.memory_space<vmem_shared>>) target_semaphore(%run_scoped3A : memref<!tpu.dma_semaphore, #tpu.memory_space<semaphore_mem>>)
      %dma_wait3A = arith.constant 0 : i32
      %dma_wait3A_21 = tpu.memref_slice %arg8[%mul3A_0, %dma_wait3A] : memref<10000x128xf32, #tpu.memory_space<vmem_shared>> -> memref<624x128xf32, #tpu.memory_space<vmem_shared>>
      tpu.wait_dma2 semaphore(%run_scoped3A : memref<!tpu.dma_semaphore, #tpu.memory_space<semaphore_mem>>) src(%arg4 : memref<624x128xf32, #tpu.memory_space<hbm>>) dst(%dma_wait3A_21 : memref<624x128xf32, #tpu.memory_space<vmem_shared>>)
      tpu.yield
    }) : () -> ()
    %eq3A = arith.constant 15 : i32
    %eq3A_1 = arith.cmpi eq, %arg1, %eq3A : i32
    %convert_element_type3A = arith.extui %eq3A_1 : i1 to i32
    %cond3A = arith.constant 0 : i32
    %cond3A_2 = arith.cmpi ne, %convert_element_type3A, %cond3A : i32
    scf.if %cond3A_2 {
      "tpu.region"() ({
        %run_scoped3A = tpu.sem_alloc : memref<!tpu.dma_semaphore, #tpu.memory_space<semaphore_mem>>
        %dma_start3A = arith.constant 9984 : i32
        %dma_start3A_20 = arith.constant 0 : i32
        %dma_start3A_21 = tpu.memref_slice %arg8[%dma_start3A, %dma_start3A_20] : memref<10000x128xf32, #tpu.memory_space<vmem_shared>> -> memref<16x128xf32, #tpu.memory_space<vmem_shared>>
        %dma_start3A_22 = arith.constant 0 : i32
        %dma_start3A_23 = arith.constant 0 : i32
        %dma_start3A_24 = tpu.memref_slice %arg4[%dma_start3A_22, %dma_start3A_23] : memref<624x128xf32, #tpu.memory_space<hbm>> -> memref<16x128xf32, #tpu.memory_space<hbm>>
        tpu.enqueue_dma source(%dma_start3A_24 : memref<16x128xf32, #tpu.memory_space<hbm>>) target(%dma_start3A_21 : memref<16x128xf32, #tpu.memory_space<vmem_shared>>) target_semaphore(%run_scoped3A : memref<!tpu.dma_semaphore, #tpu.memory_space<semaphore_mem>>)
        %dma_wait3A = arith.constant 9984 : i32
        %dma_wait3A_25 = arith.constant 0 : i32
        %dma_wait3A_26 = tpu.memref_slice %arg8[%dma_wait3A, %dma_wait3A_25] : memref<10000x128xf32, #tpu.memory_space<vmem_shared>> -> memref<16x128xf32, #tpu.memory_space<vmem_shared>>
        %dma_wait3A_27 = arith.constant 0 : i32
        %dma_wait3A_28 = arith.constant 0 : i32
        %dma_wait3A_29 = tpu.memref_slice %arg4[%dma_wait3A_27, %dma_wait3A_28] : memref<624x128xf32, #tpu.memory_space<hbm>> -> memref<16x128xf32, #tpu.memory_space<hbm>>
        tpu.wait_dma2 semaphore(%run_scoped3A : memref<!tpu.dma_semaphore, #tpu.memory_space<semaphore_mem>>) src(%dma_wait3A_29 : memref<16x128xf32, #tpu.memory_space<hbm>>) dst(%dma_wait3A_26 : memref<16x128xf32, #tpu.memory_space<vmem_shared>>)
        tpu.yield
      }) : () -> ()
    } else {
    }
    %barrier3A = arith.constant 0 : index
    tpu.barrier barrier_id(%barrier3A)
    "tpu.region"() ({
      %run_scoped3A = tpu.sem_alloc : memref<!tpu.dma_semaphore, #tpu.memory_space<semaphore_mem>>
      %dma_start3A = arith.constant 0 : i32
      %dma_start3A_20 = arith.constant 0 : i32
      %dma_start3A_21 = tpu.memref_slice %arg3[%arg1, %dma_start3A, %dma_start3A_20] : memref<16x250x80xi32, #tpu.memory_space<hbm>> -> memref<1x250x80xi32, #tpu.memory_space<hbm>>
      %dma_start3A_22 = tpu.memref_squeeze %dma_start3A_21 : memref<1x250x80xi32, #tpu.memory_space<hbm>> -> memref<250x80xi32, #tpu.memory_space<hbm>>
      %dma_start3A_23 = arith.constant 0 : i32
      %dma_start3A_24 = arith.constant 0 : i32
      %dma_start3A_25 = tpu.memref_slice %arg3[%arg1, %dma_start3A_23, %dma_start3A_24] : memref<16x250x80xi32, #tpu.memory_space<hbm>> -> memref<1x250x80xi32, #tpu.memory_space<hbm>>
      %dma_start3A_26 = tpu.memref_squeeze %dma_start3A_25 : memref<1x250x80xi32, #tpu.memory_space<hbm>> -> memref<250x80xi32, #tpu.memory_space<hbm>>
      tpu.enqueue_dma source(%dma_start3A_26 : memref<250x80xi32, #tpu.memory_space<hbm>>) target(%arg6 : memref<250x80xi32, #tpu.memory_space<vmem>>) target_semaphore(%run_scoped3A : memref<!tpu.dma_semaphore, #tpu.memory_space<semaphore_mem>>)
      %dma_wait3A = arith.constant 0 : i32
      %dma_wait3A_27 = arith.constant 0 : i32
      %dma_wait3A_28 = tpu.memref_slice %arg3[%arg1, %dma_wait3A, %dma_wait3A_27] : memref<16x250x80xi32, #tpu.memory_space<hbm>> -> memref<1x250x80xi32, #tpu.memory_space<hbm>>
      %dma_wait3A_29 = tpu.memref_squeeze %dma_wait3A_28 : memref<1x250x80xi32, #tpu.memory_space<hbm>> -> memref<250x80xi32, #tpu.memory_space<hbm>>
      %dma_wait3A_30 = arith.constant 0 : i32
      %dma_wait3A_31 = arith.constant 0 : i32
      %dma_wait3A_32 = tpu.memref_slice %arg3[%arg1, %dma_wait3A_30, %dma_wait3A_31] : memref<16x250x80xi32, #tpu.memory_space<hbm>> -> memref<1x250x80xi32, #tpu.memory_space<hbm>>
      %dma_wait3A_33 = tpu.memref_squeeze %dma_wait3A_32 : memref<1x250x80xi32, #tpu.memory_space<hbm>> -> memref<250x80xi32, #tpu.memory_space<hbm>>
      tpu.wait_dma2 semaphore(%run_scoped3A : memref<!tpu.dma_semaphore, #tpu.memory_space<semaphore_mem>>) src(%dma_wait3A_33 : memref<250x80xi32, #tpu.memory_space<hbm>>) dst(%arg6 : memref<250x80xi32, #tpu.memory_space<vmem>>)
      tpu.yield
    }) : () -> ()
    %scan3A = arith.constant 0 : i32
    %scan3A_3 = arith.constant 0 : i32
    %scan3A_4 = arith.constant 250 : i32
    %scan3A_5 = arith.addi %scan3A_3, %scan3A_4 : i32
    %scan3A_6 = arith.constant 1 : i32
    scf.for %scan3A_20 = %scan3A_3 to %scan3A_5 step %scan3A_6  : i32 {
      %mul3A_21 = arith.constant 250 : i32
      %mul3A_22 = arith.muli %arg1, %mul3A_21 : i32
      %add3A = arith.addi %mul3A_22, %scan3A_20 : i32
      %mul3A_23 = arith.constant 80 : i32
      %mul3A_24 = arith.muli %add3A, %mul3A_23 : i32
      %mul3A_25 = arith.constant 128 : i32
      %mul3A_26 = arith.muli %arg0, %mul3A_25 : i32
      "tpu.region"() ({
        %run_scoped3A = tpu.sem_alloc : memref<!tpu.dma_semaphore, #tpu.memory_space<semaphore_mem>>
        %dma_start3A = tpu.memref_slice %arg2[%mul3A_24, %mul3A_26] : memref<320000x256xf32, #tpu.memory_space<hbm>> -> memref<80x128xf32, #tpu.memory_space<hbm>>
        %dma_start3A_27 = tpu.memref_slice %arg2[%mul3A_24, %mul3A_26] : memref<320000x256xf32, #tpu.memory_space<hbm>> -> memref<80x128xf32, #tpu.memory_space<hbm>>
        tpu.enqueue_dma source(%dma_start3A_27 : memref<80x128xf32, #tpu.memory_space<hbm>>) target(%arg7 : memref<80x128xf32, #tpu.memory_space<vmem>>) target_semaphore(%run_scoped3A : memref<!tpu.dma_semaphore, #tpu.memory_space<semaphore_mem>>)
        %dma_wait3A = tpu.memref_slice %arg2[%mul3A_24, %mul3A_26] : memref<320000x256xf32, #tpu.memory_space<hbm>> -> memref<80x128xf32, #tpu.memory_space<hbm>>
        %dma_wait3A_28 = tpu.memref_slice %arg2[%mul3A_24, %mul3A_26] : memref<320000x256xf32, #tpu.memory_space<hbm>> -> memref<80x128xf32, #tpu.memory_space<hbm>>
        tpu.wait_dma2 semaphore(%run_scoped3A : memref<!tpu.dma_semaphore, #tpu.memory_space<semaphore_mem>>) src(%dma_wait3A_28 : memref<80x128xf32, #tpu.memory_space<hbm>>) dst(%arg7 : memref<80x128xf32, #tpu.memory_space<vmem>>)
        tpu.yield
      }) : () -> ()
      "tpu.region"() ({
        %run_scoped3A = tpu.sem_alloc : memref<!tpu.dma_semaphore, #tpu.memory_space<semaphore_mem>>
        %dma_start3A = arith.constant 0 : i32
        %dma_start3A_27 = tpu.memref_slice %arg6[%scan3A_20, %dma_start3A] : memref<250x80xi32, #tpu.memory_space<vmem>> -> memref<1x80xi32, #tpu.memory_space<vmem>>
        %dma_start3A_28 = tpu.memref_squeeze %dma_start3A_27 : memref<1x80xi32, #tpu.memory_space<vmem>> -> memref<80xi32, #tpu.memory_space<vmem>>
        %dma_start3A_29 = arith.constant 0 : i32
        %dma_start3A_30 = arith.constant 0 : i32
        %dma_start3A_31 = tpu.memref_slice %arg8[%dma_start3A_29, %dma_start3A_30] : memref<10000x128xf32, #tpu.memory_space<vmem_shared>> -> memref<10000x128xf32, #tpu.memory_space<vmem_shared>>
        tpu.enqueue_indirect_dma source(%arg7 : memref<80x128xf32, #tpu.memory_space<vmem>>) target(%dma_start3A_31 : memref<10000x128xf32, #tpu.memory_space<vmem_shared>>) offsets(%dma_start3A_28 : memref<80xi32, #tpu.memory_space<vmem>>) semaphore(%run_scoped3A : memref<!tpu.dma_semaphore, #tpu.memory_space<semaphore_mem>>) {add = true}
        %dma_wait3A = arith.constant 0 : i32
        %dma_wait3A_32 = tpu.memref_slice %arg6[%scan3A_20, %dma_wait3A] : memref<250x80xi32, #tpu.memory_space<vmem>> -> memref<1x80xi32, #tpu.memory_space<vmem>>
        %dma_wait3A_33 = tpu.memref_squeeze %dma_wait3A_32 : memref<1x80xi32, #tpu.memory_space<vmem>> -> memref<80xi32, #tpu.memory_space<vmem>>
        %dma_wait3A_34 = arith.constant 0 : i32
        %dma_wait3A_35 = arith.constant 0 : i32
        %dma_wait3A_36 = tpu.memref_slice %arg8[%dma_wait3A_34, %dma_wait3A_35] : memref<10000x128xf32, #tpu.memory_space<vmem_shared>> -> memref<10000x128xf32, #tpu.memory_space<vmem_shared>>
        tpu.wait_indirect_dma semaphore(%run_scoped3A : memref<!tpu.dma_semaphore, #tpu.memory_space<semaphore_mem>>) src(%arg7 : memref<80x128xf32, #tpu.memory_space<vmem>>) dst(%dma_wait3A_36 : memref<10000x128xf32, #tpu.memory_space<vmem_shared>>)
        tpu.yield
      }) : () -> ()
    }
    %scan3A_7 = arith.constant 250 : i32
    %barrier3A_8 = arith.constant 0 : index
    tpu.barrier barrier_id(%barrier3A_8)
    %mul3A_9 = arith.constant 624 : i32
    %mul3A_10 = arith.muli %arg1, %mul3A_9 : i32
    %mul3A_11 = arith.constant 624 : i32
    %mul3A_12 = arith.muli %arg1, %mul3A_11 : i32
    %mul3A_13 = arith.constant 128 : i32
    %mul3A_14 = arith.muli %arg0, %mul3A_13 : i32
    "tpu.region"() ({
      %run_scoped3A = tpu.sem_alloc : memref<!tpu.dma_semaphore, #tpu.memory_space<semaphore_mem>>
      %dma_start3A = tpu.memref_slice %arg5[%mul3A_12, %mul3A_14] : memref<10000x256xf32, #tpu.memory_space<hbm>> -> memref<624x128xf32, #tpu.memory_space<hbm>>
      %dma_start3A_20 = arith.constant 0 : i32
      %dma_start3A_21 = tpu.memref_slice %arg8[%mul3A_10, %dma_start3A_20] : memref<10000x128xf32, #tpu.memory_space<vmem_shared>> -> memref<624x128xf32, #tpu.memory_space<vmem_shared>>
      tpu.enqueue_dma source(%dma_start3A_21 : memref<624x128xf32, #tpu.memory_space<vmem_shared>>) target(%dma_start3A : memref<624x128xf32, #tpu.memory_space<hbm>>) target_semaphore(%run_scoped3A : memref<!tpu.dma_semaphore, #tpu.memory_space<semaphore_mem>>)
      %dma_wait3A = tpu.memref_slice %arg5[%mul3A_12, %mul3A_14] : memref<10000x256xf32, #tpu.memory_space<hbm>> -> memref<624x128xf32, #tpu.memory_space<hbm>>
      %dma_wait3A_22 = arith.constant 0 : i32
      %dma_wait3A_23 = tpu.memref_slice %arg8[%mul3A_10, %dma_wait3A_22] : memref<10000x128xf32, #tpu.memory_space<vmem_shared>> -> memref<624x128xf32, #tpu.memory_space<vmem_shared>>
      tpu.wait_dma2 semaphore(%run_scoped3A : memref<!tpu.dma_semaphore, #tpu.memory_space<semaphore_mem>>) src(%dma_wait3A_23 : memref<624x128xf32, #tpu.memory_space<vmem_shared>>) dst(%dma_wait3A : memref<624x128xf32, #tpu.memory_space<hbm>>)
      tpu.yield
    }) : () -> ()
    %eq3A_15 = arith.constant 15 : i32
    %eq3A_16 = arith.cmpi eq, %arg1, %eq3A_15 : i32
    %convert_element_type3A_17 = arith.extui %eq3A_16 : i1 to i32
    %cond3A_18 = arith.constant 0 : i32
    %cond3A_19 = arith.cmpi ne, %convert_element_type3A_17, %cond3A_18 : i32
    scf.if %cond3A_19 {
      %mul3A_20 = arith.constant 128 : i32
      %mul3A_21 = arith.muli %arg0, %mul3A_20 : i32
      "tpu.region"() ({
        %run_scoped3A = tpu.sem_alloc : memref<!tpu.dma_semaphore, #tpu.memory_space<semaphore_mem>>
        %dma_start3A = arith.constant 9984 : i32
        %dma_start3A_22 = tpu.memref_slice %arg5[%dma_start3A, %mul3A_21] : memref<10000x256xf32, #tpu.memory_space<hbm>> -> memref<16x128xf32, #tpu.memory_space<hbm>>
        %dma_start3A_23 = arith.constant 9984 : i32
        %dma_start3A_24 = arith.constant 0 : i32
        %dma_start3A_25 = tpu.memref_slice %arg8[%dma_start3A_23, %dma_start3A_24] : memref<10000x128xf32, #tpu.memory_space<vmem_shared>> -> memref<16x128xf32, #tpu.memory_space<vmem_shared>>
        tpu.enqueue_dma source(%dma_start3A_25 : memref<16x128xf32, #tpu.memory_space<vmem_shared>>) target(%dma_start3A_22 : memref<16x128xf32, #tpu.memory_space<hbm>>) target_semaphore(%run_scoped3A : memref<!tpu.dma_semaphore, #tpu.memory_space<semaphore_mem>>)
        %dma_wait3A = arith.constant 9984 : i32
        %dma_wait3A_26 = tpu.memref_slice %arg5[%dma_wait3A, %mul3A_21] : memref<10000x256xf32, #tpu.memory_space<hbm>> -> memref<16x128xf32, #tpu.memory_space<hbm>>
        %dma_wait3A_27 = arith.constant 9984 : i32
        %dma_wait3A_28 = arith.constant 0 : i32
        %dma_wait3A_29 = tpu.memref_slice %arg8[%dma_wait3A_27, %dma_wait3A_28] : memref<10000x128xf32, #tpu.memory_space<vmem_shared>> -> memref<16x128xf32, #tpu.memory_space<vmem_shared>>
        tpu.wait_dma2 semaphore(%run_scoped3A : memref<!tpu.dma_semaphore, #tpu.memory_space<semaphore_mem>>) src(%dma_wait3A_29 : memref<16x128xf32, #tpu.memory_space<vmem_shared>>) dst(%dma_wait3A_26 : memref<16x128xf32, #tpu.memory_space<hbm>>)
        tpu.yield
      }) : () -> ()
    } else {
    }
    return
  }
}

#map = affine_map<(d0, d1) -> (0, 0)>
#map1 = affine_map<(d0, d1) -> (0, 0, 0)>
module attributes {stable_mosaic.version = 14 : i64} {
  func.func @scatter(%arg0: i32, %arg1: i32, %arg2: memref<320000x256xf32, #tpu.memory_space<hbm>>, %arg3: memref<16x250x80xi32, #tpu.memory_space<hbm>>, %arg4: memref<624x128xf32, #tpu.memory_space<hbm>>, %arg5: memref<10000x256xf32, #tpu.memory_space<hbm>>, %arg6: memref<250x80xi32, #tpu.memory_space<vmem>>, %arg7: memref<80x128xf32, #tpu.memory_space<vmem>>, %arg8: memref<10000x128xf32, #tpu.memory_space<vmem_shared>>) attributes {dimension_semantics = [#tpu.dimension_semantics<core_parallel>, #tpu.dimension_semantics<subcore_parallel>], iteration_bounds = array<i64: 2, 16>, scalar_prefetch = 0 : i64, scratch_operands = 3 : i64, tpu.core_type = #tpu.core_type<sc_vector_subcore>, window_params = [{transform_indices = #map}, {transform_indices = #map1}, {transform_indices = #map}, {transform_indices = #map}]} {
    %mul3A = arith.constant 624 : i32
    %mul3A_0 = arith.muli %arg1, %mul3A : i32
    "tpu.region"() ({
      %run_scoped3A = tpu.sem_alloc : memref<!tpu.dma_semaphore, #tpu.memory_space<semaphore_mem>>
      %dma_start3A = arith.constant 0 : i32
      %dma_start3A_20 = tpu.memref_slice %arg8[%mul3A_0, %dma_start3A] : memref<10000x128xf32, #tpu.memory_space<vmem_shared>> -> memref<624x128xf32, #tpu.memory_space<vmem_shared>>
      tpu.enqueue_dma source(%arg4 : memref<624x128xf32, #tpu.memory_space<hbm>>) target(%dma_start3A_20 : memref<624x128xf32, #tpu.memory_space<vmem_shared>>) target_semaphore(%run_scoped3A : memref<!tpu.dma_semaphore, #tpu.memory_space<semaphore_mem>>)
      %dma_wait3A = arith.constant 0 : i32
      %dma_wait3A_21 = tpu.memref_slice %arg8[%mul3A_0, %dma_wait3A] : memref<10000x128xf32, #tpu.memory_space<vmem_shared>> -> memref<624x128xf32, #tpu.memory_space<vmem_shared>>
      tpu.wait_dma2 semaphore(%run_scoped3A : memref<!tpu.dma_semaphore, #tpu.memory_space<semaphore_mem>>) src(%arg4 : memref<624x128xf32, #tpu.memory_space<hbm>>) dst(%dma_wait3A_21 : memref<624x128xf32, #tpu.memory_space<vmem_shared>>)
      tpu.yield
    }) : () -> ()
    %eq3A = arith.constant 15 : i32
    %eq3A_1 = arith.cmpi eq, %arg1, %eq3A : i32
    %convert_element_type3A = arith.extui %eq3A_1 : i1 to i32
    %cond3A = arith.constant 0 : i32
    %cond3A_2 = arith.cmpi ne, %convert_element_type3A, %cond3A : i32
    scf.if %cond3A_2 {
      "tpu.region"() ({
        %run_scoped3A = tpu.sem_alloc : memref<!tpu.dma_semaphore, #tpu.memory_space<semaphore_mem>>
        %dma_start3A = arith.constant 9984 : i32
        %dma_start3A_20 = arith.constant 0 : i32
        %dma_start3A_21 = tpu.memref_slice %arg8[%dma_start3A, %dma_start3A_20] : memref<10000x128xf32, #tpu.memory_space<vmem_shared>> -> memref<16x128xf32, #tpu.memory_space<vmem_shared>>
        %dma_start3A_22 = arith.constant 0 : i32
        %dma_start3A_23 = arith.constant 0 : i32
        %dma_start3A_24 = tpu.memref_slice %arg4[%dma_start3A_22, %dma_start3A_23] : memref<624x128xf32, #tpu.memory_space<hbm>> -> memref<16x128xf32, #tpu.memory_space<hbm>>
        tpu.enqueue_dma source(%dma_start3A_24 : memref<16x128xf32, #tpu.memory_space<hbm>>) target(%dma_start3A_21 : memref<16x128xf32, #tpu.memory_space<vmem_shared>>) target_semaphore(%run_scoped3A : memref<!tpu.dma_semaphore, #tpu.memory_space<semaphore_mem>>)
        %dma_wait3A = arith.constant 9984 : i32
        %dma_wait3A_25 = arith.constant 0 : i32
        %dma_wait3A_26 = tpu.memref_slice %arg8[%dma_wait3A, %dma_wait3A_25] : memref<10000x128xf32, #tpu.memory_space<vmem_shared>> -> memref<16x128xf32, #tpu.memory_space<vmem_shared>>
        %dma_wait3A_27 = arith.constant 0 : i32
        %dma_wait3A_28 = arith.constant 0 : i32
        %dma_wait3A_29 = tpu.memref_slice %arg4[%dma_wait3A_27, %dma_wait3A_28] : memref<624x128xf32, #tpu.memory_space<hbm>> -> memref<16x128xf32, #tpu.memory_space<hbm>>
        tpu.wait_dma2 semaphore(%run_scoped3A : memref<!tpu.dma_semaphore, #tpu.memory_space<semaphore_mem>>) src(%dma_wait3A_29 : memref<16x128xf32, #tpu.memory_space<hbm>>) dst(%dma_wait3A_26 : memref<16x128xf32, #tpu.memory_space<vmem_shared>>)
        tpu.yield
      }) : () -> ()
    } else {
    }
    %barrier3A = arith.constant 0 : index
    tpu.barrier barrier_id(%barrier3A)
    "tpu.region"() ({
      %run_scoped3A = tpu.sem_alloc : memref<!tpu.dma_semaphore, #tpu.memory_space<semaphore_mem>>
      %dma_start3A = arith.constant 0 : i32
      %dma_start3A_20 = arith.constant 0 : i32
      %dma_start3A_21 = tpu.memref_slice %arg3[%arg1, %dma_start3A, %dma_start3A_20] : memref<16x250x80xi32, #tpu.memory_space<hbm>> -> memref<1x250x80xi32, #tpu.memory_space<hbm>>
      %dma_start3A_22 = tpu.memref_squeeze %dma_start3A_21 : memref<1x250x80xi32, #tpu.memory_space<hbm>> -> memref<250x80xi32, #tpu.memory_space<hbm>>
      %dma_start3A_23 = arith.constant 0 : i32
      %dma_start3A_24 = arith.constant 0 : i32
      %dma_start3A_25 = tpu.memref_slice %arg3[%arg1, %dma_start3A_23, %dma_start3A_24] : memref<16x250x80xi32, #tpu.memory_space<hbm>> -> memref<1x250x80xi32, #tpu.memory_space<hbm>>
      %dma_start3A_26 = tpu.memref_squeeze %dma_start3A_25 : memref<1x250x80xi32, #tpu.memory_space<hbm>> -> memref<250x80xi32, #tpu.memory_space<hbm>>
      tpu.enqueue_dma source(%dma_start3A_26 : memref<250x80xi32, #tpu.memory_space<hbm>>) target(%arg6 : memref<250x80xi32, #tpu.memory_space<vmem>>) target_semaphore(%run_scoped3A : memref<!tpu.dma_semaphore, #tpu.memory_space<semaphore_mem>>)
      %dma_wait3A = arith.constant 0 : i32
      %dma_wait3A_27 = arith.constant 0 : i32
      %dma_wait3A_28 = tpu.memref_slice %arg3[%arg1, %dma_wait3A, %dma_wait3A_27] : memref<16x250x80xi32, #tpu.memory_space<hbm>> -> memref<1x250x80xi32, #tpu.memory_space<hbm>>
      %dma_wait3A_29 = tpu.memref_squeeze %dma_wait3A_28 : memref<1x250x80xi32, #tpu.memory_space<hbm>> -> memref<250x80xi32, #tpu.memory_space<hbm>>
      %dma_wait3A_30 = arith.constant 0 : i32
      %dma_wait3A_31 = arith.constant 0 : i32
      %dma_wait3A_32 = tpu.memref_slice %arg3[%arg1, %dma_wait3A_30, %dma_wait3A_31] : memref<16x250x80xi32, #tpu.memory_space<hbm>> -> memref<1x250x80xi32, #tpu.memory_space<hbm>>
      %dma_wait3A_33 = tpu.memref_squeeze %dma_wait3A_32 : memref<1x250x80xi32, #tpu.memory_space<hbm>> -> memref<250x80xi32, #tpu.memory_space<hbm>>
      tpu.wait_dma2 semaphore(%run_scoped3A : memref<!tpu.dma_semaphore, #tpu.memory_space<semaphore_mem>>) src(%dma_wait3A_33 : memref<250x80xi32, #tpu.memory_space<hbm>>) dst(%arg6 : memref<250x80xi32, #tpu.memory_space<vmem>>)
      tpu.yield
    }) : () -> ()
    %scan3A = arith.constant 0 : i32
    %scan3A_3 = arith.constant 0 : i32
    %scan3A_4 = arith.constant 250 : i32
    %scan3A_5 = arith.addi %scan3A_3, %scan3A_4 : i32
    %scan3A_6 = arith.constant 1 : i32
    scf.for %scan3A_20 = %scan3A_3 to %scan3A_5 step %scan3A_6  : i32 {
      %mul3A_21 = arith.constant 250 : i32
      %mul3A_22 = arith.muli %arg1, %mul3A_21 : i32
      %add3A = arith.addi %mul3A_22, %scan3A_20 : i32
      %mul3A_23 = arith.constant 80 : i32
      %mul3A_24 = arith.muli %add3A, %mul3A_23 : i32
      %mul3A_25 = arith.constant 128 : i32
      %mul3A_26 = arith.muli %arg0, %mul3A_25 : i32
      "tpu.region"() ({
        %run_scoped3A = tpu.sem_alloc : memref<!tpu.dma_semaphore, #tpu.memory_space<semaphore_mem>>
        %dma_start3A = tpu.memref_slice %arg2[%mul3A_24, %mul3A_26] : memref<320000x256xf32, #tpu.memory_space<hbm>> -> memref<80x128xf32, #tpu.memory_space<hbm>>
        %dma_start3A_27 = tpu.memref_slice %arg2[%mul3A_24, %mul3A_26] : memref<320000x256xf32, #tpu.memory_space<hbm>> -> memref<80x128xf32, #tpu.memory_space<hbm>>
        tpu.enqueue_dma source(%dma_start3A_27 : memref<80x128xf32, #tpu.memory_space<hbm>>) target(%arg7 : memref<80x128xf32, #tpu.memory_space<vmem>>) target_semaphore(%run_scoped3A : memref<!tpu.dma_semaphore, #tpu.memory_space<semaphore_mem>>)
        %dma_wait3A = tpu.memref_slice %arg2[%mul3A_24, %mul3A_26] : memref<320000x256xf32, #tpu.memory_space<hbm>> -> memref<80x128xf32, #tpu.memory_space<hbm>>
        %dma_wait3A_28 = tpu.memref_slice %arg2[%mul3A_24, %mul3A_26] : memref<320000x256xf32, #tpu.memory_space<hbm>> -> memref<80x128xf32, #tpu.memory_space<hbm>>
        tpu.wait_dma2 semaphore(%run_scoped3A : memref<!tpu.dma_semaphore, #tpu.memory_space<semaphore_mem>>) src(%dma_wait3A_28 : memref<80x128xf32, #tpu.memory_space<hbm>>) dst(%arg7 : memref<80x128xf32, #tpu.memory_space<vmem>>)
        tpu.yield
      }) : () -> ()
      "tpu.region"() ({
        %run_scoped3A = tpu.sem_alloc : memref<!tpu.dma_semaphore, #tpu.memory_space<semaphore_mem>>
        %dma_start3A = arith.constant 0 : i32
        %dma_start3A_27 = tpu.memref_slice %arg6[%scan3A_20, %dma_start3A] : memref<250x80xi32, #tpu.memory_space<vmem>> -> memref<1x80xi32, #tpu.memory_space<vmem>>
        %dma_start3A_28 = tpu.memref_squeeze %dma_start3A_27 : memref<1x80xi32, #tpu.memory_space<vmem>> -> memref<80xi32, #tpu.memory_space<vmem>>
        %dma_start3A_29 = arith.constant 0 : i32
        %dma_start3A_30 = arith.constant 0 : i32
        %dma_start3A_31 = tpu.memref_slice %arg8[%dma_start3A_29, %dma_start3A_30] : memref<10000x128xf32, #tpu.memory_space<vmem_shared>> -> memref<10000x128xf32, #tpu.memory_space<vmem_shared>>
        tpu.enqueue_indirect_dma source(%arg7 : memref<80x128xf32, #tpu.memory_space<vmem>>) target(%dma_start3A_31 : memref<10000x128xf32, #tpu.memory_space<vmem_shared>>) offsets(%dma_start3A_28 : memref<80xi32, #tpu.memory_space<vmem>>) semaphore(%run_scoped3A : memref<!tpu.dma_semaphore, #tpu.memory_space<semaphore_mem>>) {add = true}
        %dma_wait3A = arith.constant 0 : i32
        %dma_wait3A_32 = tpu.memref_slice %arg6[%scan3A_20, %dma_wait3A] : memref<250x80xi32, #tpu.memory_space<vmem>> -> memref<1x80xi32, #tpu.memory_space<vmem>>
        %dma_wait3A_33 = tpu.memref_squeeze %dma_wait3A_32 : memref<1x80xi32, #tpu.memory_space<vmem>> -> memref<80xi32, #tpu.memory_space<vmem>>
        %dma_wait3A_34 = arith.constant 0 : i32
        %dma_wait3A_35 = arith.constant 0 : i32
        %dma_wait3A_36 = tpu.memref_slice %arg8[%dma_wait3A_34, %dma_wait3A_35] : memref<10000x128xf32, #tpu.memory_space<vmem_shared>> -> memref<10000x128xf32, #tpu.memory_space<vmem_shared>>
        tpu.wait_indirect_dma semaphore(%run_scoped3A : memref<!tpu.dma_semaphore, #tpu.memory_space<semaphore_mem>>) src(%arg7 : memref<80x128xf32, #tpu.memory_space<vmem>>) dst(%dma_wait3A_36 : memref<10000x128xf32, #tpu.memory_space<vmem_shared>>)
        tpu.yield
      }) : () -> ()
    }
    %scan3A_7 = arith.constant 250 : i32
    %barrier3A_8 = arith.constant 0 : index
    tpu.barrier barrier_id(%barrier3A_8)
    %mul3A_9 = arith.constant 624 : i32
    %mul3A_10 = arith.muli %arg1, %mul3A_9 : i32
    %mul3A_11 = arith.constant 624 : i32
    %mul3A_12 = arith.muli %arg1, %mul3A_11 : i32
    %mul3A_13 = arith.constant 128 : i32
    %mul3A_14 = arith.muli %arg0, %mul3A_13 : i32
    "tpu.region"() ({
      %run_scoped3A = tpu.sem_alloc : memref<!tpu.dma_semaphore, #tpu.memory_space<semaphore_mem>>
      %dma_start3A = tpu.memref_slice %arg5[%mul3A_12, %mul3A_14] : memref<10000x256xf32, #tpu.memory_space<hbm>> -> memref<624x128xf32, #tpu.memory_space<hbm>>
      %dma_start3A_20 = arith.constant 0 : i32
      %dma_start3A_21 = tpu.memref_slice %arg8[%mul3A_10, %dma_start3A_20] : memref<10000x128xf32, #tpu.memory_space<vmem_shared>> -> memref<624x128xf32, #tpu.memory_space<vmem_shared>>
      tpu.enqueue_dma source(%dma_start3A_21 : memref<624x128xf32, #tpu.memory_space<vmem_shared>>) target(%dma_start3A : memref<624x128xf32, #tpu.memory_space<hbm>>) target_semaphore(%run_scoped3A : memref<!tpu.dma_semaphore, #tpu.memory_space<semaphore_mem>>)
      %dma_wait3A = tpu.memref_slice %arg5[%mul3A_12, %mul3A_14] : memref<10000x256xf32, #tpu.memory_space<hbm>> -> memref<624x128xf32, #tpu.memory_space<hbm>>
      %dma_wait3A_22 = arith.constant 0 : i32
      %dma_wait3A_23 = tpu.memref_slice %arg8[%mul3A_10, %dma_wait3A_22] : memref<10000x128xf32, #tpu.memory_space<vmem_shared>> -> memref<624x128xf32, #tpu.memory_space<vmem_shared>>
      tpu.wait_dma2 semaphore(%run_scoped3A : memref<!tpu.dma_semaphore, #tpu.memory_space<semaphore_mem>>) src(%dma_wait3A_23 : memref<624x128xf32, #tpu.memory_space<vmem_shared>>) dst(%dma_wait3A : memref<624x128xf32, #tpu.memory_space<hbm>>)
      tpu.yield
    }) : () -> ()
    %eq3A_15 = arith.constant 15 : i32
    %eq3A_16 = arith.cmpi eq, %arg1, %eq3A_15 : i32
    %convert_element_type3A_17 = arith.extui %eq3A_16 : i1 to i32
    %cond3A_18 = arith.constant 0 : i32
    %cond3A_19 = arith.cmpi ne, %convert_element_type3A_17, %cond3A_18 : i32
    scf.if %cond3A_19 {
      %mul3A_20 = arith.constant 128 : i32
      %mul3A_21 = arith.muli %arg0, %mul3A_20 : i32
      "tpu.region"() ({
        %run_scoped3A = tpu.sem_alloc : memref<!tpu.dma_semaphore, #tpu.memory_space<semaphore_mem>>
        %dma_start3A = arith.constant 9984 : i32
        %dma_start3A_22 = tpu.memref_slice %arg5[%dma_start3A, %mul3A_21] : memref<10000x256xf32, #tpu.memory_space<hbm>> -> memref<16x128xf32, #tpu.memory_space<hbm>>
        %dma_start3A_23 = arith.constant 9984 : i32
        %dma_start3A_24 = arith.constant 0 : i32
        %dma_start3A_25 = tpu.memref_slice %arg8[%dma_start3A_23, %dma_start3A_24] : memref<10000x128xf32, #tpu.memory_space<vmem_shared>> -> memref<16x128xf32, #tpu.memory_space<vmem_shared>>
        tpu.enqueue_dma source(%dma_start3A_25 : memref<16x128xf32, #tpu.memory_space<vmem_shared>>) target(%dma_start3A_22 : memref<16x128xf32, #tpu.memory_space<hbm>>) target_semaphore(%run_scoped3A : memref<!tpu.dma_semaphore, #tpu.memory_space<semaphore_mem>>)
        %dma_wait3A = arith.constant 9984 : i32
        %dma_wait3A_26 = tpu.memref_slice %arg5[%dma_wait3A, %mul3A_21] : memref<10000x256xf32, #tpu.memory_space<hbm>> -> memref<16x128xf32, #tpu.memory_space<hbm>>
        %dma_wait3A_27 = arith.constant 9984 : i32
        %dma_wait3A_28 = arith.constant 0 : i32
        %dma_wait3A_29 = tpu.memref_slice %arg8[%dma_wait3A_27, %dma_wait3A_28] : memref<10000x128xf32, #tpu.memory_space<vmem_shared>> -> memref<16x128xf32, #tpu.memory_space<vmem_shared>>
        tpu.wait_dma2 semaphore(%run_scoped3A : memref<!tpu.dma_semaphore, #tpu.memory_space<semaphore_mem>>) src(%dma_wait3A_29 : memref<16x128xf32, #tpu.memory_space<vmem_shared>>) dst(%dma_wait3A_26 : memref<16x128xf32, #tpu.memory_space<hbm>>)
        tpu.yield
      }) : () -> ()
    } else {
    }
    return
  }
}

#map = affine_map<(d0, d1) -> (0, 0)>
#map1 = affine_map<(d0, d1) -> (0, 0, 0)>
module attributes {stable_mosaic.version = 14 : i64} {
  func.func @gather(%arg0: i32, %arg1: i32, %arg2: memref<10000x128xf32, #tpu.memory_space<hbm>>, %arg3: memref<32x125x80xi32, #tpu.memory_space<hbm>>, %arg4: memref<320000x128xf32, #tpu.memory_space<hbm>>, %arg5: memref<125x80xi32, #tpu.memory_space<vmem>>, %arg6: memref<80x128xf32, #tpu.memory_space<vmem>>, %arg7: memref<!tpu.dma_semaphore, #tpu.memory_space<semaphore_mem>>) attributes {dimension_semantics = [#tpu.dimension_semantics<core_parallel>, #tpu.dimension_semantics<subcore_parallel>], iteration_bounds = array<i64: 2, 16>, scalar_prefetch = 0 : i64, scratch_operands = 3 : i64, tpu.core_type = #tpu.core_type<sc_vector_subcore>, window_params = [{transform_indices = #map}, {transform_indices = #map1}, {transform_indices = #map}]} {
    %mul3A = arith.constant 2 : i32
    %mul3A_0 = arith.muli %arg1, %mul3A : i32
    %add3A = arith.addi %mul3A_0, %arg0 : i32
    %mul3A_1 = arith.constant 125 : i32
    %mul3A_2 = arith.muli %add3A, %mul3A_1 : i32
    "tpu.region"() ({
      %run_scoped3A = tpu.sem_alloc : memref<!tpu.dma_semaphore, #tpu.memory_space<semaphore_mem>>
      %dma_start3A = arith.constant 0 : i32
      %dma_start3A_8 = arith.constant 0 : i32
      %dma_start3A_9 = tpu.memref_slice %arg3[%add3A, %dma_start3A, %dma_start3A_8] : memref<32x125x80xi32, #tpu.memory_space<hbm>> -> memref<1x125x80xi32, #tpu.memory_space<hbm>>
      %dma_start3A_10 = tpu.memref_squeeze %dma_start3A_9 : memref<1x125x80xi32, #tpu.memory_space<hbm>> -> memref<125x80xi32, #tpu.memory_space<hbm>>
      %dma_start3A_11 = arith.constant 0 : i32
      %dma_start3A_12 = arith.constant 0 : i32
      %dma_start3A_13 = tpu.memref_slice %arg3[%add3A, %dma_start3A_11, %dma_start3A_12] : memref<32x125x80xi32, #tpu.memory_space<hbm>> -> memref<1x125x80xi32, #tpu.memory_space<hbm>>
      %dma_start3A_14 = tpu.memref_squeeze %dma_start3A_13 : memref<1x125x80xi32, #tpu.memory_space<hbm>> -> memref<125x80xi32, #tpu.memory_space<hbm>>
      tpu.enqueue_dma source(%dma_start3A_14 : memref<125x80xi32, #tpu.memory_space<hbm>>) target(%arg5 : memref<125x80xi32, #tpu.memory_space<vmem>>) target_semaphore(%run_scoped3A : memref<!tpu.dma_semaphore, #tpu.memory_space<semaphore_mem>>)
      %dma_wait3A = arith.constant 0 : i32
      %dma_wait3A_15 = arith.constant 0 : i32
      %dma_wait3A_16 = tpu.memref_slice %arg3[%add3A, %dma_wait3A, %dma_wait3A_15] : memref<32x125x80xi32, #tpu.memory_space<hbm>> -> memref<1x125x80xi32, #tpu.memory_space<hbm>>
      %dma_wait3A_17 = tpu.memref_squeeze %dma_wait3A_16 : memref<1x125x80xi32, #tpu.memory_space<hbm>> -> memref<125x80xi32, #tpu.memory_space<hbm>>
      %dma_wait3A_18 = arith.constant 0 : i32
      %dma_wait3A_19 = arith.constant 0 : i32
      %dma_wait3A_20 = tpu.memref_slice %arg3[%add3A, %dma_wait3A_18, %dma_wait3A_19] : memref<32x125x80xi32, #tpu.memory_space<hbm>> -> memref<1x125x80xi32, #tpu.memory_space<hbm>>
      %dma_wait3A_21 = tpu.memref_squeeze %dma_wait3A_20 : memref<1x125x80xi32, #tpu.memory_space<hbm>> -> memref<125x80xi32, #tpu.memory_space<hbm>>
      tpu.wait_dma2 semaphore(%run_scoped3A : memref<!tpu.dma_semaphore, #tpu.memory_space<semaphore_mem>>) src(%dma_wait3A_21 : memref<125x80xi32, #tpu.memory_space<hbm>>) dst(%arg5 : memref<125x80xi32, #tpu.memory_space<vmem>>)
      tpu.yield
    }) : () -> ()
    %scan3A = arith.constant 0 : i32
    %scan3A_3 = arith.constant 0 : i32
    %scan3A_4 = arith.constant 125 : i32
    %scan3A_5 = arith.addi %scan3A_3, %scan3A_4 : i32
    %scan3A_6 = arith.constant 1 : i32
    scf.for %scan3A_8 = %scan3A_3 to %scan3A_5 step %scan3A_6  : i32 {
      %dma_start3A = arith.constant 0 : i32
      %dma_start3A_9 = tpu.memref_slice %arg5[%scan3A_8, %dma_start3A] : memref<125x80xi32, #tpu.memory_space<vmem>> -> memref<1x80xi32, #tpu.memory_space<vmem>>
      %dma_start3A_10 = tpu.memref_squeeze %dma_start3A_9 : memref<1x80xi32, #tpu.memory_space<vmem>> -> memref<80xi32, #tpu.memory_space<vmem>>
      %dma_start3A_11 = arith.constant 0 : i32
      %dma_start3A_12 = arith.constant 0 : i32
      %dma_start3A_13 = tpu.memref_slice %arg2[%dma_start3A_11, %dma_start3A_12] : memref<10000x128xf32, #tpu.memory_space<hbm>> -> memref<10000x128xf32, #tpu.memory_space<hbm>>
      tpu.enqueue_indirect_dma source(%dma_start3A_13 : memref<10000x128xf32, #tpu.memory_space<hbm>>) target(%arg6 : memref<80x128xf32, #tpu.memory_space<vmem>>) offsets(%dma_start3A_10 : memref<80xi32, #tpu.memory_space<vmem>>) semaphore(%arg7 : memref<!tpu.dma_semaphore, #tpu.memory_space<semaphore_mem>>)
      %dma_wait3A = arith.constant 0 : i32
      %dma_wait3A_14 = tpu.memref_slice %arg5[%scan3A_8, %dma_wait3A] : memref<125x80xi32, #tpu.memory_space<vmem>> -> memref<1x80xi32, #tpu.memory_space<vmem>>
      %dma_wait3A_15 = tpu.memref_squeeze %dma_wait3A_14 : memref<1x80xi32, #tpu.memory_space<vmem>> -> memref<80xi32, #tpu.memory_space<vmem>>
      %dma_wait3A_16 = arith.constant 0 : i32
      %dma_wait3A_17 = arith.constant 0 : i32
      %dma_wait3A_18 = tpu.memref_slice %arg2[%dma_wait3A_16, %dma_wait3A_17] : memref<10000x128xf32, #tpu.memory_space<hbm>> -> memref<10000x128xf32, #tpu.memory_space<hbm>>
      tpu.wait_indirect_dma semaphore(%arg7 : memref<!tpu.dma_semaphore, #tpu.memory_space<semaphore_mem>>) src(%dma_wait3A_18 : memref<10000x128xf32, #tpu.memory_space<hbm>>) dst(%arg6 : memref<80x128xf32, #tpu.memory_space<vmem>>)
      %add3A_19 = arith.addi %mul3A_2, %scan3A_8 : i32
      %mul3A_20 = arith.constant 80 : i32
      %mul3A_21 = arith.muli %add3A_19, %mul3A_20 : i32
      "tpu.region"() ({
        %run_scoped3A = tpu.sem_alloc : memref<!tpu.dma_semaphore, #tpu.memory_space<semaphore_mem>>
        %dma_start3A_22 = arith.constant 0 : i32
        %dma_start3A_23 = tpu.memref_slice %arg4[%mul3A_21, %dma_start3A_22] : memref<320000x128xf32, #tpu.memory_space<hbm>> -> memref<80x128xf32, #tpu.memory_space<hbm>>
        %dma_start3A_24 = arith.constant 0 : i32
        %dma_start3A_25 = tpu.memref_slice %arg4[%mul3A_21, %dma_start3A_24] : memref<320000x128xf32, #tpu.memory_space<hbm>> -> memref<80x128xf32, #tpu.memory_space<hbm>>
        tpu.enqueue_dma source(%arg6 : memref<80x128xf32, #tpu.memory_space<vmem>>) target(%dma_start3A_25 : memref<80x128xf32, #tpu.memory_space<hbm>>) target_semaphore(%run_scoped3A : memref<!tpu.dma_semaphore, #tpu.memory_space<semaphore_mem>>)
        %dma_wait3A_26 = arith.constant 0 : i32
        %dma_wait3A_27 = tpu.memref_slice %arg4[%mul3A_21, %dma_wait3A_26] : memref<320000x128xf32, #tpu.memory_space<hbm>> -> memref<80x128xf32, #tpu.memory_space<hbm>>
        %dma_wait3A_28 = arith.constant 0 : i32
        %dma_wait3A_29 = tpu.memref_slice %arg4[%mul3A_21, %dma_wait3A_28] : memref<320000x128xf32, #tpu.memory_space<hbm>> -> memref<80x128xf32, #tpu.memory_space<hbm>>
        tpu.wait_dma2 semaphore(%run_scoped3A : memref<!tpu.dma_semaphore, #tpu.memory_space<semaphore_mem>>) src(%arg6 : memref<80x128xf32, #tpu.memory_space<vmem>>) dst(%dma_wait3A_29 : memref<80x128xf32, #tpu.memory_space<hbm>>)
        tpu.yield
      }) : () -> ()
    }
    %scan3A_7 = arith.constant 125 : i32
    return
  }
}

#map = affine_map<(d0, d1) -> (0, 0)>
#map1 = affine_map<(d0, d1) -> (0, 0, 0)>
module attributes {stable_mosaic.version = 14 : i64} {
  func.func @gather(%arg0: i32, %arg1: i32, %arg2: memref<10000x256xf32, #tpu.memory_space<hbm>>, %arg3: memref<32x125x80xi32, #tpu.memory_space<hbm>>, %arg4: memref<320000x256xf32, #tpu.memory_space<hbm>>, %arg5: memref<125x80xi32, #tpu.memory_space<vmem>>, %arg6: memref<80x256xf32, #tpu.memory_space<vmem>>, %arg7: memref<!tpu.dma_semaphore, #tpu.memory_space<semaphore_mem>>) attributes {dimension_semantics = [#tpu.dimension_semantics<core_parallel>, #tpu.dimension_semantics<subcore_parallel>], iteration_bounds = array<i64: 2, 16>, scalar_prefetch = 0 : i64, scratch_operands = 3 : i64, tpu.core_type = #tpu.core_type<sc_vector_subcore>, window_params = [{transform_indices = #map}, {transform_indices = #map1}, {transform_indices = #map}]} {
    %mul3A = arith.constant 2 : i32
    %mul3A_0 = arith.muli %arg1, %mul3A : i32
    %add3A = arith.addi %mul3A_0, %arg0 : i32
    %mul3A_1 = arith.constant 125 : i32
    %mul3A_2 = arith.muli %add3A, %mul3A_1 : i32
    "tpu.region"() ({
      %run_scoped3A = tpu.sem_alloc : memref<!tpu.dma_semaphore, #tpu.memory_space<semaphore_mem>>
      %dma_start3A = arith.constant 0 : i32
      %dma_start3A_8 = arith.constant 0 : i32
      %dma_start3A_9 = tpu.memref_slice %arg3[%add3A, %dma_start3A, %dma_start3A_8] : memref<32x125x80xi32, #tpu.memory_space<hbm>> -> memref<1x125x80xi32, #tpu.memory_space<hbm>>
      %dma_start3A_10 = tpu.memref_squeeze %dma_start3A_9 : memref<1x125x80xi32, #tpu.memory_space<hbm>> -> memref<125x80xi32, #tpu.memory_space<hbm>>
      %dma_start3A_11 = arith.constant 0 : i32
      %dma_start3A_12 = arith.constant 0 : i32
      %dma_start3A_13 = tpu.memref_slice %arg3[%add3A, %dma_start3A_11, %dma_start3A_12] : memref<32x125x80xi32, #tpu.memory_space<hbm>> -> memref<1x125x80xi32, #tpu.memory_space<hbm>>
      %dma_start3A_14 = tpu.memref_squeeze %dma_start3A_13 : memref<1x125x80xi32, #tpu.memory_space<hbm>> -> memref<125x80xi32, #tpu.memory_space<hbm>>
      tpu.enqueue_dma source(%dma_start3A_14 : memref<125x80xi32, #tpu.memory_space<hbm>>) target(%arg5 : memref<125x80xi32, #tpu.memory_space<vmem>>) target_semaphore(%run_scoped3A : memref<!tpu.dma_semaphore, #tpu.memory_space<semaphore_mem>>)
      %dma_wait3A = arith.constant 0 : i32
      %dma_wait3A_15 = arith.constant 0 : i32
      %dma_wait3A_16 = tpu.memref_slice %arg3[%add3A, %dma_wait3A, %dma_wait3A_15] : memref<32x125x80xi32, #tpu.memory_space<hbm>> -> memref<1x125x80xi32, #tpu.memory_space<hbm>>
      %dma_wait3A_17 = tpu.memref_squeeze %dma_wait3A_16 : memref<1x125x80xi32, #tpu.memory_space<hbm>> -> memref<125x80xi32, #tpu.memory_space<hbm>>
      %dma_wait3A_18 = arith.constant 0 : i32
      %dma_wait3A_19 = arith.constant 0 : i32
      %dma_wait3A_20 = tpu.memref_slice %arg3[%add3A, %dma_wait3A_18, %dma_wait3A_19] : memref<32x125x80xi32, #tpu.memory_space<hbm>> -> memref<1x125x80xi32, #tpu.memory_space<hbm>>
      %dma_wait3A_21 = tpu.memref_squeeze %dma_wait3A_20 : memref<1x125x80xi32, #tpu.memory_space<hbm>> -> memref<125x80xi32, #tpu.memory_space<hbm>>
      tpu.wait_dma2 semaphore(%run_scoped3A : memref<!tpu.dma_semaphore, #tpu.memory_space<semaphore_mem>>) src(%dma_wait3A_21 : memref<125x80xi32, #tpu.memory_space<hbm>>) dst(%arg5 : memref<125x80xi32, #tpu.memory_space<vmem>>)
      tpu.yield
    }) : () -> ()
    %scan3A = arith.constant 0 : i32
    %scan3A_3 = arith.constant 0 : i32
    %scan3A_4 = arith.constant 125 : i32
    %scan3A_5 = arith.addi %scan3A_3, %scan3A_4 : i32
    %scan3A_6 = arith.constant 1 : i32
    scf.for %scan3A_8 = %scan3A_3 to %scan3A_5 step %scan3A_6  : i32 {
      %dma_start3A = arith.constant 0 : i32
      %dma_start3A_9 = tpu.memref_slice %arg5[%scan3A_8, %dma_start3A] : memref<125x80xi32, #tpu.memory_space<vmem>> -> memref<1x80xi32, #tpu.memory_space<vmem>>
      %dma_start3A_10 = tpu.memref_squeeze %dma_start3A_9 : memref<1x80xi32, #tpu.memory_space<vmem>> -> memref<80xi32, #tpu.memory_space<vmem>>
      %dma_start3A_11 = arith.constant 0 : i32
      %dma_start3A_12 = arith.constant 0 : i32
      %dma_start3A_13 = tpu.memref_slice %arg2[%dma_start3A_11, %dma_start3A_12] : memref<10000x256xf32, #tpu.memory_space<hbm>> -> memref<10000x256xf32, #tpu.memory_space<hbm>>
      tpu.enqueue_indirect_dma source(%dma_start3A_13 : memref<10000x256xf32, #tpu.memory_space<hbm>>) target(%arg6 : memref<80x256xf32, #tpu.memory_space<vmem>>) offsets(%dma_start3A_10 : memref<80xi32, #tpu.memory_space<vmem>>) semaphore(%arg7 : memref<!tpu.dma_semaphore, #tpu.memory_space<semaphore_mem>>)
      %dma_wait3A = arith.constant 0 : i32
      %dma_wait3A_14 = tpu.memref_slice %arg5[%scan3A_8, %dma_wait3A] : memref<125x80xi32, #tpu.memory_space<vmem>> -> memref<1x80xi32, #tpu.memory_space<vmem>>
      %dma_wait3A_15 = tpu.memref_squeeze %dma_wait3A_14 : memref<1x80xi32, #tpu.memory_space<vmem>> -> memref<80xi32, #tpu.memory_space<vmem>>
      %dma_wait3A_16 = arith.constant 0 : i32
      %dma_wait3A_17 = arith.constant 0 : i32
      %dma_wait3A_18 = tpu.memref_slice %arg2[%dma_wait3A_16, %dma_wait3A_17] : memref<10000x256xf32, #tpu.memory_space<hbm>> -> memref<10000x256xf32, #tpu.memory_space<hbm>>
      tpu.wait_indirect_dma semaphore(%arg7 : memref<!tpu.dma_semaphore, #tpu.memory_space<semaphore_mem>>) src(%dma_wait3A_18 : memref<10000x256xf32, #tpu.memory_space<hbm>>) dst(%arg6 : memref<80x256xf32, #tpu.memory_space<vmem>>)
      %add3A_19 = arith.addi %mul3A_2, %scan3A_8 : i32
      %mul3A_20 = arith.constant 80 : i32
      %mul3A_21 = arith.muli %add3A_19, %mul3A_20 : i32
      "tpu.region"() ({
        %run_scoped3A = tpu.sem_alloc : memref<!tpu.dma_semaphore, #tpu.memory_space<semaphore_mem>>
        %dma_start3A_22 = arith.constant 0 : i32
        %dma_start3A_23 = tpu.memref_slice %arg4[%mul3A_21, %dma_start3A_22] : memref<320000x256xf32, #tpu.memory_space<hbm>> -> memref<80x256xf32, #tpu.memory_space<hbm>>
        %dma_start3A_24 = arith.constant 0 : i32
        %dma_start3A_25 = tpu.memref_slice %arg4[%mul3A_21, %dma_start3A_24] : memref<320000x256xf32, #tpu.memory_space<hbm>> -> memref<80x256xf32, #tpu.memory_space<hbm>>
        tpu.enqueue_dma source(%arg6 : memref<80x256xf32, #tpu.memory_space<vmem>>) target(%dma_start3A_25 : memref<80x256xf32, #tpu.memory_space<hbm>>) target_semaphore(%run_scoped3A : memref<!tpu.dma_semaphore, #tpu.memory_space<semaphore_mem>>)
        %dma_wait3A_26 = arith.constant 0 : i32
        %dma_wait3A_27 = tpu.memref_slice %arg4[%mul3A_21, %dma_wait3A_26] : memref<320000x256xf32, #tpu.memory_space<hbm>> -> memref<80x256xf32, #tpu.memory_space<hbm>>
        %dma_wait3A_28 = arith.constant 0 : i32
        %dma_wait3A_29 = tpu.memref_slice %arg4[%mul3A_21, %dma_wait3A_28] : memref<320000x256xf32, #tpu.memory_space<hbm>> -> memref<80x256xf32, #tpu.memory_space<hbm>>
        tpu.wait_dma2 semaphore(%run_scoped3A : memref<!tpu.dma_semaphore, #tpu.memory_space<semaphore_mem>>) src(%arg6 : memref<80x256xf32, #tpu.memory_space<vmem>>) dst(%dma_wait3A_29 : memref<80x256xf32, #tpu.memory_space<hbm>>)
        tpu.yield
      }) : () -> ()
    }
    %scan3A_7 = arith.constant 125 : i32
    return
  }
}

#map = affine_map<(d0, d1) -> (0, 0)>
#map1 = affine_map<(d0, d1) -> (0, 0, 0)>
module attributes {stable_mosaic.version = 14 : i64} {
  func.func @gather(%arg0: i32, %arg1: i32, %arg2: memref<10000x128xf32, #tpu.memory_space<hbm>>, %arg3: memref<32x125x80xi32, #tpu.memory_space<hbm>>, %arg4: memref<320000x128xf32, #tpu.memory_space<hbm>>, %arg5: memref<125x80xi32, #tpu.memory_space<vmem>>, %arg6: memref<80x128xf32, #tpu.memory_space<vmem>>, %arg7: memref<!tpu.dma_semaphore, #tpu.memory_space<semaphore_mem>>) attributes {dimension_semantics = [#tpu.dimension_semantics<core_parallel>, #tpu.dimension_semantics<subcore_parallel>], iteration_bounds = array<i64: 2, 16>, scalar_prefetch = 0 : i64, scratch_operands = 3 : i64, tpu.core_type = #tpu.core_type<sc_vector_subcore>, window_params = [{transform_indices = #map}, {transform_indices = #map1}, {transform_indices = #map}]} {
    %mul3A = arith.constant 2 : i32
    %mul3A_0 = arith.muli %arg1, %mul3A : i32
    %add3A = arith.addi %mul3A_0, %arg0 : i32
    %mul3A_1 = arith.constant 125 : i32
    %mul3A_2 = arith.muli %add3A, %mul3A_1 : i32
    "tpu.region"() ({
      %run_scoped3A = tpu.sem_alloc : memref<!tpu.dma_semaphore, #tpu.memory_space<semaphore_mem>>
      %dma_start3A = arith.constant 0 : i32
      %dma_start3A_8 = arith.constant 0 : i32
      %dma_start3A_9 = tpu.memref_slice %arg3[%add3A, %dma_start3A, %dma_start3A_8] : memref<32x125x80xi32, #tpu.memory_space<hbm>> -> memref<1x125x80xi32, #tpu.memory_space<hbm>>
      %dma_start3A_10 = tpu.memref_squeeze %dma_start3A_9 : memref<1x125x80xi32, #tpu.memory_space<hbm>> -> memref<125x80xi32, #tpu.memory_space<hbm>>
      %dma_start3A_11 = arith.constant 0 : i32
      %dma_start3A_12 = arith.constant 0 : i32
      %dma_start3A_13 = tpu.memref_slice %arg3[%add3A, %dma_start3A_11, %dma_start3A_12] : memref<32x125x80xi32, #tpu.memory_space<hbm>> -> memref<1x125x80xi32, #tpu.memory_space<hbm>>
      %dma_start3A_14 = tpu.memref_squeeze %dma_start3A_13 : memref<1x125x80xi32, #tpu.memory_space<hbm>> -> memref<125x80xi32, #tpu.memory_space<hbm>>
      tpu.enqueue_dma source(%dma_start3A_14 : memref<125x80xi32, #tpu.memory_space<hbm>>) target(%arg5 : memref<125x80xi32, #tpu.memory_space<vmem>>) target_semaphore(%run_scoped3A : memref<!tpu.dma_semaphore, #tpu.memory_space<semaphore_mem>>)
      %dma_wait3A = arith.constant 0 : i32
      %dma_wait3A_15 = arith.constant 0 : i32
      %dma_wait3A_16 = tpu.memref_slice %arg3[%add3A, %dma_wait3A, %dma_wait3A_15] : memref<32x125x80xi32, #tpu.memory_space<hbm>> -> memref<1x125x80xi32, #tpu.memory_space<hbm>>
      %dma_wait3A_17 = tpu.memref_squeeze %dma_wait3A_16 : memref<1x125x80xi32, #tpu.memory_space<hbm>> -> memref<125x80xi32, #tpu.memory_space<hbm>>
      %dma_wait3A_18 = arith.constant 0 : i32
      %dma_wait3A_19 = arith.constant 0 : i32
      %dma_wait3A_20 = tpu.memref_slice %arg3[%add3A, %dma_wait3A_18, %dma_wait3A_19] : memref<32x125x80xi32, #tpu.memory_space<hbm>> -> memref<1x125x80xi32, #tpu.memory_space<hbm>>
      %dma_wait3A_21 = tpu.memref_squeeze %dma_wait3A_20 : memref<1x125x80xi32, #tpu.memory_space<hbm>> -> memref<125x80xi32, #tpu.memory_space<hbm>>
      tpu.wait_dma2 semaphore(%run_scoped3A : memref<!tpu.dma_semaphore, #tpu.memory_space<semaphore_mem>>) src(%dma_wait3A_21 : memref<125x80xi32, #tpu.memory_space<hbm>>) dst(%arg5 : memref<125x80xi32, #tpu.memory_space<vmem>>)
      tpu.yield
    }) : () -> ()
    %scan3A = arith.constant 0 : i32
    %scan3A_3 = arith.constant 0 : i32
    %scan3A_4 = arith.constant 125 : i32
    %scan3A_5 = arith.addi %scan3A_3, %scan3A_4 : i32
    %scan3A_6 = arith.constant 1 : i32
    scf.for %scan3A_8 = %scan3A_3 to %scan3A_5 step %scan3A_6  : i32 {
      %dma_start3A = arith.constant 0 : i32
      %dma_start3A_9 = tpu.memref_slice %arg5[%scan3A_8, %dma_start3A] : memref<125x80xi32, #tpu.memory_space<vmem>> -> memref<1x80xi32, #tpu.memory_space<vmem>>
      %dma_start3A_10 = tpu.memref_squeeze %dma_start3A_9 : memref<1x80xi32, #tpu.memory_space<vmem>> -> memref<80xi32, #tpu.memory_space<vmem>>
      %dma_start3A_11 = arith.constant 0 : i32
      %dma_start3A_12 = arith.constant 0 : i32
      %dma_start3A_13 = tpu.memref_slice %arg2[%dma_start3A_11, %dma_start3A_12] : memref<10000x128xf32, #tpu.memory_space<hbm>> -> memref<10000x128xf32, #tpu.memory_space<hbm>>
      tpu.enqueue_indirect_dma source(%dma_start3A_13 : memref<10000x128xf32, #tpu.memory_space<hbm>>) target(%arg6 : memref<80x128xf32, #tpu.memory_space<vmem>>) offsets(%dma_start3A_10 : memref<80xi32, #tpu.memory_space<vmem>>) semaphore(%arg7 : memref<!tpu.dma_semaphore, #tpu.memory_space<semaphore_mem>>)
      %dma_wait3A = arith.constant 0 : i32
      %dma_wait3A_14 = tpu.memref_slice %arg5[%scan3A_8, %dma_wait3A] : memref<125x80xi32, #tpu.memory_space<vmem>> -> memref<1x80xi32, #tpu.memory_space<vmem>>
      %dma_wait3A_15 = tpu.memref_squeeze %dma_wait3A_14 : memref<1x80xi32, #tpu.memory_space<vmem>> -> memref<80xi32, #tpu.memory_space<vmem>>
      %dma_wait3A_16 = arith.constant 0 : i32
      %dma_wait3A_17 = arith.constant 0 : i32
      %dma_wait3A_18 = tpu.memref_slice %arg2[%dma_wait3A_16, %dma_wait3A_17] : memref<10000x128xf32, #tpu.memory_space<hbm>> -> memref<10000x128xf32, #tpu.memory_space<hbm>>
      tpu.wait_indirect_dma semaphore(%arg7 : memref<!tpu.dma_semaphore, #tpu.memory_space<semaphore_mem>>) src(%dma_wait3A_18 : memref<10000x128xf32, #tpu.memory_space<hbm>>) dst(%arg6 : memref<80x128xf32, #tpu.memory_space<vmem>>)
      %add3A_19 = arith.addi %mul3A_2, %scan3A_8 : i32
      %mul3A_20 = arith.constant 80 : i32
      %mul3A_21 = arith.muli %add3A_19, %mul3A_20 : i32
      "tpu.region"() ({
        %run_scoped3A = tpu.sem_alloc : memref<!tpu.dma_semaphore, #tpu.memory_space<semaphore_mem>>
        %dma_start3A_22 = arith.constant 0 : i32
        %dma_start3A_23 = tpu.memref_slice %arg4[%mul3A_21, %dma_start3A_22] : memref<320000x128xf32, #tpu.memory_space<hbm>> -> memref<80x128xf32, #tpu.memory_space<hbm>>
        %dma_start3A_24 = arith.constant 0 : i32
        %dma_start3A_25 = tpu.memref_slice %arg4[%mul3A_21, %dma_start3A_24] : memref<320000x128xf32, #tpu.memory_space<hbm>> -> memref<80x128xf32, #tpu.memory_space<hbm>>
        tpu.enqueue_dma source(%arg6 : memref<80x128xf32, #tpu.memory_space<vmem>>) target(%dma_start3A_25 : memref<80x128xf32, #tpu.memory_space<hbm>>) target_semaphore(%run_scoped3A : memref<!tpu.dma_semaphore, #tpu.memory_space<semaphore_mem>>)
        %dma_wait3A_26 = arith.constant 0 : i32
        %dma_wait3A_27 = tpu.memref_slice %arg4[%mul3A_21, %dma_wait3A_26] : memref<320000x128xf32, #tpu.memory_space<hbm>> -> memref<80x128xf32, #tpu.memory_space<hbm>>
        %dma_wait3A_28 = arith.constant 0 : i32
        %dma_wait3A_29 = tpu.memref_slice %arg4[%mul3A_21, %dma_wait3A_28] : memref<320000x128xf32, #tpu.memory_space<hbm>> -> memref<80x128xf32, #tpu.memory_space<hbm>>
        tpu.wait_dma2 semaphore(%run_scoped3A : memref<!tpu.dma_semaphore, #tpu.memory_space<semaphore_mem>>) src(%arg6 : memref<80x128xf32, #tpu.memory_space<vmem>>) dst(%dma_wait3A_29 : memref<80x128xf32, #tpu.memory_space<hbm>>)
        tpu.yield
      }) : () -> ()
    }
    %scan3A_7 = arith.constant 125 : i32
    return
  }
}

#map = affine_map<(d0, d1) -> (0, 0)>
#map1 = affine_map<(d0, d1) -> (0, 0, 0)>
module attributes {stable_mosaic.version = 14 : i64} {
  func.func @gather(%arg0: i32, %arg1: i32, %arg2: memref<10000x256xf32, #tpu.memory_space<hbm>>, %arg3: memref<32x125x80xi32, #tpu.memory_space<hbm>>, %arg4: memref<320000x256xf32, #tpu.memory_space<hbm>>, %arg5: memref<125x80xi32, #tpu.memory_space<vmem>>, %arg6: memref<80x256xf32, #tpu.memory_space<vmem>>, %arg7: memref<!tpu.dma_semaphore, #tpu.memory_space<semaphore_mem>>) attributes {dimension_semantics = [#tpu.dimension_semantics<core_parallel>, #tpu.dimension_semantics<subcore_parallel>], iteration_bounds = array<i64: 2, 16>, scalar_prefetch = 0 : i64, scratch_operands = 3 : i64, tpu.core_type = #tpu.core_type<sc_vector_subcore>, window_params = [{transform_indices = #map}, {transform_indices = #map1}, {transform_indices = #map}]} {
    %mul3A = arith.constant 2 : i32
    %mul3A_0 = arith.muli %arg1, %mul3A : i32
    %add3A = arith.addi %mul3A_0, %arg0 : i32
    %mul3A_1 = arith.constant 125 : i32
    %mul3A_2 = arith.muli %add3A, %mul3A_1 : i32
    "tpu.region"() ({
      %run_scoped3A = tpu.sem_alloc : memref<!tpu.dma_semaphore, #tpu.memory_space<semaphore_mem>>
      %dma_start3A = arith.constant 0 : i32
      %dma_start3A_8 = arith.constant 0 : i32
      %dma_start3A_9 = tpu.memref_slice %arg3[%add3A, %dma_start3A, %dma_start3A_8] : memref<32x125x80xi32, #tpu.memory_space<hbm>> -> memref<1x125x80xi32, #tpu.memory_space<hbm>>
      %dma_start3A_10 = tpu.memref_squeeze %dma_start3A_9 : memref<1x125x80xi32, #tpu.memory_space<hbm>> -> memref<125x80xi32, #tpu.memory_space<hbm>>
      %dma_start3A_11 = arith.constant 0 : i32
      %dma_start3A_12 = arith.constant 0 : i32
      %dma_start3A_13 = tpu.memref_slice %arg3[%add3A, %dma_start3A_11, %dma_start3A_12] : memref<32x125x80xi32, #tpu.memory_space<hbm>> -> memref<1x125x80xi32, #tpu.memory_space<hbm>>
      %dma_start3A_14 = tpu.memref_squeeze %dma_start3A_13 : memref<1x125x80xi32, #tpu.memory_space<hbm>> -> memref<125x80xi32, #tpu.memory_space<hbm>>
      tpu.enqueue_dma source(%dma_start3A_14 : memref<125x80xi32, #tpu.memory_space<hbm>>) target(%arg5 : memref<125x80xi32, #tpu.memory_space<vmem>>) target_semaphore(%run_scoped3A : memref<!tpu.dma_semaphore, #tpu.memory_space<semaphore_mem>>)
      %dma_wait3A = arith.constant 0 : i32
      %dma_wait3A_15 = arith.constant 0 : i32
      %dma_wait3A_16 = tpu.memref_slice %arg3[%add3A, %dma_wait3A, %dma_wait3A_15] : memref<32x125x80xi32, #tpu.memory_space<hbm>> -> memref<1x125x80xi32, #tpu.memory_space<hbm>>
      %dma_wait3A_17 = tpu.memref_squeeze %dma_wait3A_16 : memref<1x125x80xi32, #tpu.memory_space<hbm>> -> memref<125x80xi32, #tpu.memory_space<hbm>>
      %dma_wait3A_18 = arith.constant 0 : i32
      %dma_wait3A_19 = arith.constant 0 : i32
      %dma_wait3A_20 = tpu.memref_slice %arg3[%add3A, %dma_wait3A_18, %dma_wait3A_19] : memref<32x125x80xi32, #tpu.memory_space<hbm>> -> memref<1x125x80xi32, #tpu.memory_space<hbm>>
      %dma_wait3A_21 = tpu.memref_squeeze %dma_wait3A_20 : memref<1x125x80xi32, #tpu.memory_space<hbm>> -> memref<125x80xi32, #tpu.memory_space<hbm>>
      tpu.wait_dma2 semaphore(%run_scoped3A : memref<!tpu.dma_semaphore, #tpu.memory_space<semaphore_mem>>) src(%dma_wait3A_21 : memref<125x80xi32, #tpu.memory_space<hbm>>) dst(%arg5 : memref<125x80xi32, #tpu.memory_space<vmem>>)
      tpu.yield
    }) : () -> ()
    %scan3A = arith.constant 0 : i32
    %scan3A_3 = arith.constant 0 : i32
    %scan3A_4 = arith.constant 125 : i32
    %scan3A_5 = arith.addi %scan3A_3, %scan3A_4 : i32
    %scan3A_6 = arith.constant 1 : i32
    scf.for %scan3A_8 = %scan3A_3 to %scan3A_5 step %scan3A_6  : i32 {
      %dma_start3A = arith.constant 0 : i32
      %dma_start3A_9 = tpu.memref_slice %arg5[%scan3A_8, %dma_start3A] : memref<125x80xi32, #tpu.memory_space<vmem>> -> memref<1x80xi32, #tpu.memory_space<vmem>>
      %dma_start3A_10 = tpu.memref_squeeze %dma_start3A_9 : memref<1x80xi32, #tpu.memory_space<vmem>> -> memref<80xi32, #tpu.memory_space<vmem>>
      %dma_start3A_11 = arith.constant 0 : i32
      %dma_start3A_12 = arith.constant 0 : i32
      %dma_start3A_13 = tpu.memref_slice %arg2[%dma_start3A_11, %dma_start3A_12] : memref<10000x256xf32, #tpu.memory_space<hbm>> -> memref<10000x256xf32, #tpu.memory_space<hbm>>
      tpu.enqueue_indirect_dma source(%dma_start3A_13 : memref<10000x256xf32, #tpu.memory_space<hbm>>) target(%arg6 : memref<80x256xf32, #tpu.memory_space<vmem>>) offsets(%dma_start3A_10 : memref<80xi32, #tpu.memory_space<vmem>>) semaphore(%arg7 : memref<!tpu.dma_semaphore, #tpu.memory_space<semaphore_mem>>)
      %dma_wait3A = arith.constant 0 : i32
      %dma_wait3A_14 = tpu.memref_slice %arg5[%scan3A_8, %dma_wait3A] : memref<125x80xi32, #tpu.memory_space<vmem>> -> memref<1x80xi32, #tpu.memory_space<vmem>>
      %dma_wait3A_15 = tpu.memref_squeeze %dma_wait3A_14 : memref<1x80xi32, #tpu.memory_space<vmem>> -> memref<80xi32, #tpu.memory_space<vmem>>
      %dma_wait3A_16 = arith.constant 0 : i32
      %dma_wait3A_17 = arith.constant 0 : i32
      %dma_wait3A_18 = tpu.memref_slice %arg2[%dma_wait3A_16, %dma_wait3A_17] : memref<10000x256xf32, #tpu.memory_space<hbm>> -> memref<10000x256xf32, #tpu.memory_space<hbm>>
      tpu.wait_indirect_dma semaphore(%arg7 : memref<!tpu.dma_semaphore, #tpu.memory_space<semaphore_mem>>) src(%dma_wait3A_18 : memref<10000x256xf32, #tpu.memory_space<hbm>>) dst(%arg6 : memref<80x256xf32, #tpu.memory_space<vmem>>)
      %add3A_19 = arith.addi %mul3A_2, %scan3A_8 : i32
      %mul3A_20 = arith.constant 80 : i32
      %mul3A_21 = arith.muli %add3A_19, %mul3A_20 : i32
      "tpu.region"() ({
        %run_scoped3A = tpu.sem_alloc : memref<!tpu.dma_semaphore, #tpu.memory_space<semaphore_mem>>
        %dma_start3A_22 = arith.constant 0 : i32
        %dma_start3A_23 = tpu.memref_slice %arg4[%mul3A_21, %dma_start3A_22] : memref<320000x256xf32, #tpu.memory_space<hbm>> -> memref<80x256xf32, #tpu.memory_space<hbm>>
        %dma_start3A_24 = arith.constant 0 : i32
        %dma_start3A_25 = tpu.memref_slice %arg4[%mul3A_21, %dma_start3A_24] : memref<320000x256xf32, #tpu.memory_space<hbm>> -> memref<80x256xf32, #tpu.memory_space<hbm>>
        tpu.enqueue_dma source(%arg6 : memref<80x256xf32, #tpu.memory_space<vmem>>) target(%dma_start3A_25 : memref<80x256xf32, #tpu.memory_space<hbm>>) target_semaphore(%run_scoped3A : memref<!tpu.dma_semaphore, #tpu.memory_space<semaphore_mem>>)
        %dma_wait3A_26 = arith.constant 0 : i32
        %dma_wait3A_27 = tpu.memref_slice %arg4[%mul3A_21, %dma_wait3A_26] : memref<320000x256xf32, #tpu.memory_space<hbm>> -> memref<80x256xf32, #tpu.memory_space<hbm>>
        %dma_wait3A_28 = arith.constant 0 : i32
        %dma_wait3A_29 = tpu.memref_slice %arg4[%mul3A_21, %dma_wait3A_28] : memref<320000x256xf32, #tpu.memory_space<hbm>> -> memref<80x256xf32, #tpu.memory_space<hbm>>
        tpu.wait_dma2 semaphore(%run_scoped3A : memref<!tpu.dma_semaphore, #tpu.memory_space<semaphore_mem>>) src(%arg6 : memref<80x256xf32, #tpu.memory_space<vmem>>) dst(%dma_wait3A_29 : memref<80x256xf32, #tpu.memory_space<hbm>>)
        tpu.yield
      }) : () -> ()
    }
    %scan3A_7 = arith.constant 125 : i32
    return
  }
}

#map = affine_map<(d0, d1) -> (0, 0)>
#map1 = affine_map<(d0, d1) -> (0, 0, 0)>
module attributes {stable_mosaic.version = 14 : i64} {
  func.func @scatter(%arg0: i32, %arg1: i32, %arg2: memref<320000x256xf32, #tpu.memory_space<hbm>>, %arg3: memref<16x250x80xi32, #tpu.memory_space<hbm>>, %arg4: memref<624x128xf32, #tpu.memory_space<hbm>>, %arg5: memref<10000x256xf32, #tpu.memory_space<hbm>>, %arg6: memref<250x80xi32, #tpu.memory_space<vmem>>, %arg7: memref<80x128xf32, #tpu.memory_space<vmem>>, %arg8: memref<10000x128xf32, #tpu.memory_space<vmem_shared>>) attributes {dimension_semantics = [#tpu.dimension_semantics<core_parallel>, #tpu.dimension_semantics<subcore_parallel>], iteration_bounds = array<i64: 2, 16>, scalar_prefetch = 0 : i64, scratch_operands = 3 : i64, tpu.core_type = #tpu.core_type<sc_vector_subcore>, window_params = [{transform_indices = #map}, {transform_indices = #map1}, {transform_indices = #map}, {transform_indices = #map}]} {
    %mul3A = arith.constant 624 : i32
    %mul3A_0 = arith.muli %arg1, %mul3A : i32
    "tpu.region"() ({
      %run_scoped3A = tpu.sem_alloc : memref<!tpu.dma_semaphore, #tpu.memory_space<semaphore_mem>>
      %dma_start3A = arith.constant 0 : i32
      %dma_start3A_20 = tpu.memref_slice %arg8[%mul3A_0, %dma_start3A] : memref<10000x128xf32, #tpu.memory_space<vmem_shared>> -> memref<624x128xf32, #tpu.memory_space<vmem_shared>>
      tpu.enqueue_dma source(%arg4 : memref<624x128xf32, #tpu.memory_space<hbm>>) target(%dma_start3A_20 : memref<624x128xf32, #tpu.memory_space<vmem_shared>>) target_semaphore(%run_scoped3A : memref<!tpu.dma_semaphore, #tpu.memory_space<semaphore_mem>>)
      %dma_wait3A = arith.constant 0 : i32
      %dma_wait3A_21 = tpu.memref_slice %arg8[%mul3A_0, %dma_wait3A] : memref<10000x128xf32, #tpu.memory_space<vmem_shared>> -> memref<624x128xf32, #tpu.memory_space<vmem_shared>>
      tpu.wait_dma2 semaphore(%run_scoped3A : memref<!tpu.dma_semaphore, #tpu.memory_space<semaphore_mem>>) src(%arg4 : memref<624x128xf32, #tpu.memory_space<hbm>>) dst(%dma_wait3A_21 : memref<624x128xf32, #tpu.memory_space<vmem_shared>>)
      tpu.yield
    }) : () -> ()
    %eq3A = arith.constant 15 : i32
    %eq3A_1 = arith.cmpi eq, %arg1, %eq3A : i32
    %convert_element_type3A = arith.extui %eq3A_1 : i1 to i32
    %cond3A = arith.constant 0 : i32
    %cond3A_2 = arith.cmpi ne, %convert_element_type3A, %cond3A : i32
    scf.if %cond3A_2 {
      "tpu.region"() ({
        %run_scoped3A = tpu.sem_alloc : memref<!tpu.dma_semaphore, #tpu.memory_space<semaphore_mem>>
        %dma_start3A = arith.constant 9984 : i32
        %dma_start3A_20 = arith.constant 0 : i32
        %dma_start3A_21 = tpu.memref_slice %arg8[%dma_start3A, %dma_start3A_20] : memref<10000x128xf32, #tpu.memory_space<vmem_shared>> -> memref<16x128xf32, #tpu.memory_space<vmem_shared>>
        %dma_start3A_22 = arith.constant 0 : i32
        %dma_start3A_23 = arith.constant 0 : i32
        %dma_start3A_24 = tpu.memref_slice %arg4[%dma_start3A_22, %dma_start3A_23] : memref<624x128xf32, #tpu.memory_space<hbm>> -> memref<16x128xf32, #tpu.memory_space<hbm>>
        tpu.enqueue_dma source(%dma_start3A_24 : memref<16x128xf32, #tpu.memory_space<hbm>>) target(%dma_start3A_21 : memref<16x128xf32, #tpu.memory_space<vmem_shared>>) target_semaphore(%run_scoped3A : memref<!tpu.dma_semaphore, #tpu.memory_space<semaphore_mem>>)
        %dma_wait3A = arith.constant 9984 : i32
        %dma_wait3A_25 = arith.constant 0 : i32
        %dma_wait3A_26 = tpu.memref_slice %arg8[%dma_wait3A, %dma_wait3A_25] : memref<10000x128xf32, #tpu.memory_space<vmem_shared>> -> memref<16x128xf32, #tpu.memory_space<vmem_shared>>
        %dma_wait3A_27 = arith.constant 0 : i32
        %dma_wait3A_28 = arith.constant 0 : i32
        %dma_wait3A_29 = tpu.memref_slice %arg4[%dma_wait3A_27, %dma_wait3A_28] : memref<624x128xf32, #tpu.memory_space<hbm>> -> memref<16x128xf32, #tpu.memory_space<hbm>>
        tpu.wait_dma2 semaphore(%run_scoped3A : memref<!tpu.dma_semaphore, #tpu.memory_space<semaphore_mem>>) src(%dma_wait3A_29 : memref<16x128xf32, #tpu.memory_space<hbm>>) dst(%dma_wait3A_26 : memref<16x128xf32, #tpu.memory_space<vmem_shared>>)
        tpu.yield
      }) : () -> ()
    } else {
    }
    %barrier3A = arith.constant 0 : index
    tpu.barrier barrier_id(%barrier3A)
    "tpu.region"() ({
      %run_scoped3A = tpu.sem_alloc : memref<!tpu.dma_semaphore, #tpu.memory_space<semaphore_mem>>
      %dma_start3A = arith.constant 0 : i32
      %dma_start3A_20 = arith.constant 0 : i32
      %dma_start3A_21 = tpu.memref_slice %arg3[%arg1, %dma_start3A, %dma_start3A_20] : memref<16x250x80xi32, #tpu.memory_space<hbm>> -> memref<1x250x80xi32, #tpu.memory_space<hbm>>
      %dma_start3A_22 = tpu.memref_squeeze %dma_start3A_21 : memref<1x250x80xi32, #tpu.memory_space<hbm>> -> memref<250x80xi32, #tpu.memory_space<hbm>>
      %dma_start3A_23 = arith.constant 0 : i32
      %dma_start3A_24 = arith.constant 0 : i32
      %dma_start3A_25 = tpu.memref_slice %arg3[%arg1, %dma_start3A_23, %dma_start3A_24] : memref<16x250x80xi32, #tpu.memory_space<hbm>> -> memref<1x250x80xi32, #tpu.memory_space<hbm>>
      %dma_start3A_26 = tpu.memref_squeeze %dma_start3A_25 : memref<1x250x80xi32, #tpu.memory_space<hbm>> -> memref<250x80xi32, #tpu.memory_space<hbm>>
      tpu.enqueue_dma source(%dma_start3A_26 : memref<250x80xi32, #tpu.memory_space<hbm>>) target(%arg6 : memref<250x80xi32, #tpu.memory_space<vmem>>) target_semaphore(%run_scoped3A : memref<!tpu.dma_semaphore, #tpu.memory_space<semaphore_mem>>)
      %dma_wait3A = arith.constant 0 : i32
      %dma_wait3A_27 = arith.constant 0 : i32
      %dma_wait3A_28 = tpu.memref_slice %arg3[%arg1, %dma_wait3A, %dma_wait3A_27] : memref<16x250x80xi32, #tpu.memory_space<hbm>> -> memref<1x250x80xi32, #tpu.memory_space<hbm>>
      %dma_wait3A_29 = tpu.memref_squeeze %dma_wait3A_28 : memref<1x250x80xi32, #tpu.memory_space<hbm>> -> memref<250x80xi32, #tpu.memory_space<hbm>>
      %dma_wait3A_30 = arith.constant 0 : i32
      %dma_wait3A_31 = arith.constant 0 : i32
      %dma_wait3A_32 = tpu.memref_slice %arg3[%arg1, %dma_wait3A_30, %dma_wait3A_31] : memref<16x250x80xi32, #tpu.memory_space<hbm>> -> memref<1x250x80xi32, #tpu.memory_space<hbm>>
      %dma_wait3A_33 = tpu.memref_squeeze %dma_wait3A_32 : memref<1x250x80xi32, #tpu.memory_space<hbm>> -> memref<250x80xi32, #tpu.memory_space<hbm>>
      tpu.wait_dma2 semaphore(%run_scoped3A : memref<!tpu.dma_semaphore, #tpu.memory_space<semaphore_mem>>) src(%dma_wait3A_33 : memref<250x80xi32, #tpu.memory_space<hbm>>) dst(%arg6 : memref<250x80xi32, #tpu.memory_space<vmem>>)
      tpu.yield
    }) : () -> ()
    %scan3A = arith.constant 0 : i32
    %scan3A_3 = arith.constant 0 : i32
    %scan3A_4 = arith.constant 250 : i32
    %scan3A_5 = arith.addi %scan3A_3, %scan3A_4 : i32
    %scan3A_6 = arith.constant 1 : i32
    scf.for %scan3A_20 = %scan3A_3 to %scan3A_5 step %scan3A_6  : i32 {
      %mul3A_21 = arith.constant 250 : i32
      %mul3A_22 = arith.muli %arg1, %mul3A_21 : i32
      %add3A = arith.addi %mul3A_22, %scan3A_20 : i32
      %mul3A_23 = arith.constant 80 : i32
      %mul3A_24 = arith.muli %add3A, %mul3A_23 : i32
      %mul3A_25 = arith.constant 128 : i32
      %mul3A_26 = arith.muli %arg0, %mul3A_25 : i32
      "tpu.region"() ({
        %run_scoped3A = tpu.sem_alloc : memref<!tpu.dma_semaphore, #tpu.memory_space<semaphore_mem>>
        %dma_start3A = tpu.memref_slice %arg2[%mul3A_24, %mul3A_26] : memref<320000x256xf32, #tpu.memory_space<hbm>> -> memref<80x128xf32, #tpu.memory_space<hbm>>
        %dma_start3A_27 = tpu.memref_slice %arg2[%mul3A_24, %mul3A_26] : memref<320000x256xf32, #tpu.memory_space<hbm>> -> memref<80x128xf32, #tpu.memory_space<hbm>>
        tpu.enqueue_dma source(%dma_start3A_27 : memref<80x128xf32, #tpu.memory_space<hbm>>) target(%arg7 : memref<80x128xf32, #tpu.memory_space<vmem>>) target_semaphore(%run_scoped3A : memref<!tpu.dma_semaphore, #tpu.memory_space<semaphore_mem>>)
        %dma_wait3A = tpu.memref_slice %arg2[%mul3A_24, %mul3A_26] : memref<320000x256xf32, #tpu.memory_space<hbm>> -> memref<80x128xf32, #tpu.memory_space<hbm>>
        %dma_wait3A_28 = tpu.memref_slice %arg2[%mul3A_24, %mul3A_26] : memref<320000x256xf32, #tpu.memory_space<hbm>> -> memref<80x128xf32, #tpu.memory_space<hbm>>
        tpu.wait_dma2 semaphore(%run_scoped3A : memref<!tpu.dma_semaphore, #tpu.memory_space<semaphore_mem>>) src(%dma_wait3A_28 : memref<80x128xf32, #tpu.memory_space<hbm>>) dst(%arg7 : memref<80x128xf32, #tpu.memory_space<vmem>>)
        tpu.yield
      }) : () -> ()
      "tpu.region"() ({
        %run_scoped3A = tpu.sem_alloc : memref<!tpu.dma_semaphore, #tpu.memory_space<semaphore_mem>>
        %dma_start3A = arith.constant 0 : i32
        %dma_start3A_27 = tpu.memref_slice %arg6[%scan3A_20, %dma_start3A] : memref<250x80xi32, #tpu.memory_space<vmem>> -> memref<1x80xi32, #tpu.memory_space<vmem>>
        %dma_start3A_28 = tpu.memref_squeeze %dma_start3A_27 : memref<1x80xi32, #tpu.memory_space<vmem>> -> memref<80xi32, #tpu.memory_space<vmem>>
        %dma_start3A_29 = arith.constant 0 : i32
        %dma_start3A_30 = arith.constant 0 : i32
        %dma_start3A_31 = tpu.memref_slice %arg8[%dma_start3A_29, %dma_start3A_30] : memref<10000x128xf32, #tpu.memory_space<vmem_shared>> -> memref<10000x128xf32, #tpu.memory_space<vmem_shared>>
        tpu.enqueue_indirect_dma source(%arg7 : memref<80x128xf32, #tpu.memory_space<vmem>>) target(%dma_start3A_31 : memref<10000x128xf32, #tpu.memory_space<vmem_shared>>) offsets(%dma_start3A_28 : memref<80xi32, #tpu.memory_space<vmem>>) semaphore(%run_scoped3A : memref<!tpu.dma_semaphore, #tpu.memory_space<semaphore_mem>>) {add = true}
        %dma_wait3A = arith.constant 0 : i32
        %dma_wait3A_32 = tpu.memref_slice %arg6[%scan3A_20, %dma_wait3A] : memref<250x80xi32, #tpu.memory_space<vmem>> -> memref<1x80xi32, #tpu.memory_space<vmem>>
        %dma_wait3A_33 = tpu.memref_squeeze %dma_wait3A_32 : memref<1x80xi32, #tpu.memory_space<vmem>> -> memref<80xi32, #tpu.memory_space<vmem>>
        %dma_wait3A_34 = arith.constant 0 : i32
        %dma_wait3A_35 = arith.constant 0 : i32
        %dma_wait3A_36 = tpu.memref_slice %arg8[%dma_wait3A_34, %dma_wait3A_35] : memref<10000x128xf32, #tpu.memory_space<vmem_shared>> -> memref<10000x128xf32, #tpu.memory_space<vmem_shared>>
        tpu.wait_indirect_dma semaphore(%run_scoped3A : memref<!tpu.dma_semaphore, #tpu.memory_space<semaphore_mem>>) src(%arg7 : memref<80x128xf32, #tpu.memory_space<vmem>>) dst(%dma_wait3A_36 : memref<10000x128xf32, #tpu.memory_space<vmem_shared>>)
        tpu.yield
      }) : () -> ()
    }
    %scan3A_7 = arith.constant 250 : i32
    %barrier3A_8 = arith.constant 0 : index
    tpu.barrier barrier_id(%barrier3A_8)
    %mul3A_9 = arith.constant 624 : i32
    %mul3A_10 = arith.muli %arg1, %mul3A_9 : i32
    %mul3A_11 = arith.constant 624 : i32
    %mul3A_12 = arith.muli %arg1, %mul3A_11 : i32
    %mul3A_13 = arith.constant 128 : i32
    %mul3A_14 = arith.muli %arg0, %mul3A_13 : i32
    "tpu.region"() ({
      %run_scoped3A = tpu.sem_alloc : memref<!tpu.dma_semaphore, #tpu.memory_space<semaphore_mem>>
      %dma_start3A = tpu.memref_slice %arg5[%mul3A_12, %mul3A_14] : memref<10000x256xf32, #tpu.memory_space<hbm>> -> memref<624x128xf32, #tpu.memory_space<hbm>>
      %dma_start3A_20 = arith.constant 0 : i32
      %dma_start3A_21 = tpu.memref_slice %arg8[%mul3A_10, %dma_start3A_20] : memref<10000x128xf32, #tpu.memory_space<vmem_shared>> -> memref<624x128xf32, #tpu.memory_space<vmem_shared>>
      tpu.enqueue_dma source(%dma_start3A_21 : memref<624x128xf32, #tpu.memory_space<vmem_shared>>) target(%dma_start3A : memref<624x128xf32, #tpu.memory_space<hbm>>) target_semaphore(%run_scoped3A : memref<!tpu.dma_semaphore, #tpu.memory_space<semaphore_mem>>)
      %dma_wait3A = tpu.memref_slice %arg5[%mul3A_12, %mul3A_14] : memref<10000x256xf32, #tpu.memory_space<hbm>> -> memref<624x128xf32, #tpu.memory_space<hbm>>
      %dma_wait3A_22 = arith.constant 0 : i32
      %dma_wait3A_23 = tpu.memref_slice %arg8[%mul3A_10, %dma_wait3A_22] : memref<10000x128xf32, #tpu.memory_space<vmem_shared>> -> memref<624x128xf32, #tpu.memory_space<vmem_shared>>
      tpu.wait_dma2 semaphore(%run_scoped3A : memref<!tpu.dma_semaphore, #tpu.memory_space<semaphore_mem>>) src(%dma_wait3A_23 : memref<624x128xf32, #tpu.memory_space<vmem_shared>>) dst(%dma_wait3A : memref<624x128xf32, #tpu.memory_space<hbm>>)
      tpu.yield
    }) : () -> ()
    %eq3A_15 = arith.constant 15 : i32
    %eq3A_16 = arith.cmpi eq, %arg1, %eq3A_15 : i32
    %convert_element_type3A_17 = arith.extui %eq3A_16 : i1 to i32
    %cond3A_18 = arith.constant 0 : i32
    %cond3A_19 = arith.cmpi ne, %convert_element_type3A_17, %cond3A_18 : i32
    scf.if %cond3A_19 {
      %mul3A_20 = arith.constant 128 : i32
      %mul3A_21 = arith.muli %arg0, %mul3A_20 : i32
      "tpu.region"() ({
        %run_scoped3A = tpu.sem_alloc : memref<!tpu.dma_semaphore, #tpu.memory_space<semaphore_mem>>
        %dma_start3A = arith.constant 9984 : i32
        %dma_start3A_22 = tpu.memref_slice %arg5[%dma_start3A, %mul3A_21] : memref<10000x256xf32, #tpu.memory_space<hbm>> -> memref<16x128xf32, #tpu.memory_space<hbm>>
        %dma_start3A_23 = arith.constant 9984 : i32
        %dma_start3A_24 = arith.constant 0 : i32
        %dma_start3A_25 = tpu.memref_slice %arg8[%dma_start3A_23, %dma_start3A_24] : memref<10000x128xf32, #tpu.memory_space<vmem_shared>> -> memref<16x128xf32, #tpu.memory_space<vmem_shared>>
        tpu.enqueue_dma source(%dma_start3A_25 : memref<16x128xf32, #tpu.memory_space<vmem_shared>>) target(%dma_start3A_22 : memref<16x128xf32, #tpu.memory_space<hbm>>) target_semaphore(%run_scoped3A : memref<!tpu.dma_semaphore, #tpu.memory_space<semaphore_mem>>)
        %dma_wait3A = arith.constant 9984 : i32
        %dma_wait3A_26 = tpu.memref_slice %arg5[%dma_wait3A, %mul3A_21] : memref<10000x256xf32, #tpu.memory_space<hbm>> -> memref<16x128xf32, #tpu.memory_space<hbm>>
        %dma_wait3A_27 = arith.constant 9984 : i32
        %dma_wait3A_28 = arith.constant 0 : i32
        %dma_wait3A_29 = tpu.memref_slice %arg8[%dma_wait3A_27, %dma_wait3A_28] : memref<10000x128xf32, #tpu.memory_space<vmem_shared>> -> memref<16x128xf32, #tpu.memory_space<vmem_shared>>
        tpu.wait_dma2 semaphore(%run_scoped3A : memref<!tpu.dma_semaphore, #tpu.memory_space<semaphore_mem>>) src(%dma_wait3A_29 : memref<16x128xf32, #tpu.memory_space<vmem_shared>>) dst(%dma_wait3A_26 : memref<16x128xf32, #tpu.memory_space<hbm>>)
        tpu.yield
      }) : () -> ()
    } else {
    }
    return
  }
}

#map = affine_map<(d0, d1) -> (0, 0)>
#map1 = affine_map<(d0, d1) -> (0, 0, 0)>
module attributes {stable_mosaic.version = 14 : i64} {
  func.func @scatter(%arg0: i32, %arg1: i32, %arg2: memref<320000x256xf32, #tpu.memory_space<hbm>>, %arg3: memref<16x250x80xi32, #tpu.memory_space<hbm>>, %arg4: memref<624x128xf32, #tpu.memory_space<hbm>>, %arg5: memref<10000x256xf32, #tpu.memory_space<hbm>>, %arg6: memref<250x80xi32, #tpu.memory_space<vmem>>, %arg7: memref<80x128xf32, #tpu.memory_space<vmem>>, %arg8: memref<10000x128xf32, #tpu.memory_space<vmem_shared>>) attributes {dimension_semantics = [#tpu.dimension_semantics<core_parallel>, #tpu.dimension_semantics<subcore_parallel>], iteration_bounds = array<i64: 2, 16>, scalar_prefetch = 0 : i64, scratch_operands = 3 : i64, tpu.core_type = #tpu.core_type<sc_vector_subcore>, window_params = [{transform_indices = #map}, {transform_indices = #map1}, {transform_indices = #map}, {transform_indices = #map}]} {
    %mul3A = arith.constant 624 : i32
    %mul3A_0 = arith.muli %arg1, %mul3A : i32
    "tpu.region"() ({
      %run_scoped3A = tpu.sem_alloc : memref<!tpu.dma_semaphore, #tpu.memory_space<semaphore_mem>>
      %dma_start3A = arith.constant 0 : i32
      %dma_start3A_20 = tpu.memref_slice %arg8[%mul3A_0, %dma_start3A] : memref<10000x128xf32, #tpu.memory_space<vmem_shared>> -> memref<624x128xf32, #tpu.memory_space<vmem_shared>>
      tpu.enqueue_dma source(%arg4 : memref<624x128xf32, #tpu.memory_space<hbm>>) target(%dma_start3A_20 : memref<624x128xf32, #tpu.memory_space<vmem_shared>>) target_semaphore(%run_scoped3A : memref<!tpu.dma_semaphore, #tpu.memory_space<semaphore_mem>>)
      %dma_wait3A = arith.constant 0 : i32
      %dma_wait3A_21 = tpu.memref_slice %arg8[%mul3A_0, %dma_wait3A] : memref<10000x128xf32, #tpu.memory_space<vmem_shared>> -> memref<624x128xf32, #tpu.memory_space<vmem_shared>>
      tpu.wait_dma2 semaphore(%run_scoped3A : memref<!tpu.dma_semaphore, #tpu.memory_space<semaphore_mem>>) src(%arg4 : memref<624x128xf32, #tpu.memory_space<hbm>>) dst(%dma_wait3A_21 : memref<624x128xf32, #tpu.memory_space<vmem_shared>>)
      tpu.yield
    }) : () -> ()
    %eq3A = arith.constant 15 : i32
    %eq3A_1 = arith.cmpi eq, %arg1, %eq3A : i32
    %convert_element_type3A = arith.extui %eq3A_1 : i1 to i32
    %cond3A = arith.constant 0 : i32
    %cond3A_2 = arith.cmpi ne, %convert_element_type3A, %cond3A : i32
    scf.if %cond3A_2 {
      "tpu.region"() ({
        %run_scoped3A = tpu.sem_alloc : memref<!tpu.dma_semaphore, #tpu.memory_space<semaphore_mem>>
        %dma_start3A = arith.constant 9984 : i32
        %dma_start3A_20 = arith.constant 0 : i32
        %dma_start3A_21 = tpu.memref_slice %arg8[%dma_start3A, %dma_start3A_20] : memref<10000x128xf32, #tpu.memory_space<vmem_shared>> -> memref<16x128xf32, #tpu.memory_space<vmem_shared>>
        %dma_start3A_22 = arith.constant 0 : i32
        %dma_start3A_23 = arith.constant 0 : i32
        %dma_start3A_24 = tpu.memref_slice %arg4[%dma_start3A_22, %dma_start3A_23] : memref<624x128xf32, #tpu.memory_space<hbm>> -> memref<16x128xf32, #tpu.memory_space<hbm>>
        tpu.enqueue_dma source(%dma_start3A_24 : memref<16x128xf32, #tpu.memory_space<hbm>>) target(%dma_start3A_21 : memref<16x128xf32, #tpu.memory_space<vmem_shared>>) target_semaphore(%run_scoped3A : memref<!tpu.dma_semaphore, #tpu.memory_space<semaphore_mem>>)
        %dma_wait3A = arith.constant 9984 : i32
        %dma_wait3A_25 = arith.constant 0 : i32
        %dma_wait3A_26 = tpu.memref_slice %arg8[%dma_wait3A, %dma_wait3A_25] : memref<10000x128xf32, #tpu.memory_space<vmem_shared>> -> memref<16x128xf32, #tpu.memory_space<vmem_shared>>
        %dma_wait3A_27 = arith.constant 0 : i32
        %dma_wait3A_28 = arith.constant 0 : i32
        %dma_wait3A_29 = tpu.memref_slice %arg4[%dma_wait3A_27, %dma_wait3A_28] : memref<624x128xf32, #tpu.memory_space<hbm>> -> memref<16x128xf32, #tpu.memory_space<hbm>>
        tpu.wait_dma2 semaphore(%run_scoped3A : memref<!tpu.dma_semaphore, #tpu.memory_space<semaphore_mem>>) src(%dma_wait3A_29 : memref<16x128xf32, #tpu.memory_space<hbm>>) dst(%dma_wait3A_26 : memref<16x128xf32, #tpu.memory_space<vmem_shared>>)
        tpu.yield
      }) : () -> ()
    } else {
    }
    %barrier3A = arith.constant 0 : index
    tpu.barrier barrier_id(%barrier3A)
    "tpu.region"() ({
      %run_scoped3A = tpu.sem_alloc : memref<!tpu.dma_semaphore, #tpu.memory_space<semaphore_mem>>
      %dma_start3A = arith.constant 0 : i32
      %dma_start3A_20 = arith.constant 0 : i32
      %dma_start3A_21 = tpu.memref_slice %arg3[%arg1, %dma_start3A, %dma_start3A_20] : memref<16x250x80xi32, #tpu.memory_space<hbm>> -> memref<1x250x80xi32, #tpu.memory_space<hbm>>
      %dma_start3A_22 = tpu.memref_squeeze %dma_start3A_21 : memref<1x250x80xi32, #tpu.memory_space<hbm>> -> memref<250x80xi32, #tpu.memory_space<hbm>>
      %dma_start3A_23 = arith.constant 0 : i32
      %dma_start3A_24 = arith.constant 0 : i32
      %dma_start3A_25 = tpu.memref_slice %arg3[%arg1, %dma_start3A_23, %dma_start3A_24] : memref<16x250x80xi32, #tpu.memory_space<hbm>> -> memref<1x250x80xi32, #tpu.memory_space<hbm>>
      %dma_start3A_26 = tpu.memref_squeeze %dma_start3A_25 : memref<1x250x80xi32, #tpu.memory_space<hbm>> -> memref<250x80xi32, #tpu.memory_space<hbm>>
      tpu.enqueue_dma source(%dma_start3A_26 : memref<250x80xi32, #tpu.memory_space<hbm>>) target(%arg6 : memref<250x80xi32, #tpu.memory_space<vmem>>) target_semaphore(%run_scoped3A : memref<!tpu.dma_semaphore, #tpu.memory_space<semaphore_mem>>)
      %dma_wait3A = arith.constant 0 : i32
      %dma_wait3A_27 = arith.constant 0 : i32
      %dma_wait3A_28 = tpu.memref_slice %arg3[%arg1, %dma_wait3A, %dma_wait3A_27] : memref<16x250x80xi32, #tpu.memory_space<hbm>> -> memref<1x250x80xi32, #tpu.memory_space<hbm>>
      %dma_wait3A_29 = tpu.memref_squeeze %dma_wait3A_28 : memref<1x250x80xi32, #tpu.memory_space<hbm>> -> memref<250x80xi32, #tpu.memory_space<hbm>>
      %dma_wait3A_30 = arith.constant 0 : i32
      %dma_wait3A_31 = arith.constant 0 : i32
      %dma_wait3A_32 = tpu.memref_slice %arg3[%arg1, %dma_wait3A_30, %dma_wait3A_31] : memref<16x250x80xi32, #tpu.memory_space<hbm>> -> memref<1x250x80xi32, #tpu.memory_space<hbm>>
      %dma_wait3A_33 = tpu.memref_squeeze %dma_wait3A_32 : memref<1x250x80xi32, #tpu.memory_space<hbm>> -> memref<250x80xi32, #tpu.memory_space<hbm>>
      tpu.wait_dma2 semaphore(%run_scoped3A : memref<!tpu.dma_semaphore, #tpu.memory_space<semaphore_mem>>) src(%dma_wait3A_33 : memref<250x80xi32, #tpu.memory_space<hbm>>) dst(%arg6 : memref<250x80xi32, #tpu.memory_space<vmem>>)
      tpu.yield
    }) : () -> ()
    %scan3A = arith.constant 0 : i32
    %scan3A_3 = arith.constant 0 : i32
    %scan3A_4 = arith.constant 250 : i32
    %scan3A_5 = arith.addi %scan3A_3, %scan3A_4 : i32
    %scan3A_6 = arith.constant 1 : i32
    scf.for %scan3A_20 = %scan3A_3 to %scan3A_5 step %scan3A_6  : i32 {
      %mul3A_21 = arith.constant 250 : i32
      %mul3A_22 = arith.muli %arg1, %mul3A_21 : i32
      %add3A = arith.addi %mul3A_22, %scan3A_20 : i32
      %mul3A_23 = arith.constant 80 : i32
      %mul3A_24 = arith.muli %add3A, %mul3A_23 : i32
      %mul3A_25 = arith.constant 128 : i32
      %mul3A_26 = arith.muli %arg0, %mul3A_25 : i32
      "tpu.region"() ({
        %run_scoped3A = tpu.sem_alloc : memref<!tpu.dma_semaphore, #tpu.memory_space<semaphore_mem>>
        %dma_start3A = tpu.memref_slice %arg2[%mul3A_24, %mul3A_26] : memref<320000x256xf32, #tpu.memory_space<hbm>> -> memref<80x128xf32, #tpu.memory_space<hbm>>
        %dma_start3A_27 = tpu.memref_slice %arg2[%mul3A_24, %mul3A_26] : memref<320000x256xf32, #tpu.memory_space<hbm>> -> memref<80x128xf32, #tpu.memory_space<hbm>>
        tpu.enqueue_dma source(%dma_start3A_27 : memref<80x128xf32, #tpu.memory_space<hbm>>) target(%arg7 : memref<80x128xf32, #tpu.memory_space<vmem>>) target_semaphore(%run_scoped3A : memref<!tpu.dma_semaphore, #tpu.memory_space<semaphore_mem>>)
        %dma_wait3A = tpu.memref_slice %arg2[%mul3A_24, %mul3A_26] : memref<320000x256xf32, #tpu.memory_space<hbm>> -> memref<80x128xf32, #tpu.memory_space<hbm>>
        %dma_wait3A_28 = tpu.memref_slice %arg2[%mul3A_24, %mul3A_26] : memref<320000x256xf32, #tpu.memory_space<hbm>> -> memref<80x128xf32, #tpu.memory_space<hbm>>
        tpu.wait_dma2 semaphore(%run_scoped3A : memref<!tpu.dma_semaphore, #tpu.memory_space<semaphore_mem>>) src(%dma_wait3A_28 : memref<80x128xf32, #tpu.memory_space<hbm>>) dst(%arg7 : memref<80x128xf32, #tpu.memory_space<vmem>>)
        tpu.yield
      }) : () -> ()
      "tpu.region"() ({
        %run_scoped3A = tpu.sem_alloc : memref<!tpu.dma_semaphore, #tpu.memory_space<semaphore_mem>>
        %dma_start3A = arith.constant 0 : i32
        %dma_start3A_27 = tpu.memref_slice %arg6[%scan3A_20, %dma_start3A] : memref<250x80xi32, #tpu.memory_space<vmem>> -> memref<1x80xi32, #tpu.memory_space<vmem>>
        %dma_start3A_28 = tpu.memref_squeeze %dma_start3A_27 : memref<1x80xi32, #tpu.memory_space<vmem>> -> memref<80xi32, #tpu.memory_space<vmem>>
        %dma_start3A_29 = arith.constant 0 : i32
        %dma_start3A_30 = arith.constant 0 : i32
        %dma_start3A_31 = tpu.memref_slice %arg8[%dma_start3A_29, %dma_start3A_30] : memref<10000x128xf32, #tpu.memory_space<vmem_shared>> -> memref<10000x128xf32, #tpu.memory_space<vmem_shared>>
        tpu.enqueue_indirect_dma source(%arg7 : memref<80x128xf32, #tpu.memory_space<vmem>>) target(%dma_start3A_31 : memref<10000x128xf32, #tpu.memory_space<vmem_shared>>) offsets(%dma_start3A_28 : memref<80xi32, #tpu.memory_space<vmem>>) semaphore(%run_scoped3A : memref<!tpu.dma_semaphore, #tpu.memory_space<semaphore_mem>>) {add = true}
        %dma_wait3A = arith.constant 0 : i32
        %dma_wait3A_32 = tpu.memref_slice %arg6[%scan3A_20, %dma_wait3A] : memref<250x80xi32, #tpu.memory_space<vmem>> -> memref<1x80xi32, #tpu.memory_space<vmem>>
        %dma_wait3A_33 = tpu.memref_squeeze %dma_wait3A_32 : memref<1x80xi32, #tpu.memory_space<vmem>> -> memref<80xi32, #tpu.memory_space<vmem>>
        %dma_wait3A_34 = arith.constant 0 : i32
        %dma_wait3A_35 = arith.constant 0 : i32
        %dma_wait3A_36 = tpu.memref_slice %arg8[%dma_wait3A_34, %dma_wait3A_35] : memref<10000x128xf32, #tpu.memory_space<vmem_shared>> -> memref<10000x128xf32, #tpu.memory_space<vmem_shared>>
        tpu.wait_indirect_dma semaphore(%run_scoped3A : memref<!tpu.dma_semaphore, #tpu.memory_space<semaphore_mem>>) src(%arg7 : memref<80x128xf32, #tpu.memory_space<vmem>>) dst(%dma_wait3A_36 : memref<10000x128xf32, #tpu.memory_space<vmem_shared>>)
        tpu.yield
      }) : () -> ()
    }
    %scan3A_7 = arith.constant 250 : i32
    %barrier3A_8 = arith.constant 0 : index
    tpu.barrier barrier_id(%barrier3A_8)
    %mul3A_9 = arith.constant 624 : i32
    %mul3A_10 = arith.muli %arg1, %mul3A_9 : i32
    %mul3A_11 = arith.constant 624 : i32
    %mul3A_12 = arith.muli %arg1, %mul3A_11 : i32
    %mul3A_13 = arith.constant 128 : i32
    %mul3A_14 = arith.muli %arg0, %mul3A_13 : i32
    "tpu.region"() ({
      %run_scoped3A = tpu.sem_alloc : memref<!tpu.dma_semaphore, #tpu.memory_space<semaphore_mem>>
      %dma_start3A = tpu.memref_slice %arg5[%mul3A_12, %mul3A_14] : memref<10000x256xf32, #tpu.memory_space<hbm>> -> memref<624x128xf32, #tpu.memory_space<hbm>>
      %dma_start3A_20 = arith.constant 0 : i32
      %dma_start3A_21 = tpu.memref_slice %arg8[%mul3A_10, %dma_start3A_20] : memref<10000x128xf32, #tpu.memory_space<vmem_shared>> -> memref<624x128xf32, #tpu.memory_space<vmem_shared>>
      tpu.enqueue_dma source(%dma_start3A_21 : memref<624x128xf32, #tpu.memory_space<vmem_shared>>) target(%dma_start3A : memref<624x128xf32, #tpu.memory_space<hbm>>) target_semaphore(%run_scoped3A : memref<!tpu.dma_semaphore, #tpu.memory_space<semaphore_mem>>)
      %dma_wait3A = tpu.memref_slice %arg5[%mul3A_12, %mul3A_14] : memref<10000x256xf32, #tpu.memory_space<hbm>> -> memref<624x128xf32, #tpu.memory_space<hbm>>
      %dma_wait3A_22 = arith.constant 0 : i32
      %dma_wait3A_23 = tpu.memref_slice %arg8[%mul3A_10, %dma_wait3A_22] : memref<10000x128xf32, #tpu.memory_space<vmem_shared>> -> memref<624x128xf32, #tpu.memory_space<vmem_shared>>
      tpu.wait_dma2 semaphore(%run_scoped3A : memref<!tpu.dma_semaphore, #tpu.memory_space<semaphore_mem>>) src(%dma_wait3A_23 : memref<624x128xf32, #tpu.memory_space<vmem_shared>>) dst(%dma_wait3A : memref<624x128xf32, #tpu.memory_space<hbm>>)
      tpu.yield
    }) : () -> ()
    %eq3A_15 = arith.constant 15 : i32
    %eq3A_16 = arith.cmpi eq, %arg1, %eq3A_15 : i32
    %convert_element_type3A_17 = arith.extui %eq3A_16 : i1 to i32
    %cond3A_18 = arith.constant 0 : i32
    %cond3A_19 = arith.cmpi ne, %convert_element_type3A_17, %cond3A_18 : i32
    scf.if %cond3A_19 {
      %mul3A_20 = arith.constant 128 : i32
      %mul3A_21 = arith.muli %arg0, %mul3A_20 : i32
      "tpu.region"() ({
        %run_scoped3A = tpu.sem_alloc : memref<!tpu.dma_semaphore, #tpu.memory_space<semaphore_mem>>
        %dma_start3A = arith.constant 9984 : i32
        %dma_start3A_22 = tpu.memref_slice %arg5[%dma_start3A, %mul3A_21] : memref<10000x256xf32, #tpu.memory_space<hbm>> -> memref<16x128xf32, #tpu.memory_space<hbm>>
        %dma_start3A_23 = arith.constant 9984 : i32
        %dma_start3A_24 = arith.constant 0 : i32
        %dma_start3A_25 = tpu.memref_slice %arg8[%dma_start3A_23, %dma_start3A_24] : memref<10000x128xf32, #tpu.memory_space<vmem_shared>> -> memref<16x128xf32, #tpu.memory_space<vmem_shared>>
        tpu.enqueue_dma source(%dma_start3A_25 : memref<16x128xf32, #tpu.memory_space<vmem_shared>>) target(%dma_start3A_22 : memref<16x128xf32, #tpu.memory_space<hbm>>) target_semaphore(%run_scoped3A : memref<!tpu.dma_semaphore, #tpu.memory_space<semaphore_mem>>)
        %dma_wait3A = arith.constant 9984 : i32
        %dma_wait3A_26 = tpu.memref_slice %arg5[%dma_wait3A, %mul3A_21] : memref<10000x256xf32, #tpu.memory_space<hbm>> -> memref<16x128xf32, #tpu.memory_space<hbm>>
        %dma_wait3A_27 = arith.constant 9984 : i32
        %dma_wait3A_28 = arith.constant 0 : i32
        %dma_wait3A_29 = tpu.memref_slice %arg8[%dma_wait3A_27, %dma_wait3A_28] : memref<10000x128xf32, #tpu.memory_space<vmem_shared>> -> memref<16x128xf32, #tpu.memory_space<vmem_shared>>
        tpu.wait_dma2 semaphore(%run_scoped3A : memref<!tpu.dma_semaphore, #tpu.memory_space<semaphore_mem>>) src(%dma_wait3A_29 : memref<16x128xf32, #tpu.memory_space<vmem_shared>>) dst(%dma_wait3A_26 : memref<16x128xf32, #tpu.memory_space<hbm>>)
        tpu.yield
      }) : () -> ()
    } else {
    }
    return
  }
}

module attributes {stable_mosaic.version = 14 : i64} {
  func.func @_prep_init_body(%arg0: i32, %arg1: memref<2000x128xf32, #tpu.memory_space<vmem>>, %arg2: memref<128x200xf32, #tpu.memory_space<vmem>>, %arg3: memref<1x200xf32, #tpu.memory_space<vmem>>, %arg4: memref<128x200xf32, #tpu.memory_space<vmem>>, %arg5: memref<200x1xf32, #tpu.memory_space<vmem>>, %arg6: memref<2000x200xf32, #tpu.memory_space<vmem>>, %arg7: memref<2000x256xf32, #tpu.memory_space<vmem>>, %arg8: memref<2000x128xf32, #tpu.memory_space<vmem>>) attributes {dimension_semantics = [#tpu.dimension_semantics<arbitrary>], iteration_bounds = array<i64: 5>, scalar_prefetch = 0 : i64, scratch_operands = 0 : i64, tpu.core_type = #tpu.core_type<tc>, window_params = [{transform_indices = @transform_0, window_bounds = array<i64: 2000, 128>}, {pipeline_mode = #tpu.pipeline_mode<synchronous>, transform_indices = @transform_1, window_bounds = array<i64: 128, 200>}, {pipeline_mode = #tpu.pipeline_mode<synchronous>, transform_indices = @transform_2, window_bounds = array<i64: 1, 200>}, {pipeline_mode = #tpu.pipeline_mode<synchronous>, transform_indices = @transform_3, window_bounds = array<i64: 128, 200>}, {pipeline_mode = #tpu.pipeline_mode<synchronous>, transform_indices = @transform_4, window_bounds = array<i64: 200, 1>}, {transform_indices = @transform_5, window_bounds = array<i64: 2000, 200>}, {transform_indices = @transform_6, window_bounds = array<i64: 2000, 256>}, {transform_indices = @transform_7, window_bounds = array<i64: 2000, 128>}]} {
    %get3A = arith.constant 0 : index
    %get3A_0 = arith.constant 0 : index
    %get3A_1 = vector.load %arg1[%get3A, %get3A_0] : memref<2000x128xf32, #tpu.memory_space<vmem>>, vector<2000x128xf32>
    %get3A_2 = arith.constant 0 : index
    %get3A_3 = arith.constant 0 : index
    %get3A_4 = vector.load %arg2[%get3A_2, %get3A_3] : memref<128x200xf32, #tpu.memory_space<vmem>>, vector<128x200xf32>
    %dot_general3A = arith.constant dense<0.000000e+00> : vector<2000x200xf32>
    %dot_general3A_5 = tpu.matmul %get3A_1, %get3A_4, %dot_general3A {dimension_numbers = #tpu.dot_dimension_numbers<[1], [0], [0], [1], [0, 0, 1, 1], [], []>, transpose_lhs_hint = false} : vector<2000x128xf32>, vector<128x200xf32>, vector<2000x200xf32> -> vector<2000x200xf32>
    %get3A_6 = arith.constant 0 : index
    %get3A_7 = arith.constant 0 : index
    %get3A_8 = vector.load %arg3[%get3A_6, %get3A_7] : memref<1x200xf32, #tpu.memory_space<vmem>>, vector<1x200xf32>
    %add3A = vector.broadcast %get3A_8 : vector<1x200xf32> to vector<2000x200xf32>
    %add3A_9 = arith.addf %dot_general3A_5, %add3A : vector<2000x200xf32>
    %ge3A = arith.constant 0.000000e+00 : f32
    %ge3A_10 = vector.broadcast %ge3A : f32 to vector<2000x200xf32>
    %ge3A_11 = arith.cmpf oge, %add3A_9, %ge3A_10 : vector<2000x200xf32>
    %mul3A = arith.constant 0.00999999977 : f32
    %mul3A_12 = vector.broadcast %mul3A : f32 to vector<2000x200xf32>
    %mul3A_13 = arith.mulf %mul3A_12, %add3A_9 : vector<2000x200xf32>
    %select_n3A = arith.select %ge3A_11, %add3A_9, %mul3A_13 : vector<2000x200xi1>, vector<2000x200xf32>
    %swap3A = arith.constant 0 : index
    %swap3A_14 = arith.constant 0 : index
    %swap3A_15 = vector.load %arg6[%swap3A, %swap3A_14] : memref<2000x200xf32, #tpu.memory_space<vmem>>, vector<2000x200xf32>
    tpu.vector_store %arg6[%swap3A, %swap3A_14], %select_n3A {strides = array<i32>} : memref<2000x200xf32, #tpu.memory_space<vmem>>, vector<2000x200xf32>,
    %get3A_16 = arith.constant 0 : index
    %get3A_17 = arith.constant 0 : index
    %get3A_18 = vector.load %arg1[%get3A_16, %get3A_17] : memref<2000x128xf32, #tpu.memory_space<vmem>>, vector<2000x128xf32>
    %get3A_19 = arith.constant 0 : index
    %get3A_20 = arith.constant 0 : index
    %get3A_21 = vector.load %arg4[%get3A_19, %get3A_20] : memref<128x200xf32, #tpu.memory_space<vmem>>, vector<128x200xf32>
    %dot_general3A_22 = arith.constant dense<0.000000e+00> : vector<2000x200xf32>
    %dot_general3A_23 = tpu.matmul %get3A_18, %get3A_21, %dot_general3A_22 {dimension_numbers = #tpu.dot_dimension_numbers<[1], [0], [0], [1], [0, 0, 1, 1], [], []>, transpose_lhs_hint = false} : vector<2000x128xf32>, vector<128x200xf32>, vector<2000x200xf32> -> vector<2000x200xf32>
    %broadcast_in_dim3A = arith.constant 0.000000e+00 : f32
    %broadcast_in_dim3A_24 = vector.broadcast %broadcast_in_dim3A : f32 to vector<2000x56xf32>
    %concatenate3A = tpu.concatenate %dot_general3A_23, %broadcast_in_dim3A_24 in 1 : vector<2000x200xf32>, vector<2000x56xf32> -> vector<2000x256xf32>
    %swap3A_25 = arith.constant 0 : index
    %swap3A_26 = arith.constant 0 : index
    %swap3A_27 = vector.load %arg7[%swap3A_25, %swap3A_26] : memref<2000x256xf32, #tpu.memory_space<vmem>>, vector<2000x256xf32>
    tpu.vector_store %arg7[%swap3A_25, %swap3A_26], %concatenate3A {strides = array<i32>} : memref<2000x256xf32, #tpu.memory_space<vmem>>, vector<2000x256xf32>,
    %get3A_28 = arith.constant 0 : index
    %get3A_29 = arith.constant 0 : index
    %get3A_30 = vector.load %arg5[%get3A_28, %get3A_29] : memref<200x1xf32, #tpu.memory_space<vmem>>, vector<200x1xf32>
    %dot_general3A_31 = arith.constant dense<0.000000e+00> : vector<2000x1xf32>
    %dot_general3A_32 = tpu.matmul %select_n3A, %get3A_30, %dot_general3A_31 {dimension_numbers = #tpu.dot_dimension_numbers<[1], [0], [0], [1], [0, 0, 1, 1], [], []>, transpose_lhs_hint = false} : vector<2000x200xf32>, vector<200x1xf32>, vector<2000x1xf32> -> vector<2000x1xf32>
    %broadcast_in_dim3A_33 = arith.constant 0.000000e+00 : f32
    %broadcast_in_dim3A_34 = vector.broadcast %broadcast_in_dim3A_33 : f32 to vector<2000x127xf32>
    %concatenate3A_35 = tpu.concatenate %dot_general3A_32, %broadcast_in_dim3A_34 in 1 : vector<2000x1xf32>, vector<2000x127xf32> -> vector<2000x128xf32>
    %swap3A_36 = arith.constant 0 : index
    %swap3A_37 = arith.constant 0 : index
    %swap3A_38 = vector.load %arg8[%swap3A_36, %swap3A_37] : memref<2000x128xf32, #tpu.memory_space<vmem>>, vector<2000x128xf32>
    tpu.vector_store %arg8[%swap3A_36, %swap3A_37], %concatenate3A_35 {strides = array<i32>} : memref<2000x128xf32, #tpu.memory_space<vmem>>, vector<2000x128xf32>,
    return
  }
  func.func @transform_0(%arg0: i32) -> (i32, i32) {
    %c0_i32 = arith.constant 0 : i32
    %c0_i32_0 = arith.constant 0 : i32
    return %arg0, %c0_i32 : i32, i32
  }
  func.func @transform_1(%arg0: i32) -> (i32, i32) {
    %c0_i32 = arith.constant 0 : i32
    %c0_i32_0 = arith.constant 0 : i32
    %c0_i32_1 = arith.constant 0 : i32
    return %c0_i32, %c0_i32_0 : i32, i32
  }
  func.func @transform_2(%arg0: i32) -> (i32, i32) {
    %c0_i32 = arith.constant 0 : i32
    %c0_i32_0 = arith.constant 0 : i32
    %c0_i32_1 = arith.constant 0 : i32
    return %c0_i32, %c0_i32_0 : i32, i32
  }
  func.func @transform_3(%arg0: i32) -> (i32, i32) {
    %c0_i32 = arith.constant 0 : i32
    %c0_i32_0 = arith.constant 0 : i32
    %c0_i32_1 = arith.constant 0 : i32
    return %c0_i32, %c0_i32_0 : i32, i32
  }
  func.func @transform_4(%arg0: i32) -> (i32, i32) {
    %c0_i32 = arith.constant 0 : i32
    %c0_i32_0 = arith.constant 0 : i32
    %c0_i32_1 = arith.constant 0 : i32
    return %c0_i32, %c0_i32_0 : i32, i32
  }
  func.func @transform_5(%arg0: i32) -> (i32, i32) {
    %c0_i32 = arith.constant 0 : i32
    %c0_i32_0 = arith.constant 0 : i32
    return %arg0, %c0_i32 : i32, i32
  }
  func.func @transform_6(%arg0: i32) -> (i32, i32) {
    %c0_i32 = arith.constant 0 : i32
    %c0_i32_0 = arith.constant 0 : i32
    return %arg0, %c0_i32 : i32, i32
  }
  func.func @transform_7(%arg0: i32) -> (i32, i32) {
    %c0_i32 = arith.constant 0 : i32
    %c0_i32_0 = arith.constant 0 : i32
    return %arg0, %c0_i32 : i32, i32
  }
}

module attributes {stable_mosaic.version = 14 : i64} {
  func.func @_edge_init_body(%arg0: i32, %arg1: memref<2000x256xf32, #tpu.memory_space<vmem>>, %arg2: memref<2000x16xf32, #tpu.memory_space<vmem>>, %arg3: memref<2000x128xf32, #tpu.memory_space<vmem>>, %arg4: memref<16x200xf32, #tpu.memory_space<vmem>>, %arg5: memref<1x200xf32, #tpu.memory_space<vmem>>, %arg6: memref<200x1xf32, #tpu.memory_space<vmem>>, %arg7: memref<1x1xf32, #tpu.memory_space<vmem>>, %arg8: memref<200x200xf32, #tpu.memory_space<vmem>>, %arg9: memref<1x200xf32, #tpu.memory_space<vmem>>, %arg10: memref<2000x256xf32, #tpu.memory_space<vmem>>) attributes {dimension_semantics = [#tpu.dimension_semantics<arbitrary>], iteration_bounds = array<i64: 160>, scalar_prefetch = 0 : i64, scratch_operands = 0 : i64, tpu.core_type = #tpu.core_type<tc>, window_params = [{transform_indices = @transform_0, window_bounds = array<i64: 2000, 256>}, {transform_indices = @transform_1, window_bounds = array<i64: 2000, 16>}, {transform_indices = @transform_2, window_bounds = array<i64: 2000, 128>}, {pipeline_mode = #tpu.pipeline_mode<synchronous>, transform_indices = @transform_3, window_bounds = array<i64: 16, 200>}, {pipeline_mode = #tpu.pipeline_mode<synchronous>, transform_indices = @transform_4, window_bounds = array<i64: 1, 200>}, {pipeline_mode = #tpu.pipeline_mode<synchronous>, transform_indices = @transform_5, window_bounds = array<i64: 200, 1>}, {pipeline_mode = #tpu.pipeline_mode<synchronous>, transform_indices = @transform_6, window_bounds = array<i64: 1, 1>}, {pipeline_mode = #tpu.pipeline_mode<synchronous>, transform_indices = @transform_7, window_bounds = array<i64: 200, 200>}, {pipeline_mode = #tpu.pipeline_mode<synchronous>, transform_indices = @transform_8, window_bounds = array<i64: 1, 200>}, {transform_indices = @transform_9, window_bounds = array<i64: 2000, 256>}]} {
    %get3A = arith.constant 0 : index
    %get3A_0 = arith.constant 0 : index
    %get3A_1 = vector.load %arg1[%get3A, %get3A_0] : memref<2000x256xf32, #tpu.memory_space<vmem>>, vector<2000x200xf32>
    %get3A_2 = arith.constant 0 : index
    %get3A_3 = arith.constant 0 : index
    %get3A_4 = vector.load %arg2[%get3A_2, %get3A_3] : memref<2000x16xf32, #tpu.memory_space<vmem>>, vector<2000x16xf32>
    %get3A_5 = arith.constant 0 : index
    %get3A_6 = arith.constant 0 : index
    %get3A_7 = vector.load %arg4[%get3A_5, %get3A_6] : memref<16x200xf32, #tpu.memory_space<vmem>>, vector<16x200xf32>
    %dot_general3A = arith.constant dense<0.000000e+00> : vector<2000x200xf32>
    %dot_general3A_8 = tpu.matmul %get3A_4, %get3A_7, %dot_general3A {dimension_numbers = #tpu.dot_dimension_numbers<[1], [0], [0], [1], [0, 0, 1, 1], [], []>, transpose_lhs_hint = false} : vector<2000x16xf32>, vector<16x200xf32>, vector<2000x200xf32> -> vector<2000x200xf32>
    %add3A = arith.addf %get3A_1, %dot_general3A_8 : vector<2000x200xf32>
    %get3A_9 = arith.constant 0 : index
    %get3A_10 = arith.constant 0 : index
    %get3A_11 = vector.load %arg5[%get3A_9, %get3A_10] : memref<1x200xf32, #tpu.memory_space<vmem>>, vector<1x200xf32>
    %add3A_12 = vector.broadcast %get3A_11 : vector<1x200xf32> to vector<2000x200xf32>
    %add3A_13 = arith.addf %add3A, %add3A_12 : vector<2000x200xf32>
    %ge3A = arith.constant 0.000000e+00 : f32
    %ge3A_14 = vector.broadcast %ge3A : f32 to vector<2000x200xf32>
    %ge3A_15 = arith.cmpf oge, %add3A_13, %ge3A_14 : vector<2000x200xf32>
    %mul3A = arith.constant 0.00999999977 : f32
    %mul3A_16 = vector.broadcast %mul3A : f32 to vector<2000x200xf32>
    %mul3A_17 = arith.mulf %mul3A_16, %add3A_13 : vector<2000x200xf32>
    %select_n3A = arith.select %ge3A_15, %add3A_13, %mul3A_17 : vector<2000x200xi1>, vector<2000x200xf32>
    %get3A_18 = arith.constant 0 : index
    %get3A_19 = arith.constant 0 : index
    %get3A_20 = vector.load %arg6[%get3A_18, %get3A_19] : memref<200x1xf32, #tpu.memory_space<vmem>>, vector<200x1xf32>
    %dot_general3A_21 = arith.constant dense<0.000000e+00> : vector<2000x1xf32>
    %dot_general3A_22 = tpu.matmul %select_n3A, %get3A_20, %dot_general3A_21 {dimension_numbers = #tpu.dot_dimension_numbers<[1], [0], [0], [1], [0, 0, 1, 1], [], []>, transpose_lhs_hint = false} : vector<2000x200xf32>, vector<200x1xf32>, vector<2000x1xf32> -> vector<2000x1xf32>
    %get3A_23 = arith.constant 0 : index
    %get3A_24 = arith.constant 0 : index
    %get3A_25 = vector.load %arg3[%get3A_23, %get3A_24] : memref<2000x128xf32, #tpu.memory_space<vmem>>, vector<2000x1xf32>
    %add3A_26 = arith.addf %get3A_25, %dot_general3A_22 : vector<2000x1xf32>
    %get3A_27 = arith.constant 0 : index
    %get3A_28 = arith.constant 0 : index
    %get3A_29 = vector.load %arg7[%get3A_27, %get3A_28] : memref<1x1xf32, #tpu.memory_space<vmem>>, vector<1x1xf32>
    %add3A_30 = vector.broadcast %get3A_29 : vector<1x1xf32> to vector<2000x1xf32>
    %add3A_31 = arith.addf %add3A_26, %add3A_30 : vector<2000x1xf32>
    %ge3A_32 = arith.constant 0.000000e+00 : f32
    %ge3A_33 = vector.broadcast %ge3A_32 : f32 to vector<2000x1xf32>
    %ge3A_34 = arith.cmpf oge, %add3A_31, %ge3A_33 : vector<2000x1xf32>
    %mul3A_35 = arith.constant 0.00999999977 : f32
    %mul3A_36 = vector.broadcast %mul3A_35 : f32 to vector<2000x1xf32>
    %mul3A_37 = arith.mulf %mul3A_36, %add3A_31 : vector<2000x1xf32>
    %select_n3A_38 = arith.select %ge3A_34, %add3A_31, %mul3A_37 : vector<2000x1xi1>, vector<2000x1xf32>
    %exp3A = math.exp %select_n3A_38 : vector<2000x1xf32>
    %get3A_39 = arith.constant 0 : index
    %get3A_40 = arith.constant 0 : index
    %get3A_41 = vector.load %arg8[%get3A_39, %get3A_40] : memref<200x200xf32, #tpu.memory_space<vmem>>, vector<200x200xf32>
    %dot_general3A_42 = arith.constant dense<0.000000e+00> : vector<2000x200xf32>
    %dot_general3A_43 = tpu.matmul %select_n3A, %get3A_41, %dot_general3A_42 {dimension_numbers = #tpu.dot_dimension_numbers<[1], [0], [0], [1], [0, 0, 1, 1], [], []>, transpose_lhs_hint = false} : vector<2000x200xf32>, vector<200x200xf32>, vector<2000x200xf32> -> vector<2000x200xf32>
    %get3A_44 = arith.constant 0 : index
    %get3A_45 = arith.constant 0 : index
    %get3A_46 = vector.load %arg9[%get3A_44, %get3A_45] : memref<1x200xf32, #tpu.memory_space<vmem>>, vector<1x200xf32>
    %add3A_47 = vector.broadcast %get3A_46 : vector<1x200xf32> to vector<2000x200xf32>
    %add3A_48 = arith.addf %dot_general3A_43, %add3A_47 : vector<2000x200xf32>
    %mul3A_49 = vector.broadcast %exp3A : vector<2000x1xf32> to vector<2000x200xf32>
    %mul3A_50 = arith.mulf %mul3A_49, %add3A_48 : vector<2000x200xf32>
    %broadcast_in_dim3A = arith.constant 0.000000e+00 : f32
    %broadcast_in_dim3A_51 = vector.broadcast %broadcast_in_dim3A : f32 to vector<2000x55xf32>
    %concatenate3A = tpu.concatenate %mul3A_50, %exp3A, %broadcast_in_dim3A_51 in 1 : vector<2000x200xf32>, vector<2000x1xf32>, vector<2000x55xf32> -> vector<2000x256xf32>
    %swap3A = arith.constant 0 : index
    %swap3A_52 = arith.constant 0 : index
    %swap3A_53 = vector.load %arg10[%swap3A, %swap3A_52] : memref<2000x256xf32, #tpu.memory_space<vmem>>, vector<2000x256xf32>
    tpu.vector_store %arg10[%swap3A, %swap3A_52], %concatenate3A {strides = array<i32>} : memref<2000x256xf32, #tpu.memory_space<vmem>>, vector<2000x256xf32>,
    return
  }
  func.func @transform_0(%arg0: i32) -> (i32, i32) {
    %c0_i32 = arith.constant 0 : i32
    %c0_i32_0 = arith.constant 0 : i32
    return %arg0, %c0_i32 : i32, i32
  }
  func.func @transform_1(%arg0: i32) -> (i32, i32) {
    %c0_i32 = arith.constant 0 : i32
    %c0_i32_0 = arith.constant 0 : i32
    return %arg0, %c0_i32 : i32, i32
  }
  func.func @transform_2(%arg0: i32) -> (i32, i32) {
    %c0_i32 = arith.constant 0 : i32
    %c0_i32_0 = arith.constant 0 : i32
    return %arg0, %c0_i32 : i32, i32
  }
  func.func @transform_3(%arg0: i32) -> (i32, i32) {
    %c0_i32 = arith.constant 0 : i32
    %c0_i32_0 = arith.constant 0 : i32
    %c0_i32_1 = arith.constant 0 : i32
    return %c0_i32, %c0_i32_0 : i32, i32
  }
  func.func @transform_4(%arg0: i32) -> (i32, i32) {
    %c0_i32 = arith.constant 0 : i32
    %c0_i32_0 = arith.constant 0 : i32
    %c0_i32_1 = arith.constant 0 : i32
    return %c0_i32, %c0_i32_0 : i32, i32
  }
  func.func @transform_5(%arg0: i32) -> (i32, i32) {
    %c0_i32 = arith.constant 0 : i32
    %c0_i32_0 = arith.constant 0 : i32
    %c0_i32_1 = arith.constant 0 : i32
    return %c0_i32, %c0_i32_0 : i32, i32
  }
  func.func @transform_6(%arg0: i32) -> (i32, i32) {
    %c0_i32 = arith.constant 0 : i32
    %c0_i32_0 = arith.constant 0 : i32
    %c0_i32_1 = arith.constant 0 : i32
    return %c0_i32, %c0_i32_0 : i32, i32
  }
  func.func @transform_7(%arg0: i32) -> (i32, i32) {
    %c0_i32 = arith.constant 0 : i32
    %c0_i32_0 = arith.constant 0 : i32
    %c0_i32_1 = arith.constant 0 : i32
    return %c0_i32, %c0_i32_0 : i32, i32
  }
  func.func @transform_8(%arg0: i32) -> (i32, i32) {
    %c0_i32 = arith.constant 0 : i32
    %c0_i32_0 = arith.constant 0 : i32
    %c0_i32_1 = arith.constant 0 : i32
    return %c0_i32, %c0_i32_0 : i32, i32
  }
  func.func @transform_9(%arg0: i32) -> (i32, i32) {
    %c0_i32 = arith.constant 0 : i32
    %c0_i32_0 = arith.constant 0 : i32
    return %arg0, %c0_i32 : i32, i32
  }
}

module attributes {stable_mosaic.version = 14 : i64} {
  func.func @_update_init_body(%arg0: i32, %arg1: memref<2000x256xf32, #tpu.memory_space<vmem>>, %arg2: memref<2000x200xf32, #tpu.memory_space<vmem>>, %arg3: memref<200x600xf32, #tpu.memory_space<vmem>>, %arg4: memref<1x600xf32, #tpu.memory_space<vmem>>, %arg5: memref<200x600xf32, #tpu.memory_space<vmem>>, %arg6: memref<1x600xf32, #tpu.memory_space<vmem>>, %arg7: memref<200x200xf32, #tpu.memory_space<vmem>>, %arg8: memref<1x200xf32, #tpu.memory_space<vmem>>, %arg9: memref<200x1xf32, #tpu.memory_space<vmem>>, %arg10: memref<200x1xf32, #tpu.memory_space<vmem>>, %arg11: memref<2000x200xf32, #tpu.memory_space<vmem>>, %arg12: memref<2000x256xf32, #tpu.memory_space<vmem>>, %arg13: memref<2000x128xf32, #tpu.memory_space<vmem>>) attributes {dimension_semantics = [#tpu.dimension_semantics<arbitrary>], iteration_bounds = array<i64: 5>, scalar_prefetch = 0 : i64, scratch_operands = 0 : i64, tpu.core_type = #tpu.core_type<tc>, window_params = [{transform_indices = @transform_0, window_bounds = array<i64: 2000, 256>}, {transform_indices = @transform_1, window_bounds = array<i64: 2000, 200>}, {pipeline_mode = #tpu.pipeline_mode<synchronous>, transform_indices = @transform_2, window_bounds = array<i64: 200, 600>}, {pipeline_mode = #tpu.pipeline_mode<synchronous>, transform_indices = @transform_3, window_bounds = array<i64: 1, 600>}, {pipeline_mode = #tpu.pipeline_mode<synchronous>, transform_indices = @transform_4, window_bounds = array<i64: 200, 600>}, {pipeline_mode = #tpu.pipeline_mode<synchronous>, transform_indices = @transform_5, window_bounds = array<i64: 1, 600>}, {pipeline_mode = #tpu.pipeline_mode<synchronous>, transform_indices = @transform_6, window_bounds = array<i64: 200, 200>}, {pipeline_mode = #tpu.pipeline_mode<synchronous>, transform_indices = @transform_7, window_bounds = array<i64: 1, 200>}, {pipeline_mode = #tpu.pipeline_mode<synchronous>, transform_indices = @transform_8, window_bounds = array<i64: 200, 1>}, {pipeline_mode = #tpu.pipeline_mode<synchronous>, transform_indices = @transform_9, window_bounds = array<i64: 200, 1>}, {transform_indices = @transform_10, window_bounds = array<i64: 2000, 200>}, {transform_indices = @transform_11, window_bounds = array<i64: 2000, 256>}, {transform_indices = @transform_12, window_bounds = array<i64: 2000, 128>}]} {
    %get3A = arith.constant 0 : index
    %get3A_0 = arith.constant 200 : index
    %get3A_1 = vector.load %arg1[%get3A, %get3A_0] : memref<2000x256xf32, #tpu.memory_space<vmem>>, vector<2000x1xf32>
    %add3A = arith.constant 1.000000e-16 : f32
    %add3A_2 = vector.broadcast %add3A : f32 to vector<2000x1xf32>
    %add3A_3 = arith.addf %get3A_1, %add3A_2 : vector<2000x1xf32>
    %div3A = arith.constant 1.000000e+00 : f32
    %div3A_4 = vector.broadcast %div3A : f32 to vector<2000x1xf32>
    %div3A_5 = arith.divf %div3A_4, %add3A_3 : vector<2000x1xf32>
    %get3A_6 = arith.constant 0 : index
    %get3A_7 = arith.constant 0 : index
    %get3A_8 = vector.load %arg1[%get3A_6, %get3A_7] : memref<2000x256xf32, #tpu.memory_space<vmem>>, vector<2000x200xf32>
    %mul3A = vector.broadcast %div3A_5 : vector<2000x1xf32> to vector<2000x200xf32>
    %mul3A_9 = arith.mulf %get3A_8, %mul3A : vector<2000x200xf32>
    %gt3A = arith.constant 0.000000e+00 : f32
    %gt3A_10 = vector.broadcast %gt3A : f32 to vector<2000x200xf32>
    %gt3A_11 = arith.cmpf ogt, %mul3A_9, %gt3A_10 : vector<2000x200xf32>
    %min3A = arith.constant 0.000000e+00 : f32
    %min3A_12 = vector.broadcast %min3A : f32 to vector<2000x200xf32>
    %min3A_13 = arith.minimumf %mul3A_9, %min3A_12 : vector<2000x200xf32>
    %exp3A = math.exp %min3A_13 : vector<2000x200xf32>
    %sub3A = arith.constant 1.000000e+00 : f32
    %sub3A_14 = vector.broadcast %sub3A : f32 to vector<2000x200xf32>
    %sub3A_15 = arith.subf %exp3A, %sub3A_14 : vector<2000x200xf32>
    %select_n3A = arith.select %gt3A_11, %mul3A_9, %sub3A_15 : vector<2000x200xi1>, vector<2000x200xf32>
    %get3A_16 = arith.constant 0 : index
    %get3A_17 = arith.constant 0 : index
    %get3A_18 = vector.load %arg2[%get3A_16, %get3A_17] : memref<2000x200xf32, #tpu.memory_space<vmem>>, vector<2000x200xf32>
    %get3A_19 = arith.constant 0 : index
    %get3A_20 = arith.constant 0 : index
    %get3A_21 = vector.load %arg3[%get3A_19, %get3A_20] : memref<200x600xf32, #tpu.memory_space<vmem>>, vector<200x600xf32>
    %get3A_22 = arith.constant 0 : index
    %get3A_23 = arith.constant 0 : index
    %get3A_24 = vector.load %arg4[%get3A_22, %get3A_23] : memref<1x600xf32, #tpu.memory_space<vmem>>, vector<1x600xf32>
    %get3A_25 = arith.constant 0 : index
    %get3A_26 = arith.constant 0 : index
    %get3A_27 = vector.load %arg5[%get3A_25, %get3A_26] : memref<200x600xf32, #tpu.memory_space<vmem>>, vector<200x600xf32>
    %get3A_28 = arith.constant 0 : index
    %get3A_29 = arith.constant 0 : index
    %get3A_30 = vector.load %arg6[%get3A_28, %get3A_29] : memref<1x600xf32, #tpu.memory_space<vmem>>, vector<1x600xf32>
    %dot_general3A = arith.constant dense<0.000000e+00> : vector<2000x600xf32>
    %dot_general3A_31 = tpu.matmul %select_n3A, %get3A_21, %dot_general3A {dimension_numbers = #tpu.dot_dimension_numbers<[1], [0], [0], [1], [0, 0, 1, 1], [], []>, transpose_lhs_hint = false} : vector<2000x200xf32>, vector<200x600xf32>, vector<2000x600xf32> -> vector<2000x600xf32>
    %add3A_32 = vector.broadcast %get3A_24 : vector<1x600xf32> to vector<2000x600xf32>
    %add3A_33 = arith.addf %dot_general3A_31, %add3A_32 : vector<2000x600xf32>
    %dot_general3A_34 = arith.constant dense<0.000000e+00> : vector<2000x600xf32>
    %dot_general3A_35 = tpu.matmul %get3A_18, %get3A_27, %dot_general3A_34 {dimension_numbers = #tpu.dot_dimension_numbers<[1], [0], [0], [1], [0, 0, 1, 1], [], []>, transpose_lhs_hint = false} : vector<2000x200xf32>, vector<200x600xf32>, vector<2000x600xf32> -> vector<2000x600xf32>
    %add3A_36 = vector.broadcast %get3A_30 : vector<1x600xf32> to vector<2000x600xf32>
    %add3A_37 = arith.addf %dot_general3A_35, %add3A_36 : vector<2000x600xf32>
    %slice3A = vector.extract_strided_slice %add3A_33 {offsets = [0, 0], sizes = [2000, 200], strides = [1, 1]} : vector<2000x600xf32> to vector<2000x200xf32>
    %slice3A_38 = vector.extract_strided_slice %add3A_37 {offsets = [0, 0], sizes = [2000, 200], strides = [1, 1]} : vector<2000x600xf32> to vector<2000x200xf32>
    %add3A_39 = arith.addf %slice3A, %slice3A_38 : vector<2000x200xf32>
    %logistic3A = arith.negf %add3A_39 : vector<2000x200xf32>
    %logistic3A_40 = math.exp %logistic3A : vector<2000x200xf32>
    %logistic3A_41 = arith.constant 1.000000e+00 : f32
    %logistic3A_42 = vector.broadcast %logistic3A_41 : f32 to vector<2000x200xf32>
    %logistic3A_43 = arith.addf %logistic3A_42, %logistic3A_40 : vector<2000x200xf32>
    %logistic3A_44 = arith.divf %logistic3A_42, %logistic3A_43 : vector<2000x200xf32>
    %slice3A_45 = vector.extract_strided_slice %add3A_33 {offsets = [0, 200], sizes = [2000, 200], strides = [1, 1]} : vector<2000x600xf32> to vector<2000x200xf32>
    %slice3A_46 = vector.extract_strided_slice %add3A_37 {offsets = [0, 200], sizes = [2000, 200], strides = [1, 1]} : vector<2000x600xf32> to vector<2000x200xf32>
    %add3A_47 = arith.addf %slice3A_45, %slice3A_46 : vector<2000x200xf32>
    %logistic3A_48 = arith.negf %add3A_47 : vector<2000x200xf32>
    %logistic3A_49 = math.exp %logistic3A_48 : vector<2000x200xf32>
    %logistic3A_50 = arith.constant 1.000000e+00 : f32
    %logistic3A_51 = vector.broadcast %logistic3A_50 : f32 to vector<2000x200xf32>
    %logistic3A_52 = arith.addf %logistic3A_51, %logistic3A_49 : vector<2000x200xf32>
    %logistic3A_53 = arith.divf %logistic3A_51, %logistic3A_52 : vector<2000x200xf32>
    %slice3A_54 = vector.extract_strided_slice %add3A_33 {offsets = [0, 400], sizes = [2000, 200], strides = [1, 1]} : vector<2000x600xf32> to vector<2000x200xf32>
    %slice3A_55 = vector.extract_strided_slice %add3A_37 {offsets = [0, 400], sizes = [2000, 200], strides = [1, 1]} : vector<2000x600xf32> to vector<2000x200xf32>
    %mul3A_56 = arith.mulf %logistic3A_44, %slice3A_55 : vector<2000x200xf32>
    %add3A_57 = arith.addf %slice3A_54, %mul3A_56 : vector<2000x200xf32>
    %tanh3A = math.tanh %add3A_57 : vector<2000x200xf32>
    %sub3A_58 = arith.constant 1.000000e+00 : f32
    %sub3A_59 = vector.broadcast %sub3A_58 : f32 to vector<2000x200xf32>
    %sub3A_60 = arith.subf %sub3A_59, %logistic3A_53 : vector<2000x200xf32>
    %mul3A_61 = arith.mulf %sub3A_60, %tanh3A : vector<2000x200xf32>
    %mul3A_62 = arith.mulf %logistic3A_53, %get3A_18 : vector<2000x200xf32>
    %add3A_63 = arith.addf %mul3A_61, %mul3A_62 : vector<2000x200xf32>
    %max3A = arith.constant 0.000000e+00 : f32
    %max3A_64 = vector.broadcast %max3A : f32 to vector<2000x200xf32>
    %max3A_65 = arith.maximumf %add3A_63, %max3A_64 : vector<2000x200xf32>
    %swap3A = arith.constant 0 : index
    %swap3A_66 = arith.constant 0 : index
    %swap3A_67 = vector.load %arg11[%swap3A, %swap3A_66] : memref<2000x200xf32, #tpu.memory_space<vmem>>, vector<2000x200xf32>
    tpu.vector_store %arg11[%swap3A, %swap3A_66], %max3A_65 {strides = array<i32>} : memref<2000x200xf32, #tpu.memory_space<vmem>>, vector<2000x200xf32>,
    %get3A_68 = arith.constant 0 : index
    %get3A_69 = arith.constant 0 : index
    %get3A_70 = vector.load %arg7[%get3A_68, %get3A_69] : memref<200x200xf32, #tpu.memory_space<vmem>>, vector<200x200xf32>
    %dot_general3A_71 = arith.constant dense<0.000000e+00> : vector<2000x200xf32>
    %dot_general3A_72 = tpu.matmul %max3A_65, %get3A_70, %dot_general3A_71 {dimension_numbers = #tpu.dot_dimension_numbers<[1], [0], [0], [1], [0, 0, 1, 1], [], []>, transpose_lhs_hint = false} : vector<2000x200xf32>, vector<200x200xf32>, vector<2000x200xf32> -> vector<2000x200xf32>
    %get3A_73 = arith.constant 0 : index
    %get3A_74 = arith.constant 0 : index
    %get3A_75 = vector.load %arg8[%get3A_73, %get3A_74] : memref<1x200xf32, #tpu.memory_space<vmem>>, vector<1x200xf32>
    %add3A_76 = vector.broadcast %get3A_75 : vector<1x200xf32> to vector<2000x200xf32>
    %add3A_77 = arith.addf %dot_general3A_72, %add3A_76 : vector<2000x200xf32>
    %get3A_78 = arith.constant 0 : index
    %get3A_79 = arith.constant 0 : index
    %get3A_80 = vector.load %arg10[%get3A_78, %get3A_79] : memref<200x1xf32, #tpu.memory_space<vmem>>, vector<200x1xf32>
    %dot_general3A_81 = arith.constant dense<0.000000e+00> : vector<2000x1xf32>
    %dot_general3A_82 = tpu.matmul %max3A_65, %get3A_80, %dot_general3A_81 {dimension_numbers = #tpu.dot_dimension_numbers<[1], [0], [0], [1], [0, 0, 1, 1], [], []>, transpose_lhs_hint = false} : vector<2000x200xf32>, vector<200x1xf32>, vector<2000x1xf32> -> vector<2000x1xf32>
    %broadcast_in_dim3A = arith.constant 0.000000e+00 : f32
    %broadcast_in_dim3A_83 = vector.broadcast %broadcast_in_dim3A : f32 to vector<2000x55xf32>
    %concatenate3A = tpu.concatenate %add3A_77, %dot_general3A_82, %broadcast_in_dim3A_83 in 1 : vector<2000x200xf32>, vector<2000x1xf32>, vector<2000x55xf32> -> vector<2000x256xf32>
    %swap3A_84 = arith.constant 0 : index
    %swap3A_85 = arith.constant 0 : index
    %swap3A_86 = vector.load %arg12[%swap3A_84, %swap3A_85] : memref<2000x256xf32, #tpu.memory_space<vmem>>, vector<2000x256xf32>
    tpu.vector_store %arg12[%swap3A_84, %swap3A_85], %concatenate3A {strides = array<i32>} : memref<2000x256xf32, #tpu.memory_space<vmem>>, vector<2000x256xf32>,
    %get3A_87 = arith.constant 0 : index
    %get3A_88 = arith.constant 0 : index
    %get3A_89 = vector.load %arg9[%get3A_87, %get3A_88] : memref<200x1xf32, #tpu.memory_space<vmem>>, vector<200x1xf32>
    %dot_general3A_90 = arith.constant dense<0.000000e+00> : vector<2000x1xf32>
    %dot_general3A_91 = tpu.matmul %max3A_65, %get3A_89, %dot_general3A_90 {dimension_numbers = #tpu.dot_dimension_numbers<[1], [0], [0], [1], [0, 0, 1, 1], [], []>, transpose_lhs_hint = false} : vector<2000x200xf32>, vector<200x1xf32>, vector<2000x1xf32> -> vector<2000x1xf32>
    %broadcast_in_dim3A_92 = arith.constant 0.000000e+00 : f32
    %broadcast_in_dim3A_93 = vector.broadcast %broadcast_in_dim3A_92 : f32 to vector<2000x127xf32>
    %concatenate3A_94 = tpu.concatenate %dot_general3A_91, %broadcast_in_dim3A_93 in 1 : vector<2000x1xf32>, vector<2000x127xf32> -> vector<2000x128xf32>
    %swap3A_95 = arith.constant 0 : index
    %swap3A_96 = arith.constant 0 : index
    %swap3A_97 = vector.load %arg13[%swap3A_95, %swap3A_96] : memref<2000x128xf32, #tpu.memory_space<vmem>>, vector<2000x128xf32>
    tpu.vector_store %arg13[%swap3A_95, %swap3A_96], %concatenate3A_94 {strides = array<i32>} : memref<2000x128xf32, #tpu.memory_space<vmem>>, vector<2000x128xf32>,
    return
  }
  func.func @transform_0(%arg0: i32) -> (i32, i32) {
    %c0_i32 = arith.constant 0 : i32
    %c0_i32_0 = arith.constant 0 : i32
    return %arg0, %c0_i32 : i32, i32
  }
  func.func @transform_1(%arg0: i32) -> (i32, i32) {
    %c0_i32 = arith.constant 0 : i32
    %c0_i32_0 = arith.constant 0 : i32
    return %arg0, %c0_i32 : i32, i32
  }
  func.func @transform_2(%arg0: i32) -> (i32, i32) {
    %c0_i32 = arith.constant 0 : i32
    %c0_i32_0 = arith.constant 0 : i32
    %c0_i32_1 = arith.constant 0 : i32
    return %c0_i32, %c0_i32_0 : i32, i32
  }
  func.func @transform_3(%arg0: i32) -> (i32, i32) {
    %c0_i32 = arith.constant 0 : i32
    %c0_i32_0 = arith.constant 0 : i32
    %c0_i32_1 = arith.constant 0 : i32
    return %c0_i32, %c0_i32_0 : i32, i32
  }
  func.func @transform_4(%arg0: i32) -> (i32, i32) {
    %c0_i32 = arith.constant 0 : i32
    %c0_i32_0 = arith.constant 0 : i32
    %c0_i32_1 = arith.constant 0 : i32
    return %c0_i32, %c0_i32_0 : i32, i32
  }
  func.func @transform_5(%arg0: i32) -> (i32, i32) {
    %c0_i32 = arith.constant 0 : i32
    %c0_i32_0 = arith.constant 0 : i32
    %c0_i32_1 = arith.constant 0 : i32
    return %c0_i32, %c0_i32_0 : i32, i32
  }
  func.func @transform_6(%arg0: i32) -> (i32, i32) {
    %c0_i32 = arith.constant 0 : i32
    %c0_i32_0 = arith.constant 0 : i32
    %c0_i32_1 = arith.constant 0 : i32
    return %c0_i32, %c0_i32_0 : i32, i32
  }
  func.func @transform_7(%arg0: i32) -> (i32, i32) {
    %c0_i32 = arith.constant 0 : i32
    %c0_i32_0 = arith.constant 0 : i32
    %c0_i32_1 = arith.constant 0 : i32
    return %c0_i32, %c0_i32_0 : i32, i32
  }
  func.func @transform_8(%arg0: i32) -> (i32, i32) {
    %c0_i32 = arith.constant 0 : i32
    %c0_i32_0 = arith.constant 0 : i32
    %c0_i32_1 = arith.constant 0 : i32
    return %c0_i32, %c0_i32_0 : i32, i32
  }
  func.func @transform_9(%arg0: i32) -> (i32, i32) {
    %c0_i32 = arith.constant 0 : i32
    %c0_i32_0 = arith.constant 0 : i32
    %c0_i32_1 = arith.constant 0 : i32
    return %c0_i32, %c0_i32_0 : i32, i32
  }
  func.func @transform_10(%arg0: i32) -> (i32, i32) {
    %c0_i32 = arith.constant 0 : i32
    %c0_i32_0 = arith.constant 0 : i32
    return %arg0, %c0_i32 : i32, i32
  }
  func.func @transform_11(%arg0: i32) -> (i32, i32) {
    %c0_i32 = arith.constant 0 : i32
    %c0_i32_0 = arith.constant 0 : i32
    return %arg0, %c0_i32 : i32, i32
  }
  func.func @transform_12(%arg0: i32) -> (i32, i32) {
    %c0_i32 = arith.constant 0 : i32
    %c0_i32_0 = arith.constant 0 : i32
    return %arg0, %c0_i32 : i32, i32
  }
}

module attributes {stable_mosaic.version = 14 : i64} {
  func.func @_edge_layer_body(%arg0: i32, %arg1: memref<2000x256xf32, #tpu.memory_space<vmem>>, %arg2: memref<2000x128xf32, #tpu.memory_space<vmem>>, %arg3: memref<1x1xf32, #tpu.memory_space<vmem>>, %arg4: memref<2000x256xf32, #tpu.memory_space<vmem>>) attributes {dimension_semantics = [#tpu.dimension_semantics<arbitrary>], iteration_bounds = array<i64: 160>, scalar_prefetch = 0 : i64, scratch_operands = 0 : i64, tpu.core_type = #tpu.core_type<tc>, window_params = [{transform_indices = @transform_0, window_bounds = array<i64: 2000, 256>}, {transform_indices = @transform_1, window_bounds = array<i64: 2000, 128>}, {pipeline_mode = #tpu.pipeline_mode<synchronous>, transform_indices = @transform_2, window_bounds = array<i64: 1, 1>}, {transform_indices = @transform_3, window_bounds = array<i64: 2000, 256>}]} {
    %get3A = arith.constant 0 : index
    %get3A_0 = arith.constant 0 : index
    %get3A_1 = vector.load %arg2[%get3A, %get3A_0] : memref<2000x128xf32, #tpu.memory_space<vmem>>, vector<2000x1xf32>
    %get3A_2 = arith.constant 0 : index
    %get3A_3 = arith.constant 200 : index
    %get3A_4 = vector.load %arg1[%get3A_2, %get3A_3] : memref<2000x256xf32, #tpu.memory_space<vmem>>, vector<2000x1xf32>
    %add3A = arith.addf %get3A_1, %get3A_4 : vector<2000x1xf32>
    %get3A_5 = arith.constant 0 : index
    %get3A_6 = arith.constant 0 : index
    %get3A_7 = vector.load %arg3[%get3A_5, %get3A_6] : memref<1x1xf32, #tpu.memory_space<vmem>>, vector<1x1xf32>
    %add3A_8 = vector.broadcast %get3A_7 : vector<1x1xf32> to vector<2000x1xf32>
    %add3A_9 = arith.addf %add3A, %add3A_8 : vector<2000x1xf32>
    %ge3A = arith.constant 0.000000e+00 : f32
    %ge3A_10 = vector.broadcast %ge3A : f32 to vector<2000x1xf32>
    %ge3A_11 = arith.cmpf oge, %add3A_9, %ge3A_10 : vector<2000x1xf32>
    %mul3A = arith.constant 0.00999999977 : f32
    %mul3A_12 = vector.broadcast %mul3A : f32 to vector<2000x1xf32>
    %mul3A_13 = arith.mulf %mul3A_12, %add3A_9 : vector<2000x1xf32>
    %select_n3A = arith.select %ge3A_11, %add3A_9, %mul3A_13 : vector<2000x1xi1>, vector<2000x1xf32>
    %exp3A = math.exp %select_n3A : vector<2000x1xf32>
    %get3A_14 = arith.constant 0 : index
    %get3A_15 = arith.constant 0 : index
    %get3A_16 = vector.load %arg1[%get3A_14, %get3A_15] : memref<2000x256xf32, #tpu.memory_space<vmem>>, vector<2000x200xf32>
    %mul3A_17 = vector.broadcast %exp3A : vector<2000x1xf32> to vector<2000x200xf32>
    %mul3A_18 = arith.mulf %mul3A_17, %get3A_16 : vector<2000x200xf32>
    %broadcast_in_dim3A = arith.constant 0.000000e+00 : f32
    %broadcast_in_dim3A_19 = vector.broadcast %broadcast_in_dim3A : f32 to vector<2000x55xf32>
    %concatenate3A = tpu.concatenate %mul3A_18, %exp3A, %broadcast_in_dim3A_19 in 1 : vector<2000x200xf32>, vector<2000x1xf32>, vector<2000x55xf32> -> vector<2000x256xf32>
    %swap3A = arith.constant 0 : index
    %swap3A_20 = arith.constant 0 : index
    %swap3A_21 = vector.load %arg4[%swap3A, %swap3A_20] : memref<2000x256xf32, #tpu.memory_space<vmem>>, vector<2000x256xf32>
    tpu.vector_store %arg4[%swap3A, %swap3A_20], %concatenate3A {strides = array<i32>} : memref<2000x256xf32, #tpu.memory_space<vmem>>, vector<2000x256xf32>,
    return
  }
  func.func @transform_0(%arg0: i32) -> (i32, i32) {
    %c0_i32 = arith.constant 0 : i32
    %c0_i32_0 = arith.constant 0 : i32
    return %arg0, %c0_i32 : i32, i32
  }
  func.func @transform_1(%arg0: i32) -> (i32, i32) {
    %c0_i32 = arith.constant 0 : i32
    %c0_i32_0 = arith.constant 0 : i32
    return %arg0, %c0_i32 : i32, i32
  }
  func.func @transform_2(%arg0: i32) -> (i32, i32) {
    %c0_i32 = arith.constant 0 : i32
    %c0_i32_0 = arith.constant 0 : i32
    %c0_i32_1 = arith.constant 0 : i32
    return %c0_i32, %c0_i32_0 : i32, i32
  }
  func.func @transform_3(%arg0: i32) -> (i32, i32) {
    %c0_i32 = arith.constant 0 : i32
    %c0_i32_0 = arith.constant 0 : i32
    return %arg0, %c0_i32 : i32, i32
  }
}

module attributes {stable_mosaic.version = 14 : i64} {
  func.func @_update_layer_body(%arg0: i32, %arg1: memref<2000x256xf32, #tpu.memory_space<vmem>>, %arg2: memref<2000x200xf32, #tpu.memory_space<vmem>>, %arg3: memref<200x600xf32, #tpu.memory_space<vmem>>, %arg4: memref<1x600xf32, #tpu.memory_space<vmem>>, %arg5: memref<200x600xf32, #tpu.memory_space<vmem>>, %arg6: memref<1x600xf32, #tpu.memory_space<vmem>>, %arg7: memref<200x200xf32, #tpu.memory_space<vmem>>, %arg8: memref<1x200xf32, #tpu.memory_space<vmem>>, %arg9: memref<200x1xf32, #tpu.memory_space<vmem>>, %arg10: memref<2000x200xf32, #tpu.memory_space<vmem>>, %arg11: memref<2000x200xf32, #tpu.memory_space<vmem>>, %arg12: memref<2000x1xf32, #tpu.memory_space<vmem>>) attributes {dimension_semantics = [#tpu.dimension_semantics<arbitrary>], iteration_bounds = array<i64: 5>, scalar_prefetch = 0 : i64, scratch_operands = 0 : i64, tpu.core_type = #tpu.core_type<tc>, window_params = [{transform_indices = @transform_0, window_bounds = array<i64: 2000, 256>}, {transform_indices = @transform_1, window_bounds = array<i64: 2000, 200>}, {pipeline_mode = #tpu.pipeline_mode<synchronous>, transform_indices = @transform_2, window_bounds = array<i64: 200, 600>}, {pipeline_mode = #tpu.pipeline_mode<synchronous>, transform_indices = @transform_3, window_bounds = array<i64: 1, 600>}, {pipeline_mode = #tpu.pipeline_mode<synchronous>, transform_indices = @transform_4, window_bounds = array<i64: 200, 600>}, {pipeline_mode = #tpu.pipeline_mode<synchronous>, transform_indices = @transform_5, window_bounds = array<i64: 1, 600>}, {pipeline_mode = #tpu.pipeline_mode<synchronous>, transform_indices = @transform_6, window_bounds = array<i64: 200, 200>}, {pipeline_mode = #tpu.pipeline_mode<synchronous>, transform_indices = @transform_7, window_bounds = array<i64: 1, 200>}, {pipeline_mode = #tpu.pipeline_mode<synchronous>, transform_indices = @transform_8, window_bounds = array<i64: 200, 1>}, {transform_indices = @transform_9, window_bounds = array<i64: 2000, 200>}, {transform_indices = @transform_10, window_bounds = array<i64: 2000, 200>}, {transform_indices = @transform_11, window_bounds = array<i64: 2000, 1>}]} {
    %get3A = arith.constant 0 : index
    %get3A_0 = arith.constant 200 : index
    %get3A_1 = vector.load %arg1[%get3A, %get3A_0] : memref<2000x256xf32, #tpu.memory_space<vmem>>, vector<2000x1xf32>
    %get3A_2 = arith.constant 0 : index
    %get3A_3 = arith.constant 0 : index
    %get3A_4 = vector.load %arg1[%get3A_2, %get3A_3] : memref<2000x256xf32, #tpu.memory_space<vmem>>, vector<2000x200xf32>
    %add3A = arith.constant 1.000000e-16 : f32
    %add3A_5 = vector.broadcast %add3A : f32 to vector<2000x1xf32>
    %add3A_6 = arith.addf %get3A_1, %add3A_5 : vector<2000x1xf32>
    %div3A = vector.broadcast %add3A_6 : vector<2000x1xf32> to vector<2000x200xf32>
    %div3A_7 = arith.divf %get3A_4, %div3A : vector<2000x200xf32>
    %gt3A = arith.constant 0.000000e+00 : f32
    %gt3A_8 = vector.broadcast %gt3A : f32 to vector<2000x200xf32>
    %gt3A_9 = arith.cmpf ogt, %div3A_7, %gt3A_8 : vector<2000x200xf32>
    %min3A = arith.constant 0.000000e+00 : f32
    %min3A_10 = vector.broadcast %min3A : f32 to vector<2000x200xf32>
    %min3A_11 = arith.minimumf %div3A_7, %min3A_10 : vector<2000x200xf32>
    %exp3A = math.exp %min3A_11 : vector<2000x200xf32>
    %sub3A = arith.constant 1.000000e+00 : f32
    %sub3A_12 = vector.broadcast %sub3A : f32 to vector<2000x200xf32>
    %sub3A_13 = arith.subf %exp3A, %sub3A_12 : vector<2000x200xf32>
    %select_n3A = arith.select %gt3A_9, %div3A_7, %sub3A_13 : vector<2000x200xi1>, vector<2000x200xf32>
    %get3A_14 = arith.constant 0 : index
    %get3A_15 = arith.constant 0 : index
    %get3A_16 = vector.load %arg2[%get3A_14, %get3A_15] : memref<2000x200xf32, #tpu.memory_space<vmem>>, vector<2000x200xf32>
    %get3A_17 = arith.constant 0 : index
    %get3A_18 = arith.constant 0 : index
    %get3A_19 = vector.load %arg3[%get3A_17, %get3A_18] : memref<200x600xf32, #tpu.memory_space<vmem>>, vector<200x600xf32>
    %get3A_20 = arith.constant 0 : index
    %get3A_21 = arith.constant 0 : index
    %get3A_22 = vector.load %arg4[%get3A_20, %get3A_21] : memref<1x600xf32, #tpu.memory_space<vmem>>, vector<1x600xf32>
    %get3A_23 = arith.constant 0 : index
    %get3A_24 = arith.constant 0 : index
    %get3A_25 = vector.load %arg5[%get3A_23, %get3A_24] : memref<200x600xf32, #tpu.memory_space<vmem>>, vector<200x600xf32>
    %get3A_26 = arith.constant 0 : index
    %get3A_27 = arith.constant 0 : index
    %get3A_28 = vector.load %arg6[%get3A_26, %get3A_27] : memref<1x600xf32, #tpu.memory_space<vmem>>, vector<1x600xf32>
    %dot_general3A = arith.constant dense<0.000000e+00> : vector<2000x600xf32>
    %dot_general3A_29 = tpu.matmul %select_n3A, %get3A_19, %dot_general3A {dimension_numbers = #tpu.dot_dimension_numbers<[1], [0], [0], [1], [0, 0, 1, 1], [], []>, transpose_lhs_hint = false} : vector<2000x200xf32>, vector<200x600xf32>, vector<2000x600xf32> -> vector<2000x600xf32>
    %add3A_30 = vector.broadcast %get3A_22 : vector<1x600xf32> to vector<2000x600xf32>
    %add3A_31 = arith.addf %dot_general3A_29, %add3A_30 : vector<2000x600xf32>
    %dot_general3A_32 = arith.constant dense<0.000000e+00> : vector<2000x600xf32>
    %dot_general3A_33 = tpu.matmul %get3A_16, %get3A_25, %dot_general3A_32 {dimension_numbers = #tpu.dot_dimension_numbers<[1], [0], [0], [1], [0, 0, 1, 1], [], []>, transpose_lhs_hint = false} : vector<2000x200xf32>, vector<200x600xf32>, vector<2000x600xf32> -> vector<2000x600xf32>
    %add3A_34 = vector.broadcast %get3A_28 : vector<1x600xf32> to vector<2000x600xf32>
    %add3A_35 = arith.addf %dot_general3A_33, %add3A_34 : vector<2000x600xf32>
    %slice3A = vector.extract_strided_slice %add3A_31 {offsets = [0, 0], sizes = [2000, 200], strides = [1, 1]} : vector<2000x600xf32> to vector<2000x200xf32>
    %slice3A_36 = vector.extract_strided_slice %add3A_35 {offsets = [0, 0], sizes = [2000, 200], strides = [1, 1]} : vector<2000x600xf32> to vector<2000x200xf32>
    %add3A_37 = arith.addf %slice3A, %slice3A_36 : vector<2000x200xf32>
    %logistic3A = arith.negf %add3A_37 : vector<2000x200xf32>
    %logistic3A_38 = math.exp %logistic3A : vector<2000x200xf32>
    %logistic3A_39 = arith.constant 1.000000e+00 : f32
    %logistic3A_40 = vector.broadcast %logistic3A_39 : f32 to vector<2000x200xf32>
    %logistic3A_41 = arith.addf %logistic3A_40, %logistic3A_38 : vector<2000x200xf32>
    %logistic3A_42 = arith.divf %logistic3A_40, %logistic3A_41 : vector<2000x200xf32>
    %slice3A_43 = vector.extract_strided_slice %add3A_31 {offsets = [0, 200], sizes = [2000, 200], strides = [1, 1]} : vector<2000x600xf32> to vector<2000x200xf32>
    %slice3A_44 = vector.extract_strided_slice %add3A_35 {offsets = [0, 200], sizes = [2000, 200], strides = [1, 1]} : vector<2000x600xf32> to vector<2000x200xf32>
    %add3A_45 = arith.addf %slice3A_43, %slice3A_44 : vector<2000x200xf32>
    %logistic3A_46 = arith.negf %add3A_45 : vector<2000x200xf32>
    %logistic3A_47 = math.exp %logistic3A_46 : vector<2000x200xf32>
    %logistic3A_48 = arith.constant 1.000000e+00 : f32
    %logistic3A_49 = vector.broadcast %logistic3A_48 : f32 to vector<2000x200xf32>
    %logistic3A_50 = arith.addf %logistic3A_49, %logistic3A_47 : vector<2000x200xf32>
    %logistic3A_51 = arith.divf %logistic3A_49, %logistic3A_50 : vector<2000x200xf32>
    %slice3A_52 = vector.extract_strided_slice %add3A_31 {offsets = [0, 400], sizes = [2000, 200], strides = [1, 1]} : vector<2000x600xf32> to vector<2000x200xf32>
    %slice3A_53 = vector.extract_strided_slice %add3A_35 {offsets = [0, 400], sizes = [2000, 200], strides = [1, 1]} : vector<2000x600xf32> to vector<2000x200xf32>
    %mul3A = arith.mulf %logistic3A_42, %slice3A_53 : vector<2000x200xf32>
    %add3A_54 = arith.addf %slice3A_52, %mul3A : vector<2000x200xf32>
    %tanh3A = math.tanh %add3A_54 : vector<2000x200xf32>
    %sub3A_55 = arith.constant 1.000000e+00 : f32
    %sub3A_56 = vector.broadcast %sub3A_55 : f32 to vector<2000x200xf32>
    %sub3A_57 = arith.subf %sub3A_56, %logistic3A_51 : vector<2000x200xf32>
    %mul3A_58 = arith.mulf %sub3A_57, %tanh3A : vector<2000x200xf32>
    %mul3A_59 = arith.mulf %logistic3A_51, %get3A_16 : vector<2000x200xf32>
    %add3A_60 = arith.addf %mul3A_58, %mul3A_59 : vector<2000x200xf32>
    %max3A = arith.constant 0.000000e+00 : f32
    %max3A_61 = vector.broadcast %max3A : f32 to vector<2000x200xf32>
    %max3A_62 = arith.maximumf %add3A_60, %max3A_61 : vector<2000x200xf32>
    %swap3A = arith.constant 0 : index
    %swap3A_63 = arith.constant 0 : index
    %swap3A_64 = vector.load %arg10[%swap3A, %swap3A_63] : memref<2000x200xf32, #tpu.memory_space<vmem>>, vector<2000x200xf32>
    tpu.vector_store %arg10[%swap3A, %swap3A_63], %max3A_62 {strides = array<i32>} : memref<2000x200xf32, #tpu.memory_space<vmem>>, vector<2000x200xf32>,
    %get3A_65 = arith.constant 0 : index
    %get3A_66 = arith.constant 0 : index
    %get3A_67 = vector.load %arg7[%get3A_65, %get3A_66] : memref<200x200xf32, #tpu.memory_space<vmem>>, vector<200x200xf32>
    %dot_general3A_68 = arith.constant dense<0.000000e+00> : vector<2000x200xf32>
    %dot_general3A_69 = tpu.matmul %max3A_62, %get3A_67, %dot_general3A_68 {dimension_numbers = #tpu.dot_dimension_numbers<[1], [0], [0], [1], [0, 0, 1, 1], [], []>, transpose_lhs_hint = false} : vector<2000x200xf32>, vector<200x200xf32>, vector<2000x200xf32> -> vector<2000x200xf32>
    %get3A_70 = arith.constant 0 : index
    %get3A_71 = arith.constant 0 : index
    %get3A_72 = vector.load %arg8[%get3A_70, %get3A_71] : memref<1x200xf32, #tpu.memory_space<vmem>>, vector<1x200xf32>
    %add3A_73 = vector.broadcast %get3A_72 : vector<1x200xf32> to vector<2000x200xf32>
    %add3A_74 = arith.addf %dot_general3A_69, %add3A_73 : vector<2000x200xf32>
    %swap3A_75 = arith.constant 0 : index
    %swap3A_76 = arith.constant 0 : index
    %swap3A_77 = vector.load %arg11[%swap3A_75, %swap3A_76] : memref<2000x200xf32, #tpu.memory_space<vmem>>, vector<2000x200xf32>
    tpu.vector_store %arg11[%swap3A_75, %swap3A_76], %add3A_74 {strides = array<i32>} : memref<2000x200xf32, #tpu.memory_space<vmem>>, vector<2000x200xf32>,
    %get3A_78 = arith.constant 0 : index
    %get3A_79 = arith.constant 0 : index
    %get3A_80 = vector.load %arg9[%get3A_78, %get3A_79] : memref<200x1xf32, #tpu.memory_space<vmem>>, vector<200x1xf32>
    %dot_general3A_81 = arith.constant dense<0.000000e+00> : vector<2000x1xf32>
    %dot_general3A_82 = tpu.matmul %max3A_62, %get3A_80, %dot_general3A_81 {dimension_numbers = #tpu.dot_dimension_numbers<[1], [0], [0], [1], [0, 0, 1, 1], [], []>, transpose_lhs_hint = false} : vector<2000x200xf32>, vector<200x1xf32>, vector<2000x1xf32> -> vector<2000x1xf32>
    %swap3A_83 = arith.constant 0 : index
    %swap3A_84 = arith.constant 0 : index
    %swap3A_85 = vector.load %arg12[%swap3A_83, %swap3A_84] : memref<2000x1xf32, #tpu.memory_space<vmem>>, vector<2000x1xf32>
    tpu.vector_store %arg12[%swap3A_83, %swap3A_84], %dot_general3A_82 {strides = array<i32>} : memref<2000x1xf32, #tpu.memory_space<vmem>>, vector<2000x1xf32>,
    return
  }
  func.func @transform_0(%arg0: i32) -> (i32, i32) {
    %c0_i32 = arith.constant 0 : i32
    %c0_i32_0 = arith.constant 0 : i32
    return %arg0, %c0_i32 : i32, i32
  }
  func.func @transform_1(%arg0: i32) -> (i32, i32) {
    %c0_i32 = arith.constant 0 : i32
    %c0_i32_0 = arith.constant 0 : i32
    return %arg0, %c0_i32 : i32, i32
  }
  func.func @transform_2(%arg0: i32) -> (i32, i32) {
    %c0_i32 = arith.constant 0 : i32
    %c0_i32_0 = arith.constant 0 : i32
    %c0_i32_1 = arith.constant 0 : i32
    return %c0_i32, %c0_i32_0 : i32, i32
  }
  func.func @transform_3(%arg0: i32) -> (i32, i32) {
    %c0_i32 = arith.constant 0 : i32
    %c0_i32_0 = arith.constant 0 : i32
    %c0_i32_1 = arith.constant 0 : i32
    return %c0_i32, %c0_i32_0 : i32, i32
  }
  func.func @transform_4(%arg0: i32) -> (i32, i32) {
    %c0_i32 = arith.constant 0 : i32
    %c0_i32_0 = arith.constant 0 : i32
    %c0_i32_1 = arith.constant 0 : i32
    return %c0_i32, %c0_i32_0 : i32, i32
  }
  func.func @transform_5(%arg0: i32) -> (i32, i32) {
    %c0_i32 = arith.constant 0 : i32
    %c0_i32_0 = arith.constant 0 : i32
    %c0_i32_1 = arith.constant 0 : i32
    return %c0_i32, %c0_i32_0 : i32, i32
  }
  func.func @transform_6(%arg0: i32) -> (i32, i32) {
    %c0_i32 = arith.constant 0 : i32
    %c0_i32_0 = arith.constant 0 : i32
    %c0_i32_1 = arith.constant 0 : i32
    return %c0_i32, %c0_i32_0 : i32, i32
  }
  func.func @transform_7(%arg0: i32) -> (i32, i32) {
    %c0_i32 = arith.constant 0 : i32
    %c0_i32_0 = arith.constant 0 : i32
    %c0_i32_1 = arith.constant 0 : i32
    return %c0_i32, %c0_i32_0 : i32, i32
  }
  func.func @transform_8(%arg0: i32) -> (i32, i32) {
    %c0_i32 = arith.constant 0 : i32
    %c0_i32_0 = arith.constant 0 : i32
    %c0_i32_1 = arith.constant 0 : i32
    return %c0_i32, %c0_i32_0 : i32, i32
  }
  func.func @transform_9(%arg0: i32) -> (i32, i32) {
    %c0_i32 = arith.constant 0 : i32
    %c0_i32_0 = arith.constant 0 : i32
    return %arg0, %c0_i32 : i32, i32
  }
  func.func @transform_10(%arg0: i32) -> (i32, i32) {
    %c0_i32 = arith.constant 0 : i32
    %c0_i32_0 = arith.constant 0 : i32
    return %arg0, %c0_i32 : i32, i32
  }
  func.func @transform_11(%arg0: i32) -> (i32, i32) {
    %c0_i32 = arith.constant 0 : i32
    %c0_i32_0 = arith.constant 0 : i32
    return %arg0, %c0_i32 : i32, i32
  }
}

module attributes {stable_mosaic.version = 14 : i64} {
  func.func @_readout_body(%arg0: memref<10000x200xf32, #tpu.memory_space<vmem>>, %arg1: memref<10000x200xf32, #tpu.memory_space<vmem>>, %arg2: memref<10000x1xf32, #tpu.memory_space<vmem>>, %arg3: memref<200x1xf32, #tpu.memory_space<vmem>>, %arg4: memref<1x1xf32, #tpu.memory_space<vmem>>, %arg5: memref<200x600xf32, #tpu.memory_space<vmem>>, %arg6: memref<1x600xf32, #tpu.memory_space<vmem>>, %arg7: memref<200x600xf32, #tpu.memory_space<vmem>>, %arg8: memref<1x600xf32, #tpu.memory_space<vmem>>, %arg9: memref<1x200xf32, #tpu.memory_space<vmem>>) attributes {dimension_semantics = [], scalar_prefetch = 0 : i64, scratch_operands = 0 : i64, tpu.core_type = #tpu.core_type<tc>} {
    %get3A = arith.constant 0 : index
    %get3A_0 = arith.constant 0 : index
    %get3A_1 = vector.load %arg0[%get3A, %get3A_0] : memref<10000x200xf32, #tpu.memory_space<vmem>>, vector<10000x200xf32>
    %reduce_sum3A = arith.constant dense<0.000000e+00> : vector<200xf32>
    %reduce_sum3A_2 = vector.multi_reduction <add>, %get3A_1, %reduce_sum3A [0] : vector<10000x200xf32> to vector<200xf32>
    %broadcast_in_dim3A = vector.shape_cast %reduce_sum3A_2 : vector<200xf32> to vector<1x200xf32>
    %max3A = arith.constant 0.000000e+00 : f32
    %max3A_3 = vector.broadcast %max3A : f32 to vector<1x200xf32>
    %max3A_4 = arith.maximumf %broadcast_in_dim3A, %max3A_3 : vector<1x200xf32>
    %get3A_5 = arith.constant 0 : index
    %get3A_6 = arith.constant 0 : index
    %get3A_7 = vector.load %arg3[%get3A_5, %get3A_6] : memref<200x1xf32, #tpu.memory_space<vmem>>, vector<200x1xf32>
    %dot_general3A = arith.constant dense<0.000000e+00> : vector<1x1xf32>
    %dot_general3A_8 = tpu.matmul %max3A_4, %get3A_7, %dot_general3A {dimension_numbers = #tpu.dot_dimension_numbers<[1], [0], [0], [1], [0, 0, 1, 1], [], []>, transpose_lhs_hint = false} : vector<1x200xf32>, vector<200x1xf32>, vector<1x1xf32> -> vector<1x1xf32>
    %get3A_9 = arith.constant 0 : index
    %get3A_10 = arith.constant 0 : index
    %get3A_11 = vector.load %arg2[%get3A_9, %get3A_10] : memref<10000x1xf32, #tpu.memory_space<vmem>>, vector<10000x1xf32>
    %add3A = vector.broadcast %dot_general3A_8 : vector<1x1xf32> to vector<10000x1xf32>
    %add3A_12 = arith.addf %add3A, %get3A_11 : vector<10000x1xf32>
    %get3A_13 = arith.constant 0 : index
    %get3A_14 = arith.constant 0 : index
    %get3A_15 = vector.load %arg4[%get3A_13, %get3A_14] : memref<1x1xf32, #tpu.memory_space<vmem>>, vector<1x1xf32>
    %add3A_16 = vector.broadcast %get3A_15 : vector<1x1xf32> to vector<10000x1xf32>
    %add3A_17 = arith.addf %add3A_12, %add3A_16 : vector<10000x1xf32>
    %ge3A = arith.constant 0.000000e+00 : f32
    %ge3A_18 = vector.broadcast %ge3A : f32 to vector<10000x1xf32>
    %ge3A_19 = arith.cmpf oge, %add3A_17, %ge3A_18 : vector<10000x1xf32>
    %mul3A = arith.constant 0.00999999977 : f32
    %mul3A_20 = vector.broadcast %mul3A : f32 to vector<10000x1xf32>
    %mul3A_21 = arith.mulf %mul3A_20, %add3A_17 : vector<10000x1xf32>
    %select_n3A = arith.select %ge3A_19, %add3A_17, %mul3A_21 : vector<10000x1xi1>, vector<10000x1xf32>
    %reduce_max3A = arith.constant dense<0xFF800000> : vector<1xf32>
    %reduce_max3A_22 = vector.multi_reduction <maximumf>, %select_n3A, %reduce_max3A [0] : vector<10000x1xf32> to vector<1xf32>
    %broadcast_in_dim3A_23 = vector.shape_cast %reduce_max3A_22 : vector<1xf32> to vector<1x1xf32>
    %sub3A = vector.broadcast %broadcast_in_dim3A_23 : vector<1x1xf32> to vector<10000x1xf32>
    %sub3A_24 = arith.subf %select_n3A, %sub3A : vector<10000x1xf32>
    %exp3A = math.exp %sub3A_24 : vector<10000x1xf32>
    %reduce_sum3A_25 = arith.constant dense<0.000000e+00> : vector<1xf32>
    %reduce_sum3A_26 = vector.multi_reduction <add>, %exp3A, %reduce_sum3A_25 [0] : vector<10000x1xf32> to vector<1xf32>
    %broadcast_in_dim3A_27 = vector.shape_cast %reduce_sum3A_26 : vector<1xf32> to vector<1x1xf32>
    %div3A = vector.broadcast %broadcast_in_dim3A_27 : vector<1x1xf32> to vector<10000x1xf32>
    %div3A_28 = arith.divf %exp3A, %div3A : vector<10000x1xf32>
    %get3A_29 = arith.constant 0 : index
    %get3A_30 = arith.constant 0 : index
    %get3A_31 = vector.load %arg1[%get3A_29, %get3A_30] : memref<10000x200xf32, #tpu.memory_space<vmem>>, vector<10000x200xf32>
    %mul3A_32 = vector.broadcast %div3A_28 : vector<10000x1xf32> to vector<10000x200xf32>
    %mul3A_33 = arith.mulf %mul3A_32, %get3A_31 : vector<10000x200xf32>
    %reduce_sum3A_34 = arith.constant dense<0.000000e+00> : vector<200xf32>
    %reduce_sum3A_35 = vector.multi_reduction <add>, %mul3A_33, %reduce_sum3A_34 [0] : vector<10000x200xf32> to vector<200xf32>
    %broadcast_in_dim3A_36 = vector.shape_cast %reduce_sum3A_35 : vector<200xf32> to vector<1x200xf32>
    %gt3A = arith.constant 0.000000e+00 : f32
    %gt3A_37 = vector.broadcast %gt3A : f32 to vector<1x200xf32>
    %gt3A_38 = arith.cmpf ogt, %broadcast_in_dim3A_36, %gt3A_37 : vector<1x200xf32>
    %min3A = arith.constant 0.000000e+00 : f32
    %min3A_39 = vector.broadcast %min3A : f32 to vector<1x200xf32>
    %min3A_40 = arith.minimumf %broadcast_in_dim3A_36, %min3A_39 : vector<1x200xf32>
    %exp3A_41 = math.exp %min3A_40 : vector<1x200xf32>
    %sub3A_42 = arith.constant 1.000000e+00 : f32
    %sub3A_43 = vector.broadcast %sub3A_42 : f32 to vector<1x200xf32>
    %sub3A_44 = arith.subf %exp3A_41, %sub3A_43 : vector<1x200xf32>
    %select_n3A_45 = arith.select %gt3A_38, %broadcast_in_dim3A_36, %sub3A_44 : vector<1x200xi1>, vector<1x200xf32>
    %get3A_46 = arith.constant 0 : index
    %get3A_47 = arith.constant 0 : index
    %get3A_48 = vector.load %arg5[%get3A_46, %get3A_47] : memref<200x600xf32, #tpu.memory_space<vmem>>, vector<200x600xf32>
    %get3A_49 = arith.constant 0 : index
    %get3A_50 = arith.constant 0 : index
    %get3A_51 = vector.load %arg6[%get3A_49, %get3A_50] : memref<1x600xf32, #tpu.memory_space<vmem>>, vector<1x600xf32>
    %get3A_52 = arith.constant 0 : index
    %get3A_53 = arith.constant 0 : index
    %get3A_54 = vector.load %arg7[%get3A_52, %get3A_53] : memref<200x600xf32, #tpu.memory_space<vmem>>, vector<200x600xf32>
    %get3A_55 = arith.constant 0 : index
    %get3A_56 = arith.constant 0 : index
    %get3A_57 = vector.load %arg8[%get3A_55, %get3A_56] : memref<1x600xf32, #tpu.memory_space<vmem>>, vector<1x600xf32>
    %dot_general3A_58 = arith.constant dense<0.000000e+00> : vector<1x600xf32>
    %dot_general3A_59 = tpu.matmul %select_n3A_45, %get3A_48, %dot_general3A_58 {dimension_numbers = #tpu.dot_dimension_numbers<[1], [0], [0], [1], [0, 0, 1, 1], [], []>, transpose_lhs_hint = false} : vector<1x200xf32>, vector<200x600xf32>, vector<1x600xf32> -> vector<1x600xf32>
    %add3A_60 = arith.addf %dot_general3A_59, %get3A_51 : vector<1x600xf32>
    %dot_general3A_61 = arith.constant dense<0.000000e+00> : vector<1x600xf32>
    %dot_general3A_62 = tpu.matmul %broadcast_in_dim3A, %get3A_54, %dot_general3A_61 {dimension_numbers = #tpu.dot_dimension_numbers<[1], [0], [0], [1], [0, 0, 1, 1], [], []>, transpose_lhs_hint = false} : vector<1x200xf32>, vector<200x600xf32>, vector<1x600xf32> -> vector<1x600xf32>
    %add3A_63 = arith.addf %dot_general3A_62, %get3A_57 : vector<1x600xf32>
    %slice3A = vector.extract_strided_slice %add3A_60 {offsets = [0, 0], sizes = [1, 200], strides = [1, 1]} : vector<1x600xf32> to vector<1x200xf32>
    %slice3A_64 = vector.extract_strided_slice %add3A_63 {offsets = [0, 0], sizes = [1, 200], strides = [1, 1]} : vector<1x600xf32> to vector<1x200xf32>
    %add3A_65 = arith.addf %slice3A, %slice3A_64 : vector<1x200xf32>
    %logistic3A = arith.negf %add3A_65 : vector<1x200xf32>
    %logistic3A_66 = math.exp %logistic3A : vector<1x200xf32>
    %logistic3A_67 = arith.constant 1.000000e+00 : f32
    %logistic3A_68 = vector.broadcast %logistic3A_67 : f32 to vector<1x200xf32>
    %logistic3A_69 = arith.addf %logistic3A_68, %logistic3A_66 : vector<1x200xf32>
    %logistic3A_70 = arith.divf %logistic3A_68, %logistic3A_69 : vector<1x200xf32>
    %slice3A_71 = vector.extract_strided_slice %add3A_60 {offsets = [0, 200], sizes = [1, 200], strides = [1, 1]} : vector<1x600xf32> to vector<1x200xf32>
    %slice3A_72 = vector.extract_strided_slice %add3A_63 {offsets = [0, 200], sizes = [1, 200], strides = [1, 1]} : vector<1x600xf32> to vector<1x200xf32>
    %add3A_73 = arith.addf %slice3A_71, %slice3A_72 : vector<1x200xf32>
    %logistic3A_74 = arith.negf %add3A_73 : vector<1x200xf32>
    %logistic3A_75 = math.exp %logistic3A_74 : vector<1x200xf32>
    %logistic3A_76 = arith.constant 1.000000e+00 : f32
    %logistic3A_77 = vector.broadcast %logistic3A_76 : f32 to vector<1x200xf32>
    %logistic3A_78 = arith.addf %logistic3A_77, %logistic3A_75 : vector<1x200xf32>
    %logistic3A_79 = arith.divf %logistic3A_77, %logistic3A_78 : vector<1x200xf32>
    %slice3A_80 = vector.extract_strided_slice %add3A_60 {offsets = [0, 400], sizes = [1, 200], strides = [1, 1]} : vector<1x600xf32> to vector<1x200xf32>
    %slice3A_81 = vector.extract_strided_slice %add3A_63 {offsets = [0, 400], sizes = [1, 200], strides = [1, 1]} : vector<1x600xf32> to vector<1x200xf32>
    %mul3A_82 = arith.mulf %logistic3A_70, %slice3A_81 : vector<1x200xf32>
    %add3A_83 = arith.addf %slice3A_80, %mul3A_82 : vector<1x200xf32>
    %tanh3A = math.tanh %add3A_83 : vector<1x200xf32>
    %sub3A_84 = arith.constant 1.000000e+00 : f32
    %sub3A_85 = vector.broadcast %sub3A_84 : f32 to vector<1x200xf32>
    %sub3A_86 = arith.subf %sub3A_85, %logistic3A_79 : vector<1x200xf32>
    %mul3A_87 = arith.mulf %sub3A_86, %tanh3A : vector<1x200xf32>
    %mul3A_88 = arith.mulf %logistic3A_79, %broadcast_in_dim3A : vector<1x200xf32>
    %add3A_89 = arith.addf %mul3A_87, %mul3A_88 : vector<1x200xf32>
    %max3A_90 = arith.constant 0.000000e+00 : f32
    %max3A_91 = vector.broadcast %max3A_90 : f32 to vector<1x200xf32>
    %max3A_92 = arith.maximumf %add3A_89, %max3A_91 : vector<1x200xf32>
    %max3A_93 = arith.constant 0.000000e+00 : f32
    %max3A_94 = vector.broadcast %max3A_93 : f32 to vector<1x200xf32>
    %max3A_95 = arith.maximumf %max3A_92, %max3A_94 : vector<1x200xf32>
    %get3A_96 = arith.constant 0 : index
    %get3A_97 = arith.constant 0 : index
    %get3A_98 = vector.load %arg3[%get3A_96, %get3A_97] : memref<200x1xf32, #tpu.memory_space<vmem>>, vector<200x1xf32>
    %dot_general3A_99 = arith.constant dense<0.000000e+00> : vector<1x1xf32>
    %dot_general3A_100 = tpu.matmul %max3A_95, %get3A_98, %dot_general3A_99 {dimension_numbers = #tpu.dot_dimension_numbers<[1], [0], [0], [1], [0, 0, 1, 1], [], []>, transpose_lhs_hint = false} : vector<1x200xf32>, vector<200x1xf32>, vector<1x1xf32> -> vector<1x1xf32>
    %get3A_101 = arith.constant 0 : index
    %get3A_102 = arith.constant 0 : index
    %get3A_103 = vector.load %arg2[%get3A_101, %get3A_102] : memref<10000x1xf32, #tpu.memory_space<vmem>>, vector<10000x1xf32>
    %add3A_104 = vector.broadcast %dot_general3A_100 : vector<1x1xf32> to vector<10000x1xf32>
    %add3A_105 = arith.addf %add3A_104, %get3A_103 : vector<10000x1xf32>
    %get3A_106 = arith.constant 0 : index
    %get3A_107 = arith.constant 0 : index
    %get3A_108 = vector.load %arg4[%get3A_106, %get3A_107] : memref<1x1xf32, #tpu.memory_space<vmem>>, vector<1x1xf32>
    %add3A_109 = vector.broadcast %get3A_108 : vector<1x1xf32> to vector<10000x1xf32>
    %add3A_110 = arith.addf %add3A_105, %add3A_109 : vector<10000x1xf32>
    %ge3A_111 = arith.constant 0.000000e+00 : f32
    %ge3A_112 = vector.broadcast %ge3A_111 : f32 to vector<10000x1xf32>
    %ge3A_113 = arith.cmpf oge, %add3A_110, %ge3A_112 : vector<10000x1xf32>
    %mul3A_114 = arith.constant 0.00999999977 : f32
    %mul3A_115 = vector.broadcast %mul3A_114 : f32 to vector<10000x1xf32>
    %mul3A_116 = arith.mulf %mul3A_115, %add3A_110 : vector<10000x1xf32>
    %select_n3A_117 = arith.select %ge3A_113, %add3A_110, %mul3A_116 : vector<10000x1xi1>, vector<10000x1xf32>
    %reduce_max3A_118 = arith.constant dense<0xFF800000> : vector<1xf32>
    %reduce_max3A_119 = vector.multi_reduction <maximumf>, %select_n3A_117, %reduce_max3A_118 [0] : vector<10000x1xf32> to vector<1xf32>
    %broadcast_in_dim3A_120 = vector.shape_cast %reduce_max3A_119 : vector<1xf32> to vector<1x1xf32>
    %sub3A_121 = vector.broadcast %broadcast_in_dim3A_120 : vector<1x1xf32> to vector<10000x1xf32>
    %sub3A_122 = arith.subf %select_n3A_117, %sub3A_121 : vector<10000x1xf32>
    %exp3A_123 = math.exp %sub3A_122 : vector<10000x1xf32>
    %reduce_sum3A_124 = arith.constant dense<0.000000e+00> : vector<1xf32>
    %reduce_sum3A_125 = vector.multi_reduction <add>, %exp3A_123, %reduce_sum3A_124 [0] : vector<10000x1xf32> to vector<1xf32>
    %broadcast_in_dim3A_126 = vector.shape_cast %reduce_sum3A_125 : vector<1xf32> to vector<1x1xf32>
    %div3A_127 = vector.broadcast %broadcast_in_dim3A_126 : vector<1x1xf32> to vector<10000x1xf32>
    %div3A_128 = arith.divf %exp3A_123, %div3A_127 : vector<10000x1xf32>
    %get3A_129 = arith.constant 0 : index
    %get3A_130 = arith.constant 0 : index
    %get3A_131 = vector.load %arg1[%get3A_129, %get3A_130] : memref<10000x200xf32, #tpu.memory_space<vmem>>, vector<10000x200xf32>
    %mul3A_132 = vector.broadcast %div3A_128 : vector<10000x1xf32> to vector<10000x200xf32>
    %mul3A_133 = arith.mulf %mul3A_132, %get3A_131 : vector<10000x200xf32>
    %reduce_sum3A_134 = arith.constant dense<0.000000e+00> : vector<200xf32>
    %reduce_sum3A_135 = vector.multi_reduction <add>, %mul3A_133, %reduce_sum3A_134 [0] : vector<10000x200xf32> to vector<200xf32>
    %broadcast_in_dim3A_136 = vector.shape_cast %reduce_sum3A_135 : vector<200xf32> to vector<1x200xf32>
    %gt3A_137 = arith.constant 0.000000e+00 : f32
    %gt3A_138 = vector.broadcast %gt3A_137 : f32 to vector<1x200xf32>
    %gt3A_139 = arith.cmpf ogt, %broadcast_in_dim3A_136, %gt3A_138 : vector<1x200xf32>
    %min3A_140 = arith.constant 0.000000e+00 : f32
    %min3A_141 = vector.broadcast %min3A_140 : f32 to vector<1x200xf32>
    %min3A_142 = arith.minimumf %broadcast_in_dim3A_136, %min3A_141 : vector<1x200xf32>
    %exp3A_143 = math.exp %min3A_142 : vector<1x200xf32>
    %sub3A_144 = arith.constant 1.000000e+00 : f32
    %sub3A_145 = vector.broadcast %sub3A_144 : f32 to vector<1x200xf32>
    %sub3A_146 = arith.subf %exp3A_143, %sub3A_145 : vector<1x200xf32>
    %select_n3A_147 = arith.select %gt3A_139, %broadcast_in_dim3A_136, %sub3A_146 : vector<1x200xi1>, vector<1x200xf32>
    %get3A_148 = arith.constant 0 : index
    %get3A_149 = arith.constant 0 : index
    %get3A_150 = vector.load %arg5[%get3A_148, %get3A_149] : memref<200x600xf32, #tpu.memory_space<vmem>>, vector<200x600xf32>
    %get3A_151 = arith.constant 0 : index
    %get3A_152 = arith.constant 0 : index
    %get3A_153 = vector.load %arg6[%get3A_151, %get3A_152] : memref<1x600xf32, #tpu.memory_space<vmem>>, vector<1x600xf32>
    %get3A_154 = arith.constant 0 : index
    %get3A_155 = arith.constant 0 : index
    %get3A_156 = vector.load %arg7[%get3A_154, %get3A_155] : memref<200x600xf32, #tpu.memory_space<vmem>>, vector<200x600xf32>
    %get3A_157 = arith.constant 0 : index
    %get3A_158 = arith.constant 0 : index
    %get3A_159 = vector.load %arg8[%get3A_157, %get3A_158] : memref<1x600xf32, #tpu.memory_space<vmem>>, vector<1x600xf32>
    %dot_general3A_160 = arith.constant dense<0.000000e+00> : vector<1x600xf32>
    %dot_general3A_161 = tpu.matmul %select_n3A_147, %get3A_150, %dot_general3A_160 {dimension_numbers = #tpu.dot_dimension_numbers<[1], [0], [0], [1], [0, 0, 1, 1], [], []>, transpose_lhs_hint = false} : vector<1x200xf32>, vector<200x600xf32>, vector<1x600xf32> -> vector<1x600xf32>
    %add3A_162 = arith.addf %dot_general3A_161, %get3A_153 : vector<1x600xf32>
    %dot_general3A_163 = arith.constant dense<0.000000e+00> : vector<1x600xf32>
    %dot_general3A_164 = tpu.matmul %max3A_92, %get3A_156, %dot_general3A_163 {dimension_numbers = #tpu.dot_dimension_numbers<[1], [0], [0], [1], [0, 0, 1, 1], [], []>, transpose_lhs_hint = false} : vector<1x200xf32>, vector<200x600xf32>, vector<1x600xf32> -> vector<1x600xf32>
    %add3A_165 = arith.addf %dot_general3A_164, %get3A_159 : vector<1x600xf32>
    %slice3A_166 = vector.extract_strided_slice %add3A_162 {offsets = [0, 0], sizes = [1, 200], strides = [1, 1]} : vector<1x600xf32> to vector<1x200xf32>
    %slice3A_167 = vector.extract_strided_slice %add3A_165 {offsets = [0, 0], sizes = [1, 200], strides = [1, 1]} : vector<1x600xf32> to vector<1x200xf32>
    %add3A_168 = arith.addf %slice3A_166, %slice3A_167 : vector<1x200xf32>
    %logistic3A_169 = arith.negf %add3A_168 : vector<1x200xf32>
    %logistic3A_170 = math.exp %logistic3A_169 : vector<1x200xf32>
    %logistic3A_171 = arith.constant 1.000000e+00 : f32
    %logistic3A_172 = vector.broadcast %logistic3A_171 : f32 to vector<1x200xf32>
    %logistic3A_173 = arith.addf %logistic3A_172, %logistic3A_170 : vector<1x200xf32>
    %logistic3A_174 = arith.divf %logistic3A_172, %logistic3A_173 : vector<1x200xf32>
    %slice3A_175 = vector.extract_strided_slice %add3A_162 {offsets = [0, 200], sizes = [1, 200], strides = [1, 1]} : vector<1x600xf32> to vector<1x200xf32>
    %slice3A_176 = vector.extract_strided_slice %add3A_165 {offsets = [0, 200], sizes = [1, 200], strides = [1, 1]} : vector<1x600xf32> to vector<1x200xf32>
    %add3A_177 = arith.addf %slice3A_175, %slice3A_176 : vector<1x200xf32>
    %logistic3A_178 = arith.negf %add3A_177 : vector<1x200xf32>
    %logistic3A_179 = math.exp %logistic3A_178 : vector<1x200xf32>
    %logistic3A_180 = arith.constant 1.000000e+00 : f32
    %logistic3A_181 = vector.broadcast %logistic3A_180 : f32 to vector<1x200xf32>
    %logistic3A_182 = arith.addf %logistic3A_181, %logistic3A_179 : vector<1x200xf32>
    %logistic3A_183 = arith.divf %logistic3A_181, %logistic3A_182 : vector<1x200xf32>
    %slice3A_184 = vector.extract_strided_slice %add3A_162 {offsets = [0, 400], sizes = [1, 200], strides = [1, 1]} : vector<1x600xf32> to vector<1x200xf32>
    %slice3A_185 = vector.extract_strided_slice %add3A_165 {offsets = [0, 400], sizes = [1, 200], strides = [1, 1]} : vector<1x600xf32> to vector<1x200xf32>
    %mul3A_186 = arith.mulf %logistic3A_174, %slice3A_185 : vector<1x200xf32>
    %add3A_187 = arith.addf %slice3A_184, %mul3A_186 : vector<1x200xf32>
    %tanh3A_188 = math.tanh %add3A_187 : vector<1x200xf32>
    %sub3A_189 = arith.constant 1.000000e+00 : f32
    %sub3A_190 = vector.broadcast %sub3A_189 : f32 to vector<1x200xf32>
    %sub3A_191 = arith.subf %sub3A_190, %logistic3A_183 : vector<1x200xf32>
    %mul3A_192 = arith.mulf %sub3A_191, %tanh3A_188 : vector<1x200xf32>
    %mul3A_193 = arith.mulf %logistic3A_183, %max3A_92 : vector<1x200xf32>
    %add3A_194 = arith.addf %mul3A_192, %mul3A_193 : vector<1x200xf32>
    %max3A_195 = arith.constant 0.000000e+00 : f32
    %max3A_196 = vector.broadcast %max3A_195 : f32 to vector<1x200xf32>
    %max3A_197 = arith.maximumf %add3A_194, %max3A_196 : vector<1x200xf32>
    %swap3A = arith.constant 0 : index
    %swap3A_198 = arith.constant 0 : index
    %swap3A_199 = vector.load %arg9[%swap3A, %swap3A_198] : memref<1x200xf32, #tpu.memory_space<vmem>>, vector<1x200xf32>
    tpu.vector_store %arg9[%swap3A, %swap3A_198], %max3A_197 {strides = array<i32>} : memref<1x200xf32, #tpu.memory_space<vmem>>, vector<1x200xf32>,
    return
  }
}

module attributes {stable_mosaic.version = 14 : i64} {
  func.func @_predict_body(%arg0: memref<1x200xf32, #tpu.memory_space<vmem>>, %arg1: memref<1x200xf32, #tpu.memory_space<vmem>>, %arg2: memref<200x1xf32, #tpu.memory_space<vmem>>, %arg3: memref<1x1xf32, #tpu.memory_space<vmem>>, %arg4: memref<1x1xf32, #tpu.memory_space<vmem>>) attributes {dimension_semantics = [], scalar_prefetch = 0 : i64, scratch_operands = 0 : i64, tpu.core_type = #tpu.core_type<tc>} {
    %get3A = arith.constant 0 : index
    %get3A_0 = arith.constant 0 : index
    %get3A_1 = vector.load %arg0[%get3A, %get3A_0] : memref<1x200xf32, #tpu.memory_space<vmem>>, vector<1x200xf32>
    %get3A_2 = arith.constant 0 : index
    %get3A_3 = arith.constant 0 : index
    %get3A_4 = vector.load %arg1[%get3A_2, %get3A_3] : memref<1x200xf32, #tpu.memory_space<vmem>>, vector<1x200xf32>
    %add3A = arith.addf %get3A_1, %get3A_4 : vector<1x200xf32>
    %get3A_5 = arith.constant 0 : index
    %get3A_6 = arith.constant 0 : index
    %get3A_7 = vector.load %arg2[%get3A_5, %get3A_6] : memref<200x1xf32, #tpu.memory_space<vmem>>, vector<200x1xf32>
    %dot_general3A = arith.constant dense<0.000000e+00> : vector<1x1xf32>
    %dot_general3A_8 = tpu.matmul %add3A, %get3A_7, %dot_general3A {dimension_numbers = #tpu.dot_dimension_numbers<[1], [0], [0], [1], [0, 0, 1, 1], [], []>, transpose_lhs_hint = false} : vector<1x200xf32>, vector<200x1xf32>, vector<1x1xf32> -> vector<1x1xf32>
    %get3A_9 = arith.constant 0 : index
    %get3A_10 = arith.constant 0 : index
    %get3A_11 = vector.load %arg3[%get3A_9, %get3A_10] : memref<1x1xf32, #tpu.memory_space<vmem>>, vector<1x1xf32>
    %add3A_12 = arith.addf %dot_general3A_8, %get3A_11 : vector<1x1xf32>
    %swap3A = arith.constant 0 : index
    %swap3A_13 = arith.constant 0 : index
    %swap3A_14 = vector.load %arg4[%swap3A, %swap3A_13] : memref<1x1xf32, #tpu.memory_space<vmem>>, vector<1x1xf32>
    tpu.vector_store %arg4[%swap3A, %swap3A_13], %add3A_12 {strides = array<i32>} : memref<1x1xf32, #tpu.memory_space<vmem>>, vector<1x1xf32>,
    return
  }
}

</mosaic_0001>

<sc_bundles>
// kernel: kernel.27.cloned.1.call-start
scs
__scs_entry_jumppad:
0x0: {  	(pc) =	sbr.rel $0x88, $3  }
0x1: {  	(tag) =	ssettag $0x0;
	lr =	simm.s32 $0x1  }
0x2: {  	[smem:$0x3F61] =	sst lr;
	_ =	strace $0xD0000000  }
0x3: {  	_ = 	snop  }
0x4: {  	_ = 	snop  }
0x5: {  	_ = 	snop  }
0x6: {  	_ = 	snop  }
0x7: {  	_ = 	snop  }
__scs_overlays_trampoline_lowered:
0x8: {  	[smem:$0x3F70] =	sst s0  }
0x9: {  	[smem:$0x3F71] =	sst s1  }
0xa: {  	[smem:$0x3F72] =	sst s2  }
0xb: {  	[smem:$0x3F73] =	sst s3  }
0xc: {  	[smem:$0x3F74] =	sst s4  }
0xd: {  	[smem:$0x3F75] =	sst s5  }
0xe: {  	[smem:$0x3F76] =	sst s6  }
0xf: {  	[smem:$0x3F77] =	sst s7  }
0x10: {  	[smem:$0x3F78] =	sst s8  }
0x11: {  	[smem:$0x3F79] =	sst s9;
	s0 =	simm.s32 @!p0 $0x0  }
0x12: {  	s1 =	sld [smem:$0x3F5F];
	s0 =	simm.s32 @p0 $0x1  }
0x13: {  	[smem:$0x3F7A] =	sst s0;
	s0 =	simm.s32 @!p1 $0x0  }
0x14: {  	s2 =	sld [smem:$0x3F5E];
	s0 =	simm.s32 @p1 $0x1  }
0x15: {  	[smem:$0x3F7B] =	sst s0;
	s0 =	simm.s32 @!p2 $0x0  }
0x16: {  	s3 =	sld [smem:$0x3FDB];
	s0 =	simm.s32 @p2 $0x1  }
0x17: {  	s4 =	simm.s32 $0x1BF5;
	[smem:$0x3F7D] =	sst s0  }
0x18: {  	s0 =	sld [smem:$0x3F60];
	_ =	swait.ge [sflag:s4], $0x0  }
0x19: {  	s7 =	sld [smem:$0x3F61]  }
0x1a: {  	s8 =	sadd.s32 $0xFFFFE003, lr  }
0x1b: {  	s9 =	sadd.s32 $0xFFFFFEF7, lr;
	s5 =	simm.s32 $0xFFFFFFFF;
	p2 =	slt.u32 s8, $0xFFFFF086  }
0x1c: {  	p1 =	slt.u32 s9, $0xF7A;
	s5 =	simm.s32 @!p2 $0x0  }
0x1d: {  	s5 =	simm.s32 @p1 $0x1;
	p0 =	seq.s32 s7, s2  }
0x1e: {  	s7 =	smul.u32 @!p0 $0xF7A, s2;
	p2 =	seq.s32 @!p0 s5, $0x0  }
0x1f: {  	s9 =	smul.u32 $0xF7A, s1;
	s8 =	simm.s32 @!p0 $0x1BF5;
	p2 =	por !p2, p0  }
0x20: {  	[sflag:s8] =	ssyncset.s32 @!p0 $0xFFFFF086;
	s6 =	sadd.s32 @!p0 s3, s7;
	s7 =	simm.s32 @!p0 $0x108  }
0x21: {  	s3 =	sadd.s32 s3, s9;
	s6 =	sadd.s32 @!p0 $0x88, s6;
	s7 =	simm.s32 @p2 $0x1082  }
0x22: {  	[simem:s7], [sflag:s8] =	dma.local @!p0 [hbm:s6], $0xF7A  }
0x23: {  	s9 =	sor.u32 $0xD0000000, s2;
	s6 =	simm.s32 $0x108;
	_ =	swait.ge @!p0 [sflag:s8], $0x0  }
0x24: {  	s3 =	sadd.s32 $0x88, s3;
	s6 =	simm.s32 @!p1 $0x1082;
	[sflag:s4] =	ssyncset.s32 $0xFFFFF086  }
0x25: {  	[simem:s6], [sflag:s4] =	dma.local [hbm:s3], $0xF7A  }
0x26: {  	[smem:$0x3F61] =	sst s1;
	(tag) =	ssettag s2;
	_ =	strace s9  }
0x27: {  	s1 =	sld [smem:$0x3F71]  }
0x28: {  	s2 =	sld [smem:$0x3F72]  }
0x29: {  	s4 =	sld [smem:$0x3F74]  }
0x2a: {  	p0 =	seq.s32 s5, $0x0;
	s5 =	sld [smem:$0x3F75]  }
0x2b: {  	s6 =	sld [smem:$0x3F76]  }
0x2c: {  	s7 =	sld [smem:$0x3F77]  }
0x2d: {  	s3 =	simm.s32 $0x108;
	s8 =	sld [smem:$0x3F78]  }
0x2e: {  	s3 =	simm.s32 @!p0 $0x1082;
	s9 =	sld [smem:$0x3F79]  }
0x2f: {  	lr =	sadd.s32 s0, s3;
	s0 =	sld [smem:$0x3F70]  }
0x30: {  	s3 =	sld [smem:$0x3F73]  }
0x31: {  	[smem:$0x3F7C] =	sst s10  }
0x32: {  	s10 =	sld [smem:$0x3F7A];
	_ =	sdelay $0x3  }
0x33: {  	p0 =	seq.s32 s10, $0x1;
	s10 =	sld [smem:$0x3F7C];
	_ =	sdelay $0x3  }
0x34: {  	[smem:$0x3F7C] =	sst s10  }
0x35: {  	s10 =	sld [smem:$0x3F7B];
	_ =	sdelay $0x3  }
0x36: {  	p1 =	seq.s32 s10, $0x1;
	s10 =	sld [smem:$0x3F7C];
	_ =	sdelay $0x3  }
0x37: {  	[smem:$0x3F7C] =	sst s10  }
0x38: {  	s10 =	sld [smem:$0x3F7D]  }
0x39: {  	_ = 	snop;
	(pc) =	sbr.ind lr, $3  }
0x3a: {  	_ = 	snop  }
0x3b: {  	_ = 	snop  }
0x3c: {  	p2 =	seq.s32 s10, $0x1;
	s10 =	sld [smem:$0x3F7C]  }
0x3d: {  	_ =	shalt  }
0x3e: {  	_ =	shalt  }
0x3f: {  	_ =	shalt  }
0x40: {  	_ =	shalt  }
0x41: {  	_ =	shalt  }
0x42: {  	_ =	shalt  }
0x43: {  	_ =	shalt  }
0x44: {  	_ =	shalt  }
0x45: {  	_ =	shalt  }
0x46: {  	_ =	shalt  }
0x47: {  	_ =	shalt  }
0x48: {  	_ =	shalt  }
0x49: {  	_ =	shalt  }
0x4a: {  	_ =	shalt  }
0x4b: {  	_ =	shalt  }
0x4c: {  	_ =	shalt  }
0x4d: {  	_ =	shalt  }
0x4e: {  	_ =	shalt  }
0x4f: {  	_ =	shalt  }
0x50: {  	_ =	shalt  }
0x51: {  	_ =	shalt  }
0x52: {  	_ =	shalt  }
0x53: {  	_ =	shalt  }
0x54: {  	_ =	shalt  }
0x55: {  	_ =	shalt  }
0x56: {  	_ =	shalt  }
0x57: {  	_ =	shalt  }
0x58: {  	_ =	shalt  }
0x59: {  	_ =	shalt  }
0x5a: {  	_ =	shalt  }
0x5b: {  	_ =	shalt  }
0x5c: {  	_ =	shalt  }
0x5d: {  	_ =	shalt  }
0x5e: {  	_ =	shalt  }
0x5f: {  	_ =	shalt  }
0x60: {  	_ =	shalt  }
0x61: {  	_ =	shalt  }
0x62: {  	_ =	shalt  }
0x63: {  	_ =	shalt  }
0x64: {  	_ =	shalt  }
0x65: {  	_ =	shalt  }
0x66: {  	_ =	shalt  }
0x67: {  	_ =	shalt  }
0x68: {  	_ =	shalt  }
0x69: {  	_ =	shalt  }
0x6a: {  	_ =	shalt  }
0x6b: {  	_ =	shalt  }
0x6c: {  	_ =	shalt  }
0x6d: {  	_ =	shalt  }
0x6e: {  	_ =	shalt  }
0x6f: {  	_ =	shalt  }
0x70: {  	_ =	shalt  }
0x71: {  	_ =	shalt  }
0x72: {  	_ =	shalt  }
0x73: {  	_ =	shalt  }
0x74: {  	_ =	shalt  }
0x75: {  	_ =	shalt  }
0x76: {  	_ =	shalt  }
0x77: {  	_ =	shalt  }
0x78: {  	_ =	shalt  }
0x79: {  	_ =	shalt  }
0x7a: {  	_ =	shalt  }
0x7b: {  	_ =	shalt  }
0x7c: {  	_ =	shalt  }
0x7d: {  	_ =	shalt  }
0x7e: {  	_ =	shalt  }
0x7f: {  	_ =	shalt  }
0x80: {  	_ =	shalt  }
0x81: {  	_ =	shalt  }
0x82: {  	_ =	shalt  }
0x83: {  	_ =	shalt  }
0x84: {  	_ =	shalt  }
0x85: {  	_ =	shalt  }
0x86: {  	_ =	shalt  }
0x87: {  	_ =	shalt  }
.Lfunc_end0:
.L_simem_size_0:
called_computation_lowered:
.L_overlay_start_0:
0x88: {  	s2 =	sld [smem:$0x3FD9]  }
0x89: {  	s3 =	sld [smem:$0x3FFE];
	_ =	sdelay $0x1  }
0x8a: {  	s1 =	srdreg.scid  }
0x8b: {  	s0 =	sand.u32 $0x1, s1  }
0x8c: {  	s17 =	sshll.u32 s0, $0xA;
	s2 =	sadd.s32 s3, s2  }
0x8d: {  	s2 =	sadd.s32 s2, s17  }
0x8e: {  	[smem:$0x3F88] =	sst s2  }
0x8f: {  	_ = 	snop  }
0x90: {  	(tm) =	ssettm $0x1  }
0x91: {  	s18 =	sld [smem:$0x3FFB];
	_ =	sdelay $0x3  }
0x92: {  	_ =	strace s18  }
0x93: {  	s2 =	sld [smem:$0x3FFC];
	_ =	sdelay $0x3  }
0x94: {  	_ =	strace s2  }
0x95: {  	s2 =	sld [smem:$0x3FFD];
	_ =	sdelay $0x3  }
0x96: {  	_ =	strace s2  }
0x97: {  	_ =	strace $0x8FFFFFFF  }
0x98: {  	s19 =	sld [smem:$0x3FDB];
	_ =	sdelay $0x1  }
0x99: {  	s20 =	simm.s32 $_scs_section_size  }
0x9a: {  	s4 =	simm.s32 $_size__tile_overlayer_lowered;
	s5 =	simm.s32 $_tile_overlayer_lowered  }
0x9b: {  	s6 =	simm.s32 $0x1BFF;
	s21 =	sshll.u32 s5, $0x1;
	s3 =	sadd.s32 s20, s19  }
0x9c: {  	s22 =	simm.s32 $0x0;
	s4 =	sshll.u32 s4, $0x1;
	s5 =	sadd.s32 s21, s3  }
0x9d: {  	[timem:s22], [sflag:s6] =	dma.local [hbm:s5], s4  }
0x9e: {  	_ =	swait.ge [sflag:s6], s4  }
0x9f: {  	s4 =	ssub.s32 $0x0, s4;
	[sflag:s6] =	ssyncset.done $0x0  }
0xa0: {  	[sflag:s6] =	ssyncadd.s32 s4;
	_ =	sdelay $0x1  }
0xa1: {  	s23 =	simm.s32 $0x1B8B  }
0xa2: {  	_ =	swait.ge [sflag:s23], $0x1  }
0xa3: {  	[sflag:s23] =	ssyncset.done $0x0  }
0xa4: {  	[sflag:s23] =	ssyncadd.s32 $0xFFFFFFFF  }
0xa5: {  	s4 =	sld [smem:$0x0]  }
0xa6: {  	s5 =	sand.u32 $0xFFFFFFFE, s1  }
0xa7: {  	p0 =	sne.s32 s1, s5  }
0xa8: {  	s5 =	sshll.u32 @p0 s5, $0xE  }
0xa9: {  	s5 =	sadd.s32 @p0 $0x11B8D, s5;
	s6 =	sshll.u32 @p0 s4, $0x11  }
0xaa: {  	s5 =	sor.u32 @p0 s6, s5  }
0xab: {  	[sflag:s5] =	ssyncadd.remote.s32 @p0 $0x1;
	_ =	sdelay $0x1  }
0xac: {  	s5 =	simm.s32 @p0 $0x1B8D  }
0xad: {  	_ =	swait.eq @p0 [sflag:s5], $0x1  }
0xae: {  	[sflag:s5] =	ssyncadd.s32 @p0 $0xFFFFFFFF  }
0xaf: {  	s6 =	sshll.u32 @!p0 s1, $0xE  }
0xb0: {  	s6 =	sor.u32 @!p0 $0x4000, s6;
	s5 =	simm.s32 @!p0 $0x1B8D  }
0xb1: {  	s4 =	sshll.u32 @!p0 s4, $0x11;
	s6 =	sadd.s32 @!p0 $0x11B8D, s6;
	_ =	swait.eq @!p0 [sflag:s5], $0x1  }
0xb2: {  	s4 =	sor.u32 @!p0 s4, s6;
	[sflag:s5] =	ssyncadd.s32 @!p0 $0xFFFFFFFF  }
0xb3: {  	s25 =	simm.s32 $0x1B8E;
	s24 =	sld [smem:$0x3FFE];
	[sflag:s4] =	ssyncadd.remote.s32 @!p0 $0x1  }
0xb4: {  	s26 =	simm.s32 $execute0_lowered;
	[smem:$0x3FD2] =	sst s25  }
0xb5: {  	s5 =	sshll.u32 s26, $0x1;
	_ =	strace $0x8000004F;
	[dreg:$0x1] =	wrdreg $0xFFFFFFFF  }
0xb6: {  	s28 =	simm.s32 $_size_execute0_lowered;
	s3 =	sadd.s32 s3, s5;
	[dreg:$0x0] =	wrdreg $0x0  }
0xb7: {  	s5 =	sshll.u32 s28, $0x1;
	[dreg:$0x2] =	wrdreg s3  }
0xb8: {  	[dreg:$0x3] =	wrdreg s5  }
0xb9: {  	[dreg:$0x4] =	wrdreg $0xC0  }
0xba: {  	_ =	task [dreg:s22], $0x5FFFF  }
0xbb: {  	[dreg:$0x1] =	wrdreg $0xFFFFFFFF  }
0xbc: {  	[dreg:$0x0] =	wrdreg $0x60  }
0xbd: {  	[dreg:$0x2] =	wrdreg s24  }
0xbe: {  	[dreg:$0x3] =	wrdreg $0x9  }
0xbf: {  	_ =	task.clear_ibuf [dreg:s22], $0x4FFFF;
	_ =	strace $0x9000004F  }
0xc0: {  	s29 =	simm.s32 $0x9;
	_ =	strace $0x80000051  }
0xc1: {  	_ =	swait.ge [sflag:s29], $0x1  }
0xc2: {  	[sflag:s29] =	ssyncadd.s32 $0xFFFFFFFF  }
0xc3: {  	_ =	strace $0x90000051  }
0xc4: {  	_ =	sfence  }
0xc5: {  	s30 =	sld [smem:$0x0];
	_ =	sdelay $0x2  }
0xc6: {  	s31 =	sshll.u32 s1, $0xD;
	s1 =	sshrl.u32 s1, $0x2  }
0xc7: {  	s4 =	sand.u32 $0x4000, s31;
	s1 =	sadd.s32 s1, s30  }
0xc8: {  	s0 =	sor.u32 s4, s0;
	s1 =	sshll.u32 s1, $0x11  }
0xc9: {  	s0 =	sor.u32 s1, s0  }
0xca: {  	s0 =	sadd.s32 $0x8F2B, s0  }
0xcb: {  	[sflag:s0] =	ssyncadd.remote.s32 $0x1  }
0xcc: {  	_ =	sfence.sel $0xFFFF  }
0xcd: {  	[dreg:$0x0] =	wrdreg $0xFFFFFFFF;
	(pc) =	sbr.abs _section_cstart, $3  }
0xce: {  	[dreg:$0x1] =	wrdreg $0xFFFFFFFF  }
0xcf: {  	_ =	task.clear_ibuf [dreg:s22], $0x2FFFF;
	_ =	strace $0x9FFFFFFF  }
0xd0: {  	(tm) =	ssettm $0x7FFFFFFF  }
0xd1: {  	_ =	shalt  }
tec
execute0_lowered:
.L_overlay_start_1:
0x0: {  	(tag) =	ssettag $0x1  }
0x1: {  	s4 =	rddreg [dreg:$0x0]  }
0x2: {  	s0 =	rddreg [dreg:$0x1];
	s1 =	simm.s32 $0x0  }
0x3: {  	s5 =	srdreg.scid;
	s2 =	stileid.u32;
	s9 =	simm.s32 $0x4800  }
0x4: {  	s10 =	simm.s32 $0x5000;
	s11 =	simm.s32 $0x5800;
	s12 =	simm.s32 $0x6000  }
0x5: {  	s13 =	simm.s32 $0x6800;
	s14 =	simm.s32 $0x7000;
	s15 =	simm.s32 $0x7800  }
0x6: {  	s16 =	simm.s32 $0x8000;
	s17 =	simm.s32 $0x8800;
	s18 =	simm.s32 $0x1  }
0x7: {  	s19 =	simm.s32 $0x0;
	[smem:$0x7FF] =	sst s1;
	s3 =	sadd.s32 $0xFCCC00, s4  }
0x8: {  	s5 =	sand.u32 $0x1, s5;
	s6 =	sshll.u32 s2, $0xC;
	s8 =	smul.u32 $0x9C400, s2  }
0x9: {  	_ =	strace $0x80000050;
	s7 =	sshll.u32 s5, $0xB;
	s29 =	ssub.s32 $0x2, s5  }
0xa: {  	s5 =	smul.u32 $0x4E200, s5;
	s6 =	sor.u32 s7, s6;
	s30 =	sshrl.u32 s29, $0x1  }
0xb: {  	v2 =	vlaneseq.u32;
	s8 =	sadd.s32 s8, s4;
	s6 =	sadd.s32 s6, s4;
	s7 =	ssub.s32 s29, s30  }
0xc: {  	vm0 =	vmmov $0xffff;
	v1 =	vshrl.u32 v2, $0x3;
	s31 =	sadd.s32 s5, s8;
	s8 =	simm.s32 $0x4000;
	s4 =	sadd.s32 $0x1572200, s6  }
0xd: {  	v0 =	vand.u32 $0x7, v2;
	v2 =	vor.u32 $0x8, v2;
	v1 =	vmul.u32 $0x8, v1;
	s5 =	smax.u32 s7, $0x1;
	s6 =	sadd.s32 $0x1582200, s31;
	s7 =	simm.s32 $0x2  }
.LBB2_1:
0xe: {  	[tilespmem:s1], [sflag:$0x2] =	stream.linear.gather [hbm4b:s4+s1], $0x3E80, $0x38;
	[tilespmem:$0x9000] =	vst v63  }
0xf: {  	_ =	swait.ge [sflag:s7], $0x3E80  }
0x10: {  	[sflag:s7] =	ssyncset.done $0x0  }
0x11: {  	s20 =	simm.s32 $0x20;
	s21 =	simm.s32 $0x0;
	[sflag:s7] =	ssyncadd.s32 $0xFFFFC180  }
.LBB2_2:
0x12: {  	v3 =	vld [tilespmem:s20+$0xFFFFFFE0];
	_ =	sdelay $0x4  }
0x13: {  	v4 =	vshll.u32 v3, $0x1  }
0x14: {  	v3 =	vand.u32 $0x7, v3;
	v4 =	vand.u32 $0xFFFFFFF0, v4  }
0x15: {  	v3 =	vor.u32 v3, v4  }
0x16: {  	v4 =	vperm.xlane v3, v0;
	_ =	sdelay $0x1  }
0x17: {  	v3 =	vperm.xlane v3, v2;
	v4 =	vadd.s32 v1, v4;
	_ =	sdelay $0x1  }
0x18: {  	v3 =	vadd.s32 v1, v3;
	_ =	sdelay $0x2  }
0x19: {  	[tilespmem:s8], [sflag:$0x1] =	stream.indirect_vreg.gather [hbm4b:s3+s1], $0x80, v4, vm0, $0xb8;
	[tilespmem:$0x9000] =	vst v63  }
0x1a: {  	_ = 	snop  }
0x1b: {  	[tilespmem:s9], [sflag:$0x1] =	stream.indirect_vreg.gather [hbm4b:s3+s1], $0x80, v3, vm0, $0xb8;
	[tilespmem:$0x9000] =	vst v63  }
0x1c: {  	v3 =	vld [tilespmem:s20+$0xFFFFFFF0];
	_ =	sdelay $0x4  }
0x1d: {  	v60 =	vshll.u32 v3, $0x1  }
0x1e: {  	v3 =	vand.u32 $0x7, v3;
	v4 =	vand.u32 $0xFFFFFFF0, v60  }
0x1f: {  	v3 =	vor.u32 v3, v4  }
0x20: {  	v4 =	vperm.xlane v3, v0;
	_ =	sdelay $0x1  }
0x21: {  	v3 =	vperm.xlane v3, v2;
	v4 =	vadd.s32 v1, v4;
	_ =	sdelay $0x1  }
0x22: {  	v3 =	vadd.s32 v1, v3;
	_ =	sdelay $0x2  }
0x23: {  	[tilespmem:s10], [sflag:$0x1] =	stream.indirect_vreg.gather [hbm4b:s3+s1], $0x80, v4, vm0, $0xb8;
	[tilespmem:$0x9000] =	vst v63  }
0x24: {  	_ = 	snop  }
0x25: {  	[tilespmem:s11], [sflag:$0x1] =	stream.indirect_vreg.gather [hbm4b:s3+s1], $0x80, v3, vm0, $0xb8;
	[tilespmem:$0x9000] =	vst v63  }
0x26: {  	v3 =	vld [tilespmem:s20+$0x0];
	_ =	sdelay $0x4  }
0x27: {  	v61 =	vshll.u32 v3, $0x1  }
0x28: {  	v3 =	vand.u32 $0x7, v3;
	v4 =	vand.u32 $0xFFFFFFF0, v61  }
0x29: {  	v3 =	vor.u32 v3, v4  }
0x2a: {  	v4 =	vperm.xlane v3, v0;
	_ =	sdelay $0x1  }
0x2b: {  	v3 =	vperm.xlane v3, v2;
	v4 =	vadd.s32 v1, v4;
	_ =	sdelay $0x1  }
0x2c: {  	v3 =	vadd.s32 v1, v3;
	_ =	sdelay $0x2  }
0x2d: {  	[tilespmem:s12], [sflag:$0x1] =	stream.indirect_vreg.gather [hbm4b:s3+s1], $0x80, v4, vm0, $0xb8;
	[tilespmem:$0x9000] =	vst v63  }
0x2e: {  	_ = 	snop  }
0x2f: {  	[tilespmem:s13], [sflag:$0x1] =	stream.indirect_vreg.gather [hbm4b:s3+s1], $0x80, v3, vm0, $0xb8;
	[tilespmem:$0x9000] =	vst v63  }
0x30: {  	v3 =	vld [tilespmem:s20+$0x10];
	_ =	sdelay $0x4  }
0x31: {  	v62 =	vshll.u32 v3, $0x1  }
0x32: {  	v3 =	vand.u32 $0x7, v3;
	v4 =	vand.u32 $0xFFFFFFF0, v62  }
0x33: {  	v3 =	vor.u32 v3, v4  }
0x34: {  	v4 =	vperm.xlane v3, v0;
	_ =	sdelay $0x1  }
0x35: {  	v3 =	vperm.xlane v3, v2;
	v4 =	vadd.s32 v1, v4;
	_ =	sdelay $0x1  }
0x36: {  	v3 =	vadd.s32 v1, v3;
	_ =	sdelay $0x2  }
0x37: {  	[tilespmem:s14], [sflag:$0x1] =	stream.indirect_vreg.gather [hbm4b:s3+s1], $0x80, v4, vm0, $0xb8;
	[tilespmem:$0x9000] =	vst v63  }
0x38: {  	_ = 	snop  }
0x39: {  	[tilespmem:s15], [sflag:$0x1] =	stream.indirect_vreg.gather [hbm4b:s3+s1], $0x80, v3, vm0, $0xb8;
	[tilespmem:$0x9000] =	vst v63  }
0x3a: {  	v3 =	vld [tilespmem:s20+$0x20];
	_ =	sdelay $0x4  }
0x3b: {  	v63 =	vshll.u32 v3, $0x1  }
0x3c: {  	v3 =	vand.u32 $0x7, v3;
	v4 =	vand.u32 $0xFFFFFFF0, v63  }
0x3d: {  	v3 =	vor.u32 v3, v4  }
0x3e: {  	v4 =	vperm.xlane v3, v0;
	_ =	sdelay $0x1  }
0x3f: {  	v3 =	vperm.xlane v3, v2;
	v4 =	vadd.s32 v1, v4;
	_ =	sdelay $0x1  }
0x40: {  	v3 =	vadd.s32 v1, v3;
	_ =	sdelay $0x2  }
0x41: {  	[tilespmem:s16], [sflag:$0x1] =	stream.indirect_vreg.gather [hbm4b:s3+s1], $0x80, v4, vm0, $0xb8;
	[tilespmem:$0x9000] =	vst v63  }
0x42: {  	_ = 	snop  }
0x43: {  	[tilespmem:s17], [sflag:$0x1] =	stream.indirect_vreg.gather [hbm4b:s3+s1], $0x80, v3, vm0, $0xb8;
	[tilespmem:$0x9000] =	vst v63  }
0x44: {  	_ =	swait.ge [sflag:s18], $0x5000  }
0x45: {  	p0 =	sne.s32 s21, $0x4D800;
	[sflag:s18] =	ssyncset.done $0x0  }
.Ltmp0:
0x46: {  	s22 =	sadd.s32 s21, s6;
	[sflag:s18] =	ssyncadd.s32 $0xFFFFB000;
	(pc) =	sbr.rel @p0 .LBB2_2-.Ltmp0, $4  }
0x47: {  	[hbm4b:s22+s1] =	stream.linear.scatter [tilespmem:s8], [sflag:$0x2], $0x5000, $0x38;
	[tilespmem:$0x9000] =	vst v63  }
0x48: {  	_ =	swait.ge [sflag:s7], $0x5000  }
0x49: {  	[sflag:s7] =	ssyncset.done $0x0  }
0x4a: {  	s21 =	sadd.s32 $0xA00, s21;
	s20 =	sadd.s32 $0x80, s20;
	[sflag:s7] =	ssyncadd.s32 $0xFFFFB000  }
0x4b: {  	s19 =	sadd.s32 $0x1, s19  }
0x4c: {  	p0 =	sne.s32 s19, s5  }
.Ltmp1:
0x4d: {  	_ = 	snop;
	(pc) =	sbr.rel @p0 .LBB2_1-.Ltmp1, $1  }
0x4e: {  	_ =	sdelay $0x3  }
0x4f: {  	_ =	sfence.sel $0x180000  }
0x50: {  	[bflag:$0x0] =	sbarrier.arrive $0xFFFF  }
0x51: {  	p0 =	sne.s32 s2, $0x0;
	_ =	strace $0x90000050  }
0x52: {  	s0 =	sadd.s32 @!p0 $0x100000, s0;
	[bflag:$0x2] =	sbarrier.arrive $0xFFFF  }
0x53: {  	[sflag:s0] =	ssyncadd.tile.s32 @!p0 $0x1;
	_ =	shalt  }
.Lfunc_end2:
_tile_overlayer_lowered:
.L_overlay_start_2:
0x54: {  	(tag) =	ssettag $0x2  }
0x55: {  	s0 =	rddreg [dreg:$0x0];
	s2 =	stileid.u32  }
0x56: {  	s1 =	rddreg [dreg:$0x1];
	p0 =	sne.s32 s2, $0x0  }
0x57: {  	s3 =	rddreg [dreg:$0x2];
	[bflag:$0x3] =	sbarrier.arrive $0xFFFF;
	s2 =	simm.s32 @!p0 $0x1C02  }
0x58: {  	[timem:s3], [sflag:s2] =	dma.local @!p0 [hbm:s0], s1  }
0x59: {  	s0 =	simm.s32 @!p0 $0x2  }
0x5a: {  	_ =	swait.ge @!p0 [sflag:s0], s1  }
0x5b: {  	s1 =	ssub.s32 @!p0 $0x0, s1;
	[sflag:s0] =	ssyncset.done @!p0 $0x0  }
0x5c: {  	[sflag:s0] =	ssyncadd.s32 @!p0 s1  }
0x5d: {  	[bflag:$0x3] =	sbarrier.arrive $0xFFFF  }
0x5e: {  	_ =	shalt  }

// kernel: kernel.30.cloned.1.call-start
scs
__scs_entry_jumppad:
0x0: {  	(pc) =	sbr.rel $0x88, $3  }
0x1: {  	(tag) =	ssettag $0x0;
	lr =	simm.s32 $0x1  }
0x2: {  	[smem:$0x3F61] =	sst lr;
	_ =	strace $0xD0000000  }
0x3: {  	_ = 	snop  }
0x4: {  	_ = 	snop  }
0x5: {  	_ = 	snop  }
0x6: {  	_ = 	snop  }
0x7: {  	_ = 	snop  }
__scs_overlays_trampoline_lowered:
0x8: {  	[smem:$0x3F70] =	sst s0  }
0x9: {  	[smem:$0x3F71] =	sst s1  }
0xa: {  	[smem:$0x3F72] =	sst s2  }
0xb: {  	[smem:$0x3F73] =	sst s3  }
0xc: {  	[smem:$0x3F74] =	sst s4  }
0xd: {  	[smem:$0x3F75] =	sst s5  }
0xe: {  	[smem:$0x3F76] =	sst s6  }
0xf: {  	[smem:$0x3F77] =	sst s7  }
0x10: {  	[smem:$0x3F78] =	sst s8  }
0x11: {  	[smem:$0x3F79] =	sst s9;
	s0 =	simm.s32 @!p0 $0x0  }
0x12: {  	s1 =	sld [smem:$0x3F5F];
	s0 =	simm.s32 @p0 $0x1  }
0x13: {  	[smem:$0x3F7A] =	sst s0;
	s0 =	simm.s32 @!p1 $0x0  }
0x14: {  	s2 =	sld [smem:$0x3F5E];
	s0 =	simm.s32 @p1 $0x1  }
0x15: {  	[smem:$0x3F7B] =	sst s0;
	s0 =	simm.s32 @!p2 $0x0  }
0x16: {  	s3 =	sld [smem:$0x3FDB];
	s0 =	simm.s32 @p2 $0x1  }
0x17: {  	s4 =	simm.s32 $0x1BF5;
	[smem:$0x3F7D] =	sst s0  }
0x18: {  	s0 =	sld [smem:$0x3F60];
	_ =	swait.ge [sflag:s4], $0x0  }
0x19: {  	s7 =	sld [smem:$0x3F61]  }
0x1a: {  	s8 =	sadd.s32 $0xFFFFE003, lr  }
0x1b: {  	s9 =	sadd.s32 $0xFFFFFEF7, lr;
	s5 =	simm.s32 $0xFFFFFFFF;
	p2 =	slt.u32 s8, $0xFFFFF086  }
0x1c: {  	p1 =	slt.u32 s9, $0xF7A;
	s5 =	simm.s32 @!p2 $0x0  }
0x1d: {  	s5 =	simm.s32 @p1 $0x1;
	p0 =	seq.s32 s7, s2  }
0x1e: {  	s7 =	smul.u32 @!p0 $0xF7A, s2;
	p2 =	seq.s32 @!p0 s5, $0x0  }
0x1f: {  	s9 =	smul.u32 $0xF7A, s1;
	s8 =	simm.s32 @!p0 $0x1BF5;
	p2 =	por !p2, p0  }
0x20: {  	[sflag:s8] =	ssyncset.s32 @!p0 $0xFFFFF086;
	s6 =	sadd.s32 @!p0 s3, s7;
	s7 =	simm.s32 @!p0 $0x108  }
0x21: {  	s3 =	sadd.s32 s3, s9;
	s6 =	sadd.s32 @!p0 $0x88, s6;
	s7 =	simm.s32 @p2 $0x1082  }
0x22: {  	[simem:s7], [sflag:s8] =	dma.local @!p0 [hbm:s6], $0xF7A  }
0x23: {  	s9 =	sor.u32 $0xD0000000, s2;
	s6 =	simm.s32 $0x108;
	_ =	swait.ge @!p0 [sflag:s8], $0x0  }
0x24: {  	s3 =	sadd.s32 $0x88, s3;
	s6 =	simm.s32 @!p1 $0x1082;
	[sflag:s4] =	ssyncset.s32 $0xFFFFF086  }
0x25: {  	[simem:s6], [sflag:s4] =	dma.local [hbm:s3], $0xF7A  }
0x26: {  	[smem:$0x3F61] =	sst s1;
	(tag) =	ssettag s2;
	_ =	strace s9  }
0x27: {  	s1 =	sld [smem:$0x3F71]  }
0x28: {  	s2 =	sld [smem:$0x3F72]  }
0x29: {  	s4 =	sld [smem:$0x3F74]  }
0x2a: {  	p0 =	seq.s32 s5, $0x0;
	s5 =	sld [smem:$0x3F75]  }
0x2b: {  	s6 =	sld [smem:$0x3F76]  }
0x2c: {  	s7 =	sld [smem:$0x3F77]  }
0x2d: {  	s3 =	simm.s32 $0x108;
	s8 =	sld [smem:$0x3F78]  }
0x2e: {  	s3 =	simm.s32 @!p0 $0x1082;
	s9 =	sld [smem:$0x3F79]  }
0x2f: {  	lr =	sadd.s32 s0, s3;
	s0 =	sld [smem:$0x3F70]  }
0x30: {  	s3 =	sld [smem:$0x3F73]  }
0x31: {  	[smem:$0x3F7C] =	sst s10  }
0x32: {  	s10 =	sld [smem:$0x3F7A];
	_ =	sdelay $0x3  }
0x33: {  	p0 =	seq.s32 s10, $0x1;
	s10 =	sld [smem:$0x3F7C];
	_ =	sdelay $0x3  }
0x34: {  	[smem:$0x3F7C] =	sst s10  }
0x35: {  	s10 =	sld [smem:$0x3F7B];
	_ =	sdelay $0x3  }
0x36: {  	p1 =	seq.s32 s10, $0x1;
	s10 =	sld [smem:$0x3F7C];
	_ =	sdelay $0x3  }
0x37: {  	[smem:$0x3F7C] =	sst s10  }
0x38: {  	s10 =	sld [smem:$0x3F7D]  }
0x39: {  	_ = 	snop;
	(pc) =	sbr.ind lr, $3  }
0x3a: {  	_ = 	snop  }
0x3b: {  	_ = 	snop  }
0x3c: {  	p2 =	seq.s32 s10, $0x1;
	s10 =	sld [smem:$0x3F7C]  }
0x3d: {  	_ =	shalt  }
0x3e: {  	_ =	shalt  }
0x3f: {  	_ =	shalt  }
0x40: {  	_ =	shalt  }
0x41: {  	_ =	shalt  }
0x42: {  	_ =	shalt  }
0x43: {  	_ =	shalt  }
0x44: {  	_ =	shalt  }
0x45: {  	_ =	shalt  }
0x46: {  	_ =	shalt  }
0x47: {  	_ =	shalt  }
0x48: {  	_ =	shalt  }
0x49: {  	_ =	shalt  }
0x4a: {  	_ =	shalt  }
0x4b: {  	_ =	shalt  }
0x4c: {  	_ =	shalt  }
0x4d: {  	_ =	shalt  }
0x4e: {  	_ =	shalt  }
0x4f: {  	_ =	shalt  }
0x50: {  	_ =	shalt  }
0x51: {  	_ =	shalt  }
0x52: {  	_ =	shalt  }
0x53: {  	_ =	shalt  }
0x54: {  	_ =	shalt  }
0x55: {  	_ =	shalt  }
0x56: {  	_ =	shalt  }
0x57: {  	_ =	shalt  }
0x58: {  	_ =	shalt  }
0x59: {  	_ =	shalt  }
0x5a: {  	_ =	shalt  }
0x5b: {  	_ =	shalt  }
0x5c: {  	_ =	shalt  }
0x5d: {  	_ =	shalt  }
0x5e: {  	_ =	shalt  }
0x5f: {  	_ =	shalt  }
0x60: {  	_ =	shalt  }
0x61: {  	_ =	shalt  }
0x62: {  	_ =	shalt  }
0x63: {  	_ =	shalt  }
0x64: {  	_ =	shalt  }
0x65: {  	_ =	shalt  }
0x66: {  	_ =	shalt  }
0x67: {  	_ =	shalt  }
0x68: {  	_ =	shalt  }
0x69: {  	_ =	shalt  }
0x6a: {  	_ =	shalt  }
0x6b: {  	_ =	shalt  }
0x6c: {  	_ =	shalt  }
0x6d: {  	_ =	shalt  }
0x6e: {  	_ =	shalt  }
0x6f: {  	_ =	shalt  }
0x70: {  	_ =	shalt  }
0x71: {  	_ =	shalt  }
0x72: {  	_ =	shalt  }
0x73: {  	_ =	shalt  }
0x74: {  	_ =	shalt  }
0x75: {  	_ =	shalt  }
0x76: {  	_ =	shalt  }
0x77: {  	_ =	shalt  }
0x78: {  	_ =	shalt  }
0x79: {  	_ =	shalt  }
0x7a: {  	_ =	shalt  }
0x7b: {  	_ =	shalt  }
0x7c: {  	_ =	shalt  }
0x7d: {  	_ =	shalt  }
0x7e: {  	_ =	shalt  }
0x7f: {  	_ =	shalt  }
0x80: {  	_ =	shalt  }
0x81: {  	_ =	shalt  }
0x82: {  	_ =	shalt  }
0x83: {  	_ =	shalt  }
0x84: {  	_ =	shalt  }
0x85: {  	_ =	shalt  }
0x86: {  	_ =	shalt  }
0x87: {  	_ =	shalt  }
.Lfunc_end0:
.L_simem_size_0:
called_computation.1_lowered:
.L_overlay_start_0:
0x88: {  	s2 =	sld [smem:$0x3FD9]  }
0x89: {  	s3 =	sld [smem:$0x3FFE];
	_ =	sdelay $0x1  }
0x8a: {  	s1 =	srdreg.scid  }
0x8b: {  	s0 =	sand.u32 $0x1, s1  }
0x8c: {  	s17 =	sshll.u32 s0, $0xA;
	s2 =	sadd.s32 s3, s2  }
0x8d: {  	s2 =	sadd.s32 s2, s17  }
0x8e: {  	[smem:$0x3F88] =	sst s2  }
0x8f: {  	_ = 	snop  }
0x90: {  	(tm) =	ssettm $0x1  }
0x91: {  	s18 =	sld [smem:$0x3FFB];
	_ =	sdelay $0x3  }
0x92: {  	_ =	strace s18  }
0x93: {  	s2 =	sld [smem:$0x3FFC];
	_ =	sdelay $0x3  }
0x94: {  	_ =	strace s2  }
0x95: {  	s2 =	sld [smem:$0x3FFD];
	_ =	sdelay $0x3  }
0x96: {  	_ =	strace s2  }
0x97: {  	_ =	strace $0x8FFFFFFF  }
0x98: {  	s19 =	sld [smem:$0x3FDB];
	_ =	sdelay $0x1  }
0x99: {  	s20 =	simm.s32 $_scs_section_size  }
0x9a: {  	s4 =	simm.s32 $_size__tile_overlayer_lowered;
	s5 =	simm.s32 $_tile_overlayer_lowered  }
0x9b: {  	s6 =	simm.s32 $0x1BFF;
	s21 =	sshll.u32 s5, $0x1;
	s3 =	sadd.s32 s20, s19  }
0x9c: {  	s22 =	simm.s32 $0x0;
	s4 =	sshll.u32 s4, $0x1;
	s5 =	sadd.s32 s21, s3  }
0x9d: {  	[timem:s22], [sflag:s6] =	dma.local [hbm:s5], s4  }
0x9e: {  	_ =	swait.ge [sflag:s6], s4  }
0x9f: {  	s4 =	ssub.s32 $0x0, s4;
	[sflag:s6] =	ssyncset.done $0x0  }
0xa0: {  	[sflag:s6] =	ssyncadd.s32 s4;
	_ =	sdelay $0x1  }
0xa1: {  	s23 =	simm.s32 $0x1B8B  }
0xa2: {  	_ =	swait.ge [sflag:s23], $0x1  }
0xa3: {  	[sflag:s23] =	ssyncset.done $0x0  }
0xa4: {  	[sflag:s23] =	ssyncadd.s32 $0xFFFFFFFF  }
0xa5: {  	s4 =	sld [smem:$0x0]  }
0xa6: {  	s5 =	sand.u32 $0xFFFFFFFE, s1  }
0xa7: {  	p0 =	sne.s32 s1, s5  }
0xa8: {  	s5 =	sshll.u32 @p0 s5, $0xE  }
0xa9: {  	s5 =	sadd.s32 @p0 $0x11B8D, s5;
	s6 =	sshll.u32 @p0 s4, $0x11  }
0xaa: {  	s5 =	sor.u32 @p0 s6, s5  }
0xab: {  	[sflag:s5] =	ssyncadd.remote.s32 @p0 $0x1;
	_ =	sdelay $0x1  }
0xac: {  	s5 =	simm.s32 @p0 $0x1B8D  }
0xad: {  	_ =	swait.eq @p0 [sflag:s5], $0x1  }
0xae: {  	[sflag:s5] =	ssyncadd.s32 @p0 $0xFFFFFFFF  }
0xaf: {  	s6 =	sshll.u32 @!p0 s1, $0xE  }
0xb0: {  	s6 =	sor.u32 @!p0 $0x4000, s6;
	s5 =	simm.s32 @!p0 $0x1B8D  }
0xb1: {  	s4 =	sshll.u32 @!p0 s4, $0x11;
	s6 =	sadd.s32 @!p0 $0x11B8D, s6;
	_ =	swait.eq @!p0 [sflag:s5], $0x1  }
0xb2: {  	s4 =	sor.u32 @!p0 s4, s6;
	[sflag:s5] =	ssyncadd.s32 @!p0 $0xFFFFFFFF  }
0xb3: {  	s25 =	simm.s32 $0x1B8E;
	s24 =	sld [smem:$0x3FFE];
	[sflag:s4] =	ssyncadd.remote.s32 @!p0 $0x1  }
0xb4: {  	s26 =	simm.s32 $execute0_lowered;
	[smem:$0x3FD2] =	sst s25  }
0xb5: {  	s5 =	sshll.u32 s26, $0x1;
	_ =	strace $0x8000004C;
	[dreg:$0x1] =	wrdreg $0xFFFFFFFF  }
0xb6: {  	s28 =	simm.s32 $_size_execute0_lowered;
	s3 =	sadd.s32 s3, s5;
	[dreg:$0x0] =	wrdreg $0x0  }
0xb7: {  	s5 =	sshll.u32 s28, $0x1;
	[dreg:$0x2] =	wrdreg s3  }
0xb8: {  	[dreg:$0x3] =	wrdreg s5  }
0xb9: {  	[dreg:$0x4] =	wrdreg $0xC0  }
0xba: {  	_ =	task [dreg:s22], $0x5FFFF  }
0xbb: {  	[dreg:$0x1] =	wrdreg $0xFFFFFFFF  }
0xbc: {  	[dreg:$0x0] =	wrdreg $0x60  }
0xbd: {  	[dreg:$0x2] =	wrdreg s24  }
0xbe: {  	[dreg:$0x3] =	wrdreg $0xA  }
0xbf: {  	_ =	task.clear_ibuf [dreg:s22], $0x4FFFF;
	_ =	strace $0x9000004C  }
0xc0: {  	s29 =	simm.s32 $0xA;
	_ =	strace $0x8000004E  }
0xc1: {  	_ =	swait.ge [sflag:s29], $0x1  }
0xc2: {  	[sflag:s29] =	ssyncadd.s32 $0xFFFFFFFF  }
0xc3: {  	_ =	strace $0x9000004E  }
0xc4: {  	_ =	sfence  }
0xc5: {  	s30 =	sld [smem:$0x0];
	_ =	sdelay $0x2  }
0xc6: {  	s31 =	sshll.u32 s1, $0xD;
	s1 =	sshrl.u32 s1, $0x2  }
0xc7: {  	s4 =	sand.u32 $0x4000, s31;
	s1 =	sadd.s32 s1, s30  }
0xc8: {  	s0 =	sor.u32 s4, s0;
	s1 =	sshll.u32 s1, $0x11  }
0xc9: {  	s0 =	sor.u32 s1, s0  }
0xca: {  	s0 =	sadd.s32 $0x8F2B, s0  }
0xcb: {  	[sflag:s0] =	ssyncadd.remote.s32 $0x1  }
0xcc: {  	_ =	sfence.sel $0xFFFF  }
0xcd: {  	[dreg:$0x0] =	wrdreg $0xFFFFFFFF;
	(pc) =	sbr.abs _section_cstart, $3  }
0xce: {  	[dreg:$0x1] =	wrdreg $0xFFFFFFFF  }
0xcf: {  	_ =	task.clear_ibuf [dreg:s22], $0x2FFFF;
	_ =	strace $0x9FFFFFFF  }
0xd0: {  	(tm) =	ssettm $0x7FFFFFFF  }
0xd1: {  	_ =	shalt  }
tec
execute0_lowered:
.L_overlay_start_1:
0x0: {  	(tag) =	ssettag $0x1  }
0x1: {  	s4 =	rddreg [dreg:$0x0]  }
0x2: {  	s0 =	rddreg [dreg:$0x1];
	s2 =	simm.s32 $0x0;
	s5 =	srdreg.scid  }
0x3: {  	s1 =	stileid.u32;
	s11 =	simm.s32 $0x0;
	[smem:$0x7FF] =	sst s2  }
0x4: {  	s3 =	sadd.s32 $0x101AE00, s4;
	s5 =	sand.u32 $0x1, s5;
	s6 =	sshll.u32 s1, $0xC  }
0x5: {  	s8 =	smul.u32 $0x4E200, s1;
	_ =	strace $0x8000004D;
	s7 =	sshll.u32 s5, $0xB  }
0x6: {  	s9 =	ssub.s32 $0x2, s5;
	s10 =	smul.u32 $0x27100, s5;
	s6 =	sor.u32 s7, s6  }
0x7: {  	s29 =	sshrl.u32 s9, $0x1;
	s31 =	sadd.s32 s8, s4;
	s8 =	simm.s32 $0x50  }
0x8: {  	s30 =	sadd.s32 s6, s4;
	s7 =	ssub.s32 s9, s29;
	s6 =	sadd.s32 s10, s31  }
0x9: {  	s9 =	simm.s32 $0x4000;
	s10 =	simm.s32 $0x1;
	s4 =	sadd.s32 $0xFBCC00, s30  }
0xa: {  	s5 =	smax.u32 s7, $0x1;
	s6 =	sadd.s32 $0x1090200, s6;
	s7 =	simm.s32 $0x2  }
.LBB2_1:
0xb: {  	[tilespmem:s2], [sflag:$0x2] =	stream.linear.gather [hbm4b:s4+s2], $0x3E80, $0x38;
	[tilespmem:$0x6800] =	vst v63  }
0xc: {  	_ =	swait.ge [sflag:s7], $0x3E80  }
0xd: {  	[sflag:s7] =	ssyncset.done $0x0  }
0xe: {  	s12 =	simm.s32 $0x0;
	[sflag:s7] =	ssyncadd.s32 $0xFFFFC180  }
0xf: {  	[tilespmem:s9], [sflag:$0x1] =	stream.indirect.gather [hbm4b:s3+s8], $0x80, s12, s8, $0xb8;
	[tilespmem:$0x6800] =	vst v63  }
0x10: {  	_ =	swait.ge [sflag:s10], $0x2800  }
0x11: {  	[sflag:s10] =	ssyncset.done $0x0  }
0x12: {  	[sflag:s10] =	ssyncadd.s32 $0xFFFFD800  }
0x13: {  	[hbm4b:s6+s2] =	stream.linear.scatter [tilespmem:s9], [sflag:$0x2], $0x2800, $0x38;
	[tilespmem:$0x6800] =	vst v63  }
0x14: {  	s13 =	simm.s32 $0x200;
	_ =	swait.ge [sflag:s7], $0x2800  }
0x15: {  	s14 =	simm.s32 $0x400;
	s12 =	sadd.s32 $0x500, s6;
	[sflag:s7] =	ssyncset.done $0x0  }
.LBB2_2:
0x16: {  	s15 =	sshra.s32 s13, $0x2  }
0x17: {  	[sflag:s7] =	ssyncadd.s32 $0xFFFFD800;
	s13 =	smov.u32 s14;
	s16 =	sadd.s32 $0x200, s14  }
0x18: {  	[tilespmem:s9], [sflag:$0x1] =	stream.indirect.gather [hbm4b:s3+s8], $0x80, s15, s8, $0xb8;
	[tilespmem:$0x6800] =	vst v63  }
0x19: {  	p0 =	sne.s32 s14, $0xF800;
	_ =	swait.ge [sflag:s10], $0x2800  }
.Ltmp0:
0x1a: {  	[sflag:s10] =	ssyncset.done $0x0;
	(pc) =	sbr.rel @p0 .LBB2_2-.Ltmp0, $4  }
0x1b: {  	[sflag:s10] =	ssyncadd.s32 $0xFFFFD800  }
0x1c: {  	[hbm4b:s12+s2] =	stream.linear.scatter [tilespmem:s9], [sflag:$0x2], $0x2800, $0x38;
	[tilespmem:$0x6800] =	vst v63  }
0x1d: {  	_ =	swait.ge [sflag:s7], $0x2800  }
0x1e: {  	s14 =	smov.u32 s16;
	s12 =	sadd.s32 $0x500, s12;
	[sflag:s7] =	ssyncset.done $0x0  }
0x1f: {  	s13 =	sshra.s32 s13, $0x2;
	[sflag:s7] =	ssyncadd.s32 $0xFFFFD800  }
0x20: {  	[tilespmem:s9], [sflag:$0x1] =	stream.indirect.gather [hbm4b:s3+s8], $0x80, s13, s8, $0xb8;
	[tilespmem:$0x6800] =	vst v63  }
0x21: {  	s11 =	sadd.s32 $0x1, s11;
	_ =	swait.ge [sflag:s10], $0x2800  }
0x22: {  	p0 =	sne.s32 s11, s5;
	[sflag:s10] =	ssyncset.done $0x0  }
.Ltmp1:
0x23: {  	[sflag:s10] =	ssyncadd.s32 $0xFFFFD800;
	(pc) =	sbr.rel @p0 .LBB2_1-.Ltmp1, $4  }
0x24: {  	[hbm4b:s12+s2] =	stream.linear.scatter [tilespmem:s9], [sflag:$0x2], $0x2800, $0x38;
	[tilespmem:$0x6800] =	vst v63  }
0x25: {  	_ =	swait.ge [sflag:s7], $0x2800  }
0x26: {  	[sflag:s7] =	ssyncset.done $0x0  }
0x27: {  	[sflag:s7] =	ssyncadd.s32 $0xFFFFD800  }
0x28: {  	_ =	sfence.sel $0x180000  }
0x29: {  	[bflag:$0x0] =	sbarrier.arrive $0xFFFF  }
0x2a: {  	p0 =	sne.s32 s1, $0x0;
	_ =	strace $0x9000004D  }
0x2b: {  	s0 =	sadd.s32 @!p0 $0x100000, s0;
	[bflag:$0x2] =	sbarrier.arrive $0xFFFF  }
0x2c: {  	[sflag:s0] =	ssyncadd.tile.s32 @!p0 $0x1;
	_ =	shalt  }
.Lfunc_end2:
_tile_overlayer_lowered:
.L_overlay_start_2:
0x2d: {  	(tag) =	ssettag $0x2  }
0x2e: {  	s0 =	rddreg [dreg:$0x0];
	s2 =	stileid.u32  }
0x2f: {  	s1 =	rddreg [dreg:$0x1];
	p0 =	sne.s32 s2, $0x0  }
0x30: {  	s3 =	rddreg [dreg:$0x2];
	[bflag:$0x3] =	sbarrier.arrive $0xFFFF;
	s2 =	simm.s32 @!p0 $0x1C02  }
0x31: {  	[timem:s3], [sflag:s2] =	dma.local @!p0 [hbm:s0], s1  }
0x32: {  	s0 =	simm.s32 @!p0 $0x2  }
0x33: {  	_ =	swait.ge @!p0 [sflag:s0], s1  }
0x34: {  	s1 =	ssub.s32 @!p0 $0x0, s1;
	[sflag:s0] =	ssyncset.done @!p0 $0x0  }
0x35: {  	[sflag:s0] =	ssyncadd.s32 @!p0 s1  }
0x36: {  	[bflag:$0x3] =	sbarrier.arrive $0xFFFF  }
0x37: {  	_ =	shalt  }

// kernel: kernel.33.cloned.1.call-start
scs
__scs_entry_jumppad:
0x0: {  	(pc) =	sbr.rel $0x88, $3  }
0x1: {  	(tag) =	ssettag $0x0;
	lr =	simm.s32 $0x1  }
0x2: {  	[smem:$0x3F61] =	sst lr;
	_ =	strace $0xD0000000  }
0x3: {  	_ = 	snop  }
0x4: {  	_ = 	snop  }
0x5: {  	_ = 	snop  }
0x6: {  	_ = 	snop  }
0x7: {  	_ = 	snop  }
__scs_overlays_trampoline_lowered:
0x8: {  	[smem:$0x3F70] =	sst s0  }
0x9: {  	[smem:$0x3F71] =	sst s1  }
0xa: {  	[smem:$0x3F72] =	sst s2  }
0xb: {  	[smem:$0x3F73] =	sst s3  }
0xc: {  	[smem:$0x3F74] =	sst s4  }
0xd: {  	[smem:$0x3F75] =	sst s5  }
0xe: {  	[smem:$0x3F76] =	sst s6  }
0xf: {  	[smem:$0x3F77] =	sst s7  }
0x10: {  	[smem:$0x3F78] =	sst s8  }
0x11: {  	[smem:$0x3F79] =	sst s9;
	s0 =	simm.s32 @!p0 $0x0  }
0x12: {  	s1 =	sld [smem:$0x3F5F];
	s0 =	simm.s32 @p0 $0x1  }
0x13: {  	[smem:$0x3F7A] =	sst s0;
	s0 =	simm.s32 @!p1 $0x0  }
0x14: {  	s2 =	sld [smem:$0x3F5E];
	s0 =	simm.s32 @p1 $0x1  }
0x15: {  	[smem:$0x3F7B] =	sst s0;
	s0 =	simm.s32 @!p2 $0x0  }
0x16: {  	s3 =	sld [smem:$0x3FDB];
	s0 =	simm.s32 @p2 $0x1  }
0x17: {  	s4 =	simm.s32 $0x1BF5;
	[smem:$0x3F7D] =	sst s0  }
0x18: {  	s0 =	sld [smem:$0x3F60];
	_ =	swait.ge [sflag:s4], $0x0  }
0x19: {  	s7 =	sld [smem:$0x3F61]  }
0x1a: {  	s8 =	sadd.s32 $0xFFFFE003, lr  }
0x1b: {  	s9 =	sadd.s32 $0xFFFFFEF7, lr;
	s5 =	simm.s32 $0xFFFFFFFF;
	p2 =	slt.u32 s8, $0xFFFFF086  }
0x1c: {  	p1 =	slt.u32 s9, $0xF7A;
	s5 =	simm.s32 @!p2 $0x0  }
0x1d: {  	s5 =	simm.s32 @p1 $0x1;
	p0 =	seq.s32 s7, s2  }
0x1e: {  	s7 =	smul.u32 @!p0 $0xF7A, s2;
	p2 =	seq.s32 @!p0 s5, $0x0  }
0x1f: {  	s9 =	smul.u32 $0xF7A, s1;
	s8 =	simm.s32 @!p0 $0x1BF5;
	p2 =	por !p2, p0  }
0x20: {  	[sflag:s8] =	ssyncset.s32 @!p0 $0xFFFFF086;
	s6 =	sadd.s32 @!p0 s3, s7;
	s7 =	simm.s32 @!p0 $0x108  }
0x21: {  	s3 =	sadd.s32 s3, s9;
	s6 =	sadd.s32 @!p0 $0x88, s6;
	s7 =	simm.s32 @p2 $0x1082  }
0x22: {  	[simem:s7], [sflag:s8] =	dma.local @!p0 [hbm:s6], $0xF7A  }
0x23: {  	s9 =	sor.u32 $0xD0000000, s2;
	s6 =	simm.s32 $0x108;
	_ =	swait.ge @!p0 [sflag:s8], $0x0  }
0x24: {  	s3 =	sadd.s32 $0x88, s3;
	s6 =	simm.s32 @!p1 $0x1082;
	[sflag:s4] =	ssyncset.s32 $0xFFFFF086  }
0x25: {  	[simem:s6], [sflag:s4] =	dma.local [hbm:s3], $0xF7A  }
0x26: {  	[smem:$0x3F61] =	sst s1;
	(tag) =	ssettag s2;
	_ =	strace s9  }
0x27: {  	s1 =	sld [smem:$0x3F71]  }
0x28: {  	s2 =	sld [smem:$0x3F72]  }
0x29: {  	s4 =	sld [smem:$0x3F74]  }
0x2a: {  	p0 =	seq.s32 s5, $0x0;
	s5 =	sld [smem:$0x3F75]  }
0x2b: {  	s6 =	sld [smem:$0x3F76]  }
0x2c: {  	s7 =	sld [smem:$0x3F77]  }
0x2d: {  	s3 =	simm.s32 $0x108;
	s8 =	sld [smem:$0x3F78]  }
0x2e: {  	s3 =	simm.s32 @!p0 $0x1082;
	s9 =	sld [smem:$0x3F79]  }
0x2f: {  	lr =	sadd.s32 s0, s3;
	s0 =	sld [smem:$0x3F70]  }
0x30: {  	s3 =	sld [smem:$0x3F73]  }
0x31: {  	[smem:$0x3F7C] =	sst s10  }
0x32: {  	s10 =	sld [smem:$0x3F7A];
	_ =	sdelay $0x3  }
0x33: {  	p0 =	seq.s32 s10, $0x1;
	s10 =	sld [smem:$0x3F7C];
	_ =	sdelay $0x3  }
0x34: {  	[smem:$0x3F7C] =	sst s10  }
0x35: {  	s10 =	sld [smem:$0x3F7B];
	_ =	sdelay $0x3  }
0x36: {  	p1 =	seq.s32 s10, $0x1;
	s10 =	sld [smem:$0x3F7C];
	_ =	sdelay $0x3  }
0x37: {  	[smem:$0x3F7C] =	sst s10  }
0x38: {  	s10 =	sld [smem:$0x3F7D]  }
0x39: {  	_ = 	snop;
	(pc) =	sbr.ind lr, $3  }
0x3a: {  	_ = 	snop  }
0x3b: {  	_ = 	snop  }
0x3c: {  	p2 =	seq.s32 s10, $0x1;
	s10 =	sld [smem:$0x3F7C]  }
0x3d: {  	_ =	shalt  }
0x3e: {  	_ =	shalt  }
0x3f: {  	_ =	shalt  }
0x40: {  	_ =	shalt  }
0x41: {  	_ =	shalt  }
0x42: {  	_ =	shalt  }
0x43: {  	_ =	shalt  }
0x44: {  	_ =	shalt  }
0x45: {  	_ =	shalt  }
0x46: {  	_ =	shalt  }
0x47: {  	_ =	shalt  }
0x48: {  	_ =	shalt  }
0x49: {  	_ =	shalt  }
0x4a: {  	_ =	shalt  }
0x4b: {  	_ =	shalt  }
0x4c: {  	_ =	shalt  }
0x4d: {  	_ =	shalt  }
0x4e: {  	_ =	shalt  }
0x4f: {  	_ =	shalt  }
0x50: {  	_ =	shalt  }
0x51: {  	_ =	shalt  }
0x52: {  	_ =	shalt  }
0x53: {  	_ =	shalt  }
0x54: {  	_ =	shalt  }
0x55: {  	_ =	shalt  }
0x56: {  	_ =	shalt  }
0x57: {  	_ =	shalt  }
0x58: {  	_ =	shalt  }
0x59: {  	_ =	shalt  }
0x5a: {  	_ =	shalt  }
0x5b: {  	_ =	shalt  }
0x5c: {  	_ =	shalt  }
0x5d: {  	_ =	shalt  }
0x5e: {  	_ =	shalt  }
0x5f: {  	_ =	shalt  }
0x60: {  	_ =	shalt  }
0x61: {  	_ =	shalt  }
0x62: {  	_ =	shalt  }
0x63: {  	_ =	shalt  }
0x64: {  	_ =	shalt  }
0x65: {  	_ =	shalt  }
0x66: {  	_ =	shalt  }
0x67: {  	_ =	shalt  }
0x68: {  	_ =	shalt  }
0x69: {  	_ =	shalt  }
0x6a: {  	_ =	shalt  }
0x6b: {  	_ =	shalt  }
0x6c: {  	_ =	shalt  }
0x6d: {  	_ =	shalt  }
0x6e: {  	_ =	shalt  }
0x6f: {  	_ =	shalt  }
0x70: {  	_ =	shalt  }
0x71: {  	_ =	shalt  }
0x72: {  	_ =	shalt  }
0x73: {  	_ =	shalt  }
0x74: {  	_ =	shalt  }
0x75: {  	_ =	shalt  }
0x76: {  	_ =	shalt  }
0x77: {  	_ =	shalt  }
0x78: {  	_ =	shalt  }
0x79: {  	_ =	shalt  }
0x7a: {  	_ =	shalt  }
0x7b: {  	_ =	shalt  }
0x7c: {  	_ =	shalt  }
0x7d: {  	_ =	shalt  }
0x7e: {  	_ =	shalt  }
0x7f: {  	_ =	shalt  }
0x80: {  	_ =	shalt  }
0x81: {  	_ =	shalt  }
0x82: {  	_ =	shalt  }
0x83: {  	_ =	shalt  }
0x84: {  	_ =	shalt  }
0x85: {  	_ =	shalt  }
0x86: {  	_ =	shalt  }
0x87: {  	_ =	shalt  }
.Lfunc_end0:
.L_simem_size_0:
called_computation.2_lowered:
.L_overlay_start_0:
0x88: {  	s2 =	sld [smem:$0x3FD9]  }
0x89: {  	s3 =	sld [smem:$0x3FFE];
	_ =	sdelay $0x1  }
0x8a: {  	s1 =	srdreg.scid  }
0x8b: {  	s0 =	sand.u32 $0x1, s1  }
0x8c: {  	s17 =	sshll.u32 s0, $0xA;
	s2 =	sadd.s32 s3, s2  }
0x8d: {  	s2 =	sadd.s32 s2, s17  }
0x8e: {  	[smem:$0x3F88] =	sst s2  }
0x8f: {  	_ = 	snop  }
0x90: {  	(tm) =	ssettm $0x1  }
0x91: {  	s18 =	sld [smem:$0x3FFB];
	_ =	sdelay $0x3  }
0x92: {  	_ =	strace s18  }
0x93: {  	s2 =	sld [smem:$0x3FFC];
	_ =	sdelay $0x3  }
0x94: {  	_ =	strace s2  }
0x95: {  	s2 =	sld [smem:$0x3FFD];
	_ =	sdelay $0x3  }
0x96: {  	_ =	strace s2  }
0x97: {  	_ =	strace $0x8FFFFFFF  }
0x98: {  	s19 =	sld [smem:$0x3FDB];
	_ =	sdelay $0x1  }
0x99: {  	s20 =	simm.s32 $_scs_section_size  }
0x9a: {  	s4 =	simm.s32 $_size__tile_overlayer_lowered;
	s5 =	simm.s32 $_tile_overlayer_lowered  }
0x9b: {  	s6 =	simm.s32 $0x1BFF;
	s21 =	sshll.u32 s5, $0x1;
	s3 =	sadd.s32 s20, s19  }
0x9c: {  	s22 =	simm.s32 $0x0;
	s4 =	sshll.u32 s4, $0x1;
	s5 =	sadd.s32 s21, s3  }
0x9d: {  	[timem:s22], [sflag:s6] =	dma.local [hbm:s5], s4  }
0x9e: {  	_ =	swait.ge [sflag:s6], s4  }
0x9f: {  	s4 =	ssub.s32 $0x0, s4;
	[sflag:s6] =	ssyncset.done $0x0  }
0xa0: {  	[sflag:s6] =	ssyncadd.s32 s4;
	_ =	sdelay $0x1  }
0xa1: {  	s23 =	simm.s32 $0x1B8B  }
0xa2: {  	_ =	swait.ge [sflag:s23], $0x1  }
0xa3: {  	[sflag:s23] =	ssyncset.done $0x0  }
0xa4: {  	[sflag:s23] =	ssyncadd.s32 $0xFFFFFFFF  }
0xa5: {  	s4 =	sld [smem:$0x0]  }
0xa6: {  	s5 =	sand.u32 $0xFFFFFFFE, s1  }
0xa7: {  	p0 =	sne.s32 s1, s5  }
0xa8: {  	s5 =	sshll.u32 @p0 s5, $0xE  }
0xa9: {  	s5 =	sadd.s32 @p0 $0x11B8D, s5;
	s6 =	sshll.u32 @p0 s4, $0x11  }
0xaa: {  	s5 =	sor.u32 @p0 s6, s5  }
0xab: {  	[sflag:s5] =	ssyncadd.remote.s32 @p0 $0x1;
	_ =	sdelay $0x1  }
0xac: {  	s5 =	simm.s32 @p0 $0x1B8D  }
0xad: {  	_ =	swait.eq @p0 [sflag:s5], $0x1  }
0xae: {  	[sflag:s5] =	ssyncadd.s32 @p0 $0xFFFFFFFF  }
0xaf: {  	s6 =	sshll.u32 @!p0 s1, $0xE  }
0xb0: {  	s6 =	sor.u32 @!p0 $0x4000, s6;
	s5 =	simm.s32 @!p0 $0x1B8D  }
0xb1: {  	s4 =	sshll.u32 @!p0 s4, $0x11;
	s6 =	sadd.s32 @!p0 $0x11B8D, s6;
	_ =	swait.eq @!p0 [sflag:s5], $0x1  }
0xb2: {  	s4 =	sor.u32 @!p0 s4, s6;
	[sflag:s5] =	ssyncadd.s32 @!p0 $0xFFFFFFFF  }
0xb3: {  	s25 =	simm.s32 $0x1B8E;
	s24 =	sld [smem:$0x3FFE];
	[sflag:s4] =	ssyncadd.remote.s32 @!p0 $0x1  }
0xb4: {  	s26 =	simm.s32 $execute0_lowered;
	[smem:$0x3FD2] =	sst s25  }
0xb5: {  	s5 =	sshll.u32 s26, $0x1;
	_ =	strace $0x80000055;
	[dreg:$0x1] =	wrdreg $0xFFFFFFFF  }
0xb6: {  	s28 =	simm.s32 $_size_execute0_lowered;
	s3 =	sadd.s32 s3, s5;
	[dreg:$0x0] =	wrdreg $0x0  }
0xb7: {  	s5 =	sshll.u32 s28, $0x1;
	[dreg:$0x2] =	wrdreg s3  }
0xb8: {  	[dreg:$0x3] =	wrdreg s5  }
0xb9: {  	[dreg:$0x4] =	wrdreg $0xC0  }
0xba: {  	_ =	task [dreg:s22], $0x5FFFF  }
0xbb: {  	[dreg:$0x1] =	wrdreg $0xFFFFFFFF  }
0xbc: {  	[dreg:$0x0] =	wrdreg $0x60  }
0xbd: {  	[dreg:$0x2] =	wrdreg s24  }
0xbe: {  	[dreg:$0x3] =	wrdreg $0xA8000  }
0xbf: {  	[dreg:$0x4] =	wrdreg $0x9  }
0xc0: {  	_ =	task.clear_ibuf [dreg:s22], $0x5FFFF;
	_ =	strace $0x90000055  }
0xc1: {  	s29 =	simm.s32 $0x9;
	_ =	strace $0x80000057  }
0xc2: {  	_ =	swait.ge [sflag:s29], $0x1  }
0xc3: {  	[sflag:s29] =	ssyncadd.s32 $0xFFFFFFFF  }
0xc4: {  	_ =	strace $0x90000057  }
0xc5: {  	_ =	sfence  }
0xc6: {  	s30 =	sld [smem:$0x0];
	_ =	sdelay $0x2  }
0xc7: {  	s31 =	sshll.u32 s1, $0xD;
	s1 =	sshrl.u32 s1, $0x2  }
0xc8: {  	s4 =	sand.u32 $0x4000, s31;
	s1 =	sadd.s32 s1, s30  }
0xc9: {  	s0 =	sor.u32 s4, s0;
	s1 =	sshll.u32 s1, $0x11  }
0xca: {  	s0 =	sor.u32 s1, s0  }
0xcb: {  	s0 =	sadd.s32 $0x8F2B, s0  }
0xcc: {  	[sflag:s0] =	ssyncadd.remote.s32 $0x1  }
0xcd: {  	_ =	sfence.sel $0xFFFF  }
0xce: {  	[dreg:$0x0] =	wrdreg $0xFFFFFFFF;
	(pc) =	sbr.abs _section_cstart, $3  }
0xcf: {  	[dreg:$0x1] =	wrdreg $0xFFFFFFFF  }
0xd0: {  	_ =	task.clear_ibuf [dreg:s22], $0x2FFFF;
	_ =	strace $0x9FFFFFFF  }
0xd1: {  	(tm) =	ssettm $0x7FFFFFFF  }
tec
execute0_lowered:
.L_overlay_start_1:
0x0: {  	(tag) =	ssettag $0x1  }
0x1: {  	s1 =	srdreg.scid;
	s5 =	rddreg [dreg:$0x0]  }
0x2: {  	s0 =	stileid.u32;
	s2 =	rddreg [dreg:$0x1]  }
0x3: {  	s3 =	simm.s32 $0x0;
	s15 =	simm.s32 $0x800;
	s16 =	simm.s32 $0x8000  }
0x4: {  	s17 =	simm.s32 $0x50;
	s18 =	simm.s32 $0x8;
	s19 =	simm.s32 $0x100  }
0x5: {  	s20 =	simm.s32 $0x80;
	s6 =	sand.u32 $0x1, s1;
	s1 =	rddreg [dreg:$0x2]  }
0x6: {  	s21 =	simm.s32 $0x0;
	s4 =	smul.u32 $0x4E2000, s0;
	[smem:$0x7FF] =	sst s3  }
0x7: {  	s8 =	sshll.u32 s0, $0xC;
	s11 =	smul.u32 $0x4E000, s0;
	s12 =	sadd.s32 $0xFCCC00, s5  }
0x8: {  	s13 =	smul.u32 $0x27000, s0;
	s29 =	sshll.u32 s0, $0x6;
	p0 =	sne.s32 s0, $0xF  }
0x9: {  	s7 =	sshll.u32 s6, $0xA;
	_ =	strace $0x80000056;
	s8 =	sadd.s32 s8, s5  }
0xa: {  	s9 =	ssub.s32 $0x2, s6;
	s30 =	sshll.u32 s6, $0x7;
	s4 =	sor.u32 s7, s4  }
0xb: {  	s26 =	sshrl.u32 s9, $0x1;
	s28 =	sshrl.u32 s11, $0x2;
	s7 =	sor.u32 s7, s13  }
0xc: {  	s13 =	sadd.s32 $0x138000, s2;
	s6 =	sadd.s32 $0x7DC00, s8;
	s31 =	sadd.s32 s30, s12  }
0xd: {  	s4 =	sshrl.u32 s4, $0x3;
	s9 =	ssub.s32 s9, s26;
	s14 =	sadd.s32 s28, s2  }
0xe: {  	s7 =	sshrl.u32 s7, $0x3;
	s8 =	sadd.s32 $0x4E000, s31;
	s13 =	sshrl.u32 @!p0 s13, $0x3  }
0xf: {  	s10 =	sadd.s32 s4, s5;
	s4 =	sadd.s32 $0x1C000, s5;
	s5 =	sor.u32 $0x1C01, s29  }
0x10: {  	s7 =	sadd.s32 s12, s7;
	s9 =	smax.u32 s9, $0x1;
	s11 =	sshrl.u32 s14, $0x3  }
0x11: {  	s12 =	simm.s32 $0x1;
	s14 =	simm.s32 $0x400;
	s10 =	sadd.s32 $0x5E5000, s10  }
.LBB2_1:
0x12: {  	[spmem:s11], [sflag:s5] =	dma.local [hbm:s4], $0x2700  }
0x13: {  	_ =	swait.ge [sflag:s12], $0x2700  }
0x14: {  	[sflag:s12] =	ssyncset.done $0x0  }
0x15: {  	s22 =	simm.s32 @!p0 $0x1;
	[sflag:s12] =	ssyncadd.s32 $0xFFFFD900  }
0x16: {  	[spmem:s13], [sflag:s5] =	dma.local @!p0 [hbm:s4], $0x100  }
0x17: {  	_ =	swait.ge @!p0 [sflag:s22], $0x100  }
0x18: {  	[sflag:s22] =	ssyncset.done @!p0 $0x0  }
0x19: {  	[sflag:s22] =	ssyncadd.s32 @!p0 $0xFFFFFF00  }
0x1a: {  	[bflag:$0x0] =	sbarrier.arrive $0xFFFF  }
0x1b: {  	[tilespmem:s3], [sflag:$0x1] =	stream.linear.gather [hbm4b:s6+s3], $0x7D00, $0x38;
	[tilespmem:$0x1E080] =	vst v63  }
0x1c: {  	_ =	swait.ge [sflag:s12], $0x7D00  }
0x1d: {  	[sflag:s12] =	ssyncset.done $0x0  }
0x1e: {  	[sflag:s12] =	ssyncadd.s32 $0xFFFF8300  }
0x1f: {  	[tilespmem:s16], [sflag:$0x1] =	stream.strided.gather [hbm4b:s10+s14], $0x2800, s15, s14, $0x38;
	[tilespmem:$0x1E080] =	vst v63  }
0x20: {  	_ =	swait.ge [sflag:s12], $0x2800  }
0x21: {  	[sflag:s12] =	ssyncset.done $0x0  }
0x22: {  	s31 =	simm.s32 $0x0;
	[sflag:s12] =	ssyncadd.s32 $0xFFFFD800  }
0x23: {  	[spmem:s2] =	stream.indirect.scatter.add.f32 [tilespmem:s16], [sflag:$0x1], $0x80, s31, s17, $0xb8;
	[tilespmem:$0x1E080] =	vst v63  }
0x24: {  	_ =	swait.ge [sflag:s12], $0x2800  }
0x25: {  	s23 =	smov.u32 s10;
	s22 =	simm.s32 $0x200;
	[sflag:s12] =	ssyncset.done $0x0  }
.LBB2_2:
0x26: {  	p1 =	sne.s32 s22, $0x1F200;
	[sflag:s12] =	ssyncadd.s32 $0xFFFFD800;
	s23 =	sadd.s32 $0xA00, s23  }
0x27: {  	[tilespmem:s16], [sflag:$0x1] =	stream.strided.gather [hbm4b:s23+s14], $0x2800, s15, s14, $0x38;
	[tilespmem:$0x1E080] =	vst v63  }
0x28: {  	s24 =	smov.u32 s22;
	s22 =	sadd.s32 $0x200, s22;
	_ =	swait.ge [sflag:s12], $0x2800  }
.Ltmp0:
0x29: {  	[sflag:s12] =	ssyncset.done $0x0;
	(pc) =	sbr.rel @p1 .LBB2_2-.Ltmp0, $4  }
0x2a: {  	s24 =	sshra.s32 s24, $0x2;
	[sflag:s12] =	ssyncadd.s32 $0xFFFFD800  }
0x2b: {  	[spmem:s2] =	stream.indirect.scatter.add.f32 [tilespmem:s16], [sflag:$0x1], $0x80, s24, s17, $0xb8;
	[tilespmem:$0x1E080] =	vst v63  }
0x2c: {  	_ =	swait.ge [sflag:s12], $0x2800  }
0x2d: {  	[sflag:s12] =	ssyncset.done $0x0  }
0x2e: {  	[sflag:s12] =	ssyncadd.s32 $0xFFFFD800  }
0x2f: {  	[bflag:$0x0] =	sbarrier.arrive $0xFFFF  }
0x30: {  	[hbm:s7@s19], [sflag:s5] =	dma.strided [spmem:s11@s20], $0x2700, s18, $0x10   }
0x31: {  	s22 =	simm.s32 @!p0 $0x8;
	_ =	swait.ge [sflag:s12], $0x2700  }
0x32: {  	s23 =	simm.s32 @!p0 $0x100;
	s21 =	sadd.s32 $0x1, s21;
	[sflag:s12] =	ssyncset.done $0x0  }
0x33: {  	s24 =	simm.s32 @!p0 $0x80;
	p1 =	sne.s32 s21, s9;
	[sflag:s12] =	ssyncadd.s32 $0xFFFFD900  }
0x34: {  	[hbm:s8@s23], [sflag:s5] =	dma.strided @!p0 [spmem:s13@s24], $0x100, s22, $0x10   }
.Ltmp1:
0x35: {  	_ = 	snop;
	(pc) =	sbr.rel @p1 .LBB2_1-.Ltmp1, $4  }
0x36: {  	s22 =	simm.s32 @!p0 $0x1  }
0x37: {  	_ =	swait.ge @!p0 [sflag:s22], $0x100  }
0x38: {  	[sflag:s22] =	ssyncset.done @!p0 $0x0  }
0x39: {  	[sflag:s22] =	ssyncadd.s32 @!p0 $0xFFFFFF00  }
0x3a: {  	_ =	sfence.sel $0x180000  }
0x3b: {  	[bflag:$0x0] =	sbarrier.arrive $0xFFFF  }
0x3c: {  	p0 =	sne.s32 s0, $0x0;
	_ =	strace $0x90000056  }
0x3d: {  	s0 =	sadd.s32 @!p0 $0x100000, s1;
	[bflag:$0x2] =	sbarrier.arrive $0xFFFF  }
0x3e: {  	[sflag:s0] =	ssyncadd.tile.s32 @!p0 $0x1;
	_ =	shalt  }
.Lfunc_end2:
_tile_overlayer_lowered:
.L_overlay_start_2:
0x3f: {  	(tag) =	ssettag $0x2  }
0x40: {  	s0 =	rddreg [dreg:$0x0];
	s2 =	stileid.u32  }
0x41: {  	s1 =	rddreg [dreg:$0x1];
	p0 =	sne.s32 s2, $0x0  }
0x42: {  	s3 =	rddreg [dreg:$0x2];
	[bflag:$0x3] =	sbarrier.arrive $0xFFFF;
	s2 =	simm.s32 @!p0 $0x1C01  }
0x43: {  	[timem:s3], [sflag:s2] =	dma.local @!p0 [hbm:s0], s1  }
0x44: {  	s0 =	simm.s32 @!p0 $0x1  }
0x45: {  	_ =	swait.ge @!p0 [sflag:s0], s1  }
0x46: {  	s1 =	ssub.s32 @!p0 $0x0, s1;
	[sflag:s0] =	ssyncset.done @!p0 $0x0  }
0x47: {  	[sflag:s0] =	ssyncadd.s32 @!p0 s1  }
0x48: {  	[bflag:$0x3] =	sbarrier.arrive $0xFFFF  }
0x49: {  	_ =	shalt  }

// kernel: kernel.36.cloned.1.call-start
scs
__scs_entry_jumppad:
0x0: {  	(pc) =	sbr.rel $0x88, $3  }
0x1: {  	(tag) =	ssettag $0x0;
	lr =	simm.s32 $0x1  }
0x2: {  	[smem:$0x3F61] =	sst lr;
	_ =	strace $0xD0000000  }
0x3: {  	_ = 	snop  }
0x4: {  	_ = 	snop  }
0x5: {  	_ = 	snop  }
0x6: {  	_ = 	snop  }
0x7: {  	_ = 	snop  }
__scs_overlays_trampoline_lowered:
0x8: {  	[smem:$0x3F70] =	sst s0  }
0x9: {  	[smem:$0x3F71] =	sst s1  }
0xa: {  	[smem:$0x3F72] =	sst s2  }
0xb: {  	[smem:$0x3F73] =	sst s3  }
0xc: {  	[smem:$0x3F74] =	sst s4  }
0xd: {  	[smem:$0x3F75] =	sst s5  }
0xe: {  	[smem:$0x3F76] =	sst s6  }
0xf: {  	[smem:$0x3F77] =	sst s7  }
0x10: {  	[smem:$0x3F78] =	sst s8  }
0x11: {  	[smem:$0x3F79] =	sst s9;
	s0 =	simm.s32 @!p0 $0x0  }
0x12: {  	s1 =	sld [smem:$0x3F5F];
	s0 =	simm.s32 @p0 $0x1  }
0x13: {  	[smem:$0x3F7A] =	sst s0;
	s0 =	simm.s32 @!p1 $0x0  }
0x14: {  	s2 =	sld [smem:$0x3F5E];
	s0 =	simm.s32 @p1 $0x1  }
0x15: {  	[smem:$0x3F7B] =	sst s0;
	s0 =	simm.s32 @!p2 $0x0  }
0x16: {  	s3 =	sld [smem:$0x3FDB];
	s0 =	simm.s32 @p2 $0x1  }
0x17: {  	s4 =	simm.s32 $0x1BF5;
	[smem:$0x3F7D] =	sst s0  }
0x18: {  	s0 =	sld [smem:$0x3F60];
	_ =	swait.ge [sflag:s4], $0x0  }
0x19: {  	s7 =	sld [smem:$0x3F61]  }
0x1a: {  	s8 =	sadd.s32 $0xFFFFE003, lr  }
0x1b: {  	s9 =	sadd.s32 $0xFFFFFEF7, lr;
	s5 =	simm.s32 $0xFFFFFFFF;
	p2 =	slt.u32 s8, $0xFFFFF086  }
0x1c: {  	p1 =	slt.u32 s9, $0xF7A;
	s5 =	simm.s32 @!p2 $0x0  }
0x1d: {  	s5 =	simm.s32 @p1 $0x1;
	p0 =	seq.s32 s7, s2  }
0x1e: {  	s7 =	smul.u32 @!p0 $0xF7A, s2;
	p2 =	seq.s32 @!p0 s5, $0x0  }
0x1f: {  	s9 =	smul.u32 $0xF7A, s1;
	s8 =	simm.s32 @!p0 $0x1BF5;
	p2 =	por !p2, p0  }
0x20: {  	[sflag:s8] =	ssyncset.s32 @!p0 $0xFFFFF086;
	s6 =	sadd.s32 @!p0 s3, s7;
	s7 =	simm.s32 @!p0 $0x108  }
0x21: {  	s3 =	sadd.s32 s3, s9;
	s6 =	sadd.s32 @!p0 $0x88, s6;
	s7 =	simm.s32 @p2 $0x1082  }
0x22: {  	[simem:s7], [sflag:s8] =	dma.local @!p0 [hbm:s6], $0xF7A  }
0x23: {  	s9 =	sor.u32 $0xD0000000, s2;
	s6 =	simm.s32 $0x108;
	_ =	swait.ge @!p0 [sflag:s8], $0x0  }
0x24: {  	s3 =	sadd.s32 $0x88, s3;
	s6 =	simm.s32 @!p1 $0x1082;
	[sflag:s4] =	ssyncset.s32 $0xFFFFF086  }
0x25: {  	[simem:s6], [sflag:s4] =	dma.local [hbm:s3], $0xF7A  }
0x26: {  	[smem:$0x3F61] =	sst s1;
	(tag) =	ssettag s2;
	_ =	strace s9  }
0x27: {  	s1 =	sld [smem:$0x3F71]  }
0x28: {  	s2 =	sld [smem:$0x3F72]  }
0x29: {  	s4 =	sld [smem:$0x3F74]  }
0x2a: {  	p0 =	seq.s32 s5, $0x0;
	s5 =	sld [smem:$0x3F75]  }
0x2b: {  	s6 =	sld [smem:$0x3F76]  }
0x2c: {  	s7 =	sld [smem:$0x3F77]  }
0x2d: {  	s3 =	simm.s32 $0x108;
	s8 =	sld [smem:$0x3F78]  }
0x2e: {  	s3 =	simm.s32 @!p0 $0x1082;
	s9 =	sld [smem:$0x3F79]  }
0x2f: {  	lr =	sadd.s32 s0, s3;
	s0 =	sld [smem:$0x3F70]  }
0x30: {  	s3 =	sld [smem:$0x3F73]  }
0x31: {  	[smem:$0x3F7C] =	sst s10  }
0x32: {  	s10 =	sld [smem:$0x3F7A];
	_ =	sdelay $0x3  }
0x33: {  	p0 =	seq.s32 s10, $0x1;
	s10 =	sld [smem:$0x3F7C];
	_ =	sdelay $0x3  }
0x34: {  	[smem:$0x3F7C] =	sst s10  }
0x35: {  	s10 =	sld [smem:$0x3F7B];
	_ =	sdelay $0x3  }
0x36: {  	p1 =	seq.s32 s10, $0x1;
	s10 =	sld [smem:$0x3F7C];
	_ =	sdelay $0x3  }
0x37: {  	[smem:$0x3F7C] =	sst s10  }
0x38: {  	s10 =	sld [smem:$0x3F7D]  }
0x39: {  	_ = 	snop;
	(pc) =	sbr.ind lr, $3  }
0x3a: {  	_ = 	snop  }
0x3b: {  	_ = 	snop  }
0x3c: {  	p2 =	seq.s32 s10, $0x1;
	s10 =	sld [smem:$0x3F7C]  }
0x3d: {  	_ =	shalt  }
0x3e: {  	_ =	shalt  }
0x3f: {  	_ =	shalt  }
0x40: {  	_ =	shalt  }
0x41: {  	_ =	shalt  }
0x42: {  	_ =	shalt  }
0x43: {  	_ =	shalt  }
0x44: {  	_ =	shalt  }
0x45: {  	_ =	shalt  }
0x46: {  	_ =	shalt  }
0x47: {  	_ =	shalt  }
0x48: {  	_ =	shalt  }
0x49: {  	_ =	shalt  }
0x4a: {  	_ =	shalt  }
0x4b: {  	_ =	shalt  }
0x4c: {  	_ =	shalt  }
0x4d: {  	_ =	shalt  }
0x4e: {  	_ =	shalt  }
0x4f: {  	_ =	shalt  }
0x50: {  	_ =	shalt  }
0x51: {  	_ =	shalt  }
0x52: {  	_ =	shalt  }
0x53: {  	_ =	shalt  }
0x54: {  	_ =	shalt  }
0x55: {  	_ =	shalt  }
0x56: {  	_ =	shalt  }
0x57: {  	_ =	shalt  }
0x58: {  	_ =	shalt  }
0x59: {  	_ =	shalt  }
0x5a: {  	_ =	shalt  }
0x5b: {  	_ =	shalt  }
0x5c: {  	_ =	shalt  }
0x5d: {  	_ =	shalt  }
0x5e: {  	_ =	shalt  }
0x5f: {  	_ =	shalt  }
0x60: {  	_ =	shalt  }
0x61: {  	_ =	shalt  }
0x62: {  	_ =	shalt  }
0x63: {  	_ =	shalt  }
0x64: {  	_ =	shalt  }
0x65: {  	_ =	shalt  }
0x66: {  	_ =	shalt  }
0x67: {  	_ =	shalt  }
0x68: {  	_ =	shalt  }
0x69: {  	_ =	shalt  }
0x6a: {  	_ =	shalt  }
0x6b: {  	_ =	shalt  }
0x6c: {  	_ =	shalt  }
0x6d: {  	_ =	shalt  }
0x6e: {  	_ =	shalt  }
0x6f: {  	_ =	shalt  }
0x70: {  	_ =	shalt  }
0x71: {  	_ =	shalt  }
0x72: {  	_ =	shalt  }
0x73: {  	_ =	shalt  }
0x74: {  	_ =	shalt  }
0x75: {  	_ =	shalt  }
0x76: {  	_ =	shalt  }
0x77: {  	_ =	shalt  }
0x78: {  	_ =	shalt  }
0x79: {  	_ =	shalt  }
0x7a: {  	_ =	shalt  }
0x7b: {  	_ =	shalt  }
0x7c: {  	_ =	shalt  }
0x7d: {  	_ =	shalt  }
0x7e: {  	_ =	shalt  }
0x7f: {  	_ =	shalt  }
0x80: {  	_ =	shalt  }
0x81: {  	_ =	shalt  }
0x82: {  	_ =	shalt  }
0x83: {  	_ =	shalt  }
0x84: {  	_ =	shalt  }
0x85: {  	_ =	shalt  }
0x86: {  	_ =	shalt  }
0x87: {  	_ =	shalt  }
.Lfunc_end0:
.L_simem_size_0:
called_computation.3_lowered:
.L_overlay_start_0:
0x88: {  	s2 =	sld [smem:$0x3FD9]  }
0x89: {  	s3 =	sld [smem:$0x3FFE];
	_ =	sdelay $0x1  }
0x8a: {  	s1 =	srdreg.scid  }
0x8b: {  	s0 =	sand.u32 $0x1, s1  }
0x8c: {  	s17 =	sshll.u32 s0, $0xA;
	s2 =	sadd.s32 s3, s2  }
0x8d: {  	s2 =	sadd.s32 s2, s17  }
0x8e: {  	[smem:$0x3F88] =	sst s2  }
0x8f: {  	_ = 	snop  }
0x90: {  	(tm) =	ssettm $0x1  }
0x91: {  	s18 =	sld [smem:$0x3FFB];
	_ =	sdelay $0x3  }
0x92: {  	_ =	strace s18  }
0x93: {  	s2 =	sld [smem:$0x3FFC];
	_ =	sdelay $0x3  }
0x94: {  	_ =	strace s2  }
0x95: {  	s2 =	sld [smem:$0x3FFD];
	_ =	sdelay $0x3  }
0x96: {  	_ =	strace s2  }
0x97: {  	_ =	strace $0x8FFFFFFF  }
0x98: {  	s19 =	sld [smem:$0x3FDB];
	_ =	sdelay $0x1  }
0x99: {  	s20 =	simm.s32 $_scs_section_size  }
0x9a: {  	s4 =	simm.s32 $_size__tile_overlayer_lowered;
	s5 =	simm.s32 $_tile_overlayer_lowered  }
0x9b: {  	s6 =	simm.s32 $0x1BFF;
	s21 =	sshll.u32 s5, $0x1;
	s3 =	sadd.s32 s20, s19  }
0x9c: {  	s22 =	simm.s32 $0x0;
	s4 =	sshll.u32 s4, $0x1;
	s5 =	sadd.s32 s21, s3  }
0x9d: {  	[timem:s22], [sflag:s6] =	dma.local [hbm:s5], s4  }
0x9e: {  	_ =	swait.ge [sflag:s6], s4  }
0x9f: {  	s4 =	ssub.s32 $0x0, s4;
	[sflag:s6] =	ssyncset.done $0x0  }
0xa0: {  	[sflag:s6] =	ssyncadd.s32 s4;
	_ =	sdelay $0x1  }
0xa1: {  	s23 =	simm.s32 $0x1B8B  }
0xa2: {  	_ =	swait.ge [sflag:s23], $0x1  }
0xa3: {  	[sflag:s23] =	ssyncset.done $0x0  }
0xa4: {  	[sflag:s23] =	ssyncadd.s32 $0xFFFFFFFF  }
0xa5: {  	s4 =	sld [smem:$0x0]  }
0xa6: {  	s5 =	sand.u32 $0xFFFFFFFE, s1  }
0xa7: {  	p0 =	sne.s32 s1, s5  }
0xa8: {  	s5 =	sshll.u32 @p0 s5, $0xE  }
0xa9: {  	s5 =	sadd.s32 @p0 $0x11B8D, s5;
	s6 =	sshll.u32 @p0 s4, $0x11  }
0xaa: {  	s5 =	sor.u32 @p0 s6, s5  }
0xab: {  	[sflag:s5] =	ssyncadd.remote.s32 @p0 $0x1;
	_ =	sdelay $0x1  }
0xac: {  	s5 =	simm.s32 @p0 $0x1B8D  }
0xad: {  	_ =	swait.eq @p0 [sflag:s5], $0x1  }
0xae: {  	[sflag:s5] =	ssyncadd.s32 @p0 $0xFFFFFFFF  }
0xaf: {  	s6 =	sshll.u32 @!p0 s1, $0xE  }
0xb0: {  	s6 =	sor.u32 @!p0 $0x4000, s6;
	s5 =	simm.s32 @!p0 $0x1B8D  }
0xb1: {  	s4 =	sshll.u32 @!p0 s4, $0x11;
	s6 =	sadd.s32 @!p0 $0x11B8D, s6;
	_ =	swait.eq @!p0 [sflag:s5], $0x1  }
0xb2: {  	s4 =	sor.u32 @!p0 s4, s6;
	[sflag:s5] =	ssyncadd.s32 @!p0 $0xFFFFFFFF  }
0xb3: {  	s25 =	simm.s32 $0x1B8E;
	s24 =	sld [smem:$0x3FFE];
	[sflag:s4] =	ssyncadd.remote.s32 @!p0 $0x1  }
0xb4: {  	s26 =	simm.s32 $execute0_lowered;
	[smem:$0x3FD2] =	sst s25  }
0xb5: {  	s5 =	sshll.u32 s26, $0x1;
	_ =	strace $0x80000061;
	[dreg:$0x1] =	wrdreg $0xFFFFFFFF  }
0xb6: {  	s28 =	simm.s32 $_size_execute0_lowered;
	s3 =	sadd.s32 s3, s5;
	[dreg:$0x0] =	wrdreg $0x0  }
0xb7: {  	s5 =	sshll.u32 s28, $0x1;
	[dreg:$0x2] =	wrdreg s3  }
0xb8: {  	[dreg:$0x3] =	wrdreg s5  }
0xb9: {  	[dreg:$0x4] =	wrdreg $0xC0  }
0xba: {  	_ =	task [dreg:s22], $0x5FFFF  }
0xbb: {  	[dreg:$0x1] =	wrdreg $0xFFFFFFFF  }
0xbc: {  	[dreg:$0x0] =	wrdreg $0x60  }
0xbd: {  	[dreg:$0x2] =	wrdreg s24  }
0xbe: {  	[dreg:$0x3] =	wrdreg $0x9  }
0xbf: {  	_ =	task.clear_ibuf [dreg:s22], $0x4FFFF;
	_ =	strace $0x90000061  }
0xc0: {  	s29 =	simm.s32 $0x9;
	_ =	strace $0x80000063  }
0xc1: {  	_ =	swait.ge [sflag:s29], $0x1  }
0xc2: {  	[sflag:s29] =	ssyncadd.s32 $0xFFFFFFFF  }
0xc3: {  	_ =	strace $0x90000063  }
0xc4: {  	_ =	sfence  }
0xc5: {  	s30 =	sld [smem:$0x0];
	_ =	sdelay $0x2  }
0xc6: {  	s31 =	sshll.u32 s1, $0xD;
	s1 =	sshrl.u32 s1, $0x2  }
0xc7: {  	s4 =	sand.u32 $0x4000, s31;
	s1 =	sadd.s32 s1, s30  }
0xc8: {  	s0 =	sor.u32 s4, s0;
	s1 =	sshll.u32 s1, $0x11  }
0xc9: {  	s0 =	sor.u32 s1, s0  }
0xca: {  	s0 =	sadd.s32 $0x8F2B, s0  }
0xcb: {  	[sflag:s0] =	ssyncadd.remote.s32 $0x1  }
0xcc: {  	_ =	sfence.sel $0xFFFF  }
0xcd: {  	[dreg:$0x0] =	wrdreg $0xFFFFFFFF;
	(pc) =	sbr.abs _section_cstart, $3  }
0xce: {  	[dreg:$0x1] =	wrdreg $0xFFFFFFFF  }
0xcf: {  	_ =	task.clear_ibuf [dreg:s22], $0x2FFFF;
	_ =	strace $0x9FFFFFFF  }
0xd0: {  	(tm) =	ssettm $0x7FFFFFFF  }
0xd1: {  	_ =	shalt  }
tec
execute0_lowered:
.L_overlay_start_1:
0x0: {  	(tag) =	ssettag $0x1  }
0x1: {  	s4 =	rddreg [dreg:$0x0]  }
0x2: {  	s0 =	rddreg [dreg:$0x1];
	s1 =	simm.s32 $0x0  }
0x3: {  	s5 =	srdreg.scid;
	s2 =	stileid.u32;
	s9 =	simm.s32 $0x4800  }
0x4: {  	s10 =	simm.s32 $0x5000;
	s11 =	simm.s32 $0x5800;
	s12 =	simm.s32 $0x6000  }
0x5: {  	s13 =	simm.s32 $0x6800;
	s14 =	simm.s32 $0x7000;
	s15 =	simm.s32 $0x7800  }
0x6: {  	s16 =	simm.s32 $0x8000;
	s17 =	simm.s32 $0x8800;
	s18 =	simm.s32 $0x1  }
0x7: {  	s19 =	simm.s32 $0x0;
	[smem:$0x7FF] =	sst s1;
	s3 =	sadd.s32 $0x8DC00, s4  }
0x8: {  	s5 =	sand.u32 $0x1, s5;
	s6 =	sshll.u32 s2, $0xC;
	s8 =	smul.u32 $0x9C400, s2  }
0x9: {  	_ =	strace $0x80000062;
	s7 =	sshll.u32 s5, $0xB;
	s29 =	ssub.s32 $0x2, s5  }
0xa: {  	s5 =	smul.u32 $0x4E200, s5;
	s6 =	sor.u32 s7, s6;
	s30 =	sshrl.u32 s29, $0x1  }
0xb: {  	v2 =	vlaneseq.u32;
	s8 =	sadd.s32 s8, s4;
	s6 =	sadd.s32 s6, s4;
	s7 =	ssub.s32 s29, s30  }
0xc: {  	vm0 =	vmmov $0xffff;
	v1 =	vshrl.u32 v2, $0x3;
	s31 =	sadd.s32 s5, s8;
	s8 =	simm.s32 $0x4000;
	s4 =	sadd.s32 $0x1572200, s6  }
0xd: {  	v0 =	vand.u32 $0x7, v2;
	v2 =	vor.u32 $0x8, v2;
	v1 =	vmul.u32 $0x8, v1;
	s5 =	smax.u32 s7, $0x1;
	s6 =	sadd.s32 $0x1F46200, s31;
	s7 =	simm.s32 $0x2  }
.LBB2_1:
0xe: {  	[tilespmem:s1], [sflag:$0x2] =	stream.linear.gather [hbm4b:s4+s1], $0x3E80, $0x38;
	[tilespmem:$0x9000] =	vst v63  }
0xf: {  	_ =	swait.ge [sflag:s7], $0x3E80  }
0x10: {  	[sflag:s7] =	ssyncset.done $0x0  }
0x11: {  	s20 =	simm.s32 $0x20;
	s21 =	simm.s32 $0x0;
	[sflag:s7] =	ssyncadd.s32 $0xFFFFC180  }
.LBB2_2:
0x12: {  	v3 =	vld [tilespmem:s20+$0xFFFFFFE0];
	_ =	sdelay $0x4  }
0x13: {  	v4 =	vshll.u32 v3, $0x1  }
0x14: {  	v3 =	vand.u32 $0x7, v3;
	v4 =	vand.u32 $0xFFFFFFF0, v4  }
0x15: {  	v3 =	vor.u32 v3, v4  }
0x16: {  	v4 =	vperm.xlane v3, v0;
	_ =	sdelay $0x1  }
0x17: {  	v3 =	vperm.xlane v3, v2;
	v4 =	vadd.s32 v1, v4;
	_ =	sdelay $0x1  }
0x18: {  	v3 =	vadd.s32 v1, v3;
	_ =	sdelay $0x2  }
0x19: {  	[tilespmem:s8], [sflag:$0x1] =	stream.indirect_vreg.gather [hbm4b:s3+s1], $0x80, v4, vm0, $0xb8;
	[tilespmem:$0x9000] =	vst v63  }
0x1a: {  	_ = 	snop  }
0x1b: {  	[tilespmem:s9], [sflag:$0x1] =	stream.indirect_vreg.gather [hbm4b:s3+s1], $0x80, v3, vm0, $0xb8;
	[tilespmem:$0x9000] =	vst v63  }
0x1c: {  	v3 =	vld [tilespmem:s20+$0xFFFFFFF0];
	_ =	sdelay $0x4  }
0x1d: {  	v60 =	vshll.u32 v3, $0x1  }
0x1e: {  	v3 =	vand.u32 $0x7, v3;
	v4 =	vand.u32 $0xFFFFFFF0, v60  }
0x1f: {  	v3 =	vor.u32 v3, v4  }
0x20: {  	v4 =	vperm.xlane v3, v0;
	_ =	sdelay $0x1  }
0x21: {  	v3 =	vperm.xlane v3, v2;
	v4 =	vadd.s32 v1, v4;
	_ =	sdelay $0x1  }
0x22: {  	v3 =	vadd.s32 v1, v3;
	_ =	sdelay $0x2  }
0x23: {  	[tilespmem:s10], [sflag:$0x1] =	stream.indirect_vreg.gather [hbm4b:s3+s1], $0x80, v4, vm0, $0xb8;
	[tilespmem:$0x9000] =	vst v63  }
0x24: {  	_ = 	snop  }
0x25: {  	[tilespmem:s11], [sflag:$0x1] =	stream.indirect_vreg.gather [hbm4b:s3+s1], $0x80, v3, vm0, $0xb8;
	[tilespmem:$0x9000] =	vst v63  }
0x26: {  	v3 =	vld [tilespmem:s20+$0x0];
	_ =	sdelay $0x4  }
0x27: {  	v61 =	vshll.u32 v3, $0x1  }
0x28: {  	v3 =	vand.u32 $0x7, v3;
	v4 =	vand.u32 $0xFFFFFFF0, v61  }
0x29: {  	v3 =	vor.u32 v3, v4  }
0x2a: {  	v4 =	vperm.xlane v3, v0;
	_ =	sdelay $0x1  }
0x2b: {  	v3 =	vperm.xlane v3, v2;
	v4 =	vadd.s32 v1, v4;
	_ =	sdelay $0x1  }
0x2c: {  	v3 =	vadd.s32 v1, v3;
	_ =	sdelay $0x2  }
0x2d: {  	[tilespmem:s12], [sflag:$0x1] =	stream.indirect_vreg.gather [hbm4b:s3+s1], $0x80, v4, vm0, $0xb8;
	[tilespmem:$0x9000] =	vst v63  }
0x2e: {  	_ = 	snop  }
0x2f: {  	[tilespmem:s13], [sflag:$0x1] =	stream.indirect_vreg.gather [hbm4b:s3+s1], $0x80, v3, vm0, $0xb8;
	[tilespmem:$0x9000] =	vst v63  }
0x30: {  	v3 =	vld [tilespmem:s20+$0x10];
	_ =	sdelay $0x4  }
0x31: {  	v62 =	vshll.u32 v3, $0x1  }
0x32: {  	v3 =	vand.u32 $0x7, v3;
	v4 =	vand.u32 $0xFFFFFFF0, v62  }
0x33: {  	v3 =	vor.u32 v3, v4  }
0x34: {  	v4 =	vperm.xlane v3, v0;
	_ =	sdelay $0x1  }
0x35: {  	v3 =	vperm.xlane v3, v2;
	v4 =	vadd.s32 v1, v4;
	_ =	sdelay $0x1  }
0x36: {  	v3 =	vadd.s32 v1, v3;
	_ =	sdelay $0x2  }
0x37: {  	[tilespmem:s14], [sflag:$0x1] =	stream.indirect_vreg.gather [hbm4b:s3+s1], $0x80, v4, vm0, $0xb8;
	[tilespmem:$0x9000] =	vst v63  }
0x38: {  	_ = 	snop  }
0x39: {  	[tilespmem:s15], [sflag:$0x1] =	stream.indirect_vreg.gather [hbm4b:s3+s1], $0x80, v3, vm0, $0xb8;
	[tilespmem:$0x9000] =	vst v63  }
0x3a: {  	v3 =	vld [tilespmem:s20+$0x20];
	_ =	sdelay $0x4  }
0x3b: {  	v63 =	vshll.u32 v3, $0x1  }
0x3c: {  	v3 =	vand.u32 $0x7, v3;
	v4 =	vand.u32 $0xFFFFFFF0, v63  }
0x3d: {  	v3 =	vor.u32 v3, v4  }
0x3e: {  	v4 =	vperm.xlane v3, v0;
	_ =	sdelay $0x1  }
0x3f: {  	v3 =	vperm.xlane v3, v2;
	v4 =	vadd.s32 v1, v4;
	_ =	sdelay $0x1  }
0x40: {  	v3 =	vadd.s32 v1, v3;
	_ =	sdelay $0x2  }
0x41: {  	[tilespmem:s16], [sflag:$0x1] =	stream.indirect_vreg.gather [hbm4b:s3+s1], $0x80, v4, vm0, $0xb8;
	[tilespmem:$0x9000] =	vst v63  }
0x42: {  	_ = 	snop  }
0x43: {  	[tilespmem:s17], [sflag:$0x1] =	stream.indirect_vreg.gather [hbm4b:s3+s1], $0x80, v3, vm0, $0xb8;
	[tilespmem:$0x9000] =	vst v63  }
0x44: {  	_ =	swait.ge [sflag:s18], $0x5000  }
0x45: {  	p0 =	sne.s32 s21, $0x4D800;
	[sflag:s18] =	ssyncset.done $0x0  }
.Ltmp0:
0x46: {  	s22 =	sadd.s32 s21, s6;
	[sflag:s18] =	ssyncadd.s32 $0xFFFFB000;
	(pc) =	sbr.rel @p0 .LBB2_2-.Ltmp0, $4  }
0x47: {  	[hbm4b:s22+s1] =	stream.linear.scatter [tilespmem:s8], [sflag:$0x2], $0x5000, $0x38;
	[tilespmem:$0x9000] =	vst v63  }
0x48: {  	_ =	swait.ge [sflag:s7], $0x5000  }
0x49: {  	[sflag:s7] =	ssyncset.done $0x0  }
0x4a: {  	s21 =	sadd.s32 $0xA00, s21;
	s20 =	sadd.s32 $0x80, s20;
	[sflag:s7] =	ssyncadd.s32 $0xFFFFB000  }
0x4b: {  	s19 =	sadd.s32 $0x1, s19  }
0x4c: {  	p0 =	sne.s32 s19, s5  }
.Ltmp1:
0x4d: {  	_ = 	snop;
	(pc) =	sbr.rel @p0 .LBB2_1-.Ltmp1, $1  }
0x4e: {  	_ =	sdelay $0x3  }
0x4f: {  	_ =	sfence.sel $0x180000  }
0x50: {  	[bflag:$0x0] =	sbarrier.arrive $0xFFFF  }
0x51: {  	p0 =	sne.s32 s2, $0x0;
	_ =	strace $0x90000062  }
0x52: {  	s0 =	sadd.s32 @!p0 $0x100000, s0;
	[bflag:$0x2] =	sbarrier.arrive $0xFFFF  }
0x53: {  	[sflag:s0] =	ssyncadd.tile.s32 @!p0 $0x1;
	_ =	shalt  }
.Lfunc_end2:
_tile_overlayer_lowered:
.L_overlay_start_2:
0x54: {  	(tag) =	ssettag $0x2  }
0x55: {  	s0 =	rddreg [dreg:$0x0];
	s2 =	stileid.u32  }
0x56: {  	s1 =	rddreg [dreg:$0x1];
	p0 =	sne.s32 s2, $0x0  }
0x57: {  	s3 =	rddreg [dreg:$0x2];
	[bflag:$0x3] =	sbarrier.arrive $0xFFFF;
	s2 =	simm.s32 @!p0 $0x1C02  }
0x58: {  	[timem:s3], [sflag:s2] =	dma.local @!p0 [hbm:s0], s1  }
0x59: {  	s0 =	simm.s32 @!p0 $0x2  }
0x5a: {  	_ =	swait.ge @!p0 [sflag:s0], s1  }
0x5b: {  	s1 =	ssub.s32 @!p0 $0x0, s1;
	[sflag:s0] =	ssyncset.done @!p0 $0x0  }
0x5c: {  	[sflag:s0] =	ssyncadd.s32 @!p0 s1  }
0x5d: {  	[bflag:$0x3] =	sbarrier.arrive $0xFFFF  }
0x5e: {  	_ =	shalt  }

// kernel: kernel.39.cloned.1.call-start
scs
__scs_entry_jumppad:
0x0: {  	(pc) =	sbr.rel $0x88, $3  }
0x1: {  	(tag) =	ssettag $0x0;
	lr =	simm.s32 $0x1  }
0x2: {  	[smem:$0x3F61] =	sst lr;
	_ =	strace $0xD0000000  }
0x3: {  	_ = 	snop  }
0x4: {  	_ = 	snop  }
0x5: {  	_ = 	snop  }
0x6: {  	_ = 	snop  }
0x7: {  	_ = 	snop  }
__scs_overlays_trampoline_lowered:
0x8: {  	[smem:$0x3F70] =	sst s0  }
0x9: {  	[smem:$0x3F71] =	sst s1  }
0xa: {  	[smem:$0x3F72] =	sst s2  }
0xb: {  	[smem:$0x3F73] =	sst s3  }
0xc: {  	[smem:$0x3F74] =	sst s4  }
0xd: {  	[smem:$0x3F75] =	sst s5  }
0xe: {  	[smem:$0x3F76] =	sst s6  }
0xf: {  	[smem:$0x3F77] =	sst s7  }
0x10: {  	[smem:$0x3F78] =	sst s8  }
0x11: {  	[smem:$0x3F79] =	sst s9;
	s0 =	simm.s32 @!p0 $0x0  }
0x12: {  	s1 =	sld [smem:$0x3F5F];
	s0 =	simm.s32 @p0 $0x1  }
0x13: {  	[smem:$0x3F7A] =	sst s0;
	s0 =	simm.s32 @!p1 $0x0  }
0x14: {  	s2 =	sld [smem:$0x3F5E];
	s0 =	simm.s32 @p1 $0x1  }
0x15: {  	[smem:$0x3F7B] =	sst s0;
	s0 =	simm.s32 @!p2 $0x0  }
0x16: {  	s3 =	sld [smem:$0x3FDB];
	s0 =	simm.s32 @p2 $0x1  }
0x17: {  	s4 =	simm.s32 $0x1BF5;
	[smem:$0x3F7D] =	sst s0  }
0x18: {  	s0 =	sld [smem:$0x3F60];
	_ =	swait.ge [sflag:s4], $0x0  }
0x19: {  	s7 =	sld [smem:$0x3F61]  }
0x1a: {  	s8 =	sadd.s32 $0xFFFFE003, lr  }
0x1b: {  	s9 =	sadd.s32 $0xFFFFFEF7, lr;
	s5 =	simm.s32 $0xFFFFFFFF;
	p2 =	slt.u32 s8, $0xFFFFF086  }
0x1c: {  	p1 =	slt.u32 s9, $0xF7A;
	s5 =	simm.s32 @!p2 $0x0  }
0x1d: {  	s5 =	simm.s32 @p1 $0x1;
	p0 =	seq.s32 s7, s2  }
0x1e: {  	s7 =	smul.u32 @!p0 $0xF7A, s2;
	p2 =	seq.s32 @!p0 s5, $0x0  }
0x1f: {  	s9 =	smul.u32 $0xF7A, s1;
	s8 =	simm.s32 @!p0 $0x1BF5;
	p2 =	por !p2, p0  }
0x20: {  	[sflag:s8] =	ssyncset.s32 @!p0 $0xFFFFF086;
	s6 =	sadd.s32 @!p0 s3, s7;
	s7 =	simm.s32 @!p0 $0x108  }
0x21: {  	s3 =	sadd.s32 s3, s9;
	s6 =	sadd.s32 @!p0 $0x88, s6;
	s7 =	simm.s32 @p2 $0x1082  }
0x22: {  	[simem:s7], [sflag:s8] =	dma.local @!p0 [hbm:s6], $0xF7A  }
0x23: {  	s9 =	sor.u32 $0xD0000000, s2;
	s6 =	simm.s32 $0x108;
	_ =	swait.ge @!p0 [sflag:s8], $0x0  }
0x24: {  	s3 =	sadd.s32 $0x88, s3;
	s6 =	simm.s32 @!p1 $0x1082;
	[sflag:s4] =	ssyncset.s32 $0xFFFFF086  }
0x25: {  	[simem:s6], [sflag:s4] =	dma.local [hbm:s3], $0xF7A  }
0x26: {  	[smem:$0x3F61] =	sst s1;
	(tag) =	ssettag s2;
	_ =	strace s9  }
0x27: {  	s1 =	sld [smem:$0x3F71]  }
0x28: {  	s2 =	sld [smem:$0x3F72]  }
0x29: {  	s4 =	sld [smem:$0x3F74]  }
0x2a: {  	p0 =	seq.s32 s5, $0x0;
	s5 =	sld [smem:$0x3F75]  }
0x2b: {  	s6 =	sld [smem:$0x3F76]  }
0x2c: {  	s7 =	sld [smem:$0x3F77]  }
0x2d: {  	s3 =	simm.s32 $0x108;
	s8 =	sld [smem:$0x3F78]  }
0x2e: {  	s3 =	simm.s32 @!p0 $0x1082;
	s9 =	sld [smem:$0x3F79]  }
0x2f: {  	lr =	sadd.s32 s0, s3;
	s0 =	sld [smem:$0x3F70]  }
0x30: {  	s3 =	sld [smem:$0x3F73]  }
0x31: {  	[smem:$0x3F7C] =	sst s10  }
0x32: {  	s10 =	sld [smem:$0x3F7A];
	_ =	sdelay $0x3  }
0x33: {  	p0 =	seq.s32 s10, $0x1;
	s10 =	sld [smem:$0x3F7C];
	_ =	sdelay $0x3  }
0x34: {  	[smem:$0x3F7C] =	sst s10  }
0x35: {  	s10 =	sld [smem:$0x3F7B];
	_ =	sdelay $0x3  }
0x36: {  	p1 =	seq.s32 s10, $0x1;
	s10 =	sld [smem:$0x3F7C];
	_ =	sdelay $0x3  }
0x37: {  	[smem:$0x3F7C] =	sst s10  }
0x38: {  	s10 =	sld [smem:$0x3F7D]  }
0x39: {  	_ = 	snop;
	(pc) =	sbr.ind lr, $3  }
0x3a: {  	_ = 	snop  }
0x3b: {  	_ = 	snop  }
0x3c: {  	p2 =	seq.s32 s10, $0x1;
	s10 =	sld [smem:$0x3F7C]  }
0x3d: {  	_ =	shalt  }
0x3e: {  	_ =	shalt  }
0x3f: {  	_ =	shalt  }
0x40: {  	_ =	shalt  }
0x41: {  	_ =	shalt  }
0x42: {  	_ =	shalt  }
0x43: {  	_ =	shalt  }
0x44: {  	_ =	shalt  }
0x45: {  	_ =	shalt  }
0x46: {  	_ =	shalt  }
0x47: {  	_ =	shalt  }
0x48: {  	_ =	shalt  }
0x49: {  	_ =	shalt  }
0x4a: {  	_ =	shalt  }
0x4b: {  	_ =	shalt  }
0x4c: {  	_ =	shalt  }
0x4d: {  	_ =	shalt  }
0x4e: {  	_ =	shalt  }
0x4f: {  	_ =	shalt  }
0x50: {  	_ =	shalt  }
0x51: {  	_ =	shalt  }
0x52: {  	_ =	shalt  }
0x53: {  	_ =	shalt  }
0x54: {  	_ =	shalt  }
0x55: {  	_ =	shalt  }
0x56: {  	_ =	shalt  }
0x57: {  	_ =	shalt  }
0x58: {  	_ =	shalt  }
0x59: {  	_ =	shalt  }
0x5a: {  	_ =	shalt  }
0x5b: {  	_ =	shalt  }
0x5c: {  	_ =	shalt  }
0x5d: {  	_ =	shalt  }
0x5e: {  	_ =	shalt  }
0x5f: {  	_ =	shalt  }
0x60: {  	_ =	shalt  }
0x61: {  	_ =	shalt  }
0x62: {  	_ =	shalt  }
0x63: {  	_ =	shalt  }
0x64: {  	_ =	shalt  }
0x65: {  	_ =	shalt  }
0x66: {  	_ =	shalt  }
0x67: {  	_ =	shalt  }
0x68: {  	_ =	shalt  }
0x69: {  	_ =	shalt  }
0x6a: {  	_ =	shalt  }
0x6b: {  	_ =	shalt  }
0x6c: {  	_ =	shalt  }
0x6d: {  	_ =	shalt  }
0x6e: {  	_ =	shalt  }
0x6f: {  	_ =	shalt  }
0x70: {  	_ =	shalt  }
0x71: {  	_ =	shalt  }
0x72: {  	_ =	shalt  }
0x73: {  	_ =	shalt  }
0x74: {  	_ =	shalt  }
0x75: {  	_ =	shalt  }
0x76: {  	_ =	shalt  }
0x77: {  	_ =	shalt  }
0x78: {  	_ =	shalt  }
0x79: {  	_ =	shalt  }
0x7a: {  	_ =	shalt  }
0x7b: {  	_ =	shalt  }
0x7c: {  	_ =	shalt  }
0x7d: {  	_ =	shalt  }
0x7e: {  	_ =	shalt  }
0x7f: {  	_ =	shalt  }
0x80: {  	_ =	shalt  }
0x81: {  	_ =	shalt  }
0x82: {  	_ =	shalt  }
0x83: {  	_ =	shalt  }
0x84: {  	_ =	shalt  }
0x85: {  	_ =	shalt  }
0x86: {  	_ =	shalt  }
0x87: {  	_ =	shalt  }
.Lfunc_end0:
.L_simem_size_0:
called_computation.4_lowered:
.L_overlay_start_0:
0x88: {  	s2 =	sld [smem:$0x3FD9]  }
0x89: {  	s3 =	sld [smem:$0x3FFE];
	_ =	sdelay $0x1  }
0x8a: {  	s1 =	srdreg.scid  }
0x8b: {  	s0 =	sand.u32 $0x1, s1  }
0x8c: {  	s17 =	sshll.u32 s0, $0xA;
	s2 =	sadd.s32 s3, s2  }
0x8d: {  	s2 =	sadd.s32 s2, s17  }
0x8e: {  	[smem:$0x3F88] =	sst s2  }
0x8f: {  	_ = 	snop  }
0x90: {  	(tm) =	ssettm $0x1  }
0x91: {  	s18 =	sld [smem:$0x3FFB];
	_ =	sdelay $0x3  }
0x92: {  	_ =	strace s18  }
0x93: {  	s2 =	sld [smem:$0x3FFC];
	_ =	sdelay $0x3  }
0x94: {  	_ =	strace s2  }
0x95: {  	s2 =	sld [smem:$0x3FFD];
	_ =	sdelay $0x3  }
0x96: {  	_ =	strace s2  }
0x97: {  	_ =	strace $0x8FFFFFFF  }
0x98: {  	s19 =	sld [smem:$0x3FDB];
	_ =	sdelay $0x1  }
0x99: {  	s20 =	simm.s32 $_scs_section_size  }
0x9a: {  	s4 =	simm.s32 $_size__tile_overlayer_lowered;
	s5 =	simm.s32 $_tile_overlayer_lowered  }
0x9b: {  	s6 =	simm.s32 $0x1BFF;
	s21 =	sshll.u32 s5, $0x1;
	s3 =	sadd.s32 s20, s19  }
0x9c: {  	s22 =	simm.s32 $0x0;
	s4 =	sshll.u32 s4, $0x1;
	s5 =	sadd.s32 s21, s3  }
0x9d: {  	[timem:s22], [sflag:s6] =	dma.local [hbm:s5], s4  }
0x9e: {  	_ =	swait.ge [sflag:s6], s4  }
0x9f: {  	s4 =	ssub.s32 $0x0, s4;
	[sflag:s6] =	ssyncset.done $0x0  }
0xa0: {  	[sflag:s6] =	ssyncadd.s32 s4;
	_ =	sdelay $0x1  }
0xa1: {  	s23 =	simm.s32 $0x1B8B  }
0xa2: {  	_ =	swait.ge [sflag:s23], $0x1  }
0xa3: {  	[sflag:s23] =	ssyncset.done $0x0  }
0xa4: {  	[sflag:s23] =	ssyncadd.s32 $0xFFFFFFFF  }
0xa5: {  	s4 =	sld [smem:$0x0]  }
0xa6: {  	s5 =	sand.u32 $0xFFFFFFFE, s1  }
0xa7: {  	p0 =	sne.s32 s1, s5  }
0xa8: {  	s5 =	sshll.u32 @p0 s5, $0xE  }
0xa9: {  	s5 =	sadd.s32 @p0 $0x11B8D, s5;
	s6 =	sshll.u32 @p0 s4, $0x11  }
0xaa: {  	s5 =	sor.u32 @p0 s6, s5  }
0xab: {  	[sflag:s5] =	ssyncadd.remote.s32 @p0 $0x1;
	_ =	sdelay $0x1  }
0xac: {  	s5 =	simm.s32 @p0 $0x1B8D  }
0xad: {  	_ =	swait.eq @p0 [sflag:s5], $0x1  }
0xae: {  	[sflag:s5] =	ssyncadd.s32 @p0 $0xFFFFFFFF  }
0xaf: {  	s6 =	sshll.u32 @!p0 s1, $0xE  }
0xb0: {  	s6 =	sor.u32 @!p0 $0x4000, s6;
	s5 =	simm.s32 @!p0 $0x1B8D  }
0xb1: {  	s4 =	sshll.u32 @!p0 s4, $0x11;
	s6 =	sadd.s32 @!p0 $0x11B8D, s6;
	_ =	swait.eq @!p0 [sflag:s5], $0x1  }
0xb2: {  	s4 =	sor.u32 @!p0 s4, s6;
	[sflag:s5] =	ssyncadd.s32 @!p0 $0xFFFFFFFF  }
0xb3: {  	s25 =	simm.s32 $0x1B8E;
	s24 =	sld [smem:$0x3FFE];
	[sflag:s4] =	ssyncadd.remote.s32 @!p0 $0x1  }
0xb4: {  	s26 =	simm.s32 $execute0_lowered;
	[smem:$0x3FD2] =	sst s25  }
0xb5: {  	s5 =	sshll.u32 s26, $0x1;
	_ =	strace $0x8000005E;
	[dreg:$0x1] =	wrdreg $0xFFFFFFFF  }
0xb6: {  	s28 =	simm.s32 $_size_execute0_lowered;
	s3 =	sadd.s32 s3, s5;
	[dreg:$0x0] =	wrdreg $0x0  }
0xb7: {  	s5 =	sshll.u32 s28, $0x1;
	[dreg:$0x2] =	wrdreg s3  }
0xb8: {  	[dreg:$0x3] =	wrdreg s5  }
0xb9: {  	[dreg:$0x4] =	wrdreg $0xC0  }
0xba: {  	_ =	task [dreg:s22], $0x5FFFF  }
0xbb: {  	[dreg:$0x1] =	wrdreg $0xFFFFFFFF  }
0xbc: {  	[dreg:$0x0] =	wrdreg $0x60  }
0xbd: {  	[dreg:$0x2] =	wrdreg s24  }
0xbe: {  	[dreg:$0x3] =	wrdreg $0xA  }
0xbf: {  	_ =	task.clear_ibuf [dreg:s22], $0x4FFFF;
	_ =	strace $0x9000005E  }
0xc0: {  	s29 =	simm.s32 $0xA;
	_ =	strace $0x80000060  }
0xc1: {  	_ =	swait.ge [sflag:s29], $0x1  }
0xc2: {  	[sflag:s29] =	ssyncadd.s32 $0xFFFFFFFF  }
0xc3: {  	_ =	strace $0x90000060  }
0xc4: {  	_ =	sfence  }
0xc5: {  	s30 =	sld [smem:$0x0];
	_ =	sdelay $0x2  }
0xc6: {  	s31 =	sshll.u32 s1, $0xD;
	s1 =	sshrl.u32 s1, $0x2  }
0xc7: {  	s4 =	sand.u32 $0x4000, s31;
	s1 =	sadd.s32 s1, s30  }
0xc8: {  	s0 =	sor.u32 s4, s0;
	s1 =	sshll.u32 s1, $0x11  }
0xc9: {  	s0 =	sor.u32 s1, s0  }
0xca: {  	s0 =	sadd.s32 $0x8F2B, s0  }
0xcb: {  	[sflag:s0] =	ssyncadd.remote.s32 $0x1  }
0xcc: {  	_ =	sfence.sel $0xFFFF  }
0xcd: {  	[dreg:$0x0] =	wrdreg $0xFFFFFFFF;
	(pc) =	sbr.abs _section_cstart, $3  }
0xce: {  	[dreg:$0x1] =	wrdreg $0xFFFFFFFF  }
0xcf: {  	_ =	task.clear_ibuf [dreg:s22], $0x2FFFF;
	_ =	strace $0x9FFFFFFF  }
0xd0: {  	(tm) =	ssettm $0x7FFFFFFF  }
0xd1: {  	_ =	shalt  }
tec
execute0_lowered:
.L_overlay_start_1:
0x0: {  	(tag) =	ssettag $0x1  }
0x1: {  	s4 =	rddreg [dreg:$0x0]  }
0x2: {  	s0 =	rddreg [dreg:$0x1];
	s2 =	simm.s32 $0x0;
	s5 =	srdreg.scid  }
0x3: {  	s1 =	stileid.u32;
	s11 =	simm.s32 $0x0;
	[smem:$0x7FF] =	sst s2  }
0x4: {  	s3 =	sadd.s32 $0xFCCC00, s4;
	s5 =	sand.u32 $0x1, s5;
	s6 =	sshll.u32 s1, $0xC  }
0x5: {  	s8 =	smul.u32 $0x4E200, s1;
	_ =	strace $0x8000005F;
	s7 =	sshll.u32 s5, $0xB  }
0x6: {  	s9 =	ssub.s32 $0x2, s5;
	s10 =	smul.u32 $0x27100, s5;
	s6 =	sor.u32 s7, s6  }
0x7: {  	s29 =	sshrl.u32 s9, $0x1;
	s31 =	sadd.s32 s8, s4;
	s8 =	simm.s32 $0x50  }
0x8: {  	s30 =	sadd.s32 s6, s4;
	s7 =	ssub.s32 s9, s29;
	s6 =	sadd.s32 s10, s31  }
0x9: {  	s9 =	simm.s32 $0x4000;
	s10 =	simm.s32 $0x1;
	s4 =	sadd.s32 $0xFBCC00, s30  }
0xa: {  	s5 =	smax.u32 s7, $0x1;
	s6 =	sadd.s32 $0x5E5000, s6;
	s7 =	simm.s32 $0x2  }
.LBB2_1:
0xb: {  	[tilespmem:s2], [sflag:$0x2] =	stream.linear.gather [hbm4b:s4+s2], $0x3E80, $0x38;
	[tilespmem:$0x6800] =	vst v63  }
0xc: {  	_ =	swait.ge [sflag:s7], $0x3E80  }
0xd: {  	[sflag:s7] =	ssyncset.done $0x0  }
0xe: {  	s12 =	simm.s32 $0x0;
	[sflag:s7] =	ssyncadd.s32 $0xFFFFC180  }
0xf: {  	[tilespmem:s9], [sflag:$0x1] =	stream.indirect.gather [hbm4b:s3+s8], $0x80, s12, s8, $0xb8;
	[tilespmem:$0x6800] =	vst v63  }
0x10: {  	_ =	swait.ge [sflag:s10], $0x2800  }
0x11: {  	[sflag:s10] =	ssyncset.done $0x0  }
0x12: {  	[sflag:s10] =	ssyncadd.s32 $0xFFFFD800  }
0x13: {  	[hbm4b:s6+s2] =	stream.linear.scatter [tilespmem:s9], [sflag:$0x2], $0x2800, $0x38;
	[tilespmem:$0x6800] =	vst v63  }
0x14: {  	s13 =	simm.s32 $0x200;
	_ =	swait.ge [sflag:s7], $0x2800  }
0x15: {  	s14 =	simm.s32 $0x400;
	s12 =	sadd.s32 $0x500, s6;
	[sflag:s7] =	ssyncset.done $0x0  }
.LBB2_2:
0x16: {  	s15 =	sshra.s32 s13, $0x2  }
0x17: {  	[sflag:s7] =	ssyncadd.s32 $0xFFFFD800;
	s13 =	smov.u32 s14;
	s16 =	sadd.s32 $0x200, s14  }
0x18: {  	[tilespmem:s9], [sflag:$0x1] =	stream.indirect.gather [hbm4b:s3+s8], $0x80, s15, s8, $0xb8;
	[tilespmem:$0x6800] =	vst v63  }
0x19: {  	p0 =	sne.s32 s14, $0xF800;
	_ =	swait.ge [sflag:s10], $0x2800  }
.Ltmp0:
0x1a: {  	[sflag:s10] =	ssyncset.done $0x0;
	(pc) =	sbr.rel @p0 .LBB2_2-.Ltmp0, $4  }
0x1b: {  	[sflag:s10] =	ssyncadd.s32 $0xFFFFD800  }
0x1c: {  	[hbm4b:s12+s2] =	stream.linear.scatter [tilespmem:s9], [sflag:$0x2], $0x2800, $0x38;
	[tilespmem:$0x6800] =	vst v63  }
0x1d: {  	_ =	swait.ge [sflag:s7], $0x2800  }
0x1e: {  	s14 =	smov.u32 s16;
	s12 =	sadd.s32 $0x500, s12;
	[sflag:s7] =	ssyncset.done $0x0  }
0x1f: {  	s13 =	sshra.s32 s13, $0x2;
	[sflag:s7] =	ssyncadd.s32 $0xFFFFD800  }
0x20: {  	[tilespmem:s9], [sflag:$0x1] =	stream.indirect.gather [hbm4b:s3+s8], $0x80, s13, s8, $0xb8;
	[tilespmem:$0x6800] =	vst v63  }
0x21: {  	s11 =	sadd.s32 $0x1, s11;
	_ =	swait.ge [sflag:s10], $0x2800  }
0x22: {  	p0 =	sne.s32 s11, s5;
	[sflag:s10] =	ssyncset.done $0x0  }
.Ltmp1:
0x23: {  	[sflag:s10] =	ssyncadd.s32 $0xFFFFD800;
	(pc) =	sbr.rel @p0 .LBB2_1-.Ltmp1, $4  }
0x24: {  	[hbm4b:s12+s2] =	stream.linear.scatter [tilespmem:s9], [sflag:$0x2], $0x2800, $0x38;
	[tilespmem:$0x6800] =	vst v63  }
0x25: {  	_ =	swait.ge [sflag:s7], $0x2800  }
0x26: {  	[sflag:s7] =	ssyncset.done $0x0  }
0x27: {  	[sflag:s7] =	ssyncadd.s32 $0xFFFFD800  }
0x28: {  	_ =	sfence.sel $0x180000  }
0x29: {  	[bflag:$0x0] =	sbarrier.arrive $0xFFFF  }
0x2a: {  	p0 =	sne.s32 s1, $0x0;
	_ =	strace $0x9000005F  }
0x2b: {  	s0 =	sadd.s32 @!p0 $0x100000, s0;
	[bflag:$0x2] =	sbarrier.arrive $0xFFFF  }
0x2c: {  	[sflag:s0] =	ssyncadd.tile.s32 @!p0 $0x1;
	_ =	shalt  }
.Lfunc_end2:
_tile_overlayer_lowered:
.L_overlay_start_2:
0x2d: {  	(tag) =	ssettag $0x2  }
0x2e: {  	s0 =	rddreg [dreg:$0x0];
	s2 =	stileid.u32  }
0x2f: {  	s1 =	rddreg [dreg:$0x1];
	p0 =	sne.s32 s2, $0x0  }
0x30: {  	s3 =	rddreg [dreg:$0x2];
	[bflag:$0x3] =	sbarrier.arrive $0xFFFF;
	s2 =	simm.s32 @!p0 $0x1C02  }
0x31: {  	[timem:s3], [sflag:s2] =	dma.local @!p0 [hbm:s0], s1  }
0x32: {  	s0 =	simm.s32 @!p0 $0x2  }
0x33: {  	_ =	swait.ge @!p0 [sflag:s0], s1  }
0x34: {  	s1 =	ssub.s32 @!p0 $0x0, s1;
	[sflag:s0] =	ssyncset.done @!p0 $0x0  }
0x35: {  	[sflag:s0] =	ssyncadd.s32 @!p0 s1  }
0x36: {  	[bflag:$0x3] =	sbarrier.arrive $0xFFFF  }
0x37: {  	_ =	shalt  }

// kernel: kernel.42.cloned.1.call-start
scs
__scs_entry_jumppad:
0x0: {  	(pc) =	sbr.rel $0x88, $3  }
0x1: {  	(tag) =	ssettag $0x0;
	lr =	simm.s32 $0x1  }
0x2: {  	[smem:$0x3F61] =	sst lr;
	_ =	strace $0xD0000000  }
0x3: {  	_ = 	snop  }
0x4: {  	_ = 	snop  }
0x5: {  	_ = 	snop  }
0x6: {  	_ = 	snop  }
0x7: {  	_ = 	snop  }
__scs_overlays_trampoline_lowered:
0x8: {  	[smem:$0x3F70] =	sst s0  }
0x9: {  	[smem:$0x3F71] =	sst s1  }
0xa: {  	[smem:$0x3F72] =	sst s2  }
0xb: {  	[smem:$0x3F73] =	sst s3  }
0xc: {  	[smem:$0x3F74] =	sst s4  }
0xd: {  	[smem:$0x3F75] =	sst s5  }
0xe: {  	[smem:$0x3F76] =	sst s6  }
0xf: {  	[smem:$0x3F77] =	sst s7  }
0x10: {  	[smem:$0x3F78] =	sst s8  }
0x11: {  	[smem:$0x3F79] =	sst s9;
	s0 =	simm.s32 @!p0 $0x0  }
0x12: {  	s1 =	sld [smem:$0x3F5F];
	s0 =	simm.s32 @p0 $0x1  }
0x13: {  	[smem:$0x3F7A] =	sst s0;
	s0 =	simm.s32 @!p1 $0x0  }
0x14: {  	s2 =	sld [smem:$0x3F5E];
	s0 =	simm.s32 @p1 $0x1  }
0x15: {  	[smem:$0x3F7B] =	sst s0;
	s0 =	simm.s32 @!p2 $0x0  }
0x16: {  	s3 =	sld [smem:$0x3FDB];
	s0 =	simm.s32 @p2 $0x1  }
0x17: {  	s4 =	simm.s32 $0x1BF5;
	[smem:$0x3F7D] =	sst s0  }
0x18: {  	s0 =	sld [smem:$0x3F60];
	_ =	swait.ge [sflag:s4], $0x0  }
0x19: {  	s7 =	sld [smem:$0x3F61]  }
0x1a: {  	s8 =	sadd.s32 $0xFFFFE003, lr  }
0x1b: {  	s9 =	sadd.s32 $0xFFFFFEF7, lr;
	s5 =	simm.s32 $0xFFFFFFFF;
	p2 =	slt.u32 s8, $0xFFFFF086  }
0x1c: {  	p1 =	slt.u32 s9, $0xF7A;
	s5 =	simm.s32 @!p2 $0x0  }
0x1d: {  	s5 =	simm.s32 @p1 $0x1;
	p0 =	seq.s32 s7, s2  }
0x1e: {  	s7 =	smul.u32 @!p0 $0xF7A, s2;
	p2 =	seq.s32 @!p0 s5, $0x0  }
0x1f: {  	s9 =	smul.u32 $0xF7A, s1;
	s8 =	simm.s32 @!p0 $0x1BF5;
	p2 =	por !p2, p0  }
0x20: {  	[sflag:s8] =	ssyncset.s32 @!p0 $0xFFFFF086;
	s6 =	sadd.s32 @!p0 s3, s7;
	s7 =	simm.s32 @!p0 $0x108  }
0x21: {  	s3 =	sadd.s32 s3, s9;
	s6 =	sadd.s32 @!p0 $0x88, s6;
	s7 =	simm.s32 @p2 $0x1082  }
0x22: {  	[simem:s7], [sflag:s8] =	dma.local @!p0 [hbm:s6], $0xF7A  }
0x23: {  	s9 =	sor.u32 $0xD0000000, s2;
	s6 =	simm.s32 $0x108;
	_ =	swait.ge @!p0 [sflag:s8], $0x0  }
0x24: {  	s3 =	sadd.s32 $0x88, s3;
	s6 =	simm.s32 @!p1 $0x1082;
	[sflag:s4] =	ssyncset.s32 $0xFFFFF086  }
0x25: {  	[simem:s6], [sflag:s4] =	dma.local [hbm:s3], $0xF7A  }
0x26: {  	[smem:$0x3F61] =	sst s1;
	(tag) =	ssettag s2;
	_ =	strace s9  }
0x27: {  	s1 =	sld [smem:$0x3F71]  }
0x28: {  	s2 =	sld [smem:$0x3F72]  }
0x29: {  	s4 =	sld [smem:$0x3F74]  }
0x2a: {  	p0 =	seq.s32 s5, $0x0;
	s5 =	sld [smem:$0x3F75]  }
0x2b: {  	s6 =	sld [smem:$0x3F76]  }
0x2c: {  	s7 =	sld [smem:$0x3F77]  }
0x2d: {  	s3 =	simm.s32 $0x108;
	s8 =	sld [smem:$0x3F78]  }
0x2e: {  	s3 =	simm.s32 @!p0 $0x1082;
	s9 =	sld [smem:$0x3F79]  }
0x2f: {  	lr =	sadd.s32 s0, s3;
	s0 =	sld [smem:$0x3F70]  }
0x30: {  	s3 =	sld [smem:$0x3F73]  }
0x31: {  	[smem:$0x3F7C] =	sst s10  }
0x32: {  	s10 =	sld [smem:$0x3F7A];
	_ =	sdelay $0x3  }
0x33: {  	p0 =	seq.s32 s10, $0x1;
	s10 =	sld [smem:$0x3F7C];
	_ =	sdelay $0x3  }
0x34: {  	[smem:$0x3F7C] =	sst s10  }
0x35: {  	s10 =	sld [smem:$0x3F7B];
	_ =	sdelay $0x3  }
0x36: {  	p1 =	seq.s32 s10, $0x1;
	s10 =	sld [smem:$0x3F7C];
	_ =	sdelay $0x3  }
0x37: {  	[smem:$0x3F7C] =	sst s10  }
0x38: {  	s10 =	sld [smem:$0x3F7D]  }
0x39: {  	_ = 	snop;
	(pc) =	sbr.ind lr, $3  }
0x3a: {  	_ = 	snop  }
0x3b: {  	_ = 	snop  }
0x3c: {  	p2 =	seq.s32 s10, $0x1;
	s10 =	sld [smem:$0x3F7C]  }
0x3d: {  	_ =	shalt  }
0x3e: {  	_ =	shalt  }
0x3f: {  	_ =	shalt  }
0x40: {  	_ =	shalt  }
0x41: {  	_ =	shalt  }
0x42: {  	_ =	shalt  }
0x43: {  	_ =	shalt  }
0x44: {  	_ =	shalt  }
0x45: {  	_ =	shalt  }
0x46: {  	_ =	shalt  }
0x47: {  	_ =	shalt  }
0x48: {  	_ =	shalt  }
0x49: {  	_ =	shalt  }
0x4a: {  	_ =	shalt  }
0x4b: {  	_ =	shalt  }
0x4c: {  	_ =	shalt  }
0x4d: {  	_ =	shalt  }
0x4e: {  	_ =	shalt  }
0x4f: {  	_ =	shalt  }
0x50: {  	_ =	shalt  }
0x51: {  	_ =	shalt  }
0x52: {  	_ =	shalt  }
0x53: {  	_ =	shalt  }
0x54: {  	_ =	shalt  }
0x55: {  	_ =	shalt  }
0x56: {  	_ =	shalt  }
0x57: {  	_ =	shalt  }
0x58: {  	_ =	shalt  }
0x59: {  	_ =	shalt  }
0x5a: {  	_ =	shalt  }
0x5b: {  	_ =	shalt  }
0x5c: {  	_ =	shalt  }
0x5d: {  	_ =	shalt  }
0x5e: {  	_ =	shalt  }
0x5f: {  	_ =	shalt  }
0x60: {  	_ =	shalt  }
0x61: {  	_ =	shalt  }
0x62: {  	_ =	shalt  }
0x63: {  	_ =	shalt  }
0x64: {  	_ =	shalt  }
0x65: {  	_ =	shalt  }
0x66: {  	_ =	shalt  }
0x67: {  	_ =	shalt  }
0x68: {  	_ =	shalt  }
0x69: {  	_ =	shalt  }
0x6a: {  	_ =	shalt  }
0x6b: {  	_ =	shalt  }
0x6c: {  	_ =	shalt  }
0x6d: {  	_ =	shalt  }
0x6e: {  	_ =	shalt  }
0x6f: {  	_ =	shalt  }
0x70: {  	_ =	shalt  }
0x71: {  	_ =	shalt  }
0x72: {  	_ =	shalt  }
0x73: {  	_ =	shalt  }
0x74: {  	_ =	shalt  }
0x75: {  	_ =	shalt  }
0x76: {  	_ =	shalt  }
0x77: {  	_ =	shalt  }
0x78: {  	_ =	shalt  }
0x79: {  	_ =	shalt  }
0x7a: {  	_ =	shalt  }
0x7b: {  	_ =	shalt  }
0x7c: {  	_ =	shalt  }
0x7d: {  	_ =	shalt  }
0x7e: {  	_ =	shalt  }
0x7f: {  	_ =	shalt  }
0x80: {  	_ =	shalt  }
0x81: {  	_ =	shalt  }
0x82: {  	_ =	shalt  }
0x83: {  	_ =	shalt  }
0x84: {  	_ =	shalt  }
0x85: {  	_ =	shalt  }
0x86: {  	_ =	shalt  }
0x87: {  	_ =	shalt  }
.Lfunc_end0:
.L_simem_size_0:
called_computation.5_lowered:
.L_overlay_start_0:
0x88: {  	s2 =	sld [smem:$0x3FD9]  }
0x89: {  	s3 =	sld [smem:$0x3FFE];
	_ =	sdelay $0x1  }
0x8a: {  	s1 =	srdreg.scid  }
0x8b: {  	s0 =	sand.u32 $0x1, s1  }
0x8c: {  	s17 =	sshll.u32 s0, $0xA;
	s2 =	sadd.s32 s3, s2  }
0x8d: {  	s2 =	sadd.s32 s2, s17  }
0x8e: {  	[smem:$0x3F88] =	sst s2  }
0x8f: {  	_ = 	snop  }
0x90: {  	(tm) =	ssettm $0x1  }
0x91: {  	s18 =	sld [smem:$0x3FFB];
	_ =	sdelay $0x3  }
0x92: {  	_ =	strace s18  }
0x93: {  	s2 =	sld [smem:$0x3FFC];
	_ =	sdelay $0x3  }
0x94: {  	_ =	strace s2  }
0x95: {  	s2 =	sld [smem:$0x3FFD];
	_ =	sdelay $0x3  }
0x96: {  	_ =	strace s2  }
0x97: {  	_ =	strace $0x8FFFFFFF  }
0x98: {  	s19 =	sld [smem:$0x3FDB];
	_ =	sdelay $0x1  }
0x99: {  	s20 =	simm.s32 $_scs_section_size  }
0x9a: {  	s4 =	simm.s32 $_size__tile_overlayer_lowered;
	s5 =	simm.s32 $_tile_overlayer_lowered  }
0x9b: {  	s6 =	simm.s32 $0x1BFF;
	s21 =	sshll.u32 s5, $0x1;
	s3 =	sadd.s32 s20, s19  }
0x9c: {  	s22 =	simm.s32 $0x0;
	s4 =	sshll.u32 s4, $0x1;
	s5 =	sadd.s32 s21, s3  }
0x9d: {  	[timem:s22], [sflag:s6] =	dma.local [hbm:s5], s4  }
0x9e: {  	_ =	swait.ge [sflag:s6], s4  }
0x9f: {  	s4 =	ssub.s32 $0x0, s4;
	[sflag:s6] =	ssyncset.done $0x0  }
0xa0: {  	[sflag:s6] =	ssyncadd.s32 s4;
	_ =	sdelay $0x1  }
0xa1: {  	s23 =	simm.s32 $0x1B8B  }
0xa2: {  	_ =	swait.ge [sflag:s23], $0x1  }
0xa3: {  	[sflag:s23] =	ssyncset.done $0x0  }
0xa4: {  	[sflag:s23] =	ssyncadd.s32 $0xFFFFFFFF  }
0xa5: {  	s4 =	sld [smem:$0x0]  }
0xa6: {  	s5 =	sand.u32 $0xFFFFFFFE, s1  }
0xa7: {  	p0 =	sne.s32 s1, s5  }
0xa8: {  	s5 =	sshll.u32 @p0 s5, $0xE  }
0xa9: {  	s5 =	sadd.s32 @p0 $0x11B8D, s5;
	s6 =	sshll.u32 @p0 s4, $0x11  }
0xaa: {  	s5 =	sor.u32 @p0 s6, s5  }
0xab: {  	[sflag:s5] =	ssyncadd.remote.s32 @p0 $0x1;
	_ =	sdelay $0x1  }
0xac: {  	s5 =	simm.s32 @p0 $0x1B8D  }
0xad: {  	_ =	swait.eq @p0 [sflag:s5], $0x1  }
0xae: {  	[sflag:s5] =	ssyncadd.s32 @p0 $0xFFFFFFFF  }
0xaf: {  	s6 =	sshll.u32 @!p0 s1, $0xE  }
0xb0: {  	s6 =	sor.u32 @!p0 $0x4000, s6;
	s5 =	simm.s32 @!p0 $0x1B8D  }
0xb1: {  	s4 =	sshll.u32 @!p0 s4, $0x11;
	s6 =	sadd.s32 @!p0 $0x11B8D, s6;
	_ =	swait.eq @!p0 [sflag:s5], $0x1  }
0xb2: {  	s4 =	sor.u32 @!p0 s4, s6;
	[sflag:s5] =	ssyncadd.s32 @!p0 $0xFFFFFFFF  }
0xb3: {  	s25 =	simm.s32 $0x1B8E;
	s24 =	sld [smem:$0x3FFE];
	[sflag:s4] =	ssyncadd.remote.s32 @!p0 $0x1  }
0xb4: {  	s26 =	simm.s32 $execute0_lowered;
	[smem:$0x3FD2] =	sst s25  }
0xb5: {  	s5 =	sshll.u32 s26, $0x1;
	_ =	strace $0x80000067;
	[dreg:$0x1] =	wrdreg $0xFFFFFFFF  }
0xb6: {  	s28 =	simm.s32 $_size_execute0_lowered;
	s3 =	sadd.s32 s3, s5;
	[dreg:$0x0] =	wrdreg $0x0  }
0xb7: {  	s5 =	sshll.u32 s28, $0x1;
	[dreg:$0x2] =	wrdreg s3  }
0xb8: {  	[dreg:$0x3] =	wrdreg s5  }
0xb9: {  	[dreg:$0x4] =	wrdreg $0xC0  }
0xba: {  	_ =	task [dreg:s22], $0x5FFFF  }
0xbb: {  	[dreg:$0x1] =	wrdreg $0xFFFFFFFF  }
0xbc: {  	[dreg:$0x0] =	wrdreg $0x60  }
0xbd: {  	[dreg:$0x2] =	wrdreg s24  }
0xbe: {  	[dreg:$0x3] =	wrdreg $0xA8000  }
0xbf: {  	[dreg:$0x4] =	wrdreg $0x9  }
0xc0: {  	_ =	task.clear_ibuf [dreg:s22], $0x5FFFF;
	_ =	strace $0x90000067  }
0xc1: {  	s29 =	simm.s32 $0x9;
	_ =	strace $0x80000069  }
0xc2: {  	_ =	swait.ge [sflag:s29], $0x1  }
0xc3: {  	[sflag:s29] =	ssyncadd.s32 $0xFFFFFFFF  }
0xc4: {  	_ =	strace $0x90000069  }
0xc5: {  	_ =	sfence  }
0xc6: {  	s30 =	sld [smem:$0x0];
	_ =	sdelay $0x2  }
0xc7: {  	s31 =	sshll.u32 s1, $0xD;
	s1 =	sshrl.u32 s1, $0x2  }
0xc8: {  	s4 =	sand.u32 $0x4000, s31;
	s1 =	sadd.s32 s1, s30  }
0xc9: {  	s0 =	sor.u32 s4, s0;
	s1 =	sshll.u32 s1, $0x11  }
0xca: {  	s0 =	sor.u32 s1, s0  }
0xcb: {  	s0 =	sadd.s32 $0x8F2B, s0  }
0xcc: {  	[sflag:s0] =	ssyncadd.remote.s32 $0x1  }
0xcd: {  	_ =	sfence.sel $0xFFFF  }
0xce: {  	[dreg:$0x0] =	wrdreg $0xFFFFFFFF;
	(pc) =	sbr.abs _section_cstart, $3  }
0xcf: {  	[dreg:$0x1] =	wrdreg $0xFFFFFFFF  }
0xd0: {  	_ =	task.clear_ibuf [dreg:s22], $0x2FFFF;
	_ =	strace $0x9FFFFFFF  }
0xd1: {  	(tm) =	ssettm $0x7FFFFFFF  }
tec
execute0_lowered:
.L_overlay_start_1:
0x0: {  	(tag) =	ssettag $0x1  }
0x1: {  	s1 =	srdreg.scid;
	s5 =	rddreg [dreg:$0x0]  }
0x2: {  	s0 =	stileid.u32;
	s2 =	rddreg [dreg:$0x1]  }
0x3: {  	s3 =	simm.s32 $0x0;
	s15 =	simm.s32 $0x800;
	s16 =	simm.s32 $0x8000  }
0x4: {  	s17 =	simm.s32 $0x50;
	s18 =	simm.s32 $0x8;
	s19 =	simm.s32 $0x100  }
0x5: {  	s20 =	simm.s32 $0x80;
	s6 =	sand.u32 $0x1, s1;
	s1 =	rddreg [dreg:$0x2]  }
0x6: {  	s21 =	simm.s32 $0x0;
	s4 =	smul.u32 $0x4E2000, s0;
	[smem:$0x7FF] =	sst s3  }
0x7: {  	s8 =	sshll.u32 s0, $0xC;
	s11 =	smul.u32 $0x4E000, s0;
	s12 =	sadd.s32 $0x1AA2400, s5  }
0x8: {  	s13 =	smul.u32 $0x27000, s0;
	s29 =	sshll.u32 s0, $0x6;
	p0 =	sne.s32 s0, $0xF  }
0x9: {  	s7 =	sshll.u32 s6, $0xA;
	_ =	strace $0x80000068;
	s8 =	sadd.s32 s8, s5  }
0xa: {  	s9 =	ssub.s32 $0x2, s6;
	s30 =	sshll.u32 s6, $0x7;
	s4 =	sor.u32 s7, s4  }
0xb: {  	s26 =	sshrl.u32 s9, $0x1;
	s28 =	sshrl.u32 s11, $0x2;
	s7 =	sor.u32 s7, s13  }
0xc: {  	s13 =	sadd.s32 $0x138000, s2;
	s6 =	sadd.s32 $0x7DC00, s8;
	s31 =	sadd.s32 s30, s12  }
0xd: {  	s4 =	sshrl.u32 s4, $0x3;
	s9 =	ssub.s32 s9, s26;
	s14 =	sadd.s32 s28, s2  }
0xe: {  	s7 =	sshrl.u32 s7, $0x3;
	s8 =	sadd.s32 $0x4E000, s31;
	s13 =	sshrl.u32 @!p0 s13, $0x3  }
0xf: {  	s10 =	sadd.s32 s4, s5;
	s4 =	sadd.s32 $0x1C000, s5;
	s5 =	sor.u32 $0x1C01, s29  }
0x10: {  	s7 =	sadd.s32 s12, s7;
	s9 =	smax.u32 s9, $0x1;
	s11 =	sshrl.u32 s14, $0x3  }
0x11: {  	s12 =	simm.s32 $0x1;
	s14 =	simm.s32 $0x400;
	s10 =	sadd.s32 $0x10DE400, s10  }
.LBB2_1:
0x12: {  	[spmem:s11], [sflag:s5] =	dma.local [hbm:s4], $0x2700  }
0x13: {  	_ =	swait.ge [sflag:s12], $0x2700  }
0x14: {  	[sflag:s12] =	ssyncset.done $0x0  }
0x15: {  	s22 =	simm.s32 @!p0 $0x1;
	[sflag:s12] =	ssyncadd.s32 $0xFFFFD900  }
0x16: {  	[spmem:s13], [sflag:s5] =	dma.local @!p0 [hbm:s4], $0x100  }
0x17: {  	_ =	swait.ge @!p0 [sflag:s22], $0x100  }
0x18: {  	[sflag:s22] =	ssyncset.done @!p0 $0x0  }
0x19: {  	[sflag:s22] =	ssyncadd.s32 @!p0 $0xFFFFFF00  }
0x1a: {  	[bflag:$0x0] =	sbarrier.arrive $0xFFFF  }
0x1b: {  	[tilespmem:s3], [sflag:$0x1] =	stream.linear.gather [hbm4b:s6+s3], $0x7D00, $0x38;
	[tilespmem:$0x1E080] =	vst v63  }
0x1c: {  	_ =	swait.ge [sflag:s12], $0x7D00  }
0x1d: {  	[sflag:s12] =	ssyncset.done $0x0  }
0x1e: {  	[sflag:s12] =	ssyncadd.s32 $0xFFFF8300  }
0x1f: {  	[tilespmem:s16], [sflag:$0x1] =	stream.strided.gather [hbm4b:s10+s14], $0x2800, s15, s14, $0x38;
	[tilespmem:$0x1E080] =	vst v63  }
0x20: {  	_ =	swait.ge [sflag:s12], $0x2800  }
0x21: {  	[sflag:s12] =	ssyncset.done $0x0  }
0x22: {  	s31 =	simm.s32 $0x0;
	[sflag:s12] =	ssyncadd.s32 $0xFFFFD800  }
0x23: {  	[spmem:s2] =	stream.indirect.scatter.add.f32 [tilespmem:s16], [sflag:$0x1], $0x80, s31, s17, $0xb8;
	[tilespmem:$0x1E080] =	vst v63  }
0x24: {  	_ =	swait.ge [sflag:s12], $0x2800  }
0x25: {  	s23 =	smov.u32 s10;
	s22 =	simm.s32 $0x200;
	[sflag:s12] =	ssyncset.done $0x0  }
.LBB2_2:
0x26: {  	p1 =	sne.s32 s22, $0x1F200;
	[sflag:s12] =	ssyncadd.s32 $0xFFFFD800;
	s23 =	sadd.s32 $0xA00, s23  }
0x27: {  	[tilespmem:s16], [sflag:$0x1] =	stream.strided.gather [hbm4b:s23+s14], $0x2800, s15, s14, $0x38;
	[tilespmem:$0x1E080] =	vst v63  }
0x28: {  	s24 =	smov.u32 s22;
	s22 =	sadd.s32 $0x200, s22;
	_ =	swait.ge [sflag:s12], $0x2800  }
.Ltmp0:
0x29: {  	[sflag:s12] =	ssyncset.done $0x0;
	(pc) =	sbr.rel @p1 .LBB2_2-.Ltmp0, $4  }
0x2a: {  	s24 =	sshra.s32 s24, $0x2;
	[sflag:s12] =	ssyncadd.s32 $0xFFFFD800  }
0x2b: {  	[spmem:s2] =	stream.indirect.scatter.add.f32 [tilespmem:s16], [sflag:$0x1], $0x80, s24, s17, $0xb8;
	[tilespmem:$0x1E080] =	vst v63  }
0x2c: {  	_ =	swait.ge [sflag:s12], $0x2800  }
0x2d: {  	[sflag:s12] =	ssyncset.done $0x0  }
0x2e: {  	[sflag:s12] =	ssyncadd.s32 $0xFFFFD800  }
0x2f: {  	[bflag:$0x0] =	sbarrier.arrive $0xFFFF  }
0x30: {  	[hbm:s7@s19], [sflag:s5] =	dma.strided [spmem:s11@s20], $0x2700, s18, $0x10   }
0x31: {  	s22 =	simm.s32 @!p0 $0x8;
	_ =	swait.ge [sflag:s12], $0x2700  }
0x32: {  	s23 =	simm.s32 @!p0 $0x100;
	s21 =	sadd.s32 $0x1, s21;
	[sflag:s12] =	ssyncset.done $0x0  }
0x33: {  	s24 =	simm.s32 @!p0 $0x80;
	p1 =	sne.s32 s21, s9;
	[sflag:s12] =	ssyncadd.s32 $0xFFFFD900  }
0x34: {  	[hbm:s8@s23], [sflag:s5] =	dma.strided @!p0 [spmem:s13@s24], $0x100, s22, $0x10   }
.Ltmp1:
0x35: {  	_ = 	snop;
	(pc) =	sbr.rel @p1 .LBB2_1-.Ltmp1, $4  }
0x36: {  	s22 =	simm.s32 @!p0 $0x1  }
0x37: {  	_ =	swait.ge @!p0 [sflag:s22], $0x100  }
0x38: {  	[sflag:s22] =	ssyncset.done @!p0 $0x0  }
0x39: {  	[sflag:s22] =	ssyncadd.s32 @!p0 $0xFFFFFF00  }
0x3a: {  	_ =	sfence.sel $0x180000  }
0x3b: {  	[bflag:$0x0] =	sbarrier.arrive $0xFFFF  }
0x3c: {  	p0 =	sne.s32 s0, $0x0;
	_ =	strace $0x90000068  }
0x3d: {  	s0 =	sadd.s32 @!p0 $0x100000, s1;
	[bflag:$0x2] =	sbarrier.arrive $0xFFFF  }
0x3e: {  	[sflag:s0] =	ssyncadd.tile.s32 @!p0 $0x1;
	_ =	shalt  }
.Lfunc_end2:
_tile_overlayer_lowered:
.L_overlay_start_2:
0x3f: {  	(tag) =	ssettag $0x2  }
0x40: {  	s0 =	rddreg [dreg:$0x0];
	s2 =	stileid.u32  }
0x41: {  	s1 =	rddreg [dreg:$0x1];
	p0 =	sne.s32 s2, $0x0  }
0x42: {  	s3 =	rddreg [dreg:$0x2];
	[bflag:$0x3] =	sbarrier.arrive $0xFFFF;
	s2 =	simm.s32 @!p0 $0x1C01  }
0x43: {  	[timem:s3], [sflag:s2] =	dma.local @!p0 [hbm:s0], s1  }
0x44: {  	s0 =	simm.s32 @!p0 $0x1  }
0x45: {  	_ =	swait.ge @!p0 [sflag:s0], s1  }
0x46: {  	s1 =	ssub.s32 @!p0 $0x0, s1;
	[sflag:s0] =	ssyncset.done @!p0 $0x0  }
0x47: {  	[sflag:s0] =	ssyncadd.s32 @!p0 s1  }
0x48: {  	[bflag:$0x3] =	sbarrier.arrive $0xFFFF  }
0x49: {  	_ =	shalt  }

// kernel: kernel.45.cloned.1.call-start
scs
__scs_entry_jumppad:
0x0: {  	(pc) =	sbr.rel $0x88, $3  }
0x1: {  	(tag) =	ssettag $0x0;
	lr =	simm.s32 $0x1  }
0x2: {  	[smem:$0x3F61] =	sst lr;
	_ =	strace $0xD0000000  }
0x3: {  	_ = 	snop  }
0x4: {  	_ = 	snop  }
0x5: {  	_ = 	snop  }
0x6: {  	_ = 	snop  }
0x7: {  	_ = 	snop  }
__scs_overlays_trampoline_lowered:
0x8: {  	[smem:$0x3F70] =	sst s0  }
0x9: {  	[smem:$0x3F71] =	sst s1  }
0xa: {  	[smem:$0x3F72] =	sst s2  }
0xb: {  	[smem:$0x3F73] =	sst s3  }
0xc: {  	[smem:$0x3F74] =	sst s4  }
0xd: {  	[smem:$0x3F75] =	sst s5  }
0xe: {  	[smem:$0x3F76] =	sst s6  }
0xf: {  	[smem:$0x3F77] =	sst s7  }
0x10: {  	[smem:$0x3F78] =	sst s8  }
0x11: {  	[smem:$0x3F79] =	sst s9;
	s0 =	simm.s32 @!p0 $0x0  }
0x12: {  	s1 =	sld [smem:$0x3F5F];
	s0 =	simm.s32 @p0 $0x1  }
0x13: {  	[smem:$0x3F7A] =	sst s0;
	s0 =	simm.s32 @!p1 $0x0  }
0x14: {  	s2 =	sld [smem:$0x3F5E];
	s0 =	simm.s32 @p1 $0x1  }
0x15: {  	[smem:$0x3F7B] =	sst s0;
	s0 =	simm.s32 @!p2 $0x0  }
0x16: {  	s3 =	sld [smem:$0x3FDB];
	s0 =	simm.s32 @p2 $0x1  }
0x17: {  	s4 =	simm.s32 $0x1BF5;
	[smem:$0x3F7D] =	sst s0  }
0x18: {  	s0 =	sld [smem:$0x3F60];
	_ =	swait.ge [sflag:s4], $0x0  }
0x19: {  	s7 =	sld [smem:$0x3F61]  }
0x1a: {  	s8 =	sadd.s32 $0xFFFFE003, lr  }
0x1b: {  	s9 =	sadd.s32 $0xFFFFFEF7, lr;
	s5 =	simm.s32 $0xFFFFFFFF;
	p2 =	slt.u32 s8, $0xFFFFF086  }
0x1c: {  	p1 =	slt.u32 s9, $0xF7A;
	s5 =	simm.s32 @!p2 $0x0  }
0x1d: {  	s5 =	simm.s32 @p1 $0x1;
	p0 =	seq.s32 s7, s2  }
0x1e: {  	s7 =	smul.u32 @!p0 $0xF7A, s2;
	p2 =	seq.s32 @!p0 s5, $0x0  }
0x1f: {  	s9 =	smul.u32 $0xF7A, s1;
	s8 =	simm.s32 @!p0 $0x1BF5;
	p2 =	por !p2, p0  }
0x20: {  	[sflag:s8] =	ssyncset.s32 @!p0 $0xFFFFF086;
	s6 =	sadd.s32 @!p0 s3, s7;
	s7 =	simm.s32 @!p0 $0x108  }
0x21: {  	s3 =	sadd.s32 s3, s9;
	s6 =	sadd.s32 @!p0 $0x88, s6;
	s7 =	simm.s32 @p2 $0x1082  }
0x22: {  	[simem:s7], [sflag:s8] =	dma.local @!p0 [hbm:s6], $0xF7A  }
0x23: {  	s9 =	sor.u32 $0xD0000000, s2;
	s6 =	simm.s32 $0x108;
	_ =	swait.ge @!p0 [sflag:s8], $0x0  }
0x24: {  	s3 =	sadd.s32 $0x88, s3;
	s6 =	simm.s32 @!p1 $0x1082;
	[sflag:s4] =	ssyncset.s32 $0xFFFFF086  }
0x25: {  	[simem:s6], [sflag:s4] =	dma.local [hbm:s3], $0xF7A  }
0x26: {  	[smem:$0x3F61] =	sst s1;
	(tag) =	ssettag s2;
	_ =	strace s9  }
0x27: {  	s1 =	sld [smem:$0x3F71]  }
0x28: {  	s2 =	sld [smem:$0x3F72]  }
0x29: {  	s4 =	sld [smem:$0x3F74]  }
0x2a: {  	p0 =	seq.s32 s5, $0x0;
	s5 =	sld [smem:$0x3F75]  }
0x2b: {  	s6 =	sld [smem:$0x3F76]  }
0x2c: {  	s7 =	sld [smem:$0x3F77]  }
0x2d: {  	s3 =	simm.s32 $0x108;
	s8 =	sld [smem:$0x3F78]  }
0x2e: {  	s3 =	simm.s32 @!p0 $0x1082;
	s9 =	sld [smem:$0x3F79]  }
0x2f: {  	lr =	sadd.s32 s0, s3;
	s0 =	sld [smem:$0x3F70]  }
0x30: {  	s3 =	sld [smem:$0x3F73]  }
0x31: {  	[smem:$0x3F7C] =	sst s10  }
0x32: {  	s10 =	sld [smem:$0x3F7A];
	_ =	sdelay $0x3  }
0x33: {  	p0 =	seq.s32 s10, $0x1;
	s10 =	sld [smem:$0x3F7C];
	_ =	sdelay $0x3  }
0x34: {  	[smem:$0x3F7C] =	sst s10  }
0x35: {  	s10 =	sld [smem:$0x3F7B];
	_ =	sdelay $0x3  }
0x36: {  	p1 =	seq.s32 s10, $0x1;
	s10 =	sld [smem:$0x3F7C];
	_ =	sdelay $0x3  }
0x37: {  	[smem:$0x3F7C] =	sst s10  }
0x38: {  	s10 =	sld [smem:$0x3F7D]  }
0x39: {  	_ = 	snop;
	(pc) =	sbr.ind lr, $3  }
0x3a: {  	_ = 	snop  }
0x3b: {  	_ = 	snop  }
0x3c: {  	p2 =	seq.s32 s10, $0x1;
	s10 =	sld [smem:$0x3F7C]  }
0x3d: {  	_ =	shalt  }
0x3e: {  	_ =	shalt  }
0x3f: {  	_ =	shalt  }
0x40: {  	_ =	shalt  }
0x41: {  	_ =	shalt  }
0x42: {  	_ =	shalt  }
0x43: {  	_ =	shalt  }
0x44: {  	_ =	shalt  }
0x45: {  	_ =	shalt  }
0x46: {  	_ =	shalt  }
0x47: {  	_ =	shalt  }
0x48: {  	_ =	shalt  }
0x49: {  	_ =	shalt  }
0x4a: {  	_ =	shalt  }
0x4b: {  	_ =	shalt  }
0x4c: {  	_ =	shalt  }
0x4d: {  	_ =	shalt  }
0x4e: {  	_ =	shalt  }
0x4f: {  	_ =	shalt  }
0x50: {  	_ =	shalt  }
0x51: {  	_ =	shalt  }
0x52: {  	_ =	shalt  }
0x53: {  	_ =	shalt  }
0x54: {  	_ =	shalt  }
0x55: {  	_ =	shalt  }
0x56: {  	_ =	shalt  }
0x57: {  	_ =	shalt  }
0x58: {  	_ =	shalt  }
0x59: {  	_ =	shalt  }
0x5a: {  	_ =	shalt  }
0x5b: {  	_ =	shalt  }
0x5c: {  	_ =	shalt  }
0x5d: {  	_ =	shalt  }
0x5e: {  	_ =	shalt  }
0x5f: {  	_ =	shalt  }
0x60: {  	_ =	shalt  }
0x61: {  	_ =	shalt  }
0x62: {  	_ =	shalt  }
0x63: {  	_ =	shalt  }
0x64: {  	_ =	shalt  }
0x65: {  	_ =	shalt  }
0x66: {  	_ =	shalt  }
0x67: {  	_ =	shalt  }
0x68: {  	_ =	shalt  }
0x69: {  	_ =	shalt  }
0x6a: {  	_ =	shalt  }
0x6b: {  	_ =	shalt  }
0x6c: {  	_ =	shalt  }
0x6d: {  	_ =	shalt  }
0x6e: {  	_ =	shalt  }
0x6f: {  	_ =	shalt  }
0x70: {  	_ =	shalt  }
0x71: {  	_ =	shalt  }
0x72: {  	_ =	shalt  }
0x73: {  	_ =	shalt  }
0x74: {  	_ =	shalt  }
0x75: {  	_ =	shalt  }
0x76: {  	_ =	shalt  }
0x77: {  	_ =	shalt  }
0x78: {  	_ =	shalt  }
0x79: {  	_ =	shalt  }
0x7a: {  	_ =	shalt  }
0x7b: {  	_ =	shalt  }
0x7c: {  	_ =	shalt  }
0x7d: {  	_ =	shalt  }
0x7e: {  	_ =	shalt  }
0x7f: {  	_ =	shalt  }
0x80: {  	_ =	shalt  }
0x81: {  	_ =	shalt  }
0x82: {  	_ =	shalt  }
0x83: {  	_ =	shalt  }
0x84: {  	_ =	shalt  }
0x85: {  	_ =	shalt  }
0x86: {  	_ =	shalt  }
0x87: {  	_ =	shalt  }
.Lfunc_end0:
.L_simem_size_0:
called_computation.6_lowered:
.L_overlay_start_0:
0x88: {  	s2 =	sld [smem:$0x3FD9]  }
0x89: {  	s3 =	sld [smem:$0x3FFE];
	_ =	sdelay $0x1  }
0x8a: {  	s1 =	srdreg.scid  }
0x8b: {  	s0 =	sand.u32 $0x1, s1  }
0x8c: {  	s17 =	sshll.u32 s0, $0xA;
	s2 =	sadd.s32 s3, s2  }
0x8d: {  	s2 =	sadd.s32 s2, s17  }
0x8e: {  	[smem:$0x3F88] =	sst s2  }
0x8f: {  	_ = 	snop  }
0x90: {  	(tm) =	ssettm $0x1  }
0x91: {  	s18 =	sld [smem:$0x3FFB];
	_ =	sdelay $0x3  }
0x92: {  	_ =	strace s18  }
0x93: {  	s2 =	sld [smem:$0x3FFC];
	_ =	sdelay $0x3  }
0x94: {  	_ =	strace s2  }
0x95: {  	s2 =	sld [smem:$0x3FFD];
	_ =	sdelay $0x3  }
0x96: {  	_ =	strace s2  }
0x97: {  	_ =	strace $0x8FFFFFFF  }
0x98: {  	s19 =	sld [smem:$0x3FDB];
	_ =	sdelay $0x1  }
0x99: {  	s20 =	simm.s32 $_scs_section_size  }
0x9a: {  	s4 =	simm.s32 $_size__tile_overlayer_lowered;
	s5 =	simm.s32 $_tile_overlayer_lowered  }
0x9b: {  	s6 =	simm.s32 $0x1BFF;
	s21 =	sshll.u32 s5, $0x1;
	s3 =	sadd.s32 s20, s19  }
0x9c: {  	s22 =	simm.s32 $0x0;
	s4 =	sshll.u32 s4, $0x1;
	s5 =	sadd.s32 s21, s3  }
0x9d: {  	[timem:s22], [sflag:s6] =	dma.local [hbm:s5], s4  }
0x9e: {  	_ =	swait.ge [sflag:s6], s4  }
0x9f: {  	s4 =	ssub.s32 $0x0, s4;
	[sflag:s6] =	ssyncset.done $0x0  }
0xa0: {  	[sflag:s6] =	ssyncadd.s32 s4;
	_ =	sdelay $0x1  }
0xa1: {  	s23 =	simm.s32 $0x1B8B  }
0xa2: {  	_ =	swait.ge [sflag:s23], $0x1  }
0xa3: {  	[sflag:s23] =	ssyncset.done $0x0  }
0xa4: {  	[sflag:s23] =	ssyncadd.s32 $0xFFFFFFFF  }
0xa5: {  	s4 =	sld [smem:$0x0]  }
0xa6: {  	s5 =	sand.u32 $0xFFFFFFFE, s1  }
0xa7: {  	p0 =	sne.s32 s1, s5  }
0xa8: {  	s5 =	sshll.u32 @p0 s5, $0xE  }
0xa9: {  	s5 =	sadd.s32 @p0 $0x11B8D, s5;
	s6 =	sshll.u32 @p0 s4, $0x11  }
0xaa: {  	s5 =	sor.u32 @p0 s6, s5  }
0xab: {  	[sflag:s5] =	ssyncadd.remote.s32 @p0 $0x1;
	_ =	sdelay $0x1  }
0xac: {  	s5 =	simm.s32 @p0 $0x1B8D  }
0xad: {  	_ =	swait.eq @p0 [sflag:s5], $0x1  }
0xae: {  	[sflag:s5] =	ssyncadd.s32 @p0 $0xFFFFFFFF  }
0xaf: {  	s6 =	sshll.u32 @!p0 s1, $0xE  }
0xb0: {  	s6 =	sor.u32 @!p0 $0x4000, s6;
	s5 =	simm.s32 @!p0 $0x1B8D  }
0xb1: {  	s4 =	sshll.u32 @!p0 s4, $0x11;
	s6 =	sadd.s32 @!p0 $0x11B8D, s6;
	_ =	swait.eq @!p0 [sflag:s5], $0x1  }
0xb2: {  	s4 =	sor.u32 @!p0 s4, s6;
	[sflag:s5] =	ssyncadd.s32 @!p0 $0xFFFFFFFF  }
0xb3: {  	s25 =	simm.s32 $0x1B8E;
	s24 =	sld [smem:$0x3FFE];
	[sflag:s4] =	ssyncadd.remote.s32 @!p0 $0x1  }
0xb4: {  	s26 =	simm.s32 $execute0_lowered;
	[smem:$0x3FD2] =	sst s25  }
0xb5: {  	s5 =	sshll.u32 s26, $0x1;
	_ =	strace $0x80000049;
	[dreg:$0x1] =	wrdreg $0xFFFFFFFF  }
0xb6: {  	s28 =	simm.s32 $_size_execute0_lowered;
	s3 =	sadd.s32 s3, s5;
	[dreg:$0x0] =	wrdreg $0x0  }
0xb7: {  	s5 =	sshll.u32 s28, $0x1;
	[dreg:$0x2] =	wrdreg s3  }
0xb8: {  	[dreg:$0x3] =	wrdreg s5  }
0xb9: {  	[dreg:$0x4] =	wrdreg $0xC0  }
0xba: {  	_ =	task [dreg:s22], $0x5FFFF  }
0xbb: {  	[dreg:$0x1] =	wrdreg $0xFFFFFFFF  }
0xbc: {  	[dreg:$0x0] =	wrdreg $0x60  }
0xbd: {  	[dreg:$0x2] =	wrdreg s24  }
0xbe: {  	[dreg:$0x3] =	wrdreg $0xB  }
0xbf: {  	_ =	task.clear_ibuf [dreg:s22], $0x4FFFF;
	_ =	strace $0x90000049  }
0xc0: {  	s29 =	simm.s32 $0xB;
	_ =	strace $0x8000004B  }
0xc1: {  	_ =	swait.ge [sflag:s29], $0x1  }
0xc2: {  	[sflag:s29] =	ssyncadd.s32 $0xFFFFFFFF  }
0xc3: {  	_ =	strace $0x9000004B  }
0xc4: {  	_ =	sfence  }
0xc5: {  	s30 =	sld [smem:$0x0];
	_ =	sdelay $0x2  }
0xc6: {  	s31 =	sshll.u32 s1, $0xD;
	s1 =	sshrl.u32 s1, $0x2  }
0xc7: {  	s4 =	sand.u32 $0x4000, s31;
	s1 =	sadd.s32 s1, s30  }
0xc8: {  	s0 =	sor.u32 s4, s0;
	s1 =	sshll.u32 s1, $0x11  }
0xc9: {  	s0 =	sor.u32 s1, s0  }
0xca: {  	s0 =	sadd.s32 $0x8F2B, s0  }
0xcb: {  	[sflag:s0] =	ssyncadd.remote.s32 $0x1  }
0xcc: {  	_ =	sfence.sel $0xFFFF  }
0xcd: {  	[dreg:$0x0] =	wrdreg $0xFFFFFFFF;
	(pc) =	sbr.abs _section_cstart, $3  }
0xce: {  	[dreg:$0x1] =	wrdreg $0xFFFFFFFF  }
0xcf: {  	_ =	task.clear_ibuf [dreg:s22], $0x2FFFF;
	_ =	strace $0x9FFFFFFF  }
0xd0: {  	(tm) =	ssettm $0x7FFFFFFF  }
0xd1: {  	_ =	shalt  }
tec
execute0_lowered:
.L_overlay_start_1:
0x0: {  	(tag) =	ssettag $0x1  }
0x1: {  	s4 =	rddreg [dreg:$0x0]  }
0x2: {  	s0 =	rddreg [dreg:$0x1];
	s1 =	simm.s32 $0x0  }
0x3: {  	s5 =	srdreg.scid;
	s2 =	stileid.u32;
	s9 =	simm.s32 $0x4800  }
0x4: {  	s10 =	simm.s32 $0x5000;
	s11 =	simm.s32 $0x5800;
	s12 =	simm.s32 $0x6000  }
0x5: {  	s13 =	simm.s32 $0x6800;
	s14 =	simm.s32 $0x7000;
	s15 =	simm.s32 $0x7800  }
0x6: {  	s16 =	simm.s32 $0x8000;
	s17 =	simm.s32 $0x8800;
	s18 =	simm.s32 $0x1  }
0x7: {  	s19 =	simm.s32 $0x0;
	[smem:$0x7FF] =	sst s1;
	s3 =	sadd.s32 $0x2FA00, s4  }
0x8: {  	s5 =	sand.u32 $0x1, s5;
	s6 =	sshll.u32 s2, $0xC;
	s8 =	smul.u32 $0x9C400, s2  }
0x9: {  	_ =	strace $0x8000004A;
	s7 =	sshll.u32 s5, $0xB;
	s29 =	ssub.s32 $0x2, s5  }
0xa: {  	s5 =	smul.u32 $0x4E200, s5;
	s6 =	sor.u32 s7, s6;
	s30 =	sshrl.u32 s29, $0x1  }
0xb: {  	v2 =	vlaneseq.u32;
	s8 =	sadd.s32 s8, s4;
	s6 =	sadd.s32 s6, s4;
	s7 =	ssub.s32 s29, s30  }
0xc: {  	vm0 =	vmmov $0xffff;
	v1 =	vshrl.u32 v2, $0x3;
	s31 =	sadd.s32 s5, s8;
	s8 =	simm.s32 $0x4000;
	s4 =	sadd.s32 $0x5D5000, s6  }
0xd: {  	v0 =	vand.u32 $0x7, v2;
	v2 =	vor.u32 $0x8, v2;
	v1 =	vmul.u32 $0x8, v1;
	s5 =	smax.u32 s7, $0x1;
	s6 =	sadd.s32 $0x5E5000, s31;
	s7 =	simm.s32 $0x2  }
.LBB2_1:
0xe: {  	[tilespmem:s1], [sflag:$0x2] =	stream.linear.gather [hbm4b:s4+s1], $0x3E80, $0x38;
	[tilespmem:$0x9000] =	vst v63  }
0xf: {  	_ =	swait.ge [sflag:s7], $0x3E80  }
0x10: {  	[sflag:s7] =	ssyncset.done $0x0  }
0x11: {  	s20 =	simm.s32 $0x20;
	s21 =	simm.s32 $0x0;
	[sflag:s7] =	ssyncadd.s32 $0xFFFFC180  }
.LBB2_2:
0x12: {  	v3 =	vld [tilespmem:s20+$0xFFFFFFE0];
	_ =	sdelay $0x4  }
0x13: {  	v4 =	vshll.u32 v3, $0x1  }
0x14: {  	v3 =	vand.u32 $0x7, v3;
	v4 =	vand.u32 $0xFFFFFFF0, v4  }
0x15: {  	v3 =	vor.u32 v3, v4  }
0x16: {  	v4 =	vperm.xlane v3, v0;
	_ =	sdelay $0x1  }
0x17: {  	v3 =	vperm.xlane v3, v2;
	v4 =	vadd.s32 v1, v4;
	_ =	sdelay $0x1  }
0x18: {  	v3 =	vadd.s32 v1, v3;
	_ =	sdelay $0x2  }
0x19: {  	[tilespmem:s8], [sflag:$0x1] =	stream.indirect_vreg.gather [hbm4b:s3+s1], $0x80, v4, vm0, $0xb8;
	[tilespmem:$0x9000] =	vst v63  }
0x1a: {  	_ = 	snop  }
0x1b: {  	[tilespmem:s9], [sflag:$0x1] =	stream.indirect_vreg.gather [hbm4b:s3+s1], $0x80, v3, vm0, $0xb8;
	[tilespmem:$0x9000] =	vst v63  }
0x1c: {  	v3 =	vld [tilespmem:s20+$0xFFFFFFF0];
	_ =	sdelay $0x4  }
0x1d: {  	v60 =	vshll.u32 v3, $0x1  }
0x1e: {  	v3 =	vand.u32 $0x7, v3;
	v4 =	vand.u32 $0xFFFFFFF0, v60  }
0x1f: {  	v3 =	vor.u32 v3, v4  }
0x20: {  	v4 =	vperm.xlane v3, v0;
	_ =	sdelay $0x1  }
0x21: {  	v3 =	vperm.xlane v3, v2;
	v4 =	vadd.s32 v1, v4;
	_ =	sdelay $0x1  }
0x22: {  	v3 =	vadd.s32 v1, v3;
	_ =	sdelay $0x2  }
0x23: {  	[tilespmem:s10], [sflag:$0x1] =	stream.indirect_vreg.gather [hbm4b:s3+s1], $0x80, v4, vm0, $0xb8;
	[tilespmem:$0x9000] =	vst v63  }
0x24: {  	_ = 	snop  }
0x25: {  	[tilespmem:s11], [sflag:$0x1] =	stream.indirect_vreg.gather [hbm4b:s3+s1], $0x80, v3, vm0, $0xb8;
	[tilespmem:$0x9000] =	vst v63  }
0x26: {  	v3 =	vld [tilespmem:s20+$0x0];
	_ =	sdelay $0x4  }
0x27: {  	v61 =	vshll.u32 v3, $0x1  }
0x28: {  	v3 =	vand.u32 $0x7, v3;
	v4 =	vand.u32 $0xFFFFFFF0, v61  }
0x29: {  	v3 =	vor.u32 v3, v4  }
0x2a: {  	v4 =	vperm.xlane v3, v0;
	_ =	sdelay $0x1  }
0x2b: {  	v3 =	vperm.xlane v3, v2;
	v4 =	vadd.s32 v1, v4;
	_ =	sdelay $0x1  }
0x2c: {  	v3 =	vadd.s32 v1, v3;
	_ =	sdelay $0x2  }
0x2d: {  	[tilespmem:s12], [sflag:$0x1] =	stream.indirect_vreg.gather [hbm4b:s3+s1], $0x80, v4, vm0, $0xb8;
	[tilespmem:$0x9000] =	vst v63  }
0x2e: {  	_ = 	snop  }
0x2f: {  	[tilespmem:s13], [sflag:$0x1] =	stream.indirect_vreg.gather [hbm4b:s3+s1], $0x80, v3, vm0, $0xb8;
	[tilespmem:$0x9000] =	vst v63  }
0x30: {  	v3 =	vld [tilespmem:s20+$0x10];
	_ =	sdelay $0x4  }
0x31: {  	v62 =	vshll.u32 v3, $0x1  }
0x32: {  	v3 =	vand.u32 $0x7, v3;
	v4 =	vand.u32 $0xFFFFFFF0, v62  }
0x33: {  	v3 =	vor.u32 v3, v4  }
0x34: {  	v4 =	vperm.xlane v3, v0;
	_ =	sdelay $0x1  }
0x35: {  	v3 =	vperm.xlane v3, v2;
	v4 =	vadd.s32 v1, v4;
	_ =	sdelay $0x1  }
0x36: {  	v3 =	vadd.s32 v1, v3;
	_ =	sdelay $0x2  }
0x37: {  	[tilespmem:s14], [sflag:$0x1] =	stream.indirect_vreg.gather [hbm4b:s3+s1], $0x80, v4, vm0, $0xb8;
	[tilespmem:$0x9000] =	vst v63  }
0x38: {  	_ = 	snop  }
0x39: {  	[tilespmem:s15], [sflag:$0x1] =	stream.indirect_vreg.gather [hbm4b:s3+s1], $0x80, v3, vm0, $0xb8;
	[tilespmem:$0x9000] =	vst v63  }
0x3a: {  	v3 =	vld [tilespmem:s20+$0x20];
	_ =	sdelay $0x4  }
0x3b: {  	v63 =	vshll.u32 v3, $0x1  }
0x3c: {  	v3 =	vand.u32 $0x7, v3;
	v4 =	vand.u32 $0xFFFFFFF0, v63  }
0x3d: {  	v3 =	vor.u32 v3, v4  }
0x3e: {  	v4 =	vperm.xlane v3, v0;
	_ =	sdelay $0x1  }
0x3f: {  	v3 =	vperm.xlane v3, v2;
	v4 =	vadd.s32 v1, v4;
	_ =	sdelay $0x1  }
0x40: {  	v3 =	vadd.s32 v1, v3;
	_ =	sdelay $0x2  }
0x41: {  	[tilespmem:s16], [sflag:$0x1] =	stream.indirect_vreg.gather [hbm4b:s3+s1], $0x80, v4, vm0, $0xb8;
	[tilespmem:$0x9000] =	vst v63  }
0x42: {  	_ = 	snop  }
0x43: {  	[tilespmem:s17], [sflag:$0x1] =	stream.indirect_vreg.gather [hbm4b:s3+s1], $0x80, v3, vm0, $0xb8;
	[tilespmem:$0x9000] =	vst v63  }
0x44: {  	_ =	swait.ge [sflag:s18], $0x5000  }
0x45: {  	p0 =	sne.s32 s21, $0x4D800;
	[sflag:s18] =	ssyncset.done $0x0  }
.Ltmp0:
0x46: {  	s22 =	sadd.s32 s21, s6;
	[sflag:s18] =	ssyncadd.s32 $0xFFFFB000;
	(pc) =	sbr.rel @p0 .LBB2_2-.Ltmp0, $4  }
0x47: {  	[hbm4b:s22+s1] =	stream.linear.scatter [tilespmem:s8], [sflag:$0x2], $0x5000, $0x38;
	[tilespmem:$0x9000] =	vst v63  }
0x48: {  	_ =	swait.ge [sflag:s7], $0x5000  }
0x49: {  	[sflag:s7] =	ssyncset.done $0x0  }
0x4a: {  	s21 =	sadd.s32 $0xA00, s21;
	s20 =	sadd.s32 $0x80, s20;
	[sflag:s7] =	ssyncadd.s32 $0xFFFFB000  }
0x4b: {  	s19 =	sadd.s32 $0x1, s19  }
0x4c: {  	p0 =	sne.s32 s19, s5  }
.Ltmp1:
0x4d: {  	_ = 	snop;
	(pc) =	sbr.rel @p0 .LBB2_1-.Ltmp1, $1  }
0x4e: {  	_ =	sdelay $0x3  }
0x4f: {  	_ =	sfence.sel $0x180000  }
0x50: {  	[bflag:$0x0] =	sbarrier.arrive $0xFFFF  }
0x51: {  	p0 =	sne.s32 s2, $0x0;
	_ =	strace $0x9000004A  }
0x52: {  	s0 =	sadd.s32 @!p0 $0x100000, s0;
	[bflag:$0x2] =	sbarrier.arrive $0xFFFF  }
0x53: {  	[sflag:s0] =	ssyncadd.tile.s32 @!p0 $0x1;
	_ =	shalt  }
.Lfunc_end2:
_tile_overlayer_lowered:
.L_overlay_start_2:
0x54: {  	(tag) =	ssettag $0x2  }
0x55: {  	s0 =	rddreg [dreg:$0x0];
	s2 =	stileid.u32  }
0x56: {  	s1 =	rddreg [dreg:$0x1];
	p0 =	sne.s32 s2, $0x0  }
0x57: {  	s3 =	rddreg [dreg:$0x2];
	[bflag:$0x3] =	sbarrier.arrive $0xFFFF;
	s2 =	simm.s32 @!p0 $0x1C02  }
0x58: {  	[timem:s3], [sflag:s2] =	dma.local @!p0 [hbm:s0], s1  }
0x59: {  	s0 =	simm.s32 @!p0 $0x2  }
0x5a: {  	_ =	swait.ge @!p0 [sflag:s0], s1  }
0x5b: {  	s1 =	ssub.s32 @!p0 $0x0, s1;
	[sflag:s0] =	ssyncset.done @!p0 $0x0  }
0x5c: {  	[sflag:s0] =	ssyncadd.s32 @!p0 s1  }
0x5d: {  	[bflag:$0x3] =	sbarrier.arrive $0xFFFF  }
0x5e: {  	_ =	shalt  }

// kernel: kernel.48.cloned.1.call-start
scs
__scs_entry_jumppad:
0x0: {  	(pc) =	sbr.rel $0x88, $3  }
0x1: {  	(tag) =	ssettag $0x0;
	lr =	simm.s32 $0x1  }
0x2: {  	[smem:$0x3F61] =	sst lr;
	_ =	strace $0xD0000000  }
0x3: {  	_ = 	snop  }
0x4: {  	_ = 	snop  }
0x5: {  	_ = 	snop  }
0x6: {  	_ = 	snop  }
0x7: {  	_ = 	snop  }
__scs_overlays_trampoline_lowered:
0x8: {  	[smem:$0x3F70] =	sst s0  }
0x9: {  	[smem:$0x3F71] =	sst s1  }
0xa: {  	[smem:$0x3F72] =	sst s2  }
0xb: {  	[smem:$0x3F73] =	sst s3  }
0xc: {  	[smem:$0x3F74] =	sst s4  }
0xd: {  	[smem:$0x3F75] =	sst s5  }
0xe: {  	[smem:$0x3F76] =	sst s6  }
0xf: {  	[smem:$0x3F77] =	sst s7  }
0x10: {  	[smem:$0x3F78] =	sst s8  }
0x11: {  	[smem:$0x3F79] =	sst s9;
	s0 =	simm.s32 @!p0 $0x0  }
0x12: {  	s1 =	sld [smem:$0x3F5F];
	s0 =	simm.s32 @p0 $0x1  }
0x13: {  	[smem:$0x3F7A] =	sst s0;
	s0 =	simm.s32 @!p1 $0x0  }
0x14: {  	s2 =	sld [smem:$0x3F5E];
	s0 =	simm.s32 @p1 $0x1  }
0x15: {  	[smem:$0x3F7B] =	sst s0;
	s0 =	simm.s32 @!p2 $0x0  }
0x16: {  	s3 =	sld [smem:$0x3FDB];
	s0 =	simm.s32 @p2 $0x1  }
0x17: {  	s4 =	simm.s32 $0x1BF5;
	[smem:$0x3F7D] =	sst s0  }
0x18: {  	s0 =	sld [smem:$0x3F60];
	_ =	swait.ge [sflag:s4], $0x0  }
0x19: {  	s7 =	sld [smem:$0x3F61]  }
0x1a: {  	s8 =	sadd.s32 $0xFFFFE003, lr  }
0x1b: {  	s9 =	sadd.s32 $0xFFFFFEF7, lr;
	s5 =	simm.s32 $0xFFFFFFFF;
	p2 =	slt.u32 s8, $0xFFFFF086  }
0x1c: {  	p1 =	slt.u32 s9, $0xF7A;
	s5 =	simm.s32 @!p2 $0x0  }
0x1d: {  	s5 =	simm.s32 @p1 $0x1;
	p0 =	seq.s32 s7, s2  }
0x1e: {  	s7 =	smul.u32 @!p0 $0xF7A, s2;
	p2 =	seq.s32 @!p0 s5, $0x0  }
0x1f: {  	s9 =	smul.u32 $0xF7A, s1;
	s8 =	simm.s32 @!p0 $0x1BF5;
	p2 =	por !p2, p0  }
0x20: {  	[sflag:s8] =	ssyncset.s32 @!p0 $0xFFFFF086;
	s6 =	sadd.s32 @!p0 s3, s7;
	s7 =	simm.s32 @!p0 $0x108  }
0x21: {  	s3 =	sadd.s32 s3, s9;
	s6 =	sadd.s32 @!p0 $0x88, s6;
	s7 =	simm.s32 @p2 $0x1082  }
0x22: {  	[simem:s7], [sflag:s8] =	dma.local @!p0 [hbm:s6], $0xF7A  }
0x23: {  	s9 =	sor.u32 $0xD0000000, s2;
	s6 =	simm.s32 $0x108;
	_ =	swait.ge @!p0 [sflag:s8], $0x0  }
0x24: {  	s3 =	sadd.s32 $0x88, s3;
	s6 =	simm.s32 @!p1 $0x1082;
	[sflag:s4] =	ssyncset.s32 $0xFFFFF086  }
0x25: {  	[simem:s6], [sflag:s4] =	dma.local [hbm:s3], $0xF7A  }
0x26: {  	[smem:$0x3F61] =	sst s1;
	(tag) =	ssettag s2;
	_ =	strace s9  }
0x27: {  	s1 =	sld [smem:$0x3F71]  }
0x28: {  	s2 =	sld [smem:$0x3F72]  }
0x29: {  	s4 =	sld [smem:$0x3F74]  }
0x2a: {  	p0 =	seq.s32 s5, $0x0;
	s5 =	sld [smem:$0x3F75]  }
0x2b: {  	s6 =	sld [smem:$0x3F76]  }
0x2c: {  	s7 =	sld [smem:$0x3F77]  }
0x2d: {  	s3 =	simm.s32 $0x108;
	s8 =	sld [smem:$0x3F78]  }
0x2e: {  	s3 =	simm.s32 @!p0 $0x1082;
	s9 =	sld [smem:$0x3F79]  }
0x2f: {  	lr =	sadd.s32 s0, s3;
	s0 =	sld [smem:$0x3F70]  }
0x30: {  	s3 =	sld [smem:$0x3F73]  }
0x31: {  	[smem:$0x3F7C] =	sst s10  }
0x32: {  	s10 =	sld [smem:$0x3F7A];
	_ =	sdelay $0x3  }
0x33: {  	p0 =	seq.s32 s10, $0x1;
	s10 =	sld [smem:$0x3F7C];
	_ =	sdelay $0x3  }
0x34: {  	[smem:$0x3F7C] =	sst s10  }
0x35: {  	s10 =	sld [smem:$0x3F7B];
	_ =	sdelay $0x3  }
0x36: {  	p1 =	seq.s32 s10, $0x1;
	s10 =	sld [smem:$0x3F7C];
	_ =	sdelay $0x3  }
0x37: {  	[smem:$0x3F7C] =	sst s10  }
0x38: {  	s10 =	sld [smem:$0x3F7D]  }
0x39: {  	_ = 	snop;
	(pc) =	sbr.ind lr, $3  }
0x3a: {  	_ = 	snop  }
0x3b: {  	_ = 	snop  }
0x3c: {  	p2 =	seq.s32 s10, $0x1;
	s10 =	sld [smem:$0x3F7C]  }
0x3d: {  	_ =	shalt  }
0x3e: {  	_ =	shalt  }
0x3f: {  	_ =	shalt  }
0x40: {  	_ =	shalt  }
0x41: {  	_ =	shalt  }
0x42: {  	_ =	shalt  }
0x43: {  	_ =	shalt  }
0x44: {  	_ =	shalt  }
0x45: {  	_ =	shalt  }
0x46: {  	_ =	shalt  }
0x47: {  	_ =	shalt  }
0x48: {  	_ =	shalt  }
0x49: {  	_ =	shalt  }
0x4a: {  	_ =	shalt  }
0x4b: {  	_ =	shalt  }
0x4c: {  	_ =	shalt  }
0x4d: {  	_ =	shalt  }
0x4e: {  	_ =	shalt  }
0x4f: {  	_ =	shalt  }
0x50: {  	_ =	shalt  }
0x51: {  	_ =	shalt  }
0x52: {  	_ =	shalt  }
0x53: {  	_ =	shalt  }
0x54: {  	_ =	shalt  }
0x55: {  	_ =	shalt  }
0x56: {  	_ =	shalt  }
0x57: {  	_ =	shalt  }
0x58: {  	_ =	shalt  }
0x59: {  	_ =	shalt  }
0x5a: {  	_ =	shalt  }
0x5b: {  	_ =	shalt  }
0x5c: {  	_ =	shalt  }
0x5d: {  	_ =	shalt  }
0x5e: {  	_ =	shalt  }
0x5f: {  	_ =	shalt  }
0x60: {  	_ =	shalt  }
0x61: {  	_ =	shalt  }
0x62: {  	_ =	shalt  }
0x63: {  	_ =	shalt  }
0x64: {  	_ =	shalt  }
0x65: {  	_ =	shalt  }
0x66: {  	_ =	shalt  }
0x67: {  	_ =	shalt  }
0x68: {  	_ =	shalt  }
0x69: {  	_ =	shalt  }
0x6a: {  	_ =	shalt  }
0x6b: {  	_ =	shalt  }
0x6c: {  	_ =	shalt  }
0x6d: {  	_ =	shalt  }
0x6e: {  	_ =	shalt  }
0x6f: {  	_ =	shalt  }
0x70: {  	_ =	shalt  }
0x71: {  	_ =	shalt  }
0x72: {  	_ =	shalt  }
0x73: {  	_ =	shalt  }
0x74: {  	_ =	shalt  }
0x75: {  	_ =	shalt  }
0x76: {  	_ =	shalt  }
0x77: {  	_ =	shalt  }
0x78: {  	_ =	shalt  }
0x79: {  	_ =	shalt  }
0x7a: {  	_ =	shalt  }
0x7b: {  	_ =	shalt  }
0x7c: {  	_ =	shalt  }
0x7d: {  	_ =	shalt  }
0x7e: {  	_ =	shalt  }
0x7f: {  	_ =	shalt  }
0x80: {  	_ =	shalt  }
0x81: {  	_ =	shalt  }
0x82: {  	_ =	shalt  }
0x83: {  	_ =	shalt  }
0x84: {  	_ =	shalt  }
0x85: {  	_ =	shalt  }
0x86: {  	_ =	shalt  }
0x87: {  	_ =	shalt  }
.Lfunc_end0:
.L_simem_size_0:
called_computation.7_lowered:
.L_overlay_start_0:
0x88: {  	s2 =	sld [smem:$0x3FD9]  }
0x89: {  	s3 =	sld [smem:$0x3FFE];
	_ =	sdelay $0x1  }
0x8a: {  	s1 =	srdreg.scid  }
0x8b: {  	s0 =	sand.u32 $0x1, s1  }
0x8c: {  	s16 =	sshll.u32 s0, $0xA;
	s2 =	sadd.s32 s3, s2  }
0x8d: {  	s2 =	sadd.s32 s2, s16  }
0x8e: {  	[smem:$0x3F88] =	sst s2  }
0x8f: {  	_ = 	snop  }
0x90: {  	(tm) =	ssettm $0x1  }
0x91: {  	s17 =	sld [smem:$0x3FFB];
	_ =	sdelay $0x3  }
0x92: {  	_ =	strace s17  }
0x93: {  	s2 =	sld [smem:$0x3FFC];
	_ =	sdelay $0x3  }
0x94: {  	_ =	strace s2  }
0x95: {  	s2 =	sld [smem:$0x3FFD];
	_ =	sdelay $0x3  }
0x96: {  	_ =	strace s2  }
0x97: {  	_ =	strace $0x8FFFFFFF  }
0x98: {  	s18 =	sld [smem:$0x3FDB];
	_ =	sdelay $0x1  }
0x99: {  	s19 =	simm.s32 $_scs_section_size  }
0x9a: {  	s4 =	simm.s32 $_size__tile_overlayer_lowered;
	s5 =	simm.s32 $_tile_overlayer_lowered  }
0x9b: {  	s22 =	simm.s32 $0x1BFF;
	s21 =	sshll.u32 s5, $0x1;
	s2 =	sadd.s32 s19, s18  }
0x9c: {  	s6 =	simm.s32 $0x0;
	s20 =	sshll.u32 s4, $0x1;
	s4 =	sadd.s32 s21, s2  }
0x9d: {  	[timem:s6], [sflag:s22] =	dma.local [hbm:s4], s20  }
0x9e: {  	_ =	swait.ge [sflag:s22], s20  }
0x9f: {  	s3 =	ssub.s32 $0x0, s20;
	[sflag:s22] =	ssyncset.done $0x0  }
0xa0: {  	[sflag:s22] =	ssyncadd.s32 s3;
	_ =	sdelay $0x1  }
0xa1: {  	s23 =	simm.s32 $0x1B8B  }
0xa2: {  	_ =	swait.ge [sflag:s23], $0x1  }
0xa3: {  	[sflag:s23] =	ssyncset.done $0x0  }
0xa4: {  	s25 =	simm.s32 $0x1B8E;
	s24 =	sld [smem:$0x3FFE];
	[sflag:s23] =	ssyncadd.s32 $0xFFFFFFFF  }
0xa5: {  	s26 =	simm.s32 $execute0_lowered;
	[smem:$0x3FD2] =	sst s25  }
0xa6: {  	s4 =	sshll.u32 s26, $0x1;
	_ =	strace $0x80000046;
	[dreg:$0x1] =	wrdreg $0xFFFFFFFF  }
0xa7: {  	s28 =	simm.s32 $_size_execute0_lowered;
	s2 =	sadd.s32 s2, s4;
	[dreg:$0x0] =	wrdreg $0x0  }
0xa8: {  	s4 =	sshll.u32 s28, $0x1;
	[dreg:$0x2] =	wrdreg s2  }
0xa9: {  	[dreg:$0x3] =	wrdreg s4  }
0xaa: {  	[dreg:$0x4] =	wrdreg $0xC0  }
0xab: {  	_ =	task [dreg:s6], $0x5FFFF  }
0xac: {  	[dreg:$0x1] =	wrdreg $0xFFFFFFFF  }
0xad: {  	[dreg:$0x0] =	wrdreg $0x60  }
0xae: {  	[dreg:$0x2] =	wrdreg s24  }
0xaf: {  	[dreg:$0x3] =	wrdreg $0xC  }
0xb0: {  	_ =	task.clear_ibuf [dreg:s6], $0x4FFFF;
	_ =	strace $0x90000046  }
0xb1: {  	s29 =	simm.s32 $0xC;
	_ =	strace $0x80000048  }
0xb2: {  	_ =	swait.ge [sflag:s29], $0x1  }
0xb3: {  	[sflag:s29] =	ssyncadd.s32 $0xFFFFFFFF  }
0xb4: {  	_ =	strace $0x90000048  }
0xb5: {  	_ =	sfence  }
0xb6: {  	s30 =	sld [smem:$0x0];
	_ =	sdelay $0x2  }
0xb7: {  	s31 =	sshll.u32 s1, $0xD;
	s1 =	sshrl.u32 s1, $0x2  }
0xb8: {  	s3 =	sand.u32 $0x4000, s31;
	s1 =	sadd.s32 s1, s30  }
0xb9: {  	s0 =	sor.u32 s3, s0;
	s1 =	sshll.u32 s1, $0x11  }
0xba: {  	s0 =	sor.u32 s1, s0  }
0xbb: {  	s0 =	sadd.s32 $0x8F2B, s0  }
0xbc: {  	[sflag:s0] =	ssyncadd.remote.s32 $0x1  }
0xbd: {  	_ =	sfence.sel $0xFFFF  }
0xbe: {  	[dreg:$0x0] =	wrdreg $0xFFFFFFFF;
	(pc) =	sbr.abs _section_cstart, $3  }
0xbf: {  	[dreg:$0x1] =	wrdreg $0xFFFFFFFF  }
0xc0: {  	_ =	task.clear_ibuf [dreg:s6], $0x2FFFF;
	_ =	strace $0x9FFFFFFF  }
0xc1: {  	(tm) =	ssettm $0x7FFFFFFF  }
tec
execute0_lowered:
.L_overlay_start_1:
0x0: {  	(tag) =	ssettag $0x1  }
0x1: {  	s4 =	rddreg [dreg:$0x0]  }
0x2: {  	s0 =	rddreg [dreg:$0x1];
	s2 =	simm.s32 $0x0;
	s5 =	srdreg.scid  }
0x3: {  	s1 =	stileid.u32;
	s11 =	simm.s32 $0x0;
	[smem:$0x7FF] =	sst s2  }
0x4: {  	s3 =	sadd.s32 $0x7DC00, s4;
	s5 =	sand.u32 $0x1, s5;
	s6 =	sshll.u32 s1, $0xC  }
0x5: {  	s8 =	smul.u32 $0x4E200, s1;
	_ =	strace $0x80000047;
	s7 =	sshll.u32 s5, $0xB  }
0x6: {  	s9 =	ssub.s32 $0x2, s5;
	s10 =	smul.u32 $0x27100, s5;
	s6 =	sor.u32 s7, s6  }
0x7: {  	s29 =	sshrl.u32 s9, $0x1;
	s31 =	sadd.s32 s8, s4;
	s8 =	simm.s32 $0x50  }
0x8: {  	s30 =	sadd.s32 s6, s4;
	s7 =	ssub.s32 s9, s29;
	s6 =	sadd.s32 s10, s31  }
0x9: {  	s9 =	simm.s32 $0x4000;
	s10 =	simm.s32 $0x1;
	s4 =	sadd.s32 $0x1FA00, s30  }
0xa: {  	s5 =	smax.u32 s7, $0x1;
	s6 =	sadd.s32 $0xF3000, s6;
	s7 =	simm.s32 $0x2  }
.LBB2_1:
0xb: {  	[tilespmem:s2], [sflag:$0x2] =	stream.linear.gather [hbm4b:s4+s2], $0x3E80, $0x38;
	[tilespmem:$0x6800] =	vst v63  }
0xc: {  	_ =	swait.ge [sflag:s7], $0x3E80  }
0xd: {  	[sflag:s7] =	ssyncset.done $0x0  }
0xe: {  	s12 =	simm.s32 $0x0;
	[sflag:s7] =	ssyncadd.s32 $0xFFFFC180  }
0xf: {  	[tilespmem:s9], [sflag:$0x1] =	stream.indirect.gather [hbm4b:s3+s8], $0x80, s12, s8, $0xb8;
	[tilespmem:$0x6800] =	vst v63  }
0x10: {  	_ =	swait.ge [sflag:s10], $0x2800  }
0x11: {  	[sflag:s10] =	ssyncset.done $0x0  }
0x12: {  	[sflag:s10] =	ssyncadd.s32 $0xFFFFD800  }
0x13: {  	[hbm4b:s6+s2] =	stream.linear.scatter [tilespmem:s9], [sflag:$0x2], $0x2800, $0x38;
	[tilespmem:$0x6800] =	vst v63  }
0x14: {  	s13 =	simm.s32 $0x200;
	_ =	swait.ge [sflag:s7], $0x2800  }
0x15: {  	s14 =	simm.s32 $0x400;
	s12 =	sadd.s32 $0x500, s6;
	[sflag:s7] =	ssyncset.done $0x0  }
.LBB2_2:
0x16: {  	s15 =	sshra.s32 s13, $0x2  }
0x17: {  	[sflag:s7] =	ssyncadd.s32 $0xFFFFD800;
	s13 =	smov.u32 s14;
	s16 =	sadd.s32 $0x200, s14  }
0x18: {  	[tilespmem:s9], [sflag:$0x1] =	stream.indirect.gather [hbm4b:s3+s8], $0x80, s15, s8, $0xb8;
	[tilespmem:$0x6800] =	vst v63  }
0x19: {  	p0 =	sne.s32 s14, $0xF800;
	_ =	swait.ge [sflag:s10], $0x2800  }
.Ltmp0:
0x1a: {  	[sflag:s10] =	ssyncset.done $0x0;
	(pc) =	sbr.rel @p0 .LBB2_2-.Ltmp0, $4  }
0x1b: {  	[sflag:s10] =	ssyncadd.s32 $0xFFFFD800  }
0x1c: {  	[hbm4b:s12+s2] =	stream.linear.scatter [tilespmem:s9], [sflag:$0x2], $0x2800, $0x38;
	[tilespmem:$0x6800] =	vst v63  }
0x1d: {  	_ =	swait.ge [sflag:s7], $0x2800  }
0x1e: {  	s14 =	smov.u32 s16;
	s12 =	sadd.s32 $0x500, s12;
	[sflag:s7] =	ssyncset.done $0x0  }
0x1f: {  	s13 =	sshra.s32 s13, $0x2;
	[sflag:s7] =	ssyncadd.s32 $0xFFFFD800  }
0x20: {  	[tilespmem:s9], [sflag:$0x1] =	stream.indirect.gather [hbm4b:s3+s8], $0x80, s13, s8, $0xb8;
	[tilespmem:$0x6800] =	vst v63  }
0x21: {  	s11 =	sadd.s32 $0x1, s11;
	_ =	swait.ge [sflag:s10], $0x2800  }
0x22: {  	p0 =	sne.s32 s11, s5;
	[sflag:s10] =	ssyncset.done $0x0  }
.Ltmp1:
0x23: {  	[sflag:s10] =	ssyncadd.s32 $0xFFFFD800;
	(pc) =	sbr.rel @p0 .LBB2_1-.Ltmp1, $4  }
0x24: {  	[hbm4b:s12+s2] =	stream.linear.scatter [tilespmem:s9], [sflag:$0x2], $0x2800, $0x38;
	[tilespmem:$0x6800] =	vst v63  }
0x25: {  	_ =	swait.ge [sflag:s7], $0x2800  }
0x26: {  	[sflag:s7] =	ssyncset.done $0x0  }
0x27: {  	[sflag:s7] =	ssyncadd.s32 $0xFFFFD800  }
0x28: {  	_ =	sfence.sel $0x180000  }
0x29: {  	[bflag:$0x0] =	sbarrier.arrive $0xFFFF  }
0x2a: {  	p0 =	sne.s32 s1, $0x0;
	_ =	strace $0x90000047  }
0x2b: {  	s0 =	sadd.s32 @!p0 $0x100000, s0;
	[bflag:$0x2] =	sbarrier.arrive $0xFFFF  }
0x2c: {  	[sflag:s0] =	ssyncadd.tile.s32 @!p0 $0x1;
	_ =	shalt  }
.Lfunc_end2:
_tile_overlayer_lowered:
.L_overlay_start_2:
0x2d: {  	(tag) =	ssettag $0x2  }
0x2e: {  	s0 =	rddreg [dreg:$0x0];
	s2 =	stileid.u32  }
0x2f: {  	s1 =	rddreg [dreg:$0x1];
	p0 =	sne.s32 s2, $0x0  }
0x30: {  	s3 =	rddreg [dreg:$0x2];
	[bflag:$0x3] =	sbarrier.arrive $0xFFFF;
	s2 =	simm.s32 @!p0 $0x1C02  }
0x31: {  	[timem:s3], [sflag:s2] =	dma.local @!p0 [hbm:s0], s1  }
0x32: {  	s0 =	simm.s32 @!p0 $0x2  }
0x33: {  	_ =	swait.ge @!p0 [sflag:s0], s1  }
0x34: {  	s1 =	ssub.s32 @!p0 $0x0, s1;
	[sflag:s0] =	ssyncset.done @!p0 $0x0  }
0x35: {  	[sflag:s0] =	ssyncadd.s32 @!p0 s1  }
0x36: {  	[bflag:$0x3] =	sbarrier.arrive $0xFFFF  }
0x37: {  	_ =	shalt  }

// kernel: kernel.51.cloned.1.call-start
scs
__scs_entry_jumppad:
0x0: {  	(pc) =	sbr.rel $0x88, $3  }
0x1: {  	(tag) =	ssettag $0x0;
	lr =	simm.s32 $0x1  }
0x2: {  	[smem:$0x3F61] =	sst lr;
	_ =	strace $0xD0000000  }
0x3: {  	_ = 	snop  }
0x4: {  	_ = 	snop  }
0x5: {  	_ = 	snop  }
0x6: {  	_ = 	snop  }
0x7: {  	_ = 	snop  }
__scs_overlays_trampoline_lowered:
0x8: {  	[smem:$0x3F70] =	sst s0  }
0x9: {  	[smem:$0x3F71] =	sst s1  }
0xa: {  	[smem:$0x3F72] =	sst s2  }
0xb: {  	[smem:$0x3F73] =	sst s3  }
0xc: {  	[smem:$0x3F74] =	sst s4  }
0xd: {  	[smem:$0x3F75] =	sst s5  }
0xe: {  	[smem:$0x3F76] =	sst s6  }
0xf: {  	[smem:$0x3F77] =	sst s7  }
0x10: {  	[smem:$0x3F78] =	sst s8  }
0x11: {  	[smem:$0x3F79] =	sst s9;
	s0 =	simm.s32 @!p0 $0x0  }
0x12: {  	s1 =	sld [smem:$0x3F5F];
	s0 =	simm.s32 @p0 $0x1  }
0x13: {  	[smem:$0x3F7A] =	sst s0;
	s0 =	simm.s32 @!p1 $0x0  }
0x14: {  	s2 =	sld [smem:$0x3F5E];
	s0 =	simm.s32 @p1 $0x1  }
0x15: {  	[smem:$0x3F7B] =	sst s0;
	s0 =	simm.s32 @!p2 $0x0  }
0x16: {  	s3 =	sld [smem:$0x3FDB];
	s0 =	simm.s32 @p2 $0x1  }
0x17: {  	s4 =	simm.s32 $0x1BF5;
	[smem:$0x3F7D] =	sst s0  }
0x18: {  	s0 =	sld [smem:$0x3F60];
	_ =	swait.ge [sflag:s4], $0x0  }
0x19: {  	s7 =	sld [smem:$0x3F61]  }
0x1a: {  	s8 =	sadd.s32 $0xFFFFE003, lr  }
0x1b: {  	s9 =	sadd.s32 $0xFFFFFEF7, lr;
	s5 =	simm.s32 $0xFFFFFFFF;
	p2 =	slt.u32 s8, $0xFFFFF086  }
0x1c: {  	p1 =	slt.u32 s9, $0xF7A;
	s5 =	simm.s32 @!p2 $0x0  }
0x1d: {  	s5 =	simm.s32 @p1 $0x1;
	p0 =	seq.s32 s7, s2  }
0x1e: {  	s7 =	smul.u32 @!p0 $0xF7A, s2;
	p2 =	seq.s32 @!p0 s5, $0x0  }
0x1f: {  	s9 =	smul.u32 $0xF7A, s1;
	s8 =	simm.s32 @!p0 $0x1BF5;
	p2 =	por !p2, p0  }
0x20: {  	[sflag:s8] =	ssyncset.s32 @!p0 $0xFFFFF086;
	s6 =	sadd.s32 @!p0 s3, s7;
	s7 =	simm.s32 @!p0 $0x108  }
0x21: {  	s3 =	sadd.s32 s3, s9;
	s6 =	sadd.s32 @!p0 $0x88, s6;
	s7 =	simm.s32 @p2 $0x1082  }
0x22: {  	[simem:s7], [sflag:s8] =	dma.local @!p0 [hbm:s6], $0xF7A  }
0x23: {  	s9 =	sor.u32 $0xD0000000, s2;
	s6 =	simm.s32 $0x108;
	_ =	swait.ge @!p0 [sflag:s8], $0x0  }
0x24: {  	s3 =	sadd.s32 $0x88, s3;
	s6 =	simm.s32 @!p1 $0x1082;
	[sflag:s4] =	ssyncset.s32 $0xFFFFF086  }
0x25: {  	[simem:s6], [sflag:s4] =	dma.local [hbm:s3], $0xF7A  }
0x26: {  	[smem:$0x3F61] =	sst s1;
	(tag) =	ssettag s2;
	_ =	strace s9  }
0x27: {  	s1 =	sld [smem:$0x3F71]  }
0x28: {  	s2 =	sld [smem:$0x3F72]  }
0x29: {  	s4 =	sld [smem:$0x3F74]  }
0x2a: {  	p0 =	seq.s32 s5, $0x0;
	s5 =	sld [smem:$0x3F75]  }
0x2b: {  	s6 =	sld [smem:$0x3F76]  }
0x2c: {  	s7 =	sld [smem:$0x3F77]  }
0x2d: {  	s3 =	simm.s32 $0x108;
	s8 =	sld [smem:$0x3F78]  }
0x2e: {  	s3 =	simm.s32 @!p0 $0x1082;
	s9 =	sld [smem:$0x3F79]  }
0x2f: {  	lr =	sadd.s32 s0, s3;
	s0 =	sld [smem:$0x3F70]  }
0x30: {  	s3 =	sld [smem:$0x3F73]  }
0x31: {  	[smem:$0x3F7C] =	sst s10  }
0x32: {  	s10 =	sld [smem:$0x3F7A];
	_ =	sdelay $0x3  }
0x33: {  	p0 =	seq.s32 s10, $0x1;
	s10 =	sld [smem:$0x3F7C];
	_ =	sdelay $0x3  }
0x34: {  	[smem:$0x3F7C] =	sst s10  }
0x35: {  	s10 =	sld [smem:$0x3F7B];
	_ =	sdelay $0x3  }
0x36: {  	p1 =	seq.s32 s10, $0x1;
	s10 =	sld [smem:$0x3F7C];
	_ =	sdelay $0x3  }
0x37: {  	[smem:$0x3F7C] =	sst s10  }
0x38: {  	s10 =	sld [smem:$0x3F7D]  }
0x39: {  	_ = 	snop;
	(pc) =	sbr.ind lr, $3  }
0x3a: {  	_ = 	snop  }
0x3b: {  	_ = 	snop  }
0x3c: {  	p2 =	seq.s32 s10, $0x1;
	s10 =	sld [smem:$0x3F7C]  }
0x3d: {  	_ =	shalt  }
0x3e: {  	_ =	shalt  }
0x3f: {  	_ =	shalt  }
0x40: {  	_ =	shalt  }
0x41: {  	_ =	shalt  }
0x42: {  	_ =	shalt  }
0x43: {  	_ =	shalt  }
0x44: {  	_ =	shalt  }
0x45: {  	_ =	shalt  }
0x46: {  	_ =	shalt  }
0x47: {  	_ =	shalt  }
0x48: {  	_ =	shalt  }
0x49: {  	_ =	shalt  }
0x4a: {  	_ =	shalt  }
0x4b: {  	_ =	shalt  }
0x4c: {  	_ =	shalt  }
0x4d: {  	_ =	shalt  }
0x4e: {  	_ =	shalt  }
0x4f: {  	_ =	shalt  }
0x50: {  	_ =	shalt  }
0x51: {  	_ =	shalt  }
0x52: {  	_ =	shalt  }
0x53: {  	_ =	shalt  }
0x54: {  	_ =	shalt  }
0x55: {  	_ =	shalt  }
0x56: {  	_ =	shalt  }
0x57: {  	_ =	shalt  }
0x58: {  	_ =	shalt  }
0x59: {  	_ =	shalt  }
0x5a: {  	_ =	shalt  }
0x5b: {  	_ =	shalt  }
0x5c: {  	_ =	shalt  }
0x5d: {  	_ =	shalt  }
0x5e: {  	_ =	shalt  }
0x5f: {  	_ =	shalt  }
0x60: {  	_ =	shalt  }
0x61: {  	_ =	shalt  }
0x62: {  	_ =	shalt  }
0x63: {  	_ =	shalt  }
0x64: {  	_ =	shalt  }
0x65: {  	_ =	shalt  }
0x66: {  	_ =	shalt  }
0x67: {  	_ =	shalt  }
0x68: {  	_ =	shalt  }
0x69: {  	_ =	shalt  }
0x6a: {  	_ =	shalt  }
0x6b: {  	_ =	shalt  }
0x6c: {  	_ =	shalt  }
0x6d: {  	_ =	shalt  }
0x6e: {  	_ =	shalt  }
0x6f: {  	_ =	shalt  }
0x70: {  	_ =	shalt  }
0x71: {  	_ =	shalt  }
0x72: {  	_ =	shalt  }
0x73: {  	_ =	shalt  }
0x74: {  	_ =	shalt  }
0x75: {  	_ =	shalt  }
0x76: {  	_ =	shalt  }
0x77: {  	_ =	shalt  }
0x78: {  	_ =	shalt  }
0x79: {  	_ =	shalt  }
0x7a: {  	_ =	shalt  }
0x7b: {  	_ =	shalt  }
0x7c: {  	_ =	shalt  }
0x7d: {  	_ =	shalt  }
0x7e: {  	_ =	shalt  }
0x7f: {  	_ =	shalt  }
0x80: {  	_ =	shalt  }
0x81: {  	_ =	shalt  }
0x82: {  	_ =	shalt  }
0x83: {  	_ =	shalt  }
0x84: {  	_ =	shalt  }
0x85: {  	_ =	shalt  }
0x86: {  	_ =	shalt  }
0x87: {  	_ =	shalt  }
.Lfunc_end0:
.L_simem_size_0:
called_computation.8_lowered:
.L_overlay_start_0:
0x88: {  	s2 =	sld [smem:$0x3FD9]  }
0x89: {  	s3 =	sld [smem:$0x3FFE];
	_ =	sdelay $0x1  }
0x8a: {  	s1 =	srdreg.scid  }
0x8b: {  	s0 =	sand.u32 $0x1, s1  }
0x8c: {  	s17 =	sshll.u32 s0, $0xA;
	s2 =	sadd.s32 s3, s2  }
0x8d: {  	s2 =	sadd.s32 s2, s17  }
0x8e: {  	[smem:$0x3F88] =	sst s2  }
0x8f: {  	_ = 	snop  }
0x90: {  	(tm) =	ssettm $0x1  }
0x91: {  	s18 =	sld [smem:$0x3FFB];
	_ =	sdelay $0x3  }
0x92: {  	_ =	strace s18  }
0x93: {  	s2 =	sld [smem:$0x3FFC];
	_ =	sdelay $0x3  }
0x94: {  	_ =	strace s2  }
0x95: {  	s2 =	sld [smem:$0x3FFD];
	_ =	sdelay $0x3  }
0x96: {  	_ =	strace s2  }
0x97: {  	_ =	strace $0x8FFFFFFF  }
0x98: {  	s19 =	sld [smem:$0x3FDB];
	_ =	sdelay $0x1  }
0x99: {  	s20 =	simm.s32 $_scs_section_size  }
0x9a: {  	s4 =	simm.s32 $_size__tile_overlayer_lowered;
	s5 =	simm.s32 $_tile_overlayer_lowered  }
0x9b: {  	s6 =	simm.s32 $0x1BFF;
	s21 =	sshll.u32 s5, $0x1;
	s3 =	sadd.s32 s20, s19  }
0x9c: {  	s22 =	simm.s32 $0x0;
	s4 =	sshll.u32 s4, $0x1;
	s5 =	sadd.s32 s21, s3  }
0x9d: {  	[timem:s22], [sflag:s6] =	dma.local [hbm:s5], s4  }
0x9e: {  	_ =	swait.ge [sflag:s6], s4  }
0x9f: {  	s4 =	ssub.s32 $0x0, s4;
	[sflag:s6] =	ssyncset.done $0x0  }
0xa0: {  	[sflag:s6] =	ssyncadd.s32 s4;
	_ =	sdelay $0x1  }
0xa1: {  	s23 =	simm.s32 $0x1B8B  }
0xa2: {  	_ =	swait.ge [sflag:s23], $0x1  }
0xa3: {  	[sflag:s23] =	ssyncset.done $0x0  }
0xa4: {  	[sflag:s23] =	ssyncadd.s32 $0xFFFFFFFF  }
0xa5: {  	s4 =	sld [smem:$0x0]  }
0xa6: {  	s5 =	sand.u32 $0xFFFFFFFE, s1  }
0xa7: {  	p0 =	sne.s32 s1, s5  }
0xa8: {  	s5 =	sshll.u32 @p0 s5, $0xE  }
0xa9: {  	s5 =	sadd.s32 @p0 $0x11B8D, s5;
	s6 =	sshll.u32 @p0 s4, $0x11  }
0xaa: {  	s5 =	sor.u32 @p0 s6, s5  }
0xab: {  	[sflag:s5] =	ssyncadd.remote.s32 @p0 $0x1;
	_ =	sdelay $0x1  }
0xac: {  	s5 =	simm.s32 @p0 $0x1B8D  }
0xad: {  	_ =	swait.eq @p0 [sflag:s5], $0x1  }
0xae: {  	[sflag:s5] =	ssyncadd.s32 @p0 $0xFFFFFFFF  }
0xaf: {  	s6 =	sshll.u32 @!p0 s1, $0xE  }
0xb0: {  	s6 =	sor.u32 @!p0 $0x4000, s6;
	s5 =	simm.s32 @!p0 $0x1B8D  }
0xb1: {  	s4 =	sshll.u32 @!p0 s4, $0x11;
	s6 =	sadd.s32 @!p0 $0x11B8D, s6;
	_ =	swait.eq @!p0 [sflag:s5], $0x1  }
0xb2: {  	s4 =	sor.u32 @!p0 s4, s6;
	[sflag:s5] =	ssyncadd.s32 @!p0 $0xFFFFFFFF  }
0xb3: {  	s25 =	simm.s32 $0x1B8E;
	s24 =	sld [smem:$0x3FFE];
	[sflag:s4] =	ssyncadd.remote.s32 @!p0 $0x1  }
0xb4: {  	s26 =	simm.s32 $execute0_lowered;
	[smem:$0x3FD2] =	sst s25  }
0xb5: {  	s5 =	sshll.u32 s26, $0x1;
	_ =	strace $0x80000052;
	[dreg:$0x1] =	wrdreg $0xFFFFFFFF  }
0xb6: {  	s28 =	simm.s32 $_size_execute0_lowered;
	s3 =	sadd.s32 s3, s5;
	[dreg:$0x0] =	wrdreg $0x0  }
0xb7: {  	s5 =	sshll.u32 s28, $0x1;
	[dreg:$0x2] =	wrdreg s3  }
0xb8: {  	[dreg:$0x3] =	wrdreg s5  }
0xb9: {  	[dreg:$0x4] =	wrdreg $0xC0  }
0xba: {  	_ =	task [dreg:s22], $0x5FFFF  }
0xbb: {  	[dreg:$0x1] =	wrdreg $0xFFFFFFFF  }
0xbc: {  	[dreg:$0x0] =	wrdreg $0x60  }
0xbd: {  	[dreg:$0x2] =	wrdreg s24  }
0xbe: {  	[dreg:$0x3] =	wrdreg $0xA8000  }
0xbf: {  	[dreg:$0x4] =	wrdreg $0xB  }
0xc0: {  	_ =	task.clear_ibuf [dreg:s22], $0x5FFFF;
	_ =	strace $0x90000052  }
0xc1: {  	s29 =	simm.s32 $0xB;
	_ =	strace $0x80000054  }
0xc2: {  	_ =	swait.ge [sflag:s29], $0x1  }
0xc3: {  	[sflag:s29] =	ssyncadd.s32 $0xFFFFFFFF  }
0xc4: {  	_ =	strace $0x90000054  }
0xc5: {  	_ =	sfence  }
0xc6: {  	s30 =	sld [smem:$0x0];
	_ =	sdelay $0x2  }
0xc7: {  	s31 =	sshll.u32 s1, $0xD;
	s1 =	sshrl.u32 s1, $0x2  }
0xc8: {  	s4 =	sand.u32 $0x4000, s31;
	s1 =	sadd.s32 s1, s30  }
0xc9: {  	s0 =	sor.u32 s4, s0;
	s1 =	sshll.u32 s1, $0x11  }
0xca: {  	s0 =	sor.u32 s1, s0  }
0xcb: {  	s0 =	sadd.s32 $0x8F2B, s0  }
0xcc: {  	[sflag:s0] =	ssyncadd.remote.s32 $0x1  }
0xcd: {  	_ =	sfence.sel $0xFFFF  }
0xce: {  	[dreg:$0x0] =	wrdreg $0xFFFFFFFF;
	(pc) =	sbr.abs _section_cstart, $3  }
0xcf: {  	[dreg:$0x1] =	wrdreg $0xFFFFFFFF  }
0xd0: {  	_ =	task.clear_ibuf [dreg:s22], $0x2FFFF;
	_ =	strace $0x9FFFFFFF  }
0xd1: {  	(tm) =	ssettm $0x7FFFFFFF  }
tec
execute0_lowered:
.L_overlay_start_1:
0x0: {  	(tag) =	ssettag $0x1  }
0x1: {  	s1 =	srdreg.scid;
	s5 =	rddreg [dreg:$0x0]  }
0x2: {  	s0 =	stileid.u32;
	s2 =	rddreg [dreg:$0x1]  }
0x3: {  	s3 =	simm.s32 $0x0;
	s15 =	simm.s32 $0x800;
	s16 =	simm.s32 $0x8000  }
0x4: {  	s17 =	simm.s32 $0x50;
	s18 =	simm.s32 $0x8;
	s19 =	simm.s32 $0x100  }
0x5: {  	s20 =	simm.s32 $0x80;
	s6 =	sand.u32 $0x1, s1;
	s1 =	rddreg [dreg:$0x2]  }
0x6: {  	s21 =	simm.s32 $0x0;
	s4 =	smul.u32 $0x4E2000, s0;
	[smem:$0x7FF] =	sst s3  }
0x7: {  	s8 =	sshll.u32 s0, $0xC;
	s11 =	smul.u32 $0x4E000, s0;
	s12 =	sadd.s32 $0x2FA00, s5  }
0x8: {  	s13 =	smul.u32 $0x27000, s0;
	s29 =	sshll.u32 s0, $0x6;
	p0 =	sne.s32 s0, $0xF  }
0x9: {  	s7 =	sshll.u32 s6, $0xA;
	_ =	strace $0x80000053;
	s8 =	sadd.s32 s8, s5  }
0xa: {  	s9 =	ssub.s32 $0x2, s6;
	s30 =	sshll.u32 s6, $0x7;
	s4 =	sor.u32 s7, s4  }
0xb: {  	s26 =	sshrl.u32 s9, $0x1;
	s28 =	sshrl.u32 s11, $0x2;
	s7 =	sor.u32 s7, s13  }
0xc: {  	s13 =	sadd.s32 $0x138000, s2;
	s6 =	sadd.s32 $0xC000, s8;
	s31 =	sadd.s32 s30, s12  }
0xd: {  	s4 =	sshrl.u32 s4, $0x3;
	s9 =	ssub.s32 s9, s26;
	s14 =	sadd.s32 s28, s2  }
0xe: {  	s7 =	sshrl.u32 s7, $0x3;
	s8 =	sadd.s32 $0x4E000, s31;
	s13 =	sshrl.u32 @!p0 s13, $0x3  }
0xf: {  	s10 =	sadd.s32 s4, s5;
	s4 =	sadd.s32 $0x1C000, s5;
	s5 =	sor.u32 $0x1C01, s29  }
0x10: {  	s7 =	sadd.s32 s12, s7;
	s9 =	smax.u32 s9, $0x1;
	s11 =	sshrl.u32 s14, $0x3  }
0x11: {  	s12 =	simm.s32 $0x1;
	s14 =	simm.s32 $0x400;
	s10 =	sadd.s32 $0x2428200, s10  }
.LBB2_1:
0x12: {  	[spmem:s11], [sflag:s5] =	dma.local [hbm:s4], $0x2700  }
0x13: {  	_ =	swait.ge [sflag:s12], $0x2700  }
0x14: {  	[sflag:s12] =	ssyncset.done $0x0  }
0x15: {  	s22 =	simm.s32 @!p0 $0x1;
	[sflag:s12] =	ssyncadd.s32 $0xFFFFD900  }
0x16: {  	[spmem:s13], [sflag:s5] =	dma.local @!p0 [hbm:s4], $0x100  }
0x17: {  	_ =	swait.ge @!p0 [sflag:s22], $0x100  }
0x18: {  	[sflag:s22] =	ssyncset.done @!p0 $0x0  }
0x19: {  	[sflag:s22] =	ssyncadd.s32 @!p0 $0xFFFFFF00  }
0x1a: {  	[bflag:$0x0] =	sbarrier.arrive $0xFFFF  }
0x1b: {  	[tilespmem:s3], [sflag:$0x1] =	stream.linear.gather [hbm4b:s6+s3], $0x7D00, $0x38;
	[tilespmem:$0x1E080] =	vst v63  }
0x1c: {  	_ =	swait.ge [sflag:s12], $0x7D00  }
0x1d: {  	[sflag:s12] =	ssyncset.done $0x0  }
0x1e: {  	[sflag:s12] =	ssyncadd.s32 $0xFFFF8300  }
0x1f: {  	[tilespmem:s16], [sflag:$0x1] =	stream.strided.gather [hbm4b:s10+s14], $0x2800, s15, s14, $0x38;
	[tilespmem:$0x1E080] =	vst v63  }
0x20: {  	_ =	swait.ge [sflag:s12], $0x2800  }
0x21: {  	[sflag:s12] =	ssyncset.done $0x0  }
0x22: {  	s31 =	simm.s32 $0x0;
	[sflag:s12] =	ssyncadd.s32 $0xFFFFD800  }
0x23: {  	[spmem:s2] =	stream.indirect.scatter.add.f32 [tilespmem:s16], [sflag:$0x1], $0x80, s31, s17, $0xb8;
	[tilespmem:$0x1E080] =	vst v63  }
0x24: {  	_ =	swait.ge [sflag:s12], $0x2800  }
0x25: {  	s23 =	smov.u32 s10;
	s22 =	simm.s32 $0x200;
	[sflag:s12] =	ssyncset.done $0x0  }
.LBB2_2:
0x26: {  	p1 =	sne.s32 s22, $0x1F200;
	[sflag:s12] =	ssyncadd.s32 $0xFFFFD800;
	s23 =	sadd.s32 $0xA00, s23  }
0x27: {  	[tilespmem:s16], [sflag:$0x1] =	stream.strided.gather [hbm4b:s23+s14], $0x2800, s15, s14, $0x38;
	[tilespmem:$0x1E080] =	vst v63  }
0x28: {  	s24 =	smov.u32 s22;
	s22 =	sadd.s32 $0x200, s22;
	_ =	swait.ge [sflag:s12], $0x2800  }
.Ltmp0:
0x29: {  	[sflag:s12] =	ssyncset.done $0x0;
	(pc) =	sbr.rel @p1 .LBB2_2-.Ltmp0, $4  }
0x2a: {  	s24 =	sshra.s32 s24, $0x2;
	[sflag:s12] =	ssyncadd.s32 $0xFFFFD800  }
0x2b: {  	[spmem:s2] =	stream.indirect.scatter.add.f32 [tilespmem:s16], [sflag:$0x1], $0x80, s24, s17, $0xb8;
	[tilespmem:$0x1E080] =	vst v63  }
0x2c: {  	_ =	swait.ge [sflag:s12], $0x2800  }
0x2d: {  	[sflag:s12] =	ssyncset.done $0x0  }
0x2e: {  	[sflag:s12] =	ssyncadd.s32 $0xFFFFD800  }
0x2f: {  	[bflag:$0x0] =	sbarrier.arrive $0xFFFF  }
0x30: {  	[hbm:s7@s19], [sflag:s5] =	dma.strided [spmem:s11@s20], $0x2700, s18, $0x10   }
0x31: {  	s22 =	simm.s32 @!p0 $0x8;
	_ =	swait.ge [sflag:s12], $0x2700  }
0x32: {  	s23 =	simm.s32 @!p0 $0x100;
	s21 =	sadd.s32 $0x1, s21;
	[sflag:s12] =	ssyncset.done $0x0  }
0x33: {  	s24 =	simm.s32 @!p0 $0x80;
	p1 =	sne.s32 s21, s9;
	[sflag:s12] =	ssyncadd.s32 $0xFFFFD900  }
0x34: {  	[hbm:s8@s23], [sflag:s5] =	dma.strided @!p0 [spmem:s13@s24], $0x100, s22, $0x10   }
.Ltmp1:
0x35: {  	_ = 	snop;
	(pc) =	sbr.rel @p1 .LBB2_1-.Ltmp1, $4  }
0x36: {  	s22 =	simm.s32 @!p0 $0x1  }
0x37: {  	_ =	swait.ge @!p0 [sflag:s22], $0x100  }
0x38: {  	[sflag:s22] =	ssyncset.done @!p0 $0x0  }
0x39: {  	[sflag:s22] =	ssyncadd.s32 @!p0 $0xFFFFFF00  }
0x3a: {  	_ =	sfence.sel $0x180000  }
0x3b: {  	[bflag:$0x0] =	sbarrier.arrive $0xFFFF  }
0x3c: {  	p0 =	sne.s32 s0, $0x0;
	_ =	strace $0x90000053  }
0x3d: {  	s0 =	sadd.s32 @!p0 $0x100000, s1;
	[bflag:$0x2] =	sbarrier.arrive $0xFFFF  }
0x3e: {  	[sflag:s0] =	ssyncadd.tile.s32 @!p0 $0x1;
	_ =	shalt  }
.Lfunc_end2:
_tile_overlayer_lowered:
.L_overlay_start_2:
0x3f: {  	(tag) =	ssettag $0x2  }
0x40: {  	s0 =	rddreg [dreg:$0x0];
	s2 =	stileid.u32  }
0x41: {  	s1 =	rddreg [dreg:$0x1];
	p0 =	sne.s32 s2, $0x0  }
0x42: {  	s3 =	rddreg [dreg:$0x2];
	[bflag:$0x3] =	sbarrier.arrive $0xFFFF;
	s2 =	simm.s32 @!p0 $0x1C01  }
0x43: {  	[timem:s3], [sflag:s2] =	dma.local @!p0 [hbm:s0], s1  }
0x44: {  	s0 =	simm.s32 @!p0 $0x1  }
0x45: {  	_ =	swait.ge @!p0 [sflag:s0], s1  }
0x46: {  	s1 =	ssub.s32 @!p0 $0x0, s1;
	[sflag:s0] =	ssyncset.done @!p0 $0x0  }
0x47: {  	[sflag:s0] =	ssyncadd.s32 @!p0 s1  }
0x48: {  	[bflag:$0x3] =	sbarrier.arrive $0xFFFF  }
0x49: {  	_ =	shalt  }

// kernel: kernel.54.cloned.1.call-start
scs
__scs_entry_jumppad:
0x0: {  	(pc) =	sbr.rel $0x88, $3  }
0x1: {  	(tag) =	ssettag $0x0;
	lr =	simm.s32 $0x1  }
0x2: {  	[smem:$0x3F61] =	sst lr;
	_ =	strace $0xD0000000  }
0x3: {  	_ = 	snop  }
0x4: {  	_ = 	snop  }
0x5: {  	_ = 	snop  }
0x6: {  	_ = 	snop  }
0x7: {  	_ = 	snop  }
__scs_overlays_trampoline_lowered:
0x8: {  	[smem:$0x3F70] =	sst s0  }
0x9: {  	[smem:$0x3F71] =	sst s1  }
0xa: {  	[smem:$0x3F72] =	sst s2  }
0xb: {  	[smem:$0x3F73] =	sst s3  }
0xc: {  	[smem:$0x3F74] =	sst s4  }
0xd: {  	[smem:$0x3F75] =	sst s5  }
0xe: {  	[smem:$0x3F76] =	sst s6  }
0xf: {  	[smem:$0x3F77] =	sst s7  }
0x10: {  	[smem:$0x3F78] =	sst s8  }
0x11: {  	[smem:$0x3F79] =	sst s9;
	s0 =	simm.s32 @!p0 $0x0  }
0x12: {  	s1 =	sld [smem:$0x3F5F];
	s0 =	simm.s32 @p0 $0x1  }
0x13: {  	[smem:$0x3F7A] =	sst s0;
	s0 =	simm.s32 @!p1 $0x0  }
0x14: {  	s2 =	sld [smem:$0x3F5E];
	s0 =	simm.s32 @p1 $0x1  }
0x15: {  	[smem:$0x3F7B] =	sst s0;
	s0 =	simm.s32 @!p2 $0x0  }
0x16: {  	s3 =	sld [smem:$0x3FDB];
	s0 =	simm.s32 @p2 $0x1  }
0x17: {  	s4 =	simm.s32 $0x1BF5;
	[smem:$0x3F7D] =	sst s0  }
0x18: {  	s0 =	sld [smem:$0x3F60];
	_ =	swait.ge [sflag:s4], $0x0  }
0x19: {  	s7 =	sld [smem:$0x3F61]  }
0x1a: {  	s8 =	sadd.s32 $0xFFFFE003, lr  }
0x1b: {  	s9 =	sadd.s32 $0xFFFFFEF7, lr;
	s5 =	simm.s32 $0xFFFFFFFF;
	p2 =	slt.u32 s8, $0xFFFFF086  }
0x1c: {  	p1 =	slt.u32 s9, $0xF7A;
	s5 =	simm.s32 @!p2 $0x0  }
0x1d: {  	s5 =	simm.s32 @p1 $0x1;
	p0 =	seq.s32 s7, s2  }
0x1e: {  	s7 =	smul.u32 @!p0 $0xF7A, s2;
	p2 =	seq.s32 @!p0 s5, $0x0  }
0x1f: {  	s9 =	smul.u32 $0xF7A, s1;
	s8 =	simm.s32 @!p0 $0x1BF5;
	p2 =	por !p2, p0  }
0x20: {  	[sflag:s8] =	ssyncset.s32 @!p0 $0xFFFFF086;
	s6 =	sadd.s32 @!p0 s3, s7;
	s7 =	simm.s32 @!p0 $0x108  }
0x21: {  	s3 =	sadd.s32 s3, s9;
	s6 =	sadd.s32 @!p0 $0x88, s6;
	s7 =	simm.s32 @p2 $0x1082  }
0x22: {  	[simem:s7], [sflag:s8] =	dma.local @!p0 [hbm:s6], $0xF7A  }
0x23: {  	s9 =	sor.u32 $0xD0000000, s2;
	s6 =	simm.s32 $0x108;
	_ =	swait.ge @!p0 [sflag:s8], $0x0  }
0x24: {  	s3 =	sadd.s32 $0x88, s3;
	s6 =	simm.s32 @!p1 $0x1082;
	[sflag:s4] =	ssyncset.s32 $0xFFFFF086  }
0x25: {  	[simem:s6], [sflag:s4] =	dma.local [hbm:s3], $0xF7A  }
0x26: {  	[smem:$0x3F61] =	sst s1;
	(tag) =	ssettag s2;
	_ =	strace s9  }
0x27: {  	s1 =	sld [smem:$0x3F71]  }
0x28: {  	s2 =	sld [smem:$0x3F72]  }
0x29: {  	s4 =	sld [smem:$0x3F74]  }
0x2a: {  	p0 =	seq.s32 s5, $0x0;
	s5 =	sld [smem:$0x3F75]  }
0x2b: {  	s6 =	sld [smem:$0x3F76]  }
0x2c: {  	s7 =	sld [smem:$0x3F77]  }
0x2d: {  	s3 =	simm.s32 $0x108;
	s8 =	sld [smem:$0x3F78]  }
0x2e: {  	s3 =	simm.s32 @!p0 $0x1082;
	s9 =	sld [smem:$0x3F79]  }
0x2f: {  	lr =	sadd.s32 s0, s3;
	s0 =	sld [smem:$0x3F70]  }
0x30: {  	s3 =	sld [smem:$0x3F73]  }
0x31: {  	[smem:$0x3F7C] =	sst s10  }
0x32: {  	s10 =	sld [smem:$0x3F7A];
	_ =	sdelay $0x3  }
0x33: {  	p0 =	seq.s32 s10, $0x1;
	s10 =	sld [smem:$0x3F7C];
	_ =	sdelay $0x3  }
0x34: {  	[smem:$0x3F7C] =	sst s10  }
0x35: {  	s10 =	sld [smem:$0x3F7B];
	_ =	sdelay $0x3  }
0x36: {  	p1 =	seq.s32 s10, $0x1;
	s10 =	sld [smem:$0x3F7C];
	_ =	sdelay $0x3  }
0x37: {  	[smem:$0x3F7C] =	sst s10  }
0x38: {  	s10 =	sld [smem:$0x3F7D]  }
0x39: {  	_ = 	snop;
	(pc) =	sbr.ind lr, $3  }
0x3a: {  	_ = 	snop  }
0x3b: {  	_ = 	snop  }
0x3c: {  	p2 =	seq.s32 s10, $0x1;
	s10 =	sld [smem:$0x3F7C]  }
0x3d: {  	_ =	shalt  }
0x3e: {  	_ =	shalt  }
0x3f: {  	_ =	shalt  }
0x40: {  	_ =	shalt  }
0x41: {  	_ =	shalt  }
0x42: {  	_ =	shalt  }
0x43: {  	_ =	shalt  }
0x44: {  	_ =	shalt  }
0x45: {  	_ =	shalt  }
0x46: {  	_ =	shalt  }
0x47: {  	_ =	shalt  }
0x48: {  	_ =	shalt  }
0x49: {  	_ =	shalt  }
0x4a: {  	_ =	shalt  }
0x4b: {  	_ =	shalt  }
0x4c: {  	_ =	shalt  }
0x4d: {  	_ =	shalt  }
0x4e: {  	_ =	shalt  }
0x4f: {  	_ =	shalt  }
0x50: {  	_ =	shalt  }
0x51: {  	_ =	shalt  }
0x52: {  	_ =	shalt  }
0x53: {  	_ =	shalt  }
0x54: {  	_ =	shalt  }
0x55: {  	_ =	shalt  }
0x56: {  	_ =	shalt  }
0x57: {  	_ =	shalt  }
0x58: {  	_ =	shalt  }
0x59: {  	_ =	shalt  }
0x5a: {  	_ =	shalt  }
0x5b: {  	_ =	shalt  }
0x5c: {  	_ =	shalt  }
0x5d: {  	_ =	shalt  }
0x5e: {  	_ =	shalt  }
0x5f: {  	_ =	shalt  }
0x60: {  	_ =	shalt  }
0x61: {  	_ =	shalt  }
0x62: {  	_ =	shalt  }
0x63: {  	_ =	shalt  }
0x64: {  	_ =	shalt  }
0x65: {  	_ =	shalt  }
0x66: {  	_ =	shalt  }
0x67: {  	_ =	shalt  }
0x68: {  	_ =	shalt  }
0x69: {  	_ =	shalt  }
0x6a: {  	_ =	shalt  }
0x6b: {  	_ =	shalt  }
0x6c: {  	_ =	shalt  }
0x6d: {  	_ =	shalt  }
0x6e: {  	_ =	shalt  }
0x6f: {  	_ =	shalt  }
0x70: {  	_ =	shalt  }
0x71: {  	_ =	shalt  }
0x72: {  	_ =	shalt  }
0x73: {  	_ =	shalt  }
0x74: {  	_ =	shalt  }
0x75: {  	_ =	shalt  }
0x76: {  	_ =	shalt  }
0x77: {  	_ =	shalt  }
0x78: {  	_ =	shalt  }
0x79: {  	_ =	shalt  }
0x7a: {  	_ =	shalt  }
0x7b: {  	_ =	shalt  }
0x7c: {  	_ =	shalt  }
0x7d: {  	_ =	shalt  }
0x7e: {  	_ =	shalt  }
0x7f: {  	_ =	shalt  }
0x80: {  	_ =	shalt  }
0x81: {  	_ =	shalt  }
0x82: {  	_ =	shalt  }
0x83: {  	_ =	shalt  }
0x84: {  	_ =	shalt  }
0x85: {  	_ =	shalt  }
0x86: {  	_ =	shalt  }
0x87: {  	_ =	shalt  }
.Lfunc_end0:
.L_simem_size_0:
called_computation.9_lowered:
.L_overlay_start_0:
0x88: {  	s2 =	sld [smem:$0x3FD9]  }
0x89: {  	s3 =	sld [smem:$0x3FFE];
	_ =	sdelay $0x1  }
0x8a: {  	s1 =	srdreg.scid  }
0x8b: {  	s0 =	sand.u32 $0x1, s1  }
0x8c: {  	s17 =	sshll.u32 s0, $0xA;
	s2 =	sadd.s32 s3, s2  }
0x8d: {  	s2 =	sadd.s32 s2, s17  }
0x8e: {  	[smem:$0x3F88] =	sst s2  }
0x8f: {  	_ = 	snop  }
0x90: {  	(tm) =	ssettm $0x1  }
0x91: {  	s18 =	sld [smem:$0x3FFB];
	_ =	sdelay $0x3  }
0x92: {  	_ =	strace s18  }
0x93: {  	s2 =	sld [smem:$0x3FFC];
	_ =	sdelay $0x3  }
0x94: {  	_ =	strace s2  }
0x95: {  	s2 =	sld [smem:$0x3FFD];
	_ =	sdelay $0x3  }
0x96: {  	_ =	strace s2  }
0x97: {  	_ =	strace $0x8FFFFFFF  }
0x98: {  	s19 =	sld [smem:$0x3FDB];
	_ =	sdelay $0x1  }
0x99: {  	s20 =	simm.s32 $_scs_section_size  }
0x9a: {  	s4 =	simm.s32 $_size__tile_overlayer_lowered;
	s5 =	simm.s32 $_tile_overlayer_lowered  }
0x9b: {  	s6 =	simm.s32 $0x1BFF;
	s21 =	sshll.u32 s5, $0x1;
	s3 =	sadd.s32 s20, s19  }
0x9c: {  	s22 =	simm.s32 $0x0;
	s4 =	sshll.u32 s4, $0x1;
	s5 =	sadd.s32 s21, s3  }
0x9d: {  	[timem:s22], [sflag:s6] =	dma.local [hbm:s5], s4  }
0x9e: {  	_ =	swait.ge [sflag:s6], s4  }
0x9f: {  	s4 =	ssub.s32 $0x0, s4;
	[sflag:s6] =	ssyncset.done $0x0  }
0xa0: {  	[sflag:s6] =	ssyncadd.s32 s4;
	_ =	sdelay $0x1  }
0xa1: {  	s23 =	simm.s32 $0x1B8B  }
0xa2: {  	_ =	swait.ge [sflag:s23], $0x1  }
0xa3: {  	[sflag:s23] =	ssyncset.done $0x0  }
0xa4: {  	[sflag:s23] =	ssyncadd.s32 $0xFFFFFFFF  }
0xa5: {  	s4 =	sld [smem:$0x0]  }
0xa6: {  	s5 =	sand.u32 $0xFFFFFFFE, s1  }
0xa7: {  	p0 =	sne.s32 s1, s5  }
0xa8: {  	s5 =	sshll.u32 @p0 s5, $0xE  }
0xa9: {  	s5 =	sadd.s32 @p0 $0x11B8D, s5;
	s6 =	sshll.u32 @p0 s4, $0x11  }
0xaa: {  	s5 =	sor.u32 @p0 s6, s5  }
0xab: {  	[sflag:s5] =	ssyncadd.remote.s32 @p0 $0x1;
	_ =	sdelay $0x1  }
0xac: {  	s5 =	simm.s32 @p0 $0x1B8D  }
0xad: {  	_ =	swait.eq @p0 [sflag:s5], $0x1  }
0xae: {  	[sflag:s5] =	ssyncadd.s32 @p0 $0xFFFFFFFF  }
0xaf: {  	s6 =	sshll.u32 @!p0 s1, $0xE  }
0xb0: {  	s6 =	sor.u32 @!p0 $0x4000, s6;
	s5 =	simm.s32 @!p0 $0x1B8D  }
0xb1: {  	s4 =	sshll.u32 @!p0 s4, $0x11;
	s6 =	sadd.s32 @!p0 $0x11B8D, s6;
	_ =	swait.eq @!p0 [sflag:s5], $0x1  }
0xb2: {  	s4 =	sor.u32 @!p0 s4, s6;
	[sflag:s5] =	ssyncadd.s32 @!p0 $0xFFFFFFFF  }
0xb3: {  	s25 =	simm.s32 $0x1B8E;
	s24 =	sld [smem:$0x3FFE];
	[sflag:s4] =	ssyncadd.remote.s32 @!p0 $0x1  }
0xb4: {  	s26 =	simm.s32 $execute0_lowered;
	[smem:$0x3FD2] =	sst s25  }
0xb5: {  	s5 =	sshll.u32 s26, $0x1;
	_ =	strace $0x8000005B;
	[dreg:$0x1] =	wrdreg $0xFFFFFFFF  }
0xb6: {  	s28 =	simm.s32 $_size_execute0_lowered;
	s3 =	sadd.s32 s3, s5;
	[dreg:$0x0] =	wrdreg $0x0  }
0xb7: {  	s5 =	sshll.u32 s28, $0x1;
	[dreg:$0x2] =	wrdreg s3  }
0xb8: {  	[dreg:$0x3] =	wrdreg s5  }
0xb9: {  	[dreg:$0x4] =	wrdreg $0xC0  }
0xba: {  	_ =	task [dreg:s22], $0x5FFFF  }
0xbb: {  	[dreg:$0x1] =	wrdreg $0xFFFFFFFF  }
0xbc: {  	[dreg:$0x0] =	wrdreg $0x60  }
0xbd: {  	[dreg:$0x2] =	wrdreg s24  }
0xbe: {  	[dreg:$0x3] =	wrdreg $0xB  }
0xbf: {  	_ =	task.clear_ibuf [dreg:s22], $0x4FFFF;
	_ =	strace $0x9000005B  }
0xc0: {  	s29 =	simm.s32 $0xB;
	_ =	strace $0x8000005D  }
0xc1: {  	_ =	swait.ge [sflag:s29], $0x1  }
0xc2: {  	[sflag:s29] =	ssyncadd.s32 $0xFFFFFFFF  }
0xc3: {  	_ =	strace $0x9000005D  }
0xc4: {  	_ =	sfence  }
0xc5: {  	s30 =	sld [smem:$0x0];
	_ =	sdelay $0x2  }
0xc6: {  	s31 =	sshll.u32 s1, $0xD;
	s1 =	sshrl.u32 s1, $0x2  }
0xc7: {  	s4 =	sand.u32 $0x4000, s31;
	s1 =	sadd.s32 s1, s30  }
0xc8: {  	s0 =	sor.u32 s4, s0;
	s1 =	sshll.u32 s1, $0x11  }
0xc9: {  	s0 =	sor.u32 s1, s0  }
0xca: {  	s0 =	sadd.s32 $0x8F2B, s0  }
0xcb: {  	[sflag:s0] =	ssyncadd.remote.s32 $0x1  }
0xcc: {  	_ =	sfence.sel $0xFFFF  }
0xcd: {  	[dreg:$0x0] =	wrdreg $0xFFFFFFFF;
	(pc) =	sbr.abs _section_cstart, $3  }
0xce: {  	[dreg:$0x1] =	wrdreg $0xFFFFFFFF  }
0xcf: {  	_ =	task.clear_ibuf [dreg:s22], $0x2FFFF;
	_ =	strace $0x9FFFFFFF  }
0xd0: {  	(tm) =	ssettm $0x7FFFFFFF  }
0xd1: {  	_ =	shalt  }
tec
execute0_lowered:
.L_overlay_start_1:
0x0: {  	(tag) =	ssettag $0x1  }
0x1: {  	s4 =	rddreg [dreg:$0x0]  }
0x2: {  	s0 =	rddreg [dreg:$0x1];
	s1 =	simm.s32 $0x0  }
0x3: {  	s5 =	srdreg.scid;
	s2 =	stileid.u32;
	s9 =	simm.s32 $0x4800  }
0x4: {  	s10 =	simm.s32 $0x5000;
	s11 =	simm.s32 $0x5800;
	s12 =	simm.s32 $0x6000  }
0x5: {  	s13 =	simm.s32 $0x6800;
	s14 =	simm.s32 $0x7000;
	s15 =	simm.s32 $0x7800  }
0x6: {  	s16 =	simm.s32 $0x8000;
	s17 =	simm.s32 $0x8800;
	s18 =	simm.s32 $0x1  }
0x7: {  	s19 =	simm.s32 $0x0;
	[smem:$0x7FF] =	sst s1;
	s3 =	sadd.s32 $0xF3000, s4  }
0x8: {  	s5 =	sand.u32 $0x1, s5;
	s6 =	sshll.u32 s2, $0xC;
	s8 =	smul.u32 $0x9C400, s2  }
0x9: {  	_ =	strace $0x8000005C;
	s7 =	sshll.u32 s5, $0xB;
	s29 =	ssub.s32 $0x2, s5  }
0xa: {  	s5 =	smul.u32 $0x4E200, s5;
	s6 =	sor.u32 s7, s6;
	s30 =	sshrl.u32 s29, $0x1  }
0xb: {  	v2 =	vlaneseq.u32;
	s8 =	sadd.s32 s8, s4;
	s6 =	sadd.s32 s6, s4;
	s7 =	ssub.s32 s29, s30  }
0xc: {  	vm0 =	vmmov $0xffff;
	v1 =	vshrl.u32 v2, $0x3;
	s31 =	sadd.s32 s5, s8;
	s8 =	simm.s32 $0x4000;
	s4 =	sadd.s32 $0x5D5000, s6  }
0xd: {  	v0 =	vand.u32 $0x7, v2;
	v2 =	vor.u32 $0x8, v2;
	v1 =	vmul.u32 $0x8, v1;
	s5 =	smax.u32 s7, $0x1;
	s6 =	sadd.s32 $0x1582200, s31;
	s7 =	simm.s32 $0x2  }
.LBB2_1:
0xe: {  	[tilespmem:s1], [sflag:$0x2] =	stream.linear.gather [hbm4b:s4+s1], $0x3E80, $0x38;
	[tilespmem:$0x9000] =	vst v63  }
0xf: {  	_ =	swait.ge [sflag:s7], $0x3E80  }
0x10: {  	[sflag:s7] =	ssyncset.done $0x0  }
0x11: {  	s20 =	simm.s32 $0x20;
	s21 =	simm.s32 $0x0;
	[sflag:s7] =	ssyncadd.s32 $0xFFFFC180  }
.LBB2_2:
0x12: {  	v3 =	vld [tilespmem:s20+$0xFFFFFFE0];
	_ =	sdelay $0x4  }
0x13: {  	v4 =	vshll.u32 v3, $0x1  }
0x14: {  	v3 =	vand.u32 $0x7, v3;
	v4 =	vand.u32 $0xFFFFFFF0, v4  }
0x15: {  	v3 =	vor.u32 v3, v4  }
0x16: {  	v4 =	vperm.xlane v3, v0;
	_ =	sdelay $0x1  }
0x17: {  	v3 =	vperm.xlane v3, v2;
	v4 =	vadd.s32 v1, v4;
	_ =	sdelay $0x1  }
0x18: {  	v3 =	vadd.s32 v1, v3;
	_ =	sdelay $0x2  }
0x19: {  	[tilespmem:s8], [sflag:$0x1] =	stream.indirect_vreg.gather [hbm4b:s3+s1], $0x80, v4, vm0, $0xb8;
	[tilespmem:$0x9000] =	vst v63  }
0x1a: {  	_ = 	snop  }
0x1b: {  	[tilespmem:s9], [sflag:$0x1] =	stream.indirect_vreg.gather [hbm4b:s3+s1], $0x80, v3, vm0, $0xb8;
	[tilespmem:$0x9000] =	vst v63  }
0x1c: {  	v3 =	vld [tilespmem:s20+$0xFFFFFFF0];
	_ =	sdelay $0x4  }
0x1d: {  	v60 =	vshll.u32 v3, $0x1  }
0x1e: {  	v3 =	vand.u32 $0x7, v3;
	v4 =	vand.u32 $0xFFFFFFF0, v60  }
0x1f: {  	v3 =	vor.u32 v3, v4  }
0x20: {  	v4 =	vperm.xlane v3, v0;
	_ =	sdelay $0x1  }
0x21: {  	v3 =	vperm.xlane v3, v2;
	v4 =	vadd.s32 v1, v4;
	_ =	sdelay $0x1  }
0x22: {  	v3 =	vadd.s32 v1, v3;
	_ =	sdelay $0x2  }
0x23: {  	[tilespmem:s10], [sflag:$0x1] =	stream.indirect_vreg.gather [hbm4b:s3+s1], $0x80, v4, vm0, $0xb8;
	[tilespmem:$0x9000] =	vst v63  }
0x24: {  	_ = 	snop  }
0x25: {  	[tilespmem:s11], [sflag:$0x1] =	stream.indirect_vreg.gather [hbm4b:s3+s1], $0x80, v3, vm0, $0xb8;
	[tilespmem:$0x9000] =	vst v63  }
0x26: {  	v3 =	vld [tilespmem:s20+$0x0];
	_ =	sdelay $0x4  }
0x27: {  	v61 =	vshll.u32 v3, $0x1  }
0x28: {  	v3 =	vand.u32 $0x7, v3;
	v4 =	vand.u32 $0xFFFFFFF0, v61  }
0x29: {  	v3 =	vor.u32 v3, v4  }
0x2a: {  	v4 =	vperm.xlane v3, v0;
	_ =	sdelay $0x1  }
0x2b: {  	v3 =	vperm.xlane v3, v2;
	v4 =	vadd.s32 v1, v4;
	_ =	sdelay $0x1  }
0x2c: {  	v3 =	vadd.s32 v1, v3;
	_ =	sdelay $0x2  }
0x2d: {  	[tilespmem:s12], [sflag:$0x1] =	stream.indirect_vreg.gather [hbm4b:s3+s1], $0x80, v4, vm0, $0xb8;
	[tilespmem:$0x9000] =	vst v63  }
0x2e: {  	_ = 	snop  }
0x2f: {  	[tilespmem:s13], [sflag:$0x1] =	stream.indirect_vreg.gather [hbm4b:s3+s1], $0x80, v3, vm0, $0xb8;
	[tilespmem:$0x9000] =	vst v63  }
0x30: {  	v3 =	vld [tilespmem:s20+$0x10];
	_ =	sdelay $0x4  }
0x31: {  	v62 =	vshll.u32 v3, $0x1  }
0x32: {  	v3 =	vand.u32 $0x7, v3;
	v4 =	vand.u32 $0xFFFFFFF0, v62  }
0x33: {  	v3 =	vor.u32 v3, v4  }
0x34: {  	v4 =	vperm.xlane v3, v0;
	_ =	sdelay $0x1  }
0x35: {  	v3 =	vperm.xlane v3, v2;
	v4 =	vadd.s32 v1, v4;
	_ =	sdelay $0x1  }
0x36: {  	v3 =	vadd.s32 v1, v3;
	_ =	sdelay $0x2  }
0x37: {  	[tilespmem:s14], [sflag:$0x1] =	stream.indirect_vreg.gather [hbm4b:s3+s1], $0x80, v4, vm0, $0xb8;
	[tilespmem:$0x9000] =	vst v63  }
0x38: {  	_ = 	snop  }
0x39: {  	[tilespmem:s15], [sflag:$0x1] =	stream.indirect_vreg.gather [hbm4b:s3+s1], $0x80, v3, vm0, $0xb8;
	[tilespmem:$0x9000] =	vst v63  }
0x3a: {  	v3 =	vld [tilespmem:s20+$0x20];
	_ =	sdelay $0x4  }
0x3b: {  	v63 =	vshll.u32 v3, $0x1  }
0x3c: {  	v3 =	vand.u32 $0x7, v3;
	v4 =	vand.u32 $0xFFFFFFF0, v63  }
0x3d: {  	v3 =	vor.u32 v3, v4  }
0x3e: {  	v4 =	vperm.xlane v3, v0;
	_ =	sdelay $0x1  }
0x3f: {  	v3 =	vperm.xlane v3, v2;
	v4 =	vadd.s32 v1, v4;
	_ =	sdelay $0x1  }
0x40: {  	v3 =	vadd.s32 v1, v3;
	_ =	sdelay $0x2  }
0x41: {  	[tilespmem:s16], [sflag:$0x1] =	stream.indirect_vreg.gather [hbm4b:s3+s1], $0x80, v4, vm0, $0xb8;
	[tilespmem:$0x9000] =	vst v63  }
0x42: {  	_ = 	snop  }
0x43: {  	[tilespmem:s17], [sflag:$0x1] =	stream.indirect_vreg.gather [hbm4b:s3+s1], $0x80, v3, vm0, $0xb8;
	[tilespmem:$0x9000] =	vst v63  }
0x44: {  	_ =	swait.ge [sflag:s18], $0x5000  }
0x45: {  	p0 =	sne.s32 s21, $0x4D800;
	[sflag:s18] =	ssyncset.done $0x0  }
.Ltmp0:
0x46: {  	s22 =	sadd.s32 s21, s6;
	[sflag:s18] =	ssyncadd.s32 $0xFFFFB000;
	(pc) =	sbr.rel @p0 .LBB2_2-.Ltmp0, $4  }
0x47: {  	[hbm4b:s22+s1] =	stream.linear.scatter [tilespmem:s8], [sflag:$0x2], $0x5000, $0x38;
	[tilespmem:$0x9000] =	vst v63  }
0x48: {  	_ =	swait.ge [sflag:s7], $0x5000  }
0x49: {  	[sflag:s7] =	ssyncset.done $0x0  }
0x4a: {  	s21 =	sadd.s32 $0xA00, s21;
	s20 =	sadd.s32 $0x80, s20;
	[sflag:s7] =	ssyncadd.s32 $0xFFFFB000  }
0x4b: {  	s19 =	sadd.s32 $0x1, s19  }
0x4c: {  	p0 =	sne.s32 s19, s5  }
.Ltmp1:
0x4d: {  	_ = 	snop;
	(pc) =	sbr.rel @p0 .LBB2_1-.Ltmp1, $1  }
0x4e: {  	_ =	sdelay $0x3  }
0x4f: {  	_ =	sfence.sel $0x180000  }
0x50: {  	[bflag:$0x0] =	sbarrier.arrive $0xFFFF  }
0x51: {  	p0 =	sne.s32 s2, $0x0;
	_ =	strace $0x9000005C  }
0x52: {  	s0 =	sadd.s32 @!p0 $0x100000, s0;
	[bflag:$0x2] =	sbarrier.arrive $0xFFFF  }
0x53: {  	[sflag:s0] =	ssyncadd.tile.s32 @!p0 $0x1;
	_ =	shalt  }
.Lfunc_end2:
_tile_overlayer_lowered:
.L_overlay_start_2:
0x54: {  	(tag) =	ssettag $0x2  }
0x55: {  	s0 =	rddreg [dreg:$0x0];
	s2 =	stileid.u32  }
0x56: {  	s1 =	rddreg [dreg:$0x1];
	p0 =	sne.s32 s2, $0x0  }
0x57: {  	s3 =	rddreg [dreg:$0x2];
	[bflag:$0x3] =	sbarrier.arrive $0xFFFF;
	s2 =	simm.s32 @!p0 $0x1C02  }
0x58: {  	[timem:s3], [sflag:s2] =	dma.local @!p0 [hbm:s0], s1  }
0x59: {  	s0 =	simm.s32 @!p0 $0x2  }
0x5a: {  	_ =	swait.ge @!p0 [sflag:s0], s1  }
0x5b: {  	s1 =	ssub.s32 @!p0 $0x0, s1;
	[sflag:s0] =	ssyncset.done @!p0 $0x0  }
0x5c: {  	[sflag:s0] =	ssyncadd.s32 @!p0 s1  }
0x5d: {  	[bflag:$0x3] =	sbarrier.arrive $0xFFFF  }
0x5e: {  	_ =	shalt  }

// kernel: kernel.57.cloned.1.call-start
scs
__scs_entry_jumppad:
0x0: {  	(pc) =	sbr.rel $0x88, $3  }
0x1: {  	(tag) =	ssettag $0x0;
	lr =	simm.s32 $0x1  }
0x2: {  	[smem:$0x3F61] =	sst lr;
	_ =	strace $0xD0000000  }
0x3: {  	_ = 	snop  }
0x4: {  	_ = 	snop  }
0x5: {  	_ = 	snop  }
0x6: {  	_ = 	snop  }
0x7: {  	_ = 	snop  }
__scs_overlays_trampoline_lowered:
0x8: {  	[smem:$0x3F70] =	sst s0  }
0x9: {  	[smem:$0x3F71] =	sst s1  }
0xa: {  	[smem:$0x3F72] =	sst s2  }
0xb: {  	[smem:$0x3F73] =	sst s3  }
0xc: {  	[smem:$0x3F74] =	sst s4  }
0xd: {  	[smem:$0x3F75] =	sst s5  }
0xe: {  	[smem:$0x3F76] =	sst s6  }
0xf: {  	[smem:$0x3F77] =	sst s7  }
0x10: {  	[smem:$0x3F78] =	sst s8  }
0x11: {  	[smem:$0x3F79] =	sst s9;
	s0 =	simm.s32 @!p0 $0x0  }
0x12: {  	s1 =	sld [smem:$0x3F5F];
	s0 =	simm.s32 @p0 $0x1  }
0x13: {  	[smem:$0x3F7A] =	sst s0;
	s0 =	simm.s32 @!p1 $0x0  }
0x14: {  	s2 =	sld [smem:$0x3F5E];
	s0 =	simm.s32 @p1 $0x1  }
0x15: {  	[smem:$0x3F7B] =	sst s0;
	s0 =	simm.s32 @!p2 $0x0  }
0x16: {  	s3 =	sld [smem:$0x3FDB];
	s0 =	simm.s32 @p2 $0x1  }
0x17: {  	s4 =	simm.s32 $0x1BF5;
	[smem:$0x3F7D] =	sst s0  }
0x18: {  	s0 =	sld [smem:$0x3F60];
	_ =	swait.ge [sflag:s4], $0x0  }
0x19: {  	s7 =	sld [smem:$0x3F61]  }
0x1a: {  	s8 =	sadd.s32 $0xFFFFE003, lr  }
0x1b: {  	s9 =	sadd.s32 $0xFFFFFEF7, lr;
	s5 =	simm.s32 $0xFFFFFFFF;
	p2 =	slt.u32 s8, $0xFFFFF086  }
0x1c: {  	p1 =	slt.u32 s9, $0xF7A;
	s5 =	simm.s32 @!p2 $0x0  }
0x1d: {  	s5 =	simm.s32 @p1 $0x1;
	p0 =	seq.s32 s7, s2  }
0x1e: {  	s7 =	smul.u32 @!p0 $0xF7A, s2;
	p2 =	seq.s32 @!p0 s5, $0x0  }
0x1f: {  	s9 =	smul.u32 $0xF7A, s1;
	s8 =	simm.s32 @!p0 $0x1BF5;
	p2 =	por !p2, p0  }
0x20: {  	[sflag:s8] =	ssyncset.s32 @!p0 $0xFFFFF086;
	s6 =	sadd.s32 @!p0 s3, s7;
	s7 =	simm.s32 @!p0 $0x108  }
0x21: {  	s3 =	sadd.s32 s3, s9;
	s6 =	sadd.s32 @!p0 $0x88, s6;
	s7 =	simm.s32 @p2 $0x1082  }
0x22: {  	[simem:s7], [sflag:s8] =	dma.local @!p0 [hbm:s6], $0xF7A  }
0x23: {  	s9 =	sor.u32 $0xD0000000, s2;
	s6 =	simm.s32 $0x108;
	_ =	swait.ge @!p0 [sflag:s8], $0x0  }
0x24: {  	s3 =	sadd.s32 $0x88, s3;
	s6 =	simm.s32 @!p1 $0x1082;
	[sflag:s4] =	ssyncset.s32 $0xFFFFF086  }
0x25: {  	[simem:s6], [sflag:s4] =	dma.local [hbm:s3], $0xF7A  }
0x26: {  	[smem:$0x3F61] =	sst s1;
	(tag) =	ssettag s2;
	_ =	strace s9  }
0x27: {  	s1 =	sld [smem:$0x3F71]  }
0x28: {  	s2 =	sld [smem:$0x3F72]  }
0x29: {  	s4 =	sld [smem:$0x3F74]  }
0x2a: {  	p0 =	seq.s32 s5, $0x0;
	s5 =	sld [smem:$0x3F75]  }
0x2b: {  	s6 =	sld [smem:$0x3F76]  }
0x2c: {  	s7 =	sld [smem:$0x3F77]  }
0x2d: {  	s3 =	simm.s32 $0x108;
	s8 =	sld [smem:$0x3F78]  }
0x2e: {  	s3 =	simm.s32 @!p0 $0x1082;
	s9 =	sld [smem:$0x3F79]  }
0x2f: {  	lr =	sadd.s32 s0, s3;
	s0 =	sld [smem:$0x3F70]  }
0x30: {  	s3 =	sld [smem:$0x3F73]  }
0x31: {  	[smem:$0x3F7C] =	sst s10  }
0x32: {  	s10 =	sld [smem:$0x3F7A];
	_ =	sdelay $0x3  }
0x33: {  	p0 =	seq.s32 s10, $0x1;
	s10 =	sld [smem:$0x3F7C];
	_ =	sdelay $0x3  }
0x34: {  	[smem:$0x3F7C] =	sst s10  }
0x35: {  	s10 =	sld [smem:$0x3F7B];
	_ =	sdelay $0x3  }
0x36: {  	p1 =	seq.s32 s10, $0x1;
	s10 =	sld [smem:$0x3F7C];
	_ =	sdelay $0x3  }
0x37: {  	[smem:$0x3F7C] =	sst s10  }
0x38: {  	s10 =	sld [smem:$0x3F7D]  }
0x39: {  	_ = 	snop;
	(pc) =	sbr.ind lr, $3  }
0x3a: {  	_ = 	snop  }
0x3b: {  	_ = 	snop  }
0x3c: {  	p2 =	seq.s32 s10, $0x1;
	s10 =	sld [smem:$0x3F7C]  }
0x3d: {  	_ =	shalt  }
0x3e: {  	_ =	shalt  }
0x3f: {  	_ =	shalt  }
0x40: {  	_ =	shalt  }
0x41: {  	_ =	shalt  }
0x42: {  	_ =	shalt  }
0x43: {  	_ =	shalt  }
0x44: {  	_ =	shalt  }
0x45: {  	_ =	shalt  }
0x46: {  	_ =	shalt  }
0x47: {  	_ =	shalt  }
0x48: {  	_ =	shalt  }
0x49: {  	_ =	shalt  }
0x4a: {  	_ =	shalt  }
0x4b: {  	_ =	shalt  }
0x4c: {  	_ =	shalt  }
0x4d: {  	_ =	shalt  }
0x4e: {  	_ =	shalt  }
0x4f: {  	_ =	shalt  }
0x50: {  	_ =	shalt  }
0x51: {  	_ =	shalt  }
0x52: {  	_ =	shalt  }
0x53: {  	_ =	shalt  }
0x54: {  	_ =	shalt  }
0x55: {  	_ =	shalt  }
0x56: {  	_ =	shalt  }
0x57: {  	_ =	shalt  }
0x58: {  	_ =	shalt  }
0x59: {  	_ =	shalt  }
0x5a: {  	_ =	shalt  }
0x5b: {  	_ =	shalt  }
0x5c: {  	_ =	shalt  }
0x5d: {  	_ =	shalt  }
0x5e: {  	_ =	shalt  }
0x5f: {  	_ =	shalt  }
0x60: {  	_ =	shalt  }
0x61: {  	_ =	shalt  }
0x62: {  	_ =	shalt  }
0x63: {  	_ =	shalt  }
0x64: {  	_ =	shalt  }
0x65: {  	_ =	shalt  }
0x66: {  	_ =	shalt  }
0x67: {  	_ =	shalt  }
0x68: {  	_ =	shalt  }
0x69: {  	_ =	shalt  }
0x6a: {  	_ =	shalt  }
0x6b: {  	_ =	shalt  }
0x6c: {  	_ =	shalt  }
0x6d: {  	_ =	shalt  }
0x6e: {  	_ =	shalt  }
0x6f: {  	_ =	shalt  }
0x70: {  	_ =	shalt  }
0x71: {  	_ =	shalt  }
0x72: {  	_ =	shalt  }
0x73: {  	_ =	shalt  }
0x74: {  	_ =	shalt  }
0x75: {  	_ =	shalt  }
0x76: {  	_ =	shalt  }
0x77: {  	_ =	shalt  }
0x78: {  	_ =	shalt  }
0x79: {  	_ =	shalt  }
0x7a: {  	_ =	shalt  }
0x7b: {  	_ =	shalt  }
0x7c: {  	_ =	shalt  }
0x7d: {  	_ =	shalt  }
0x7e: {  	_ =	shalt  }
0x7f: {  	_ =	shalt  }
0x80: {  	_ =	shalt  }
0x81: {  	_ =	shalt  }
0x82: {  	_ =	shalt  }
0x83: {  	_ =	shalt  }
0x84: {  	_ =	shalt  }
0x85: {  	_ =	shalt  }
0x86: {  	_ =	shalt  }
0x87: {  	_ =	shalt  }
.Lfunc_end0:
.L_simem_size_0:
called_computation.10_lowered:
.L_overlay_start_0:
0x88: {  	s2 =	sld [smem:$0x3FD9]  }
0x89: {  	s3 =	sld [smem:$0x3FFE];
	_ =	sdelay $0x1  }
0x8a: {  	s1 =	srdreg.scid  }
0x8b: {  	s0 =	sand.u32 $0x1, s1  }
0x8c: {  	s17 =	sshll.u32 s0, $0xA;
	s2 =	sadd.s32 s3, s2  }
0x8d: {  	s2 =	sadd.s32 s2, s17  }
0x8e: {  	[smem:$0x3F88] =	sst s2  }
0x8f: {  	_ = 	snop  }
0x90: {  	(tm) =	ssettm $0x1  }
0x91: {  	s18 =	sld [smem:$0x3FFB];
	_ =	sdelay $0x3  }
0x92: {  	_ =	strace s18  }
0x93: {  	s2 =	sld [smem:$0x3FFC];
	_ =	sdelay $0x3  }
0x94: {  	_ =	strace s2  }
0x95: {  	s2 =	sld [smem:$0x3FFD];
	_ =	sdelay $0x3  }
0x96: {  	_ =	strace s2  }
0x97: {  	_ =	strace $0x8FFFFFFF  }
0x98: {  	s19 =	sld [smem:$0x3FDB];
	_ =	sdelay $0x1  }
0x99: {  	s20 =	simm.s32 $_scs_section_size  }
0x9a: {  	s4 =	simm.s32 $_size__tile_overlayer_lowered;
	s5 =	simm.s32 $_tile_overlayer_lowered  }
0x9b: {  	s6 =	simm.s32 $0x1BFF;
	s21 =	sshll.u32 s5, $0x1;
	s3 =	sadd.s32 s20, s19  }
0x9c: {  	s22 =	simm.s32 $0x0;
	s4 =	sshll.u32 s4, $0x1;
	s5 =	sadd.s32 s21, s3  }
0x9d: {  	[timem:s22], [sflag:s6] =	dma.local [hbm:s5], s4  }
0x9e: {  	_ =	swait.ge [sflag:s6], s4  }
0x9f: {  	s4 =	ssub.s32 $0x0, s4;
	[sflag:s6] =	ssyncset.done $0x0  }
0xa0: {  	[sflag:s6] =	ssyncadd.s32 s4;
	_ =	sdelay $0x1  }
0xa1: {  	s23 =	simm.s32 $0x1B8B  }
0xa2: {  	_ =	swait.ge [sflag:s23], $0x1  }
0xa3: {  	[sflag:s23] =	ssyncset.done $0x0  }
0xa4: {  	[sflag:s23] =	ssyncadd.s32 $0xFFFFFFFF  }
0xa5: {  	s4 =	sld [smem:$0x0]  }
0xa6: {  	s5 =	sand.u32 $0xFFFFFFFE, s1  }
0xa7: {  	p0 =	sne.s32 s1, s5  }
0xa8: {  	s5 =	sshll.u32 @p0 s5, $0xE  }
0xa9: {  	s5 =	sadd.s32 @p0 $0x11B8D, s5;
	s6 =	sshll.u32 @p0 s4, $0x11  }
0xaa: {  	s5 =	sor.u32 @p0 s6, s5  }
0xab: {  	[sflag:s5] =	ssyncadd.remote.s32 @p0 $0x1;
	_ =	sdelay $0x1  }
0xac: {  	s5 =	simm.s32 @p0 $0x1B8D  }
0xad: {  	_ =	swait.eq @p0 [sflag:s5], $0x1  }
0xae: {  	[sflag:s5] =	ssyncadd.s32 @p0 $0xFFFFFFFF  }
0xaf: {  	s6 =	sshll.u32 @!p0 s1, $0xE  }
0xb0: {  	s6 =	sor.u32 @!p0 $0x4000, s6;
	s5 =	simm.s32 @!p0 $0x1B8D  }
0xb1: {  	s4 =	sshll.u32 @!p0 s4, $0x11;
	s6 =	sadd.s32 @!p0 $0x11B8D, s6;
	_ =	swait.eq @!p0 [sflag:s5], $0x1  }
0xb2: {  	s4 =	sor.u32 @!p0 s4, s6;
	[sflag:s5] =	ssyncadd.s32 @!p0 $0xFFFFFFFF  }
0xb3: {  	s25 =	simm.s32 $0x1B8E;
	s24 =	sld [smem:$0x3FFE];
	[sflag:s4] =	ssyncadd.remote.s32 @!p0 $0x1  }
0xb4: {  	s26 =	simm.s32 $execute0_lowered;
	[smem:$0x3FD2] =	sst s25  }
0xb5: {  	s5 =	sshll.u32 s26, $0x1;
	_ =	strace $0x80000058;
	[dreg:$0x1] =	wrdreg $0xFFFFFFFF  }
0xb6: {  	s28 =	simm.s32 $_size_execute0_lowered;
	s3 =	sadd.s32 s3, s5;
	[dreg:$0x0] =	wrdreg $0x0  }
0xb7: {  	s5 =	sshll.u32 s28, $0x1;
	[dreg:$0x2] =	wrdreg s3  }
0xb8: {  	[dreg:$0x3] =	wrdreg s5  }
0xb9: {  	[dreg:$0x4] =	wrdreg $0xC0  }
0xba: {  	_ =	task [dreg:s22], $0x5FFFF  }
0xbb: {  	[dreg:$0x1] =	wrdreg $0xFFFFFFFF  }
0xbc: {  	[dreg:$0x0] =	wrdreg $0x60  }
0xbd: {  	[dreg:$0x2] =	wrdreg s24  }
0xbe: {  	[dreg:$0x3] =	wrdreg $0xC  }
0xbf: {  	_ =	task.clear_ibuf [dreg:s22], $0x4FFFF;
	_ =	strace $0x90000058  }
0xc0: {  	s29 =	simm.s32 $0xC;
	_ =	strace $0x8000005A  }
0xc1: {  	_ =	swait.ge [sflag:s29], $0x1  }
0xc2: {  	[sflag:s29] =	ssyncadd.s32 $0xFFFFFFFF  }
0xc3: {  	_ =	strace $0x9000005A  }
0xc4: {  	_ =	sfence  }
0xc5: {  	s30 =	sld [smem:$0x0];
	_ =	sdelay $0x2  }
0xc6: {  	s31 =	sshll.u32 s1, $0xD;
	s1 =	sshrl.u32 s1, $0x2  }
0xc7: {  	s4 =	sand.u32 $0x4000, s31;
	s1 =	sadd.s32 s1, s30  }
0xc8: {  	s0 =	sor.u32 s4, s0;
	s1 =	sshll.u32 s1, $0x11  }
0xc9: {  	s0 =	sor.u32 s1, s0  }
0xca: {  	s0 =	sadd.s32 $0x8F2B, s0  }
0xcb: {  	[sflag:s0] =	ssyncadd.remote.s32 $0x1  }
0xcc: {  	_ =	sfence.sel $0xFFFF  }
0xcd: {  	[dreg:$0x0] =	wrdreg $0xFFFFFFFF;
	(pc) =	sbr.abs _section_cstart, $3  }
0xce: {  	[dreg:$0x1] =	wrdreg $0xFFFFFFFF  }
0xcf: {  	_ =	task.clear_ibuf [dreg:s22], $0x2FFFF;
	_ =	strace $0x9FFFFFFF  }
0xd0: {  	(tm) =	ssettm $0x7FFFFFFF  }
0xd1: {  	_ =	shalt  }
tec
execute0_lowered:
.L_overlay_start_1:
0x0: {  	(tag) =	ssettag $0x1  }
0x1: {  	s4 =	rddreg [dreg:$0x0]  }
0x2: {  	s0 =	rddreg [dreg:$0x1];
	s2 =	simm.s32 $0x0;
	s5 =	srdreg.scid  }
0x3: {  	s1 =	stileid.u32;
	s11 =	simm.s32 $0x0;
	[smem:$0x7FF] =	sst s2  }
0x4: {  	s3 =	sadd.s32 $0x101AE00, s4;
	s5 =	sand.u32 $0x1, s5;
	s6 =	sshll.u32 s1, $0xC  }
0x5: {  	s8 =	smul.u32 $0x4E200, s1;
	_ =	strace $0x80000059;
	s7 =	sshll.u32 s5, $0xB  }
0x6: {  	s9 =	ssub.s32 $0x2, s5;
	s10 =	smul.u32 $0x27100, s5;
	s6 =	sor.u32 s7, s6  }
0x7: {  	s29 =	sshrl.u32 s9, $0x1;
	s31 =	sadd.s32 s8, s4;
	s8 =	simm.s32 $0x50  }
0x8: {  	s30 =	sadd.s32 s6, s4;
	s7 =	ssub.s32 s9, s29;
	s6 =	sadd.s32 s10, s31  }
0x9: {  	s9 =	simm.s32 $0x4000;
	s10 =	simm.s32 $0x1;
	s4 =	sadd.s32 $0x1FA00, s30  }
0xa: {  	s5 =	smax.u32 s7, $0x1;
	s6 =	sadd.s32 $0x1090200, s6;
	s7 =	simm.s32 $0x2  }
.LBB2_1:
0xb: {  	[tilespmem:s2], [sflag:$0x2] =	stream.linear.gather [hbm4b:s4+s2], $0x3E80, $0x38;
	[tilespmem:$0x6800] =	vst v63  }
0xc: {  	_ =	swait.ge [sflag:s7], $0x3E80  }
0xd: {  	[sflag:s7] =	ssyncset.done $0x0  }
0xe: {  	s12 =	simm.s32 $0x0;
	[sflag:s7] =	ssyncadd.s32 $0xFFFFC180  }
0xf: {  	[tilespmem:s9], [sflag:$0x1] =	stream.indirect.gather [hbm4b:s3+s8], $0x80, s12, s8, $0xb8;
	[tilespmem:$0x6800] =	vst v63  }
0x10: {  	_ =	swait.ge [sflag:s10], $0x2800  }
0x11: {  	[sflag:s10] =	ssyncset.done $0x0  }
0x12: {  	[sflag:s10] =	ssyncadd.s32 $0xFFFFD800  }
0x13: {  	[hbm4b:s6+s2] =	stream.linear.scatter [tilespmem:s9], [sflag:$0x2], $0x2800, $0x38;
	[tilespmem:$0x6800] =	vst v63  }
0x14: {  	s13 =	simm.s32 $0x200;
	_ =	swait.ge [sflag:s7], $0x2800  }
0x15: {  	s14 =	simm.s32 $0x400;
	s12 =	sadd.s32 $0x500, s6;
	[sflag:s7] =	ssyncset.done $0x0  }
.LBB2_2:
0x16: {  	s15 =	sshra.s32 s13, $0x2  }
0x17: {  	[sflag:s7] =	ssyncadd.s32 $0xFFFFD800;
	s13 =	smov.u32 s14;
	s16 =	sadd.s32 $0x200, s14  }
0x18: {  	[tilespmem:s9], [sflag:$0x1] =	stream.indirect.gather [hbm4b:s3+s8], $0x80, s15, s8, $0xb8;
	[tilespmem:$0x6800] =	vst v63  }
0x19: {  	p0 =	sne.s32 s14, $0xF800;
	_ =	swait.ge [sflag:s10], $0x2800  }
.Ltmp0:
0x1a: {  	[sflag:s10] =	ssyncset.done $0x0;
	(pc) =	sbr.rel @p0 .LBB2_2-.Ltmp0, $4  }
0x1b: {  	[sflag:s10] =	ssyncadd.s32 $0xFFFFD800  }
0x1c: {  	[hbm4b:s12+s2] =	stream.linear.scatter [tilespmem:s9], [sflag:$0x2], $0x2800, $0x38;
	[tilespmem:$0x6800] =	vst v63  }
0x1d: {  	_ =	swait.ge [sflag:s7], $0x2800  }
0x1e: {  	s14 =	smov.u32 s16;
	s12 =	sadd.s32 $0x500, s12;
	[sflag:s7] =	ssyncset.done $0x0  }
0x1f: {  	s13 =	sshra.s32 s13, $0x2;
	[sflag:s7] =	ssyncadd.s32 $0xFFFFD800  }
0x20: {  	[tilespmem:s9], [sflag:$0x1] =	stream.indirect.gather [hbm4b:s3+s8], $0x80, s13, s8, $0xb8;
	[tilespmem:$0x6800] =	vst v63  }
0x21: {  	s11 =	sadd.s32 $0x1, s11;
	_ =	swait.ge [sflag:s10], $0x2800  }
0x22: {  	p0 =	sne.s32 s11, s5;
	[sflag:s10] =	ssyncset.done $0x0  }
.Ltmp1:
0x23: {  	[sflag:s10] =	ssyncadd.s32 $0xFFFFD800;
	(pc) =	sbr.rel @p0 .LBB2_1-.Ltmp1, $4  }
0x24: {  	[hbm4b:s12+s2] =	stream.linear.scatter [tilespmem:s9], [sflag:$0x2], $0x2800, $0x38;
	[tilespmem:$0x6800] =	vst v63  }
0x25: {  	_ =	swait.ge [sflag:s7], $0x2800  }
0x26: {  	[sflag:s7] =	ssyncset.done $0x0  }
0x27: {  	[sflag:s7] =	ssyncadd.s32 $0xFFFFD800  }
0x28: {  	_ =	sfence.sel $0x180000  }
0x29: {  	[bflag:$0x0] =	sbarrier.arrive $0xFFFF  }
0x2a: {  	p0 =	sne.s32 s1, $0x0;
	_ =	strace $0x90000059  }
0x2b: {  	s0 =	sadd.s32 @!p0 $0x100000, s0;
	[bflag:$0x2] =	sbarrier.arrive $0xFFFF  }
0x2c: {  	[sflag:s0] =	ssyncadd.tile.s32 @!p0 $0x1;
	_ =	shalt  }
.Lfunc_end2:
_tile_overlayer_lowered:
.L_overlay_start_2:
0x2d: {  	(tag) =	ssettag $0x2  }
0x2e: {  	s0 =	rddreg [dreg:$0x0];
	s2 =	stileid.u32  }
0x2f: {  	s1 =	rddreg [dreg:$0x1];
	p0 =	sne.s32 s2, $0x0  }
0x30: {  	s3 =	rddreg [dreg:$0x2];
	[bflag:$0x3] =	sbarrier.arrive $0xFFFF;
	s2 =	simm.s32 @!p0 $0x1C02  }
0x31: {  	[timem:s3], [sflag:s2] =	dma.local @!p0 [hbm:s0], s1  }
0x32: {  	s0 =	simm.s32 @!p0 $0x2  }
0x33: {  	_ =	swait.ge @!p0 [sflag:s0], s1  }
0x34: {  	s1 =	ssub.s32 @!p0 $0x0, s1;
	[sflag:s0] =	ssyncset.done @!p0 $0x0  }
0x35: {  	[sflag:s0] =	ssyncadd.s32 @!p0 s1  }
0x36: {  	[bflag:$0x3] =	sbarrier.arrive $0xFFFF  }
0x37: {  	_ =	shalt  }

// kernel: kernel.60.cloned.1.call-start
scs
__scs_entry_jumppad:
0x0: {  	(pc) =	sbr.rel $0x88, $3  }
0x1: {  	(tag) =	ssettag $0x0;
	lr =	simm.s32 $0x1  }
0x2: {  	[smem:$0x3F61] =	sst lr;
	_ =	strace $0xD0000000  }
0x3: {  	_ = 	snop  }
0x4: {  	_ = 	snop  }
0x5: {  	_ = 	snop  }
0x6: {  	_ = 	snop  }
0x7: {  	_ = 	snop  }
__scs_overlays_trampoline_lowered:
0x8: {  	[smem:$0x3F70] =	sst s0  }
0x9: {  	[smem:$0x3F71] =	sst s1  }
0xa: {  	[smem:$0x3F72] =	sst s2  }
0xb: {  	[smem:$0x3F73] =	sst s3  }
0xc: {  	[smem:$0x3F74] =	sst s4  }
0xd: {  	[smem:$0x3F75] =	sst s5  }
0xe: {  	[smem:$0x3F76] =	sst s6  }
0xf: {  	[smem:$0x3F77] =	sst s7  }
0x10: {  	[smem:$0x3F78] =	sst s8  }
0x11: {  	[smem:$0x3F79] =	sst s9;
	s0 =	simm.s32 @!p0 $0x0  }
0x12: {  	s1 =	sld [smem:$0x3F5F];
	s0 =	simm.s32 @p0 $0x1  }
0x13: {  	[smem:$0x3F7A] =	sst s0;
	s0 =	simm.s32 @!p1 $0x0  }
0x14: {  	s2 =	sld [smem:$0x3F5E];
	s0 =	simm.s32 @p1 $0x1  }
0x15: {  	[smem:$0x3F7B] =	sst s0;
	s0 =	simm.s32 @!p2 $0x0  }
0x16: {  	s3 =	sld [smem:$0x3FDB];
	s0 =	simm.s32 @p2 $0x1  }
0x17: {  	s4 =	simm.s32 $0x1BF5;
	[smem:$0x3F7D] =	sst s0  }
0x18: {  	s0 =	sld [smem:$0x3F60];
	_ =	swait.ge [sflag:s4], $0x0  }
0x19: {  	s7 =	sld [smem:$0x3F61]  }
0x1a: {  	s8 =	sadd.s32 $0xFFFFE003, lr  }
0x1b: {  	s9 =	sadd.s32 $0xFFFFFEF7, lr;
	s5 =	simm.s32 $0xFFFFFFFF;
	p2 =	slt.u32 s8, $0xFFFFF086  }
0x1c: {  	p1 =	slt.u32 s9, $0xF7A;
	s5 =	simm.s32 @!p2 $0x0  }
0x1d: {  	s5 =	simm.s32 @p1 $0x1;
	p0 =	seq.s32 s7, s2  }
0x1e: {  	s7 =	smul.u32 @!p0 $0xF7A, s2;
	p2 =	seq.s32 @!p0 s5, $0x0  }
0x1f: {  	s9 =	smul.u32 $0xF7A, s1;
	s8 =	simm.s32 @!p0 $0x1BF5;
	p2 =	por !p2, p0  }
0x20: {  	[sflag:s8] =	ssyncset.s32 @!p0 $0xFFFFF086;
	s6 =	sadd.s32 @!p0 s3, s7;
	s7 =	simm.s32 @!p0 $0x108  }
0x21: {  	s3 =	sadd.s32 s3, s9;
	s6 =	sadd.s32 @!p0 $0x88, s6;
	s7 =	simm.s32 @p2 $0x1082  }
0x22: {  	[simem:s7], [sflag:s8] =	dma.local @!p0 [hbm:s6], $0xF7A  }
0x23: {  	s9 =	sor.u32 $0xD0000000, s2;
	s6 =	simm.s32 $0x108;
	_ =	swait.ge @!p0 [sflag:s8], $0x0  }
0x24: {  	s3 =	sadd.s32 $0x88, s3;
	s6 =	simm.s32 @!p1 $0x1082;
	[sflag:s4] =	ssyncset.s32 $0xFFFFF086  }
0x25: {  	[simem:s6], [sflag:s4] =	dma.local [hbm:s3], $0xF7A  }
0x26: {  	[smem:$0x3F61] =	sst s1;
	(tag) =	ssettag s2;
	_ =	strace s9  }
0x27: {  	s1 =	sld [smem:$0x3F71]  }
0x28: {  	s2 =	sld [smem:$0x3F72]  }
0x29: {  	s4 =	sld [smem:$0x3F74]  }
0x2a: {  	p0 =	seq.s32 s5, $0x0;
	s5 =	sld [smem:$0x3F75]  }
0x2b: {  	s6 =	sld [smem:$0x3F76]  }
0x2c: {  	s7 =	sld [smem:$0x3F77]  }
0x2d: {  	s3 =	simm.s32 $0x108;
	s8 =	sld [smem:$0x3F78]  }
0x2e: {  	s3 =	simm.s32 @!p0 $0x1082;
	s9 =	sld [smem:$0x3F79]  }
0x2f: {  	lr =	sadd.s32 s0, s3;
	s0 =	sld [smem:$0x3F70]  }
0x30: {  	s3 =	sld [smem:$0x3F73]  }
0x31: {  	[smem:$0x3F7C] =	sst s10  }
0x32: {  	s10 =	sld [smem:$0x3F7A];
	_ =	sdelay $0x3  }
0x33: {  	p0 =	seq.s32 s10, $0x1;
	s10 =	sld [smem:$0x3F7C];
	_ =	sdelay $0x3  }
0x34: {  	[smem:$0x3F7C] =	sst s10  }
0x35: {  	s10 =	sld [smem:$0x3F7B];
	_ =	sdelay $0x3  }
0x36: {  	p1 =	seq.s32 s10, $0x1;
	s10 =	sld [smem:$0x3F7C];
	_ =	sdelay $0x3  }
0x37: {  	[smem:$0x3F7C] =	sst s10  }
0x38: {  	s10 =	sld [smem:$0x3F7D]  }
0x39: {  	_ = 	snop;
	(pc) =	sbr.ind lr, $3  }
0x3a: {  	_ = 	snop  }
0x3b: {  	_ = 	snop  }
0x3c: {  	p2 =	seq.s32 s10, $0x1;
	s10 =	sld [smem:$0x3F7C]  }
0x3d: {  	_ =	shalt  }
0x3e: {  	_ =	shalt  }
0x3f: {  	_ =	shalt  }
0x40: {  	_ =	shalt  }
0x41: {  	_ =	shalt  }
0x42: {  	_ =	shalt  }
0x43: {  	_ =	shalt  }
0x44: {  	_ =	shalt  }
0x45: {  	_ =	shalt  }
0x46: {  	_ =	shalt  }
0x47: {  	_ =	shalt  }
0x48: {  	_ =	shalt  }
0x49: {  	_ =	shalt  }
0x4a: {  	_ =	shalt  }
0x4b: {  	_ =	shalt  }
0x4c: {  	_ =	shalt  }
0x4d: {  	_ =	shalt  }
0x4e: {  	_ =	shalt  }
0x4f: {  	_ =	shalt  }
0x50: {  	_ =	shalt  }
0x51: {  	_ =	shalt  }
0x52: {  	_ =	shalt  }
0x53: {  	_ =	shalt  }
0x54: {  	_ =	shalt  }
0x55: {  	_ =	shalt  }
0x56: {  	_ =	shalt  }
0x57: {  	_ =	shalt  }
0x58: {  	_ =	shalt  }
0x59: {  	_ =	shalt  }
0x5a: {  	_ =	shalt  }
0x5b: {  	_ =	shalt  }
0x5c: {  	_ =	shalt  }
0x5d: {  	_ =	shalt  }
0x5e: {  	_ =	shalt  }
0x5f: {  	_ =	shalt  }
0x60: {  	_ =	shalt  }
0x61: {  	_ =	shalt  }
0x62: {  	_ =	shalt  }
0x63: {  	_ =	shalt  }
0x64: {  	_ =	shalt  }
0x65: {  	_ =	shalt  }
0x66: {  	_ =	shalt  }
0x67: {  	_ =	shalt  }
0x68: {  	_ =	shalt  }
0x69: {  	_ =	shalt  }
0x6a: {  	_ =	shalt  }
0x6b: {  	_ =	shalt  }
0x6c: {  	_ =	shalt  }
0x6d: {  	_ =	shalt  }
0x6e: {  	_ =	shalt  }
0x6f: {  	_ =	shalt  }
0x70: {  	_ =	shalt  }
0x71: {  	_ =	shalt  }
0x72: {  	_ =	shalt  }
0x73: {  	_ =	shalt  }
0x74: {  	_ =	shalt  }
0x75: {  	_ =	shalt  }
0x76: {  	_ =	shalt  }
0x77: {  	_ =	shalt  }
0x78: {  	_ =	shalt  }
0x79: {  	_ =	shalt  }
0x7a: {  	_ =	shalt  }
0x7b: {  	_ =	shalt  }
0x7c: {  	_ =	shalt  }
0x7d: {  	_ =	shalt  }
0x7e: {  	_ =	shalt  }
0x7f: {  	_ =	shalt  }
0x80: {  	_ =	shalt  }
0x81: {  	_ =	shalt  }
0x82: {  	_ =	shalt  }
0x83: {  	_ =	shalt  }
0x84: {  	_ =	shalt  }
0x85: {  	_ =	shalt  }
0x86: {  	_ =	shalt  }
0x87: {  	_ =	shalt  }
.Lfunc_end0:
.L_simem_size_0:
called_computation.11_lowered:
.L_overlay_start_0:
0x88: {  	s2 =	sld [smem:$0x3FD9]  }
0x89: {  	s3 =	sld [smem:$0x3FFE];
	_ =	sdelay $0x1  }
0x8a: {  	s1 =	srdreg.scid  }
0x8b: {  	s0 =	sand.u32 $0x1, s1  }
0x8c: {  	s17 =	sshll.u32 s0, $0xA;
	s2 =	sadd.s32 s3, s2  }
0x8d: {  	s2 =	sadd.s32 s2, s17  }
0x8e: {  	[smem:$0x3F88] =	sst s2  }
0x8f: {  	_ = 	snop  }
0x90: {  	(tm) =	ssettm $0x1  }
0x91: {  	s18 =	sld [smem:$0x3FFB];
	_ =	sdelay $0x3  }
0x92: {  	_ =	strace s18  }
0x93: {  	s2 =	sld [smem:$0x3FFC];
	_ =	sdelay $0x3  }
0x94: {  	_ =	strace s2  }
0x95: {  	s2 =	sld [smem:$0x3FFD];
	_ =	sdelay $0x3  }
0x96: {  	_ =	strace s2  }
0x97: {  	_ =	strace $0x8FFFFFFF  }
0x98: {  	s19 =	sld [smem:$0x3FDB];
	_ =	sdelay $0x1  }
0x99: {  	s20 =	simm.s32 $_scs_section_size  }
0x9a: {  	s4 =	simm.s32 $_size__tile_overlayer_lowered;
	s5 =	simm.s32 $_tile_overlayer_lowered  }
0x9b: {  	s6 =	simm.s32 $0x1BFF;
	s21 =	sshll.u32 s5, $0x1;
	s3 =	sadd.s32 s20, s19  }
0x9c: {  	s22 =	simm.s32 $0x0;
	s4 =	sshll.u32 s4, $0x1;
	s5 =	sadd.s32 s21, s3  }
0x9d: {  	[timem:s22], [sflag:s6] =	dma.local [hbm:s5], s4  }
0x9e: {  	_ =	swait.ge [sflag:s6], s4  }
0x9f: {  	s4 =	ssub.s32 $0x0, s4;
	[sflag:s6] =	ssyncset.done $0x0  }
0xa0: {  	[sflag:s6] =	ssyncadd.s32 s4;
	_ =	sdelay $0x1  }
0xa1: {  	s23 =	simm.s32 $0x1B8B  }
0xa2: {  	_ =	swait.ge [sflag:s23], $0x1  }
0xa3: {  	[sflag:s23] =	ssyncset.done $0x0  }
0xa4: {  	[sflag:s23] =	ssyncadd.s32 $0xFFFFFFFF  }
0xa5: {  	s4 =	sld [smem:$0x0]  }
0xa6: {  	s5 =	sand.u32 $0xFFFFFFFE, s1  }
0xa7: {  	p0 =	sne.s32 s1, s5  }
0xa8: {  	s5 =	sshll.u32 @p0 s5, $0xE  }
0xa9: {  	s5 =	sadd.s32 @p0 $0x11B8D, s5;
	s6 =	sshll.u32 @p0 s4, $0x11  }
0xaa: {  	s5 =	sor.u32 @p0 s6, s5  }
0xab: {  	[sflag:s5] =	ssyncadd.remote.s32 @p0 $0x1;
	_ =	sdelay $0x1  }
0xac: {  	s5 =	simm.s32 @p0 $0x1B8D  }
0xad: {  	_ =	swait.eq @p0 [sflag:s5], $0x1  }
0xae: {  	[sflag:s5] =	ssyncadd.s32 @p0 $0xFFFFFFFF  }
0xaf: {  	s6 =	sshll.u32 @!p0 s1, $0xE  }
0xb0: {  	s6 =	sor.u32 @!p0 $0x4000, s6;
	s5 =	simm.s32 @!p0 $0x1B8D  }
0xb1: {  	s4 =	sshll.u32 @!p0 s4, $0x11;
	s6 =	sadd.s32 @!p0 $0x11B8D, s6;
	_ =	swait.eq @!p0 [sflag:s5], $0x1  }
0xb2: {  	s4 =	sor.u32 @!p0 s4, s6;
	[sflag:s5] =	ssyncadd.s32 @!p0 $0xFFFFFFFF  }
0xb3: {  	s25 =	simm.s32 $0x1B8E;
	s24 =	sld [smem:$0x3FFE];
	[sflag:s4] =	ssyncadd.remote.s32 @!p0 $0x1  }
0xb4: {  	s26 =	simm.s32 $execute0_lowered;
	[smem:$0x3FD2] =	sst s25  }
0xb5: {  	s5 =	sshll.u32 s26, $0x1;
	_ =	strace $0x80000064;
	[dreg:$0x1] =	wrdreg $0xFFFFFFFF  }
0xb6: {  	s28 =	simm.s32 $_size_execute0_lowered;
	s3 =	sadd.s32 s3, s5;
	[dreg:$0x0] =	wrdreg $0x0  }
0xb7: {  	s5 =	sshll.u32 s28, $0x1;
	[dreg:$0x2] =	wrdreg s3  }
0xb8: {  	[dreg:$0x3] =	wrdreg s5  }
0xb9: {  	[dreg:$0x4] =	wrdreg $0xC0  }
0xba: {  	_ =	task [dreg:s22], $0x5FFFF  }
0xbb: {  	[dreg:$0x1] =	wrdreg $0xFFFFFFFF  }
0xbc: {  	[dreg:$0x0] =	wrdreg $0x60  }
0xbd: {  	[dreg:$0x2] =	wrdreg s24  }
0xbe: {  	[dreg:$0x3] =	wrdreg $0xA8000  }
0xbf: {  	[dreg:$0x4] =	wrdreg $0xB  }
0xc0: {  	_ =	task.clear_ibuf [dreg:s22], $0x5FFFF;
	_ =	strace $0x90000064  }
0xc1: {  	s29 =	simm.s32 $0xB;
	_ =	strace $0x80000066  }
0xc2: {  	_ =	swait.ge [sflag:s29], $0x1  }
0xc3: {  	[sflag:s29] =	ssyncadd.s32 $0xFFFFFFFF  }
0xc4: {  	_ =	strace $0x90000066  }
0xc5: {  	_ =	sfence  }
0xc6: {  	s30 =	sld [smem:$0x0];
	_ =	sdelay $0x2  }
0xc7: {  	s31 =	sshll.u32 s1, $0xD;
	s1 =	sshrl.u32 s1, $0x2  }
0xc8: {  	s4 =	sand.u32 $0x4000, s31;
	s1 =	sadd.s32 s1, s30  }
0xc9: {  	s0 =	sor.u32 s4, s0;
	s1 =	sshll.u32 s1, $0x11  }
0xca: {  	s0 =	sor.u32 s1, s0  }
0xcb: {  	s0 =	sadd.s32 $0x8F2B, s0  }
0xcc: {  	[sflag:s0] =	ssyncadd.remote.s32 $0x1  }
0xcd: {  	_ =	sfence.sel $0xFFFF  }
0xce: {  	[dreg:$0x0] =	wrdreg $0xFFFFFFFF;
	(pc) =	sbr.abs _section_cstart, $3  }
0xcf: {  	[dreg:$0x1] =	wrdreg $0xFFFFFFFF  }
0xd0: {  	_ =	task.clear_ibuf [dreg:s22], $0x2FFFF;
	_ =	strace $0x9FFFFFFF  }
0xd1: {  	(tm) =	ssettm $0x7FFFFFFF  }
tec
execute0_lowered:
.L_overlay_start_1:
0x0: {  	(tag) =	ssettag $0x1  }
0x1: {  	s1 =	srdreg.scid;
	s5 =	rddreg [dreg:$0x0]  }
0x2: {  	s0 =	stileid.u32;
	s2 =	rddreg [dreg:$0x1]  }
0x3: {  	s3 =	simm.s32 $0x0;
	s15 =	simm.s32 $0x800;
	s16 =	simm.s32 $0x8000  }
0x4: {  	s17 =	simm.s32 $0x50;
	s18 =	simm.s32 $0x8;
	s19 =	simm.s32 $0x100  }
0x5: {  	s20 =	simm.s32 $0x80;
	s6 =	sand.u32 $0x1, s1;
	s1 =	rddreg [dreg:$0x2]  }
0x6: {  	s21 =	simm.s32 $0x0;
	s4 =	smul.u32 $0x4E2000, s0;
	[smem:$0x7FF] =	sst s3  }
0x7: {  	s8 =	sshll.u32 s0, $0xC;
	s11 =	smul.u32 $0x4E000, s0;
	s12 =	sadd.s32 $0x1090200, s5  }
0x8: {  	s13 =	smul.u32 $0x27000, s0;
	s29 =	sshll.u32 s0, $0x6;
	p0 =	sne.s32 s0, $0xF  }
0x9: {  	s7 =	sshll.u32 s6, $0xA;
	_ =	strace $0x80000065;
	s8 =	sadd.s32 s8, s5  }
0xa: {  	s9 =	ssub.s32 $0x2, s6;
	s30 =	sshll.u32 s6, $0x7;
	s4 =	sor.u32 s7, s4  }
0xb: {  	s26 =	sshrl.u32 s9, $0x1;
	s28 =	sshrl.u32 s11, $0x2;
	s7 =	sor.u32 s7, s13  }
0xc: {  	s13 =	sadd.s32 $0x138000, s2;
	s6 =	sadd.s32 $0xC000, s8;
	s31 =	sadd.s32 s30, s12  }
0xd: {  	s4 =	sshrl.u32 s4, $0x3;
	s9 =	ssub.s32 s9, s26;
	s14 =	sadd.s32 s28, s2  }
0xe: {  	s7 =	sshrl.u32 s7, $0x3;
	s8 =	sadd.s32 $0x4E000, s31;
	s13 =	sshrl.u32 @!p0 s13, $0x3  }
0xf: {  	s10 =	sadd.s32 s4, s5;
	s4 =	sadd.s32 $0x1C000, s5;
	s5 =	sor.u32 $0x1C01, s29  }
0x10: {  	s7 =	sadd.s32 s12, s7;
	s9 =	smax.u32 s9, $0x1;
	s11 =	sshrl.u32 s14, $0x3  }
0x11: {  	s12 =	simm.s32 $0x1;
	s14 =	simm.s32 $0x400;
	s10 =	sadd.s32 $0x290A200, s10  }
.LBB2_1:
0x12: {  	[spmem:s11], [sflag:s5] =	dma.local [hbm:s4], $0x2700  }
0x13: {  	_ =	swait.ge [sflag:s12], $0x2700  }
0x14: {  	[sflag:s12] =	ssyncset.done $0x0  }
0x15: {  	s22 =	simm.s32 @!p0 $0x1;
	[sflag:s12] =	ssyncadd.s32 $0xFFFFD900  }
0x16: {  	[spmem:s13], [sflag:s5] =	dma.local @!p0 [hbm:s4], $0x100  }
0x17: {  	_ =	swait.ge @!p0 [sflag:s22], $0x100  }
0x18: {  	[sflag:s22] =	ssyncset.done @!p0 $0x0  }
0x19: {  	[sflag:s22] =	ssyncadd.s32 @!p0 $0xFFFFFF00  }
0x1a: {  	[bflag:$0x0] =	sbarrier.arrive $0xFFFF  }
0x1b: {  	[tilespmem:s3], [sflag:$0x1] =	stream.linear.gather [hbm4b:s6+s3], $0x7D00, $0x38;
	[tilespmem:$0x1E080] =	vst v63  }
0x1c: {  	_ =	swait.ge [sflag:s12], $0x7D00  }
0x1d: {  	[sflag:s12] =	ssyncset.done $0x0  }
0x1e: {  	[sflag:s12] =	ssyncadd.s32 $0xFFFF8300  }
0x1f: {  	[tilespmem:s16], [sflag:$0x1] =	stream.strided.gather [hbm4b:s10+s14], $0x2800, s15, s14, $0x38;
	[tilespmem:$0x1E080] =	vst v63  }
0x20: {  	_ =	swait.ge [sflag:s12], $0x2800  }
0x21: {  	[sflag:s12] =	ssyncset.done $0x0  }
0x22: {  	s31 =	simm.s32 $0x0;
	[sflag:s12] =	ssyncadd.s32 $0xFFFFD800  }
0x23: {  	[spmem:s2] =	stream.indirect.scatter.add.f32 [tilespmem:s16], [sflag:$0x1], $0x80, s31, s17, $0xb8;
	[tilespmem:$0x1E080] =	vst v63  }
0x24: {  	_ =	swait.ge [sflag:s12], $0x2800  }
0x25: {  	s23 =	smov.u32 s10;
	s22 =	simm.s32 $0x200;
	[sflag:s12] =	ssyncset.done $0x0  }
.LBB2_2:
0x26: {  	p1 =	sne.s32 s22, $0x1F200;
	[sflag:s12] =	ssyncadd.s32 $0xFFFFD800;
	s23 =	sadd.s32 $0xA00, s23  }
0x27: {  	[tilespmem:s16], [sflag:$0x1] =	stream.strided.gather [hbm4b:s23+s14], $0x2800, s15, s14, $0x38;
	[tilespmem:$0x1E080] =	vst v63  }
0x28: {  	s24 =	smov.u32 s22;
	s22 =	sadd.s32 $0x200, s22;
	_ =	swait.ge [sflag:s12], $0x2800  }
.Ltmp0:
0x29: {  	[sflag:s12] =	ssyncset.done $0x0;
	(pc) =	sbr.rel @p1 .LBB2_2-.Ltmp0, $4  }
0x2a: {  	s24 =	sshra.s32 s24, $0x2;
	[sflag:s12] =	ssyncadd.s32 $0xFFFFD800  }
0x2b: {  	[spmem:s2] =	stream.indirect.scatter.add.f32 [tilespmem:s16], [sflag:$0x1], $0x80, s24, s17, $0xb8;
	[tilespmem:$0x1E080] =	vst v63  }
0x2c: {  	_ =	swait.ge [sflag:s12], $0x2800  }
0x2d: {  	[sflag:s12] =	ssyncset.done $0x0  }
0x2e: {  	[sflag:s12] =	ssyncadd.s32 $0xFFFFD800  }
0x2f: {  	[bflag:$0x0] =	sbarrier.arrive $0xFFFF  }
0x30: {  	[hbm:s7@s19], [sflag:s5] =	dma.strided [spmem:s11@s20], $0x2700, s18, $0x10   }
0x31: {  	s22 =	simm.s32 @!p0 $0x8;
	_ =	swait.ge [sflag:s12], $0x2700  }
0x32: {  	s23 =	simm.s32 @!p0 $0x100;
	s21 =	sadd.s32 $0x1, s21;
	[sflag:s12] =	ssyncset.done $0x0  }
0x33: {  	s24 =	simm.s32 @!p0 $0x80;
	p1 =	sne.s32 s21, s9;
	[sflag:s12] =	ssyncadd.s32 $0xFFFFD900  }
0x34: {  	[hbm:s8@s23], [sflag:s5] =	dma.strided @!p0 [spmem:s13@s24], $0x100, s22, $0x10   }
.Ltmp1:
0x35: {  	_ = 	snop;
	(pc) =	sbr.rel @p1 .LBB2_1-.Ltmp1, $4  }
0x36: {  	s22 =	simm.s32 @!p0 $0x1  }
0x37: {  	_ =	swait.ge @!p0 [sflag:s22], $0x100  }
0x38: {  	[sflag:s22] =	ssyncset.done @!p0 $0x0  }
0x39: {  	[sflag:s22] =	ssyncadd.s32 @!p0 $0xFFFFFF00  }
0x3a: {  	_ =	sfence.sel $0x180000  }
0x3b: {  	[bflag:$0x0] =	sbarrier.arrive $0xFFFF  }
0x3c: {  	p0 =	sne.s32 s0, $0x0;
	_ =	strace $0x90000065  }
0x3d: {  	s0 =	sadd.s32 @!p0 $0x100000, s1;
	[bflag:$0x2] =	sbarrier.arrive $0xFFFF  }
0x3e: {  	[sflag:s0] =	ssyncadd.tile.s32 @!p0 $0x1;
	_ =	shalt  }
.Lfunc_end2:
_tile_overlayer_lowered:
.L_overlay_start_2:
0x3f: {  	(tag) =	ssettag $0x2  }
0x40: {  	s0 =	rddreg [dreg:$0x0];
	s2 =	stileid.u32  }
0x41: {  	s1 =	rddreg [dreg:$0x1];
	p0 =	sne.s32 s2, $0x0  }
0x42: {  	s3 =	rddreg [dreg:$0x2];
	[bflag:$0x3] =	sbarrier.arrive $0xFFFF;
	s2 =	simm.s32 @!p0 $0x1C01  }
0x43: {  	[timem:s3], [sflag:s2] =	dma.local @!p0 [hbm:s0], s1  }
0x44: {  	s0 =	simm.s32 @!p0 $0x1  }
0x45: {  	_ =	swait.ge @!p0 [sflag:s0], s1  }
0x46: {  	s1 =	ssub.s32 @!p0 $0x0, s1;
	[sflag:s0] =	ssyncset.done @!p0 $0x0  }
0x47: {  	[sflag:s0] =	ssyncadd.s32 @!p0 s1  }
0x48: {  	[bflag:$0x3] =	sbarrier.arrive $0xFFFF  }
0x49: {  	_ =	shalt  }

</sc_bundles>
